<compile_context>
chip_gen: v7x
topology: tpu7x:2x2x1
jax: 0.10.2.dev20260603
libtpu: 0.0.44.dev20260713+nightly
codegen_flags: <defaults>
</compile_context>

<pallas_src>
import functools

import jax
import jax.numpy as jnp
from jax import lax
from jax.experimental import pallas as pl
from jax.experimental.pallas import tpu as pltpu
from jax.experimental.pallas import tpu_sc as plsc

N = 100000
E = 6400000
NCELL = 16

NC = 2
NS = 16
NW = NC * NS
PER_W = E // NW
K = 2000
NCHUNK = PER_W // K
SUB = 80
NSUB = K // SUB
GPS = SUB // 16

_mesh = plsc.VectorSubcoreMesh(core_axis_name="c", subcore_axis_name="s")


def _c16(v):
    return jnp.full((16,), v, jnp.int32)


_BUF = [
    pltpu.VMEM((NSUB, SUB), jnp.int32),
    pltpu.VMEM((NSUB, SUB), jnp.int32),
    pltpu.VMEM((NSUB, SUB, 8), jnp.float32),
    pltpu.VMEM((NSUB, SUB, 8), jnp.float32),
    pltpu.VMEM((3, K), jnp.float32),
    pltpu.VMEM((3, K), jnp.float32),
    pltpu.VMEM((K,), jnp.float32),
    pltpu.SemaphoreType.DMA,
    pltpu.SemaphoreType.DMA,
    pltpu.SemaphoreType.DMA,
]


@functools.partial(
    pl.kernel,
    out_type=(
        jax.ShapeDtypeStruct((E,), jnp.float32),
        jax.ShapeDtypeStruct((E,), jnp.float32),
        jax.ShapeDtypeStruct((E,), jnp.float32),
        jax.ShapeDtypeStruct((E,), jnp.float32),
    ),
    mesh=_mesh,
    compiler_params=pltpu.CompilerParams(
        needs_layout_passes=False, use_tc_tiling_on_sc=False),
    scratch_types=_BUF + _BUF + [pltpu.VMEM((NCELL * 9,), jnp.float32)],
)
def _edge_kernel(pos4, edge3, cellflat, csx, csy, csz,
                 vx_out, vy_out, vz_out, len_out, *scratch):
    buf0 = tuple(scratch[:10])
    buf1 = tuple(scratch[10:20])
    cellv = scratch[20]
    wid = lax.axis_index("s") * NC + lax.axis_index("c")
    lanes = lax.iota(jnp.int32, 16)

    pltpu.sync_copy(cellflat, cellv)

    def base_of(c):
        return wid * PER_W + c * K

    def start_in(c, B):
        idxs_v, idxd_v, _, _, shf = B[:5]
        sem_in = B[7]
        base = base_of(c)
        rowbase = base // SUB
        pltpu.async_copy(edge3.at[0, pl.ds(rowbase, NSUB)], idxs_v, sem_in)
        pltpu.async_copy(edge3.at[1, pl.ds(rowbase, NSUB)], idxd_v, sem_in)
        for i, cs in enumerate((csx, csy, csz)):
            pltpu.async_copy(cs.at[pl.ds(base, K)], shf.at[i], sem_in)

    def wait_in(B):
        idxs_v, idxd_v, _, _, shf = B[:5]
        sem_in = B[7]
        pltpu.make_async_copy(
            edge3.at[0, pl.ds(0, NSUB)], idxs_v, sem_in).wait()
        pltpu.make_async_copy(
            edge3.at[1, pl.ds(0, NSUB)], idxd_v, sem_in).wait()
        for i, cs in enumerate((csx, csy, csz)):
            pltpu.make_async_copy(
                cs.at[pl.ds(0, K)], shf.at[i], sem_in).wait()

    def fire_g(B):
        idxs_v, idxd_v, srcr, dstr = B[:4]
        sem_g = B[8]

        def fire(j, cr):
            pltpu.async_copy(pos4.at[idxs_v.at[j]], srcr.at[j], sem_g)
            pltpu.async_copy(pos4.at[idxd_v.at[j]], dstr.at[j], sem_g)
            return cr

        lax.fori_loop(0, NSUB, fire, 0)

    def drain_g(B):
        idxs_v, idxd_v, srcr, dstr = B[:4]
        sem_g = B[8]

        def drain(j, cr):
            pltpu.make_async_copy(
                pos4.at[idxs_v.at[j]], srcr.at[j], sem_g).wait()
            pltpu.make_async_copy(
                pos4.at[idxd_v.at[j]], dstr.at[j], sem_g).wait()
            return cr

        lax.fori_loop(0, NSUB, drain, 0)

    def compute(B):
        srcr, dstr = B[2], B[3]
        shf, vecv, lenv = B[4], B[5], B[6]

        @plsc.parallel_loop(0, K // 16, 1, unroll=4)
        def group(g):
            sub = g // GPS
            subv = jnp.full((16,), sub, jnp.int32)
            rowv = (g % GPS) * 16 + lanes
            ridx = g * 16 + lanes
            sx = plsc.load_gather(srcr, [subv, rowv, _c16(0)])
            sy = plsc.load_gather(srcr, [subv, rowv, _c16(1)])
            sz = plsc.load_gather(srcr, [subv, rowv, _c16(2)])
            b = plsc.load_gather(
                srcr, [subv, rowv, _c16(3)]).astype(jnp.int32)
            dx = plsc.load_gather(dstr, [subv, rowv, _c16(0)])
            dy = plsc.load_gather(dstr, [subv, rowv, _c16(1)])
            dz = plsc.load_gather(dstr, [subv, rowv, _c16(2)])
            s0 = plsc.load_gather(shf, [_c16(0), ridx])
            s1 = plsc.load_gather(shf, [_c16(1), ridx])
            s2 = plsc.load_gather(shf, [_c16(2), ridx])
            cb = b * 9
            vx = dx - sx \
                + s0 * plsc.load_gather(cellv, [cb]) \
                + s1 * plsc.load_gather(cellv, [cb + 3]) \
                + s2 * plsc.load_gather(cellv, [cb + 6])
            vy = dy - sy \
                + s0 * plsc.load_gather(cellv, [cb + 1]) \
                + s1 * plsc.load_gather(cellv, [cb + 4]) \
                + s2 * plsc.load_gather(cellv, [cb + 7])
            vz = dz - sz \
                + s0 * plsc.load_gather(cellv, [cb + 2]) \
                + s1 * plsc.load_gather(cellv, [cb + 5]) \
                + s2 * plsc.load_gather(cellv, [cb + 8])
            nsq = vx * vx + vy * vy + vz * vz
            yi = jnp.int32(0x5F3759DF) - (plsc.bitcast(nsq, jnp.int32) >> 1)
            y = plsc.bitcast(yi, jnp.float32)
            y = y * (1.5 - 0.5 * nsq * y * y)
            y = y * (1.5 - 0.5 * nsq * y * y)
            y = y * (1.5 - 0.5 * nsq * y * y)
            ln = jnp.where(nsq > 0.0, nsq * y, 0.0)
            plsc.store_scatter(vecv, [_c16(0), ridx], vx)
            plsc.store_scatter(vecv, [_c16(1), ridx], vy)
            plsc.store_scatter(vecv, [_c16(2), ridx], vz)
            plsc.store_scatter(lenv, [ridx], ln)

    def start_out(c, B):
        vecv, lenv = B[5], B[6]
        sem_out = B[9]
        base = base_of(c)
        for i, vo in enumerate((vx_out, vy_out, vz_out)):
            pltpu.async_copy(vecv.at[i], vo.at[pl.ds(base, K)], sem_out)
        pltpu.async_copy(lenv, len_out.at[pl.ds(base, K)], sem_out)

    def wait_out(B):
        vecv, lenv = B[5], B[6]
        sem_out = B[9]
        for i, vo in enumerate((vx_out, vy_out, vz_out)):
            pltpu.make_async_copy(
                vecv.at[i], vo.at[pl.ds(0, K)], sem_out).wait()
        pltpu.make_async_copy(lenv, len_out.at[pl.ds(0, K)], sem_out).wait()

    def step(c, B, NB, do_next, do_waitout, do_startin):
        drain_g(B)
        if do_next:
            wait_in(NB)
            fire_g(NB)
        if do_waitout:
            wait_out(B)
        compute(B)
        start_out(c, B)
        if do_startin:
            start_in(c + 2, B)

    start_in(0, buf0)
    start_in(1, buf1)
    wait_in(buf0)
    fire_g(buf0)
    step(0, buf0, buf1, True, False, True)
    step(1, buf1, buf0, True, False, True)

    def body(c2, carry):
        c = 2 * c2
        step(c, buf0, buf1, True, True, True)
        step(c + 1, buf1, buf0, True, True, True)
        return carry

    lax.fori_loop(1, NCHUNK // 2 - 1, body, 0)
    step(NCHUNK - 2, buf0, buf1, True, True, False)
    step(NCHUNK - 1, buf1, buf0, False, True, False)
    wait_out(buf0)
    wait_out(buf1)


def kernel(pos, edge_index, cell, cell_shift, batch):
    pos4 = jnp.concatenate(
        [pos, batch.astype(jnp.float32)[:, None],
         jnp.zeros((pos.shape[0], 4), jnp.float32)], axis=1)
    cellflat = cell.reshape(-1)
    edge3 = edge_index.reshape(2, E // SUB, SUB)
    vx, vy, vz, length = _edge_kernel(
        pos4, edge3, cellflat,
        cell_shift[:, 0], cell_shift[:, 1], cell_shift[:, 2])
    return jnp.stack([vx, vy, vz], axis=1), length

# --- scband reference (transcript-rebuilt; emitter-appended) ---
"""Pipeline reference for scband-edge-preprocess-75685913690197 (READ-ONLY COPY).

The authoritative reference and input builder live on the scoring server;
editing this copy changes nothing except your own understanding.
"""

import jax, jax.numpy as jnp
import numpy as np

N = 100000
E = 6400000
B = 16

def setup_inputs(seed: int = 0) -> dict:
    key = jax.random.key(seed)
    k1, k2, k3, k4, k5 = jax.random.split(key, 5)
    pos = jax.random.normal(k1, (N, 3), dtype=jnp.float32) * 5.0
    edge_index = jax.random.randint(k2, (2, E), 0, N, dtype=jnp.int32)
    cell = jax.random.normal(k3, (B, 3, 3), dtype=jnp.float32)
    cell_shift = jax.random.normal(k4, (E, 3), dtype=jnp.float32)
    batch = jnp.sort(jax.random.randint(k5, (N,), 0, B, dtype=jnp.int32))
    return {"pos": pos, "edge_index": edge_index, "cell": cell, "cell_shift": cell_shift, "batch": batch}

def reference(pos, edge_index, cell, cell_shift, batch):
    # is_stress=False, _is_batch_data=True path of EdgePreprocess.forward
    cell = cell.reshape(-1, 3, 3)
    idx_src = edge_index[0]
    idx_dst = edge_index[1]
    edge_vec = pos[idx_dst] - pos[idx_src]
    # edge_vec += einsum('ni,nij->nj', cell_shift, cell[batch[idx_src]])
    edge_cells = cell[batch[idx_src]]
    edge_vec = edge_vec + jnp.einsum('ni,nij->nj', cell_shift, edge_cells)
    edge_length = jnp.linalg.norm(edge_vec, axis=-1)
    return edge_vec, edge_length

if __name__ == "__main__":
    import jax
    _d = setup_inputs()
    print(jax.jit(kernel)(*tuple(_d.values())))

</pallas_src>

<mosaic_0001>
#map = affine_map<(d0, d1) -> (0, 0)>
#map1 = affine_map<(d0, d1) -> (0, 0, 0)>
#map2 = affine_map<(d0, d1) -> (0)>
module attributes {stable_mosaic.version = 14 : i64} {
  func.func @_edge_kernel(%arg0: i32, %arg1: i32, %arg2: memref<100000x8xf32, #tpu.memory_space<hbm>>, %arg3: memref<2x80000x80xi32, #tpu.memory_space<hbm>>, %arg4: memref<144xf32, #tpu.memory_space<hbm>>, %arg5: memref<6400000xf32, #tpu.memory_space<hbm>>, %arg6: memref<6400000xf32, #tpu.memory_space<hbm>>, %arg7: memref<6400000xf32, #tpu.memory_space<hbm>>, %arg8: memref<6400000xf32, #tpu.memory_space<hbm>>, %arg9: memref<6400000xf32, #tpu.memory_space<hbm>>, %arg10: memref<6400000xf32, #tpu.memory_space<hbm>>, %arg11: memref<6400000xf32, #tpu.memory_space<hbm>>, %arg12: memref<25x80xi32, #tpu.memory_space<vmem>>, %arg13: memref<25x80xi32, #tpu.memory_space<vmem>>, %arg14: memref<25x80x8xf32, #tpu.memory_space<vmem>>, %arg15: memref<25x80x8xf32, #tpu.memory_space<vmem>>, %arg16: memref<3x2000xf32, #tpu.memory_space<vmem>>, %arg17: memref<3x2000xf32, #tpu.memory_space<vmem>>, %arg18: memref<2000xf32, #tpu.memory_space<vmem>>, %arg19: memref<!tpu.dma_semaphore, #tpu.memory_space<semaphore_mem>>, %arg20: memref<!tpu.dma_semaphore, #tpu.memory_space<semaphore_mem>>, %arg21: memref<!tpu.dma_semaphore, #tpu.memory_space<semaphore_mem>>, %arg22: memref<25x80xi32, #tpu.memory_space<vmem>>, %arg23: memref<25x80xi32, #tpu.memory_space<vmem>>, %arg24: memref<25x80x8xf32, #tpu.memory_space<vmem>>, %arg25: memref<25x80x8xf32, #tpu.memory_space<vmem>>, %arg26: memref<3x2000xf32, #tpu.memory_space<vmem>>, %arg27: memref<3x2000xf32, #tpu.memory_space<vmem>>, %arg28: memref<2000xf32, #tpu.memory_space<vmem>>, %arg29: memref<!tpu.dma_semaphore, #tpu.memory_space<semaphore_mem>>, %arg30: memref<!tpu.dma_semaphore, #tpu.memory_space<semaphore_mem>>, %arg31: memref<!tpu.dma_semaphore, #tpu.memory_space<semaphore_mem>>, %arg32: memref<144xf32, #tpu.memory_space<vmem>>) attributes {dimension_semantics = [#tpu.dimension_semantics<core_parallel>, #tpu.dimension_semantics<subcore_parallel>], iteration_bounds = array<i64: 2, 16>, scalar_prefetch = 0 : i64, scratch_operands = 21 : i64, tpu.core_type = #tpu.core_type<sc_vector_subcore>, window_params = [{transform_indices = #map}, {transform_indices = #map1}, {transform_indices = #map2}, {transform_indices = #map2}, {transform_indices = #map2}, {transform_indices = #map2}, {transform_indices = #map2}, {transform_indices = #map2}, {transform_indices = #map2}, {transform_indices = #map2}]} {
    %mul3A = arith.constant 2 : i32
    %mul3A_0 = arith.muli %arg1, %mul3A : i32
    %add3A = arith.addi %mul3A_0, %arg0 : i32
    %iota3A = tpu.iota {dimensions = array<i32: 0>} : vector<16xi32>
    "tpu.region"() ({
      %run_scoped3A = tpu.sem_alloc : memref<!tpu.dma_semaphore, #tpu.memory_space<semaphore_mem>>
      tpu.enqueue_dma source(%arg4 : memref<144xf32, #tpu.memory_space<hbm>>) target(%arg32 : memref<144xf32, #tpu.memory_space<vmem>>) target_semaphore(%run_scoped3A : memref<!tpu.dma_semaphore, #tpu.memory_space<semaphore_mem>>)
      tpu.wait_dma2 semaphore(%run_scoped3A : memref<!tpu.dma_semaphore, #tpu.memory_space<semaphore_mem>>) src(%arg4 : memref<144xf32, #tpu.memory_space<hbm>>) dst(%arg32 : memref<144xf32, #tpu.memory_space<vmem>>)
      tpu.yield
    }) : () -> ()
    %mul3A_1 = arith.constant 200000 : i32
    %mul3A_2 = arith.muli %add3A, %mul3A_1 : i32
    %add3A_3 = arith.constant 0 : i32
    %add3A_4 = arith.addi %mul3A_2, %add3A_3 : i32
    %jit3A = arith.constant 80 : i32
    %div3A = arith.divsi %add3A_4, %jit3A : i32
    %sign3A = arith.constant 0 : i32
    %sign3A_5 = arith.cmpi sgt, %add3A_4, %sign3A : i32
    %sign3A_6 = arith.extui %sign3A_5 : i1 to i32
    %sign3A_7 = arith.constant 0 : i32
    %sign3A_8 = arith.cmpi slt, %add3A_4, %sign3A_7 : i32
    %sign3A_9 = arith.extui %sign3A_8 : i1 to i32
    %sign3A_10 = arith.subi %sign3A_6, %sign3A_9 : i32
    %sign3A_11 = arith.constant 0 : i32
    %sign3A_12 = arith.cmpi sgt, %jit3A, %sign3A_11 : i32
    %sign3A_13 = arith.extui %sign3A_12 : i1 to i32
    %sign3A_14 = arith.constant 0 : i32
    %sign3A_15 = arith.cmpi slt, %jit3A, %sign3A_14 : i32
    %sign3A_16 = arith.extui %sign3A_15 : i1 to i32
    %sign3A_17 = arith.subi %sign3A_13, %sign3A_16 : i32
    %ne3A = arith.cmpi ne, %sign3A_10, %sign3A_17 : i32
    %rem3A = arith.remsi %add3A_4, %jit3A : i32
    %ne3A_18 = arith.constant 0 : i32
    %ne3A_19 = arith.cmpi ne, %rem3A, %ne3A_18 : i32
    %and3A = arith.andi %ne3A, %ne3A_19 : i1
    %sub3A = arith.constant 1 : i32
    %sub3A_20 = arith.subi %div3A, %sub3A : i32
    %select_n3A = arith.select %and3A, %sub3A_20, %div3A : i32
    %dma_start3A = arith.constant 0 : i32
    %dma_start3A_21 = arith.constant 0 : i32
    %dma_start3A_22 = tpu.memref_slice %arg3[%dma_start3A, %select_n3A, %dma_start3A_21] : memref<2x80000x80xi32, #tpu.memory_space<hbm>> -> memref<1x25x80xi32, #tpu.memory_space<hbm>>
    %dma_start3A_23 = tpu.memref_squeeze %dma_start3A_22 : memref<1x25x80xi32, #tpu.memory_space<hbm>> -> memref<25x80xi32, #tpu.memory_space<hbm>>
    %dma_start3A_24 = arith.constant 0 : i32
    %dma_start3A_25 = tpu.memref_slice %arg3[%dma_start3A, %select_n3A, %dma_start3A_24] : memref<2x80000x80xi32, #tpu.memory_space<hbm>> -> memref<1x25x80xi32, #tpu.memory_space<hbm>>
    %dma_start3A_26 = tpu.memref_squeeze %dma_start3A_25 : memref<1x25x80xi32, #tpu.memory_space<hbm>> -> memref<25x80xi32, #tpu.memory_space<hbm>>
    tpu.enqueue_dma source(%dma_start3A_26 : memref<25x80xi32, #tpu.memory_space<hbm>>) target(%arg12 : memref<25x80xi32, #tpu.memory_space<vmem>>) target_semaphore(%arg19 : memref<!tpu.dma_semaphore, #tpu.memory_space<semaphore_mem>>)
    %dma_start3A_27 = arith.constant 1 : i32
    %dma_start3A_28 = arith.constant 0 : i32
    %dma_start3A_29 = tpu.memref_slice %arg3[%dma_start3A_27, %select_n3A, %dma_start3A_28] : memref<2x80000x80xi32, #tpu.memory_space<hbm>> -> memref<1x25x80xi32, #tpu.memory_space<hbm>>
    %dma_start3A_30 = tpu.memref_squeeze %dma_start3A_29 : memref<1x25x80xi32, #tpu.memory_space<hbm>> -> memref<25x80xi32, #tpu.memory_space<hbm>>
    %dma_start3A_31 = arith.constant 0 : i32
    %dma_start3A_32 = tpu.memref_slice %arg3[%dma_start3A_27, %select_n3A, %dma_start3A_31] : memref<2x80000x80xi32, #tpu.memory_space<hbm>> -> memref<1x25x80xi32, #tpu.memory_space<hbm>>
    %dma_start3A_33 = tpu.memref_squeeze %dma_start3A_32 : memref<1x25x80xi32, #tpu.memory_space<hbm>> -> memref<25x80xi32, #tpu.memory_space<hbm>>
    tpu.enqueue_dma source(%dma_start3A_33 : memref<25x80xi32, #tpu.memory_space<hbm>>) target(%arg13 : memref<25x80xi32, #tpu.memory_space<vmem>>) target_semaphore(%arg19 : memref<!tpu.dma_semaphore, #tpu.memory_space<semaphore_mem>>)
    %dma_start3A_34 = arith.constant 0 : i32
    %dma_start3A_35 = arith.constant 0 : i32
    %dma_start3A_36 = tpu.memref_slice %arg16[%dma_start3A_34, %dma_start3A_35] : memref<3x2000xf32, #tpu.memory_space<vmem>> -> memref<1x2000xf32, #tpu.memory_space<vmem>>
    %dma_start3A_37 = tpu.memref_squeeze %dma_start3A_36 : memref<1x2000xf32, #tpu.memory_space<vmem>> -> memref<2000xf32, #tpu.memory_space<vmem>>
    %dma_start3A_38 = tpu.memref_slice %arg5[%add3A_4] : memref<6400000xf32, #tpu.memory_space<hbm>> -> memref<2000xf32, #tpu.memory_space<hbm>>
    %dma_start3A_39 = arith.constant 0 : i32
    %dma_start3A_40 = tpu.memref_slice %arg16[%dma_start3A_34, %dma_start3A_39] : memref<3x2000xf32, #tpu.memory_space<vmem>> -> memref<1x2000xf32, #tpu.memory_space<vmem>>
    %dma_start3A_41 = tpu.memref_squeeze %dma_start3A_40 : memref<1x2000xf32, #tpu.memory_space<vmem>> -> memref<2000xf32, #tpu.memory_space<vmem>>
    %dma_start3A_42 = tpu.memref_slice %arg5[%add3A_4] : memref<6400000xf32, #tpu.memory_space<hbm>> -> memref<2000xf32, #tpu.memory_space<hbm>>
    tpu.enqueue_dma source(%dma_start3A_42 : memref<2000xf32, #tpu.memory_space<hbm>>) target(%dma_start3A_41 : memref<2000xf32, #tpu.memory_space<vmem>>) target_semaphore(%arg19 : memref<!tpu.dma_semaphore, #tpu.memory_space<semaphore_mem>>)
    %dma_start3A_43 = arith.constant 1 : i32
    %dma_start3A_44 = arith.constant 0 : i32
    %dma_start3A_45 = tpu.memref_slice %arg16[%dma_start3A_43, %dma_start3A_44] : memref<3x2000xf32, #tpu.memory_space<vmem>> -> memref<1x2000xf32, #tpu.memory_space<vmem>>
    %dma_start3A_46 = tpu.memref_squeeze %dma_start3A_45 : memref<1x2000xf32, #tpu.memory_space<vmem>> -> memref<2000xf32, #tpu.memory_space<vmem>>
    %dma_start3A_47 = tpu.memref_slice %arg6[%add3A_4] : memref<6400000xf32, #tpu.memory_space<hbm>> -> memref<2000xf32, #tpu.memory_space<hbm>>
    %dma_start3A_48 = arith.constant 0 : i32
    %dma_start3A_49 = tpu.memref_slice %arg16[%dma_start3A_43, %dma_start3A_48] : memref<3x2000xf32, #tpu.memory_space<vmem>> -> memref<1x2000xf32, #tpu.memory_space<vmem>>
    %dma_start3A_50 = tpu.memref_squeeze %dma_start3A_49 : memref<1x2000xf32, #tpu.memory_space<vmem>> -> memref<2000xf32, #tpu.memory_space<vmem>>
    %dma_start3A_51 = tpu.memref_slice %arg6[%add3A_4] : memref<6400000xf32, #tpu.memory_space<hbm>> -> memref<2000xf32, #tpu.memory_space<hbm>>
    tpu.enqueue_dma source(%dma_start3A_51 : memref<2000xf32, #tpu.memory_space<hbm>>) target(%dma_start3A_50 : memref<2000xf32, #tpu.memory_space<vmem>>) target_semaphore(%arg19 : memref<!tpu.dma_semaphore, #tpu.memory_space<semaphore_mem>>)
    %dma_start3A_52 = arith.constant 2 : i32
    %dma_start3A_53 = arith.constant 0 : i32
    %dma_start3A_54 = tpu.memref_slice %arg16[%dma_start3A_52, %dma_start3A_53] : memref<3x2000xf32, #tpu.memory_space<vmem>> -> memref<1x2000xf32, #tpu.memory_space<vmem>>
    %dma_start3A_55 = tpu.memref_squeeze %dma_start3A_54 : memref<1x2000xf32, #tpu.memory_space<vmem>> -> memref<2000xf32, #tpu.memory_space<vmem>>
    %dma_start3A_56 = tpu.memref_slice %arg7[%add3A_4] : memref<6400000xf32, #tpu.memory_space<hbm>> -> memref<2000xf32, #tpu.memory_space<hbm>>
    %dma_start3A_57 = arith.constant 0 : i32
    %dma_start3A_58 = tpu.memref_slice %arg16[%dma_start3A_52, %dma_start3A_57] : memref<3x2000xf32, #tpu.memory_space<vmem>> -> memref<1x2000xf32, #tpu.memory_space<vmem>>
    %dma_start3A_59 = tpu.memref_squeeze %dma_start3A_58 : memref<1x2000xf32, #tpu.memory_space<vmem>> -> memref<2000xf32, #tpu.memory_space<vmem>>
    %dma_start3A_60 = tpu.memref_slice %arg7[%add3A_4] : memref<6400000xf32, #tpu.memory_space<hbm>> -> memref<2000xf32, #tpu.memory_space<hbm>>
    tpu.enqueue_dma source(%dma_start3A_60 : memref<2000xf32, #tpu.memory_space<hbm>>) target(%dma_start3A_59 : memref<2000xf32, #tpu.memory_space<vmem>>) target_semaphore(%arg19 : memref<!tpu.dma_semaphore, #tpu.memory_space<semaphore_mem>>)
    %mul3A_61 = arith.constant 200000 : i32
    %mul3A_62 = arith.muli %add3A, %mul3A_61 : i32
    %add3A_63 = arith.constant 2000 : i32
    %add3A_64 = arith.addi %mul3A_62, %add3A_63 : i32
    %jit3A_65 = arith.constant 80 : i32
    %div3A_66 = arith.divsi %add3A_64, %jit3A_65 : i32
    %sign3A_67 = arith.constant 0 : i32
    %sign3A_68 = arith.cmpi sgt, %add3A_64, %sign3A_67 : i32
    %sign3A_69 = arith.extui %sign3A_68 : i1 to i32
    %sign3A_70 = arith.constant 0 : i32
    %sign3A_71 = arith.cmpi slt, %add3A_64, %sign3A_70 : i32
    %sign3A_72 = arith.extui %sign3A_71 : i1 to i32
    %sign3A_73 = arith.subi %sign3A_69, %sign3A_72 : i32
    %sign3A_74 = arith.constant 0 : i32
    %sign3A_75 = arith.cmpi sgt, %jit3A_65, %sign3A_74 : i32
    %sign3A_76 = arith.extui %sign3A_75 : i1 to i32
    %sign3A_77 = arith.constant 0 : i32
    %sign3A_78 = arith.cmpi slt, %jit3A_65, %sign3A_77 : i32
    %sign3A_79 = arith.extui %sign3A_78 : i1 to i32
    %sign3A_80 = arith.subi %sign3A_76, %sign3A_79 : i32
    %ne3A_81 = arith.cmpi ne, %sign3A_73, %sign3A_80 : i32
    %rem3A_82 = arith.remsi %add3A_64, %jit3A_65 : i32
    %ne3A_83 = arith.constant 0 : i32
    %ne3A_84 = arith.cmpi ne, %rem3A_82, %ne3A_83 : i32
    %and3A_85 = arith.andi %ne3A_81, %ne3A_84 : i1
    %sub3A_86 = arith.constant 1 : i32
    %sub3A_87 = arith.subi %div3A_66, %sub3A_86 : i32
    %select_n3A_88 = arith.select %and3A_85, %sub3A_87, %div3A_66 : i32
    %dma_start3A_89 = arith.constant 0 : i32
    %dma_start3A_90 = arith.constant 0 : i32
    %dma_start3A_91 = tpu.memref_slice %arg3[%dma_start3A_89, %select_n3A_88, %dma_start3A_90] : memref<2x80000x80xi32, #tpu.memory_space<hbm>> -> memref<1x25x80xi32, #tpu.memory_space<hbm>>
    %dma_start3A_92 = tpu.memref_squeeze %dma_start3A_91 : memref<1x25x80xi32, #tpu.memory_space<hbm>> -> memref<25x80xi32, #tpu.memory_space<hbm>>
    %dma_start3A_93 = arith.constant 0 : i32
    %dma_start3A_94 = tpu.memref_slice %arg3[%dma_start3A_89, %select_n3A_88, %dma_start3A_93] : memref<2x80000x80xi32, #tpu.memory_space<hbm>> -> memref<1x25x80xi32, #tpu.memory_space<hbm>>
    %dma_start3A_95 = tpu.memref_squeeze %dma_start3A_94 : memref<1x25x80xi32, #tpu.memory_space<hbm>> -> memref<25x80xi32, #tpu.memory_space<hbm>>
    tpu.enqueue_dma source(%dma_start3A_95 : memref<25x80xi32, #tpu.memory_space<hbm>>) target(%arg22 : memref<25x80xi32, #tpu.memory_space<vmem>>) target_semaphore(%arg29 : memref<!tpu.dma_semaphore, #tpu.memory_space<semaphore_mem>>)
    %dma_start3A_96 = arith.constant 1 : i32
    %dma_start3A_97 = arith.constant 0 : i32
    %dma_start3A_98 = tpu.memref_slice %arg3[%dma_start3A_96, %select_n3A_88, %dma_start3A_97] : memref<2x80000x80xi32, #tpu.memory_space<hbm>> -> memref<1x25x80xi32, #tpu.memory_space<hbm>>
    %dma_start3A_99 = tpu.memref_squeeze %dma_start3A_98 : memref<1x25x80xi32, #tpu.memory_space<hbm>> -> memref<25x80xi32, #tpu.memory_space<hbm>>
    %dma_start3A_100 = arith.constant 0 : i32
    %dma_start3A_101 = tpu.memref_slice %arg3[%dma_start3A_96, %select_n3A_88, %dma_start3A_100] : memref<2x80000x80xi32, #tpu.memory_space<hbm>> -> memref<1x25x80xi32, #tpu.memory_space<hbm>>
    %dma_start3A_102 = tpu.memref_squeeze %dma_start3A_101 : memref<1x25x80xi32, #tpu.memory_space<hbm>> -> memref<25x80xi32, #tpu.memory_space<hbm>>
    tpu.enqueue_dma source(%dma_start3A_102 : memref<25x80xi32, #tpu.memory_space<hbm>>) target(%arg23 : memref<25x80xi32, #tpu.memory_space<vmem>>) target_semaphore(%arg29 : memref<!tpu.dma_semaphore, #tpu.memory_space<semaphore_mem>>)
    %dma_start3A_103 = arith.constant 0 : i32
    %dma_start3A_104 = arith.constant 0 : i32
    %dma_start3A_105 = tpu.memref_slice %arg26[%dma_start3A_103, %dma_start3A_104] : memref<3x2000xf32, #tpu.memory_space<vmem>> -> memref<1x2000xf32, #tpu.memory_space<vmem>>
    %dma_start3A_106 = tpu.memref_squeeze %dma_start3A_105 : memref<1x2000xf32, #tpu.memory_space<vmem>> -> memref<2000xf32, #tpu.memory_space<vmem>>
    %dma_start3A_107 = tpu.memref_slice %arg5[%add3A_64] : memref<6400000xf32, #tpu.memory_space<hbm>> -> memref<2000xf32, #tpu.memory_space<hbm>>
    %dma_start3A_108 = arith.constant 0 : i32
    %dma_start3A_109 = tpu.memref_slice %arg26[%dma_start3A_103, %dma_start3A_108] : memref<3x2000xf32, #tpu.memory_space<vmem>> -> memref<1x2000xf32, #tpu.memory_space<vmem>>
    %dma_start3A_110 = tpu.memref_squeeze %dma_start3A_109 : memref<1x2000xf32, #tpu.memory_space<vmem>> -> memref<2000xf32, #tpu.memory_space<vmem>>
    %dma_start3A_111 = tpu.memref_slice %arg5[%add3A_64] : memref<6400000xf32, #tpu.memory_space<hbm>> -> memref<2000xf32, #tpu.memory_space<hbm>>
    tpu.enqueue_dma source(%dma_start3A_111 : memref<2000xf32, #tpu.memory_space<hbm>>) target(%dma_start3A_110 : memref<2000xf32, #tpu.memory_space<vmem>>) target_semaphore(%arg29 : memref<!tpu.dma_semaphore, #tpu.memory_space<semaphore_mem>>)
    %dma_start3A_112 = arith.constant 1 : i32
    %dma_start3A_113 = arith.constant 0 : i32
    %dma_start3A_114 = tpu.memref_slice %arg26[%dma_start3A_112, %dma_start3A_113] : memref<3x2000xf32, #tpu.memory_space<vmem>> -> memref<1x2000xf32, #tpu.memory_space<vmem>>
    %dma_start3A_115 = tpu.memref_squeeze %dma_start3A_114 : memref<1x2000xf32, #tpu.memory_space<vmem>> -> memref<2000xf32, #tpu.memory_space<vmem>>
    %dma_start3A_116 = tpu.memref_slice %arg6[%add3A_64] : memref<6400000xf32, #tpu.memory_space<hbm>> -> memref<2000xf32, #tpu.memory_space<hbm>>
    %dma_start3A_117 = arith.constant 0 : i32
    %dma_start3A_118 = tpu.memref_slice %arg26[%dma_start3A_112, %dma_start3A_117] : memref<3x2000xf32, #tpu.memory_space<vmem>> -> memref<1x2000xf32, #tpu.memory_space<vmem>>
    %dma_start3A_119 = tpu.memref_squeeze %dma_start3A_118 : memref<1x2000xf32, #tpu.memory_space<vmem>> -> memref<2000xf32, #tpu.memory_space<vmem>>
    %dma_start3A_120 = tpu.memref_slice %arg6[%add3A_64] : memref<6400000xf32, #tpu.memory_space<hbm>> -> memref<2000xf32, #tpu.memory_space<hbm>>
    tpu.enqueue_dma source(%dma_start3A_120 : memref<2000xf32, #tpu.memory_space<hbm>>) target(%dma_start3A_119 : memref<2000xf32, #tpu.memory_space<vmem>>) target_semaphore(%arg29 : memref<!tpu.dma_semaphore, #tpu.memory_space<semaphore_mem>>)
    %dma_start3A_121 = arith.constant 2 : i32
    %dma_start3A_122 = arith.constant 0 : i32
    %dma_start3A_123 = tpu.memref_slice %arg26[%dma_start3A_121, %dma_start3A_122] : memref<3x2000xf32, #tpu.memory_space<vmem>> -> memref<1x2000xf32, #tpu.memory_space<vmem>>
    %dma_start3A_124 = tpu.memref_squeeze %dma_start3A_123 : memref<1x2000xf32, #tpu.memory_space<vmem>> -> memref<2000xf32, #tpu.memory_space<vmem>>
    %dma_start3A_125 = tpu.memref_slice %arg7[%add3A_64] : memref<6400000xf32, #tpu.memory_space<hbm>> -> memref<2000xf32, #tpu.memory_space<hbm>>
    %dma_start3A_126 = arith.constant 0 : i32
    %dma_start3A_127 = tpu.memref_slice %arg26[%dma_start3A_121, %dma_start3A_126] : memref<3x2000xf32, #tpu.memory_space<vmem>> -> memref<1x2000xf32, #tpu.memory_space<vmem>>
    %dma_start3A_128 = tpu.memref_squeeze %dma_start3A_127 : memref<1x2000xf32, #tpu.memory_space<vmem>> -> memref<2000xf32, #tpu.memory_space<vmem>>
    %dma_start3A_129 = tpu.memref_slice %arg7[%add3A_64] : memref<6400000xf32, #tpu.memory_space<hbm>> -> memref<2000xf32, #tpu.memory_space<hbm>>
    tpu.enqueue_dma source(%dma_start3A_129 : memref<2000xf32, #tpu.memory_space<hbm>>) target(%dma_start3A_128 : memref<2000xf32, #tpu.memory_space<vmem>>) target_semaphore(%arg29 : memref<!tpu.dma_semaphore, #tpu.memory_space<semaphore_mem>>)
    %dma_wait3A = arith.constant 0 : i32
    %dma_wait3A_130 = arith.constant 0 : i32
    %dma_wait3A_131 = arith.constant 0 : i32
    %dma_wait3A_132 = tpu.memref_slice %arg3[%dma_wait3A, %dma_wait3A_130, %dma_wait3A_131] : memref<2x80000x80xi32, #tpu.memory_space<hbm>> -> memref<1x25x80xi32, #tpu.memory_space<hbm>>
    %dma_wait3A_133 = tpu.memref_squeeze %dma_wait3A_132 : memref<1x25x80xi32, #tpu.memory_space<hbm>> -> memref<25x80xi32, #tpu.memory_space<hbm>>
    %dma_wait3A_134 = arith.constant 0 : i32
    %dma_wait3A_135 = arith.constant 0 : i32
    %dma_wait3A_136 = tpu.memref_slice %arg3[%dma_wait3A, %dma_wait3A_134, %dma_wait3A_135] : memref<2x80000x80xi32, #tpu.memory_space<hbm>> -> memref<1x25x80xi32, #tpu.memory_space<hbm>>
    %dma_wait3A_137 = tpu.memref_squeeze %dma_wait3A_136 : memref<1x25x80xi32, #tpu.memory_space<hbm>> -> memref<25x80xi32, #tpu.memory_space<hbm>>
    tpu.wait_dma2 semaphore(%arg19 : memref<!tpu.dma_semaphore, #tpu.memory_space<semaphore_mem>>) src(%dma_wait3A_137 : memref<25x80xi32, #tpu.memory_space<hbm>>) dst(%arg12 : memref<25x80xi32, #tpu.memory_space<vmem>>)
    %dma_wait3A_138 = arith.constant 1 : i32
    %dma_wait3A_139 = arith.constant 0 : i32
    %dma_wait3A_140 = arith.constant 0 : i32
    %dma_wait3A_141 = tpu.memref_slice %arg3[%dma_wait3A_138, %dma_wait3A_139, %dma_wait3A_140] : memref<2x80000x80xi32, #tpu.memory_space<hbm>> -> memref<1x25x80xi32, #tpu.memory_space<hbm>>
    %dma_wait3A_142 = tpu.memref_squeeze %dma_wait3A_141 : memref<1x25x80xi32, #tpu.memory_space<hbm>> -> memref<25x80xi32, #tpu.memory_space<hbm>>
    %dma_wait3A_143 = arith.constant 0 : i32
    %dma_wait3A_144 = arith.constant 0 : i32
    %dma_wait3A_145 = tpu.memref_slice %arg3[%dma_wait3A_138, %dma_wait3A_143, %dma_wait3A_144] : memref<2x80000x80xi32, #tpu.memory_space<hbm>> -> memref<1x25x80xi32, #tpu.memory_space<hbm>>
    %dma_wait3A_146 = tpu.memref_squeeze %dma_wait3A_145 : memref<1x25x80xi32, #tpu.memory_space<hbm>> -> memref<25x80xi32, #tpu.memory_space<hbm>>
    tpu.wait_dma2 semaphore(%arg19 : memref<!tpu.dma_semaphore, #tpu.memory_space<semaphore_mem>>) src(%dma_wait3A_146 : memref<25x80xi32, #tpu.memory_space<hbm>>) dst(%arg13 : memref<25x80xi32, #tpu.memory_space<vmem>>)
    %dma_wait3A_147 = arith.constant 0 : i32
    %dma_wait3A_148 = arith.constant 0 : i32
    %dma_wait3A_149 = tpu.memref_slice %arg16[%dma_wait3A_147, %dma_wait3A_148] : memref<3x2000xf32, #tpu.memory_space<vmem>> -> memref<1x2000xf32, #tpu.memory_space<vmem>>
    %dma_wait3A_150 = tpu.memref_squeeze %dma_wait3A_149 : memref<1x2000xf32, #tpu.memory_space<vmem>> -> memref<2000xf32, #tpu.memory_space<vmem>>
    %dma_wait3A_151 = arith.constant 0 : i32
    %dma_wait3A_152 = tpu.memref_slice %arg5[%dma_wait3A_151] : memref<6400000xf32, #tpu.memory_space<hbm>> -> memref<2000xf32, #tpu.memory_space<hbm>>
    %dma_wait3A_153 = arith.constant 0 : i32
    %dma_wait3A_154 = tpu.memref_slice %arg16[%dma_wait3A_147, %dma_wait3A_153] : memref<3x2000xf32, #tpu.memory_space<vmem>> -> memref<1x2000xf32, #tpu.memory_space<vmem>>
    %dma_wait3A_155 = tpu.memref_squeeze %dma_wait3A_154 : memref<1x2000xf32, #tpu.memory_space<vmem>> -> memref<2000xf32, #tpu.memory_space<vmem>>
    %dma_wait3A_156 = arith.constant 0 : i32
    %dma_wait3A_157 = tpu.memref_slice %arg5[%dma_wait3A_156] : memref<6400000xf32, #tpu.memory_space<hbm>> -> memref<2000xf32, #tpu.memory_space<hbm>>
    tpu.wait_dma2 semaphore(%arg19 : memref<!tpu.dma_semaphore, #tpu.memory_space<semaphore_mem>>) src(%dma_wait3A_157 : memref<2000xf32, #tpu.memory_space<hbm>>) dst(%dma_wait3A_155 : memref<2000xf32, #tpu.memory_space<vmem>>)
    %dma_wait3A_158 = arith.constant 1 : i32
    %dma_wait3A_159 = arith.constant 0 : i32
    %dma_wait3A_160 = tpu.memref_slice %arg16[%dma_wait3A_158, %dma_wait3A_159] : memref<3x2000xf32, #tpu.memory_space<vmem>> -> memref<1x2000xf32, #tpu.memory_space<vmem>>
    %dma_wait3A_161 = tpu.memref_squeeze %dma_wait3A_160 : memref<1x2000xf32, #tpu.memory_space<vmem>> -> memref<2000xf32, #tpu.memory_space<vmem>>
    %dma_wait3A_162 = arith.constant 0 : i32
    %dma_wait3A_163 = tpu.memref_slice %arg6[%dma_wait3A_162] : memref<6400000xf32, #tpu.memory_space<hbm>> -> memref<2000xf32, #tpu.memory_space<hbm>>
    %dma_wait3A_164 = arith.constant 0 : i32
    %dma_wait3A_165 = tpu.memref_slice %arg16[%dma_wait3A_158, %dma_wait3A_164] : memref<3x2000xf32, #tpu.memory_space<vmem>> -> memref<1x2000xf32, #tpu.memory_space<vmem>>
    %dma_wait3A_166 = tpu.memref_squeeze %dma_wait3A_165 : memref<1x2000xf32, #tpu.memory_space<vmem>> -> memref<2000xf32, #tpu.memory_space<vmem>>
    %dma_wait3A_167 = arith.constant 0 : i32
    %dma_wait3A_168 = tpu.memref_slice %arg6[%dma_wait3A_167] : memref<6400000xf32, #tpu.memory_space<hbm>> -> memref<2000xf32, #tpu.memory_space<hbm>>
    tpu.wait_dma2 semaphore(%arg19 : memref<!tpu.dma_semaphore, #tpu.memory_space<semaphore_mem>>) src(%dma_wait3A_168 : memref<2000xf32, #tpu.memory_space<hbm>>) dst(%dma_wait3A_166 : memref<2000xf32, #tpu.memory_space<vmem>>)
    %dma_wait3A_169 = arith.constant 2 : i32
    %dma_wait3A_170 = arith.constant 0 : i32
    %dma_wait3A_171 = tpu.memref_slice %arg16[%dma_wait3A_169, %dma_wait3A_170] : memref<3x2000xf32, #tpu.memory_space<vmem>> -> memref<1x2000xf32, #tpu.memory_space<vmem>>
    %dma_wait3A_172 = tpu.memref_squeeze %dma_wait3A_171 : memref<1x2000xf32, #tpu.memory_space<vmem>> -> memref<2000xf32, #tpu.memory_space<vmem>>
    %dma_wait3A_173 = arith.constant 0 : i32
    %dma_wait3A_174 = tpu.memref_slice %arg7[%dma_wait3A_173] : memref<6400000xf32, #tpu.memory_space<hbm>> -> memref<2000xf32, #tpu.memory_space<hbm>>
    %dma_wait3A_175 = arith.constant 0 : i32
    %dma_wait3A_176 = tpu.memref_slice %arg16[%dma_wait3A_169, %dma_wait3A_175] : memref<3x2000xf32, #tpu.memory_space<vmem>> -> memref<1x2000xf32, #tpu.memory_space<vmem>>
    %dma_wait3A_177 = tpu.memref_squeeze %dma_wait3A_176 : memref<1x2000xf32, #tpu.memory_space<vmem>> -> memref<2000xf32, #tpu.memory_space<vmem>>
    %dma_wait3A_178 = arith.constant 0 : i32
    %dma_wait3A_179 = tpu.memref_slice %arg7[%dma_wait3A_178] : memref<6400000xf32, #tpu.memory_space<hbm>> -> memref<2000xf32, #tpu.memory_space<hbm>>
    tpu.wait_dma2 semaphore(%arg19 : memref<!tpu.dma_semaphore, #tpu.memory_space<semaphore_mem>>) src(%dma_wait3A_179 : memref<2000xf32, #tpu.memory_space<hbm>>) dst(%dma_wait3A_177 : memref<2000xf32, #tpu.memory_space<vmem>>)
    %scan3A = arith.constant 0 : i32
    %scan3A_180 = arith.constant 0 : i32
    %scan3A_181 = arith.constant 25 : i32
    %scan3A_182 = arith.addi %scan3A_180, %scan3A_181 : i32
    %scan3A_183 = arith.constant 1 : i32
    scf.for %scan3A_815 = %scan3A_180 to %scan3A_182 step %scan3A_183  : i32 {
      %dma_start3A_816 = arith.constant 0 : i32
      %dma_start3A_817 = arith.constant 0 : i32
      %dma_start3A_818 = tpu.memref_slice %arg14[%scan3A_815, %dma_start3A_816, %dma_start3A_817] : memref<25x80x8xf32, #tpu.memory_space<vmem>> -> memref<1x80x8xf32, #tpu.memory_space<vmem>>
      %dma_start3A_819 = tpu.memref_squeeze %dma_start3A_818 : memref<1x80x8xf32, #tpu.memory_space<vmem>> -> memref<80x8xf32, #tpu.memory_space<vmem>>
      %dma_start3A_820 = arith.constant 0 : i32
      %dma_start3A_821 = tpu.memref_slice %arg12[%scan3A_815, %dma_start3A_820] : memref<25x80xi32, #tpu.memory_space<vmem>> -> memref<1x80xi32, #tpu.memory_space<vmem>>
      %dma_start3A_822 = tpu.memref_squeeze %dma_start3A_821 : memref<1x80xi32, #tpu.memory_space<vmem>> -> memref<80xi32, #tpu.memory_space<vmem>>
      %dma_start3A_823 = arith.constant 0 : i32
      %dma_start3A_824 = arith.constant 0 : i32
      %dma_start3A_825 = tpu.memref_slice %arg2[%dma_start3A_823, %dma_start3A_824] : memref<100000x8xf32, #tpu.memory_space<hbm>> -> memref<100000x8xf32, #tpu.memory_space<hbm>>
      tpu.enqueue_indirect_dma source(%dma_start3A_825 : memref<100000x8xf32, #tpu.memory_space<hbm>>) target(%dma_start3A_819 : memref<80x8xf32, #tpu.memory_space<vmem>>) offsets(%dma_start3A_822 : memref<80xi32, #tpu.memory_space<vmem>>) semaphore(%arg20 : memref<!tpu.dma_semaphore, #tpu.memory_space<semaphore_mem>>)
      %dma_start3A_826 = arith.constant 0 : i32
      %dma_start3A_827 = arith.constant 0 : i32
      %dma_start3A_828 = tpu.memref_slice %arg15[%scan3A_815, %dma_start3A_826, %dma_start3A_827] : memref<25x80x8xf32, #tpu.memory_space<vmem>> -> memref<1x80x8xf32, #tpu.memory_space<vmem>>
      %dma_start3A_829 = tpu.memref_squeeze %dma_start3A_828 : memref<1x80x8xf32, #tpu.memory_space<vmem>> -> memref<80x8xf32, #tpu.memory_space<vmem>>
      %dma_start3A_830 = arith.constant 0 : i32
      %dma_start3A_831 = tpu.memref_slice %arg13[%scan3A_815, %dma_start3A_830] : memref<25x80xi32, #tpu.memory_space<vmem>> -> memref<1x80xi32, #tpu.memory_space<vmem>>
      %dma_start3A_832 = tpu.memref_squeeze %dma_start3A_831 : memref<1x80xi32, #tpu.memory_space<vmem>> -> memref<80xi32, #tpu.memory_space<vmem>>
      %dma_start3A_833 = arith.constant 0 : i32
      %dma_start3A_834 = arith.constant 0 : i32
      %dma_start3A_835 = tpu.memref_slice %arg2[%dma_start3A_833, %dma_start3A_834] : memref<100000x8xf32, #tpu.memory_space<hbm>> -> memref<100000x8xf32, #tpu.memory_space<hbm>>
      tpu.enqueue_indirect_dma source(%dma_start3A_835 : memref<100000x8xf32, #tpu.memory_space<hbm>>) target(%dma_start3A_829 : memref<80x8xf32, #tpu.memory_space<vmem>>) offsets(%dma_start3A_832 : memref<80xi32, #tpu.memory_space<vmem>>) semaphore(%arg20 : memref<!tpu.dma_semaphore, #tpu.memory_space<semaphore_mem>>)
    }
    %scan3A_184 = arith.constant 25 : i32
    %scan3A_185 = arith.constant 0 : i32
    %scan3A_186 = arith.constant 0 : i32
    %scan3A_187 = arith.constant 25 : i32
    %scan3A_188 = arith.addi %scan3A_186, %scan3A_187 : i32
    %scan3A_189 = arith.constant 1 : i32
    scf.for %scan3A_815 = %scan3A_186 to %scan3A_188 step %scan3A_189  : i32 {
      %dma_wait3A_816 = arith.constant 0 : i32
      %dma_wait3A_817 = arith.constant 0 : i32
      %dma_wait3A_818 = tpu.memref_slice %arg14[%scan3A_815, %dma_wait3A_816, %dma_wait3A_817] : memref<25x80x8xf32, #tpu.memory_space<vmem>> -> memref<1x80x8xf32, #tpu.memory_space<vmem>>
      %dma_wait3A_819 = tpu.memref_squeeze %dma_wait3A_818 : memref<1x80x8xf32, #tpu.memory_space<vmem>> -> memref<80x8xf32, #tpu.memory_space<vmem>>
      %dma_wait3A_820 = arith.constant 0 : i32
      %dma_wait3A_821 = tpu.memref_slice %arg12[%scan3A_815, %dma_wait3A_820] : memref<25x80xi32, #tpu.memory_space<vmem>> -> memref<1x80xi32, #tpu.memory_space<vmem>>
      %dma_wait3A_822 = tpu.memref_squeeze %dma_wait3A_821 : memref<1x80xi32, #tpu.memory_space<vmem>> -> memref<80xi32, #tpu.memory_space<vmem>>
      %dma_wait3A_823 = arith.constant 0 : i32
      %dma_wait3A_824 = arith.constant 0 : i32
      %dma_wait3A_825 = tpu.memref_slice %arg2[%dma_wait3A_823, %dma_wait3A_824] : memref<100000x8xf32, #tpu.memory_space<hbm>> -> memref<100000x8xf32, #tpu.memory_space<hbm>>
      tpu.wait_indirect_dma semaphore(%arg20 : memref<!tpu.dma_semaphore, #tpu.memory_space<semaphore_mem>>) src(%dma_wait3A_825 : memref<100000x8xf32, #tpu.memory_space<hbm>>) dst(%dma_wait3A_819 : memref<80x8xf32, #tpu.memory_space<vmem>>)
      %dma_wait3A_826 = arith.constant 0 : i32
      %dma_wait3A_827 = arith.constant 0 : i32
      %dma_wait3A_828 = tpu.memref_slice %arg15[%scan3A_815, %dma_wait3A_826, %dma_wait3A_827] : memref<25x80x8xf32, #tpu.memory_space<vmem>> -> memref<1x80x8xf32, #tpu.memory_space<vmem>>
      %dma_wait3A_829 = tpu.memref_squeeze %dma_wait3A_828 : memref<1x80x8xf32, #tpu.memory_space<vmem>> -> memref<80x8xf32, #tpu.memory_space<vmem>>
      %dma_wait3A_830 = arith.constant 0 : i32
      %dma_wait3A_831 = tpu.memref_slice %arg13[%scan3A_815, %dma_wait3A_830] : memref<25x80xi32, #tpu.memory_space<vmem>> -> memref<1x80xi32, #tpu.memory_space<vmem>>
      %dma_wait3A_832 = tpu.memref_squeeze %dma_wait3A_831 : memref<1x80xi32, #tpu.memory_space<vmem>> -> memref<80xi32, #tpu.memory_space<vmem>>
      %dma_wait3A_833 = arith.constant 0 : i32
      %dma_wait3A_834 = arith.constant 0 : i32
      %dma_wait3A_835 = tpu.memref_slice %arg2[%dma_wait3A_833, %dma_wait3A_834] : memref<100000x8xf32, #tpu.memory_space<hbm>> -> memref<100000x8xf32, #tpu.memory_space<hbm>>
      tpu.wait_indirect_dma semaphore(%arg20 : memref<!tpu.dma_semaphore, #tpu.memory_space<semaphore_mem>>) src(%dma_wait3A_835 : memref<100000x8xf32, #tpu.memory_space<hbm>>) dst(%dma_wait3A_829 : memref<80x8xf32, #tpu.memory_space<vmem>>)
    }
    %scan3A_190 = arith.constant 25 : i32
    %dma_wait3A_191 = arith.constant 0 : i32
    %dma_wait3A_192 = arith.constant 0 : i32
    %dma_wait3A_193 = arith.constant 0 : i32
    %dma_wait3A_194 = tpu.memref_slice %arg3[%dma_wait3A_191, %dma_wait3A_192, %dma_wait3A_193] : memref<2x80000x80xi32, #tpu.memory_space<hbm>> -> memref<1x25x80xi32, #tpu.memory_space<hbm>>
    %dma_wait3A_195 = tpu.memref_squeeze %dma_wait3A_194 : memref<1x25x80xi32, #tpu.memory_space<hbm>> -> memref<25x80xi32, #tpu.memory_space<hbm>>
    %dma_wait3A_196 = arith.constant 0 : i32
    %dma_wait3A_197 = arith.constant 0 : i32
    %dma_wait3A_198 = tpu.memref_slice %arg3[%dma_wait3A_191, %dma_wait3A_196, %dma_wait3A_197] : memref<2x80000x80xi32, #tpu.memory_space<hbm>> -> memref<1x25x80xi32, #tpu.memory_space<hbm>>
    %dma_wait3A_199 = tpu.memref_squeeze %dma_wait3A_198 : memref<1x25x80xi32, #tpu.memory_space<hbm>> -> memref<25x80xi32, #tpu.memory_space<hbm>>
    tpu.wait_dma2 semaphore(%arg29 : memref<!tpu.dma_semaphore, #tpu.memory_space<semaphore_mem>>) src(%dma_wait3A_199 : memref<25x80xi32, #tpu.memory_space<hbm>>) dst(%arg22 : memref<25x80xi32, #tpu.memory_space<vmem>>)
    %dma_wait3A_200 = arith.constant 1 : i32
    %dma_wait3A_201 = arith.constant 0 : i32
    %dma_wait3A_202 = arith.constant 0 : i32
    %dma_wait3A_203 = tpu.memref_slice %arg3[%dma_wait3A_200, %dma_wait3A_201, %dma_wait3A_202] : memref<2x80000x80xi32, #tpu.memory_space<hbm>> -> memref<1x25x80xi32, #tpu.memory_space<hbm>>
    %dma_wait3A_204 = tpu.memref_squeeze %dma_wait3A_203 : memref<1x25x80xi32, #tpu.memory_space<hbm>> -> memref<25x80xi32, #tpu.memory_space<hbm>>
    %dma_wait3A_205 = arith.constant 0 : i32
    %dma_wait3A_206 = arith.constant 0 : i32
    %dma_wait3A_207 = tpu.memref_slice %arg3[%dma_wait3A_200, %dma_wait3A_205, %dma_wait3A_206] : memref<2x80000x80xi32, #tpu.memory_space<hbm>> -> memref<1x25x80xi32, #tpu.memory_space<hbm>>
    %dma_wait3A_208 = tpu.memref_squeeze %dma_wait3A_207 : memref<1x25x80xi32, #tpu.memory_space<hbm>> -> memref<25x80xi32, #tpu.memory_space<hbm>>
    tpu.wait_dma2 semaphore(%arg29 : memref<!tpu.dma_semaphore, #tpu.memory_space<semaphore_mem>>) src(%dma_wait3A_208 : memref<25x80xi32, #tpu.memory_space<hbm>>) dst(%arg23 : memref<25x80xi32, #tpu.memory_space<vmem>>)
    %dma_wait3A_209 = arith.constant 0 : i32
    %dma_wait3A_210 = arith.constant 0 : i32
    %dma_wait3A_211 = tpu.memref_slice %arg26[%dma_wait3A_209, %dma_wait3A_210] : memref<3x2000xf32, #tpu.memory_space<vmem>> -> memref<1x2000xf32, #tpu.memory_space<vmem>>
    %dma_wait3A_212 = tpu.memref_squeeze %dma_wait3A_211 : memref<1x2000xf32, #tpu.memory_space<vmem>> -> memref<2000xf32, #tpu.memory_space<vmem>>
    %dma_wait3A_213 = arith.constant 0 : i32
    %dma_wait3A_214 = tpu.memref_slice %arg5[%dma_wait3A_213] : memref<6400000xf32, #tpu.memory_space<hbm>> -> memref<2000xf32, #tpu.memory_space<hbm>>
    %dma_wait3A_215 = arith.constant 0 : i32
    %dma_wait3A_216 = tpu.memref_slice %arg26[%dma_wait3A_209, %dma_wait3A_215] : memref<3x2000xf32, #tpu.memory_space<vmem>> -> memref<1x2000xf32, #tpu.memory_space<vmem>>
    %dma_wait3A_217 = tpu.memref_squeeze %dma_wait3A_216 : memref<1x2000xf32, #tpu.memory_space<vmem>> -> memref<2000xf32, #tpu.memory_space<vmem>>
    %dma_wait3A_218 = arith.constant 0 : i32
    %dma_wait3A_219 = tpu.memref_slice %arg5[%dma_wait3A_218] : memref<6400000xf32, #tpu.memory_space<hbm>> -> memref<2000xf32, #tpu.memory_space<hbm>>
    tpu.wait_dma2 semaphore(%arg29 : memref<!tpu.dma_semaphore, #tpu.memory_space<semaphore_mem>>) src(%dma_wait3A_219 : memref<2000xf32, #tpu.memory_space<hbm>>) dst(%dma_wait3A_217 : memref<2000xf32, #tpu.memory_space<vmem>>)
    %dma_wait3A_220 = arith.constant 1 : i32
    %dma_wait3A_221 = arith.constant 0 : i32
    %dma_wait3A_222 = tpu.memref_slice %arg26[%dma_wait3A_220, %dma_wait3A_221] : memref<3x2000xf32, #tpu.memory_space<vmem>> -> memref<1x2000xf32, #tpu.memory_space<vmem>>
    %dma_wait3A_223 = tpu.memref_squeeze %dma_wait3A_222 : memref<1x2000xf32, #tpu.memory_space<vmem>> -> memref<2000xf32, #tpu.memory_space<vmem>>
    %dma_wait3A_224 = arith.constant 0 : i32
    %dma_wait3A_225 = tpu.memref_slice %arg6[%dma_wait3A_224] : memref<6400000xf32, #tpu.memory_space<hbm>> -> memref<2000xf32, #tpu.memory_space<hbm>>
    %dma_wait3A_226 = arith.constant 0 : i32
    %dma_wait3A_227 = tpu.memref_slice %arg26[%dma_wait3A_220, %dma_wait3A_226] : memref<3x2000xf32, #tpu.memory_space<vmem>> -> memref<1x2000xf32, #tpu.memory_space<vmem>>
    %dma_wait3A_228 = tpu.memref_squeeze %dma_wait3A_227 : memref<1x2000xf32, #tpu.memory_space<vmem>> -> memref<2000xf32, #tpu.memory_space<vmem>>
    %dma_wait3A_229 = arith.constant 0 : i32
    %dma_wait3A_230 = tpu.memref_slice %arg6[%dma_wait3A_229] : memref<6400000xf32, #tpu.memory_space<hbm>> -> memref<2000xf32, #tpu.memory_space<hbm>>
    tpu.wait_dma2 semaphore(%arg29 : memref<!tpu.dma_semaphore, #tpu.memory_space<semaphore_mem>>) src(%dma_wait3A_230 : memref<2000xf32, #tpu.memory_space<hbm>>) dst(%dma_wait3A_228 : memref<2000xf32, #tpu.memory_space<vmem>>)
    %dma_wait3A_231 = arith.constant 2 : i32
    %dma_wait3A_232 = arith.constant 0 : i32
    %dma_wait3A_233 = tpu.memref_slice %arg26[%dma_wait3A_231, %dma_wait3A_232] : memref<3x2000xf32, #tpu.memory_space<vmem>> -> memref<1x2000xf32, #tpu.memory_space<vmem>>
    %dma_wait3A_234 = tpu.memref_squeeze %dma_wait3A_233 : memref<1x2000xf32, #tpu.memory_space<vmem>> -> memref<2000xf32, #tpu.memory_space<vmem>>
    %dma_wait3A_235 = arith.constant 0 : i32
    %dma_wait3A_236 = tpu.memref_slice %arg7[%dma_wait3A_235] : memref<6400000xf32, #tpu.memory_space<hbm>> -> memref<2000xf32, #tpu.memory_space<hbm>>
    %dma_wait3A_237 = arith.constant 0 : i32
    %dma_wait3A_238 = tpu.memref_slice %arg26[%dma_wait3A_231, %dma_wait3A_237] : memref<3x2000xf32, #tpu.memory_space<vmem>> -> memref<1x2000xf32, #tpu.memory_space<vmem>>
    %dma_wait3A_239 = tpu.memref_squeeze %dma_wait3A_238 : memref<1x2000xf32, #tpu.memory_space<vmem>> -> memref<2000xf32, #tpu.memory_space<vmem>>
    %dma_wait3A_240 = arith.constant 0 : i32
    %dma_wait3A_241 = tpu.memref_slice %arg7[%dma_wait3A_240] : memref<6400000xf32, #tpu.memory_space<hbm>> -> memref<2000xf32, #tpu.memory_space<hbm>>
    tpu.wait_dma2 semaphore(%arg29 : memref<!tpu.dma_semaphore, #tpu.memory_space<semaphore_mem>>) src(%dma_wait3A_241 : memref<2000xf32, #tpu.memory_space<hbm>>) dst(%dma_wait3A_239 : memref<2000xf32, #tpu.memory_space<vmem>>)
    %scan3A_242 = arith.constant 0 : i32
    %scan3A_243 = arith.constant 0 : i32
    %scan3A_244 = arith.constant 25 : i32
    %scan3A_245 = arith.addi %scan3A_243, %scan3A_244 : i32
    %scan3A_246 = arith.constant 1 : i32
    scf.for %scan3A_815 = %scan3A_243 to %scan3A_245 step %scan3A_246  : i32 {
      %dma_start3A_816 = arith.constant 0 : i32
      %dma_start3A_817 = arith.constant 0 : i32
      %dma_start3A_818 = tpu.memref_slice %arg24[%scan3A_815, %dma_start3A_816, %dma_start3A_817] : memref<25x80x8xf32, #tpu.memory_space<vmem>> -> memref<1x80x8xf32, #tpu.memory_space<vmem>>
      %dma_start3A_819 = tpu.memref_squeeze %dma_start3A_818 : memref<1x80x8xf32, #tpu.memory_space<vmem>> -> memref<80x8xf32, #tpu.memory_space<vmem>>
      %dma_start3A_820 = arith.constant 0 : i32
      %dma_start3A_821 = tpu.memref_slice %arg22[%scan3A_815, %dma_start3A_820] : memref<25x80xi32, #tpu.memory_space<vmem>> -> memref<1x80xi32, #tpu.memory_space<vmem>>
      %dma_start3A_822 = tpu.memref_squeeze %dma_start3A_821 : memref<1x80xi32, #tpu.memory_space<vmem>> -> memref<80xi32, #tpu.memory_space<vmem>>
      %dma_start3A_823 = arith.constant 0 : i32
      %dma_start3A_824 = arith.constant 0 : i32
      %dma_start3A_825 = tpu.memref_slice %arg2[%dma_start3A_823, %dma_start3A_824] : memref<100000x8xf32, #tpu.memory_space<hbm>> -> memref<100000x8xf32, #tpu.memory_space<hbm>>
      tpu.enqueue_indirect_dma source(%dma_start3A_825 : memref<100000x8xf32, #tpu.memory_space<hbm>>) target(%dma_start3A_819 : memref<80x8xf32, #tpu.memory_space<vmem>>) offsets(%dma_start3A_822 : memref<80xi32, #tpu.memory_space<vmem>>) semaphore(%arg30 : memref<!tpu.dma_semaphore, #tpu.memory_space<semaphore_mem>>)
      %dma_start3A_826 = arith.constant 0 : i32
      %dma_start3A_827 = arith.constant 0 : i32
      %dma_start3A_828 = tpu.memref_slice %arg25[%scan3A_815, %dma_start3A_826, %dma_start3A_827] : memref<25x80x8xf32, #tpu.memory_space<vmem>> -> memref<1x80x8xf32, #tpu.memory_space<vmem>>
      %dma_start3A_829 = tpu.memref_squeeze %dma_start3A_828 : memref<1x80x8xf32, #tpu.memory_space<vmem>> -> memref<80x8xf32, #tpu.memory_space<vmem>>
      %dma_start3A_830 = arith.constant 0 : i32
      %dma_start3A_831 = tpu.memref_slice %arg23[%scan3A_815, %dma_start3A_830] : memref<25x80xi32, #tpu.memory_space<vmem>> -> memref<1x80xi32, #tpu.memory_space<vmem>>
      %dma_start3A_832 = tpu.memref_squeeze %dma_start3A_831 : memref<1x80xi32, #tpu.memory_space<vmem>> -> memref<80xi32, #tpu.memory_space<vmem>>
      %dma_start3A_833 = arith.constant 0 : i32
      %dma_start3A_834 = arith.constant 0 : i32
      %dma_start3A_835 = tpu.memref_slice %arg2[%dma_start3A_833, %dma_start3A_834] : memref<100000x8xf32, #tpu.memory_space<hbm>> -> memref<100000x8xf32, #tpu.memory_space<hbm>>
      tpu.enqueue_indirect_dma source(%dma_start3A_835 : memref<100000x8xf32, #tpu.memory_space<hbm>>) target(%dma_start3A_829 : memref<80x8xf32, #tpu.memory_space<vmem>>) offsets(%dma_start3A_832 : memref<80xi32, #tpu.memory_space<vmem>>) semaphore(%arg30 : memref<!tpu.dma_semaphore, #tpu.memory_space<semaphore_mem>>)
    }
    %scan3A_247 = arith.constant 25 : i32
    %parallel_loop3A = arith.constant 0 : i32
    %parallel_loop3A_248 = arith.constant 125 : i32
    %parallel_loop3A_249 = arith.constant 1 : i32
    scf.for %parallel_loop3A_815 = %parallel_loop3A to %parallel_loop3A_248 step %parallel_loop3A_249  : i32 {
      %parallel_loop3A_816 = arith.constant 5 : i32
      %parallel_loop3A_817 = arith.divsi %parallel_loop3A_815, %parallel_loop3A_816 : i32
      %parallel_loop3A_818 = arith.constant 0 : i32
      %parallel_loop3A_819 = arith.cmpi sgt, %parallel_loop3A_815, %parallel_loop3A_818 : i32
      %parallel_loop3A_820 = arith.extui %parallel_loop3A_819 : i1 to i32
      %parallel_loop3A_821 = arith.constant 0 : i32
      %parallel_loop3A_822 = arith.cmpi slt, %parallel_loop3A_815, %parallel_loop3A_821 : i32
      %parallel_loop3A_823 = arith.extui %parallel_loop3A_822 : i1 to i32
      %parallel_loop3A_824 = arith.subi %parallel_loop3A_820, %parallel_loop3A_823 : i32
      %parallel_loop3A_825 = arith.constant 0 : i32
      %parallel_loop3A_826 = arith.cmpi sgt, %parallel_loop3A_816, %parallel_loop3A_825 : i32
      %parallel_loop3A_827 = arith.extui %parallel_loop3A_826 : i1 to i32
      %parallel_loop3A_828 = arith.constant 0 : i32
      %parallel_loop3A_829 = arith.cmpi slt, %parallel_loop3A_816, %parallel_loop3A_828 : i32
      %parallel_loop3A_830 = arith.extui %parallel_loop3A_829 : i1 to i32
      %parallel_loop3A_831 = arith.subi %parallel_loop3A_827, %parallel_loop3A_830 : i32
      %parallel_loop3A_832 = arith.cmpi ne, %parallel_loop3A_824, %parallel_loop3A_831 : i32
      %parallel_loop3A_833 = arith.remsi %parallel_loop3A_815, %parallel_loop3A_816 : i32
      %parallel_loop3A_834 = arith.constant 0 : i32
      %parallel_loop3A_835 = arith.cmpi ne, %parallel_loop3A_833, %parallel_loop3A_834 : i32
      %parallel_loop3A_836 = arith.andi %parallel_loop3A_832, %parallel_loop3A_835 : i1
      %parallel_loop3A_837 = arith.constant 1 : i32
      %parallel_loop3A_838 = arith.subi %parallel_loop3A_817, %parallel_loop3A_837 : i32
      %parallel_loop3A_839 = arith.select %parallel_loop3A_836, %parallel_loop3A_838, %parallel_loop3A_817 : i32
      %parallel_loop3A_840 = vector.broadcast %parallel_loop3A_839 : i32 to vector<16xi32>
      %parallel_loop3A_841 = arith.constant 5 : i32
      %parallel_loop3A_842 = arith.constant 0 : i32
      %parallel_loop3A_843 = arith.cmpi eq, %parallel_loop3A_841, %parallel_loop3A_842 : i32
      %parallel_loop3A_844 = arith.constant 1 : i32
      %parallel_loop3A_845 = arith.select %parallel_loop3A_843, %parallel_loop3A_844, %parallel_loop3A_841 : i32
      %parallel_loop3A_846 = arith.remsi %parallel_loop3A_815, %parallel_loop3A_845 : i32
      %parallel_loop3A_847 = arith.constant 0 : i32
      %parallel_loop3A_848 = arith.cmpi ne, %parallel_loop3A_846, %parallel_loop3A_847 : i32
      %parallel_loop3A_849 = arith.constant 0 : i32
      %parallel_loop3A_850 = arith.cmpi slt, %parallel_loop3A_846, %parallel_loop3A_849 : i32
      %parallel_loop3A_851 = arith.constant 0 : i32
      %parallel_loop3A_852 = arith.cmpi slt, %parallel_loop3A_845, %parallel_loop3A_851 : i32
      %parallel_loop3A_853 = arith.xori %parallel_loop3A_850, %parallel_loop3A_852 : i1
      %parallel_loop3A_854 = arith.andi %parallel_loop3A_853, %parallel_loop3A_848 : i1
      %parallel_loop3A_855 = arith.addi %parallel_loop3A_846, %parallel_loop3A_845 : i32
      %parallel_loop3A_856 = arith.select %parallel_loop3A_854, %parallel_loop3A_855, %parallel_loop3A_846 : i32
      %parallel_loop3A_857 = arith.constant 16 : i32
      %parallel_loop3A_858 = arith.muli %parallel_loop3A_856, %parallel_loop3A_857 : i32
      %parallel_loop3A_859 = vector.broadcast %parallel_loop3A_858 : i32 to vector<16xi32>
      %parallel_loop3A_860 = arith.addi %parallel_loop3A_859, %iota3A : vector<16xi32>
      %parallel_loop3A_861 = arith.constant 16 : i32
      %parallel_loop3A_862 = arith.muli %parallel_loop3A_815, %parallel_loop3A_861 : i32
      %parallel_loop3A_863 = vector.broadcast %parallel_loop3A_862 : i32 to vector<16xi32>
      %parallel_loop3A_864 = arith.addi %parallel_loop3A_863, %iota3A : vector<16xi32>
      %parallel_loop3A_865 = arith.constant 0 : i32
      %parallel_loop3A_866 = vector.broadcast %parallel_loop3A_865 : i32 to vector<16xi32>
      %parallel_loop3A_867 = tpu.vector_load_idx %arg14[%parallel_loop3A_840, %parallel_loop3A_860, %parallel_loop3A_866] : memref<25x80x8xf32, #tpu.memory_space<vmem>>[vector<16xi32>, vector<16xi32>, vector<16xi32>], vector<16xf32>,
      %parallel_loop3A_868 = arith.constant 1 : i32
      %parallel_loop3A_869 = vector.broadcast %parallel_loop3A_868 : i32 to vector<16xi32>
      %parallel_loop3A_870 = tpu.vector_load_idx %arg14[%parallel_loop3A_840, %parallel_loop3A_860, %parallel_loop3A_869] : memref<25x80x8xf32, #tpu.memory_space<vmem>>[vector<16xi32>, vector<16xi32>, vector<16xi32>], vector<16xf32>,
      %parallel_loop3A_871 = arith.constant 2 : i32
      %parallel_loop3A_872 = vector.broadcast %parallel_loop3A_871 : i32 to vector<16xi32>
      %parallel_loop3A_873 = tpu.vector_load_idx %arg14[%parallel_loop3A_840, %parallel_loop3A_860, %parallel_loop3A_872] : memref<25x80x8xf32, #tpu.memory_space<vmem>>[vector<16xi32>, vector<16xi32>, vector<16xi32>], vector<16xf32>,
      %parallel_loop3A_874 = arith.constant 3 : i32
      %parallel_loop3A_875 = vector.broadcast %parallel_loop3A_874 : i32 to vector<16xi32>
      %parallel_loop3A_876 = tpu.vector_load_idx %arg14[%parallel_loop3A_840, %parallel_loop3A_860, %parallel_loop3A_875] : memref<25x80x8xf32, #tpu.memory_space<vmem>>[vector<16xi32>, vector<16xi32>, vector<16xi32>], vector<16xf32>,
      %parallel_loop3A_877 = arith.fptosi %parallel_loop3A_876 : vector<16xf32> to vector<16xi32>
      %parallel_loop3A_878 = arith.constant 0 : i32
      %parallel_loop3A_879 = vector.broadcast %parallel_loop3A_878 : i32 to vector<16xi32>
      %parallel_loop3A_880 = tpu.vector_load_idx %arg15[%parallel_loop3A_840, %parallel_loop3A_860, %parallel_loop3A_879] : memref<25x80x8xf32, #tpu.memory_space<vmem>>[vector<16xi32>, vector<16xi32>, vector<16xi32>], vector<16xf32>,
      %parallel_loop3A_881 = arith.constant 1 : i32
      %parallel_loop3A_882 = vector.broadcast %parallel_loop3A_881 : i32 to vector<16xi32>
      %parallel_loop3A_883 = tpu.vector_load_idx %arg15[%parallel_loop3A_840, %parallel_loop3A_860, %parallel_loop3A_882] : memref<25x80x8xf32, #tpu.memory_space<vmem>>[vector<16xi32>, vector<16xi32>, vector<16xi32>], vector<16xf32>,
      %parallel_loop3A_884 = arith.constant 2 : i32
      %parallel_loop3A_885 = vector.broadcast %parallel_loop3A_884 : i32 to vector<16xi32>
      %parallel_loop3A_886 = tpu.vector_load_idx %arg15[%parallel_loop3A_840, %parallel_loop3A_860, %parallel_loop3A_885] : memref<25x80x8xf32, #tpu.memory_space<vmem>>[vector<16xi32>, vector<16xi32>, vector<16xi32>], vector<16xf32>,
      %parallel_loop3A_887 = arith.constant 0 : i32
      %parallel_loop3A_888 = vector.broadcast %parallel_loop3A_887 : i32 to vector<16xi32>
      %parallel_loop3A_889 = tpu.vector_load_idx %arg16[%parallel_loop3A_888, %parallel_loop3A_864] : memref<3x2000xf32, #tpu.memory_space<vmem>>[vector<16xi32>, vector<16xi32>], vector<16xf32>,
      %parallel_loop3A_890 = arith.constant 1 : i32
      %parallel_loop3A_891 = vector.broadcast %parallel_loop3A_890 : i32 to vector<16xi32>
      %parallel_loop3A_892 = tpu.vector_load_idx %arg16[%parallel_loop3A_891, %parallel_loop3A_864] : memref<3x2000xf32, #tpu.memory_space<vmem>>[vector<16xi32>, vector<16xi32>], vector<16xf32>,
      %parallel_loop3A_893 = arith.constant 2 : i32
      %parallel_loop3A_894 = vector.broadcast %parallel_loop3A_893 : i32 to vector<16xi32>
      %parallel_loop3A_895 = tpu.vector_load_idx %arg16[%parallel_loop3A_894, %parallel_loop3A_864] : memref<3x2000xf32, #tpu.memory_space<vmem>>[vector<16xi32>, vector<16xi32>], vector<16xf32>,
      %parallel_loop3A_896 = arith.constant 9 : i32
      %parallel_loop3A_897 = vector.broadcast %parallel_loop3A_896 : i32 to vector<16xi32>
      %parallel_loop3A_898 = arith.muli %parallel_loop3A_877, %parallel_loop3A_897 : vector<16xi32>
      %parallel_loop3A_899 = arith.subf %parallel_loop3A_880, %parallel_loop3A_867 : vector<16xf32>
      %parallel_loop3A_900 = tpu.vector_load_idx %arg32[%parallel_loop3A_898] : memref<144xf32, #tpu.memory_space<vmem>>[vector<16xi32>], vector<16xf32>,
      %parallel_loop3A_901 = arith.mulf %parallel_loop3A_889, %parallel_loop3A_900 : vector<16xf32>
      %parallel_loop3A_902 = arith.addf %parallel_loop3A_899, %parallel_loop3A_901 : vector<16xf32>
      %parallel_loop3A_903 = arith.constant 3 : i32
      %parallel_loop3A_904 = vector.broadcast %parallel_loop3A_903 : i32 to vector<16xi32>
      %parallel_loop3A_905 = arith.addi %parallel_loop3A_898, %parallel_loop3A_904 : vector<16xi32>
      %parallel_loop3A_906 = tpu.vector_load_idx %arg32[%parallel_loop3A_905] : memref<144xf32, #tpu.memory_space<vmem>>[vector<16xi32>], vector<16xf32>,
      %parallel_loop3A_907 = arith.mulf %parallel_loop3A_892, %parallel_loop3A_906 : vector<16xf32>
      %parallel_loop3A_908 = arith.addf %parallel_loop3A_902, %parallel_loop3A_907 : vector<16xf32>
      %parallel_loop3A_909 = arith.constant 6 : i32
      %parallel_loop3A_910 = vector.broadcast %parallel_loop3A_909 : i32 to vector<16xi32>
      %parallel_loop3A_911 = arith.addi %parallel_loop3A_898, %parallel_loop3A_910 : vector<16xi32>
      %parallel_loop3A_912 = tpu.vector_load_idx %arg32[%parallel_loop3A_911] : memref<144xf32, #tpu.memory_space<vmem>>[vector<16xi32>], vector<16xf32>,
      %parallel_loop3A_913 = arith.mulf %parallel_loop3A_895, %parallel_loop3A_912 : vector<16xf32>
      %parallel_loop3A_914 = arith.addf %parallel_loop3A_908, %parallel_loop3A_913 : vector<16xf32>
      %parallel_loop3A_915 = arith.subf %parallel_loop3A_883, %parallel_loop3A_870 : vector<16xf32>
      %parallel_loop3A_916 = arith.constant 1 : i32
      %parallel_loop3A_917 = vector.broadcast %parallel_loop3A_916 : i32 to vector<16xi32>
      %parallel_loop3A_918 = arith.addi %parallel_loop3A_898, %parallel_loop3A_917 : vector<16xi32>
      %parallel_loop3A_919 = tpu.vector_load_idx %arg32[%parallel_loop3A_918] : memref<144xf32, #tpu.memory_space<vmem>>[vector<16xi32>], vector<16xf32>,
      %parallel_loop3A_920 = arith.mulf %parallel_loop3A_889, %parallel_loop3A_919 : vector<16xf32>
      %parallel_loop3A_921 = arith.addf %parallel_loop3A_915, %parallel_loop3A_920 : vector<16xf32>
      %parallel_loop3A_922 = arith.constant 4 : i32
      %parallel_loop3A_923 = vector.broadcast %parallel_loop3A_922 : i32 to vector<16xi32>
      %parallel_loop3A_924 = arith.addi %parallel_loop3A_898, %parallel_loop3A_923 : vector<16xi32>
      %parallel_loop3A_925 = tpu.vector_load_idx %arg32[%parallel_loop3A_924] : memref<144xf32, #tpu.memory_space<vmem>>[vector<16xi32>], vector<16xf32>,
      %parallel_loop3A_926 = arith.mulf %parallel_loop3A_892, %parallel_loop3A_925 : vector<16xf32>
      %parallel_loop3A_927 = arith.addf %parallel_loop3A_921, %parallel_loop3A_926 : vector<16xf32>
      %parallel_loop3A_928 = arith.constant 7 : i32
      %parallel_loop3A_929 = vector.broadcast %parallel_loop3A_928 : i32 to vector<16xi32>
      %parallel_loop3A_930 = arith.addi %parallel_loop3A_898, %parallel_loop3A_929 : vector<16xi32>
      %parallel_loop3A_931 = tpu.vector_load_idx %arg32[%parallel_loop3A_930] : memref<144xf32, #tpu.memory_space<vmem>>[vector<16xi32>], vector<16xf32>,
      %parallel_loop3A_932 = arith.mulf %parallel_loop3A_895, %parallel_loop3A_931 : vector<16xf32>
      %parallel_loop3A_933 = arith.addf %parallel_loop3A_927, %parallel_loop3A_932 : vector<16xf32>
      %parallel_loop3A_934 = arith.subf %parallel_loop3A_886, %parallel_loop3A_873 : vector<16xf32>
      %parallel_loop3A_935 = arith.constant 2 : i32
      %parallel_loop3A_936 = vector.broadcast %parallel_loop3A_935 : i32 to vector<16xi32>
      %parallel_loop3A_937 = arith.addi %parallel_loop3A_898, %parallel_loop3A_936 : vector<16xi32>
      %parallel_loop3A_938 = tpu.vector_load_idx %arg32[%parallel_loop3A_937] : memref<144xf32, #tpu.memory_space<vmem>>[vector<16xi32>], vector<16xf32>,
      %parallel_loop3A_939 = arith.mulf %parallel_loop3A_889, %parallel_loop3A_938 : vector<16xf32>
      %parallel_loop3A_940 = arith.addf %parallel_loop3A_934, %parallel_loop3A_939 : vector<16xf32>
      %parallel_loop3A_941 = arith.constant 5 : i32
      %parallel_loop3A_942 = vector.broadcast %parallel_loop3A_941 : i32 to vector<16xi32>
      %parallel_loop3A_943 = arith.addi %parallel_loop3A_898, %parallel_loop3A_942 : vector<16xi32>
      %parallel_loop3A_944 = tpu.vector_load_idx %arg32[%parallel_loop3A_943] : memref<144xf32, #tpu.memory_space<vmem>>[vector<16xi32>], vector<16xf32>,
      %parallel_loop3A_945 = arith.mulf %parallel_loop3A_892, %parallel_loop3A_944 : vector<16xf32>
      %parallel_loop3A_946 = arith.addf %parallel_loop3A_940, %parallel_loop3A_945 : vector<16xf32>
      %parallel_loop3A_947 = arith.constant 8 : i32
      %parallel_loop3A_948 = vector.broadcast %parallel_loop3A_947 : i32 to vector<16xi32>
      %parallel_loop3A_949 = arith.addi %parallel_loop3A_898, %parallel_loop3A_948 : vector<16xi32>
      %parallel_loop3A_950 = tpu.vector_load_idx %arg32[%parallel_loop3A_949] : memref<144xf32, #tpu.memory_space<vmem>>[vector<16xi32>], vector<16xf32>,
      %parallel_loop3A_951 = arith.mulf %parallel_loop3A_895, %parallel_loop3A_950 : vector<16xf32>
      %parallel_loop3A_952 = arith.addf %parallel_loop3A_946, %parallel_loop3A_951 : vector<16xf32>
      %parallel_loop3A_953 = arith.mulf %parallel_loop3A_914, %parallel_loop3A_914 : vector<16xf32>
      %parallel_loop3A_954 = arith.mulf %parallel_loop3A_933, %parallel_loop3A_933 : vector<16xf32>
      %parallel_loop3A_955 = arith.addf %parallel_loop3A_953, %parallel_loop3A_954 : vector<16xf32>
      %parallel_loop3A_956 = arith.mulf %parallel_loop3A_952, %parallel_loop3A_952 : vector<16xf32>
      %parallel_loop3A_957 = arith.addf %parallel_loop3A_955, %parallel_loop3A_956 : vector<16xf32>
      %parallel_loop3A_958 = vector.bitcast %parallel_loop3A_957 : vector<16xf32> to vector<16xi32>
      %parallel_loop3A_959 = arith.constant 1 : i32
      %parallel_loop3A_960 = vector.broadcast %parallel_loop3A_959 : i32 to vector<16xi32>
      %parallel_loop3A_961 = arith.shrsi %parallel_loop3A_958, %parallel_loop3A_960 : vector<16xi32>
      %parallel_loop3A_962 = arith.constant 1597463007 : i32
      %parallel_loop3A_963 = vector.broadcast %parallel_loop3A_962 : i32 to vector<16xi32>
      %parallel_loop3A_964 = arith.subi %parallel_loop3A_963, %parallel_loop3A_961 : vector<16xi32>
      %parallel_loop3A_965 = vector.bitcast %parallel_loop3A_964 : vector<16xi32> to vector<16xf32>
      %parallel_loop3A_966 = arith.constant 5.000000e-01 : f32
      %parallel_loop3A_967 = vector.broadcast %parallel_loop3A_966 : f32 to vector<16xf32>
      %parallel_loop3A_968 = arith.mulf %parallel_loop3A_967, %parallel_loop3A_957 : vector<16xf32>
      %parallel_loop3A_969 = arith.mulf %parallel_loop3A_968, %parallel_loop3A_965 : vector<16xf32>
      %parallel_loop3A_970 = arith.mulf %parallel_loop3A_969, %parallel_loop3A_965 : vector<16xf32>
      %parallel_loop3A_971 = arith.constant 1.500000e+00 : f32
      %parallel_loop3A_972 = vector.broadcast %parallel_loop3A_971 : f32 to vector<16xf32>
      %parallel_loop3A_973 = arith.subf %parallel_loop3A_972, %parallel_loop3A_970 : vector<16xf32>
      %parallel_loop3A_974 = arith.mulf %parallel_loop3A_965, %parallel_loop3A_973 : vector<16xf32>
      %parallel_loop3A_975 = arith.constant 5.000000e-01 : f32
      %parallel_loop3A_976 = vector.broadcast %parallel_loop3A_975 : f32 to vector<16xf32>
      %parallel_loop3A_977 = arith.mulf %parallel_loop3A_976, %parallel_loop3A_957 : vector<16xf32>
      %parallel_loop3A_978 = arith.mulf %parallel_loop3A_977, %parallel_loop3A_974 : vector<16xf32>
      %parallel_loop3A_979 = arith.mulf %parallel_loop3A_978, %parallel_loop3A_974 : vector<16xf32>
      %parallel_loop3A_980 = arith.constant 1.500000e+00 : f32
      %parallel_loop3A_981 = vector.broadcast %parallel_loop3A_980 : f32 to vector<16xf32>
      %parallel_loop3A_982 = arith.subf %parallel_loop3A_981, %parallel_loop3A_979 : vector<16xf32>
      %parallel_loop3A_983 = arith.mulf %parallel_loop3A_974, %parallel_loop3A_982 : vector<16xf32>
      %parallel_loop3A_984 = arith.constant 5.000000e-01 : f32
      %parallel_loop3A_985 = vector.broadcast %parallel_loop3A_984 : f32 to vector<16xf32>
      %parallel_loop3A_986 = arith.mulf %parallel_loop3A_985, %parallel_loop3A_957 : vector<16xf32>
      %parallel_loop3A_987 = arith.mulf %parallel_loop3A_986, %parallel_loop3A_983 : vector<16xf32>
      %parallel_loop3A_988 = arith.mulf %parallel_loop3A_987, %parallel_loop3A_983 : vector<16xf32>
      %parallel_loop3A_989 = arith.constant 1.500000e+00 : f32
      %parallel_loop3A_990 = vector.broadcast %parallel_loop3A_989 : f32 to vector<16xf32>
      %parallel_loop3A_991 = arith.subf %parallel_loop3A_990, %parallel_loop3A_988 : vector<16xf32>
      %parallel_loop3A_992 = arith.mulf %parallel_loop3A_983, %parallel_loop3A_991 : vector<16xf32>
      %parallel_loop3A_993 = arith.constant 0.000000e+00 : f32
      %parallel_loop3A_994 = vector.broadcast %parallel_loop3A_993 : f32 to vector<16xf32>
      %parallel_loop3A_995 = arith.cmpf ogt, %parallel_loop3A_957, %parallel_loop3A_994 : vector<16xf32>
      %parallel_loop3A_996 = arith.mulf %parallel_loop3A_957, %parallel_loop3A_992 : vector<16xf32>
      %parallel_loop3A_997 = arith.constant 0.000000e+00 : f32
      %parallel_loop3A_998 = vector.broadcast %parallel_loop3A_997 : f32 to vector<16xf32>
      %parallel_loop3A_999 = arith.select %parallel_loop3A_995, %parallel_loop3A_996, %parallel_loop3A_998 : vector<16xi1>, vector<16xf32>
      %parallel_loop3A_1000 = arith.constant 0 : i32
      %parallel_loop3A_1001 = vector.broadcast %parallel_loop3A_1000 : i32 to vector<16xi32>
      tpu.vector_store_idx %arg17[%parallel_loop3A_1001, %parallel_loop3A_864], %parallel_loop3A_914 : memref<3x2000xf32, #tpu.memory_space<vmem>>[vector<16xi32>, vector<16xi32>], vector<16xf32>,
      %parallel_loop3A_1002 = arith.constant 1 : i32
      %parallel_loop3A_1003 = vector.broadcast %parallel_loop3A_1002 : i32 to vector<16xi32>
      tpu.vector_store_idx %arg17[%parallel_loop3A_1003, %parallel_loop3A_864], %parallel_loop3A_933 : memref<3x2000xf32, #tpu.memory_space<vmem>>[vector<16xi32>, vector<16xi32>], vector<16xf32>,
      %parallel_loop3A_1004 = arith.constant 2 : i32
      %parallel_loop3A_1005 = vector.broadcast %parallel_loop3A_1004 : i32 to vector<16xi32>
      tpu.vector_store_idx %arg17[%parallel_loop3A_1005, %parallel_loop3A_864], %parallel_loop3A_952 : memref<3x2000xf32, #tpu.memory_space<vmem>>[vector<16xi32>, vector<16xi32>], vector<16xf32>,
      tpu.vector_store_idx %arg18[%parallel_loop3A_864], %parallel_loop3A_999 : memref<2000xf32, #tpu.memory_space<vmem>>[vector<16xi32>], vector<16xf32>,
    } {sc.loop_unroll_factor = 4 : i64, sc.parallel_access}
    %mul3A_250 = arith.constant 200000 : i32
    %mul3A_251 = arith.muli %add3A, %mul3A_250 : i32
    %add3A_252 = arith.constant 0 : i32
    %add3A_253 = arith.addi %mul3A_251, %add3A_252 : i32
    %dma_start3A_254 = arith.constant 0 : i32
    %dma_start3A_255 = arith.constant 0 : i32
    %dma_start3A_256 = tpu.memref_slice %arg17[%dma_start3A_254, %dma_start3A_255] : memref<3x2000xf32, #tpu.memory_space<vmem>> -> memref<1x2000xf32, #tpu.memory_space<vmem>>
    %dma_start3A_257 = tpu.memref_squeeze %dma_start3A_256 : memref<1x2000xf32, #tpu.memory_space<vmem>> -> memref<2000xf32, #tpu.memory_space<vmem>>
    %dma_start3A_258 = tpu.memref_slice %arg8[%add3A_253] : memref<6400000xf32, #tpu.memory_space<hbm>> -> memref<2000xf32, #tpu.memory_space<hbm>>
    %dma_start3A_259 = tpu.memref_slice %arg8[%add3A_253] : memref<6400000xf32, #tpu.memory_space<hbm>> -> memref<2000xf32, #tpu.memory_space<hbm>>
    %dma_start3A_260 = arith.constant 0 : i32
    %dma_start3A_261 = tpu.memref_slice %arg17[%dma_start3A_254, %dma_start3A_260] : memref<3x2000xf32, #tpu.memory_space<vmem>> -> memref<1x2000xf32, #tpu.memory_space<vmem>>
    %dma_start3A_262 = tpu.memref_squeeze %dma_start3A_261 : memref<1x2000xf32, #tpu.memory_space<vmem>> -> memref<2000xf32, #tpu.memory_space<vmem>>
    tpu.enqueue_dma source(%dma_start3A_262 : memref<2000xf32, #tpu.memory_space<vmem>>) target(%dma_start3A_259 : memref<2000xf32, #tpu.memory_space<hbm>>) target_semaphore(%arg21 : memref<!tpu.dma_semaphore, #tpu.memory_space<semaphore_mem>>)
    %dma_start3A_263 = arith.constant 1 : i32
    %dma_start3A_264 = arith.constant 0 : i32
    %dma_start3A_265 = tpu.memref_slice %arg17[%dma_start3A_263, %dma_start3A_264] : memref<3x2000xf32, #tpu.memory_space<vmem>> -> memref<1x2000xf32, #tpu.memory_space<vmem>>
    %dma_start3A_266 = tpu.memref_squeeze %dma_start3A_265 : memref<1x2000xf32, #tpu.memory_space<vmem>> -> memref<2000xf32, #tpu.memory_space<vmem>>
    %dma_start3A_267 = tpu.memref_slice %arg9[%add3A_253] : memref<6400000xf32, #tpu.memory_space<hbm>> -> memref<2000xf32, #tpu.memory_space<hbm>>
    %dma_start3A_268 = tpu.memref_slice %arg9[%add3A_253] : memref<6400000xf32, #tpu.memory_space<hbm>> -> memref<2000xf32, #tpu.memory_space<hbm>>
    %dma_start3A_269 = arith.constant 0 : i32
    %dma_start3A_270 = tpu.memref_slice %arg17[%dma_start3A_263, %dma_start3A_269] : memref<3x2000xf32, #tpu.memory_space<vmem>> -> memref<1x2000xf32, #tpu.memory_space<vmem>>
    %dma_start3A_271 = tpu.memref_squeeze %dma_start3A_270 : memref<1x2000xf32, #tpu.memory_space<vmem>> -> memref<2000xf32, #tpu.memory_space<vmem>>
    tpu.enqueue_dma source(%dma_start3A_271 : memref<2000xf32, #tpu.memory_space<vmem>>) target(%dma_start3A_268 : memref<2000xf32, #tpu.memory_space<hbm>>) target_semaphore(%arg21 : memref<!tpu.dma_semaphore, #tpu.memory_space<semaphore_mem>>)
    %dma_start3A_272 = arith.constant 2 : i32
    %dma_start3A_273 = arith.constant 0 : i32
    %dma_start3A_274 = tpu.memref_slice %arg17[%dma_start3A_272, %dma_start3A_273] : memref<3x2000xf32, #tpu.memory_space<vmem>> -> memref<1x2000xf32, #tpu.memory_space<vmem>>
    %dma_start3A_275 = tpu.memref_squeeze %dma_start3A_274 : memref<1x2000xf32, #tpu.memory_space<vmem>> -> memref<2000xf32, #tpu.memory_space<vmem>>
    %dma_start3A_276 = tpu.memref_slice %arg10[%add3A_253] : memref<6400000xf32, #tpu.memory_space<hbm>> -> memref<2000xf32, #tpu.memory_space<hbm>>
    %dma_start3A_277 = tpu.memref_slice %arg10[%add3A_253] : memref<6400000xf32, #tpu.memory_space<hbm>> -> memref<2000xf32, #tpu.memory_space<hbm>>
    %dma_start3A_278 = arith.constant 0 : i32
    %dma_start3A_279 = tpu.memref_slice %arg17[%dma_start3A_272, %dma_start3A_278] : memref<3x2000xf32, #tpu.memory_space<vmem>> -> memref<1x2000xf32, #tpu.memory_space<vmem>>
    %dma_start3A_280 = tpu.memref_squeeze %dma_start3A_279 : memref<1x2000xf32, #tpu.memory_space<vmem>> -> memref<2000xf32, #tpu.memory_space<vmem>>
    tpu.enqueue_dma source(%dma_start3A_280 : memref<2000xf32, #tpu.memory_space<vmem>>) target(%dma_start3A_277 : memref<2000xf32, #tpu.memory_space<hbm>>) target_semaphore(%arg21 : memref<!tpu.dma_semaphore, #tpu.memory_space<semaphore_mem>>)
    %dma_start3A_281 = tpu.memref_slice %arg11[%add3A_253] : memref<6400000xf32, #tpu.memory_space<hbm>> -> memref<2000xf32, #tpu.memory_space<hbm>>
    %dma_start3A_282 = tpu.memref_slice %arg11[%add3A_253] : memref<6400000xf32, #tpu.memory_space<hbm>> -> memref<2000xf32, #tpu.memory_space<hbm>>
    tpu.enqueue_dma source(%arg18 : memref<2000xf32, #tpu.memory_space<vmem>>) target(%dma_start3A_282 : memref<2000xf32, #tpu.memory_space<hbm>>) target_semaphore(%arg21 : memref<!tpu.dma_semaphore, #tpu.memory_space<semaphore_mem>>)
    %mul3A_283 = arith.constant 200000 : i32
    %mul3A_284 = arith.muli %add3A, %mul3A_283 : i32
    %add3A_285 = arith.constant 4000 : i32
    %add3A_286 = arith.addi %mul3A_284, %add3A_285 : i32
    %jit3A_287 = arith.constant 80 : i32
    %div3A_288 = arith.divsi %add3A_286, %jit3A_287 : i32
    %sign3A_289 = arith.constant 0 : i32
    %sign3A_290 = arith.cmpi sgt, %add3A_286, %sign3A_289 : i32
    %sign3A_291 = arith.extui %sign3A_290 : i1 to i32
    %sign3A_292 = arith.constant 0 : i32
    %sign3A_293 = arith.cmpi slt, %add3A_286, %sign3A_292 : i32
    %sign3A_294 = arith.extui %sign3A_293 : i1 to i32
    %sign3A_295 = arith.subi %sign3A_291, %sign3A_294 : i32
    %sign3A_296 = arith.constant 0 : i32
    %sign3A_297 = arith.cmpi sgt, %jit3A_287, %sign3A_296 : i32
    %sign3A_298 = arith.extui %sign3A_297 : i1 to i32
    %sign3A_299 = arith.constant 0 : i32
    %sign3A_300 = arith.cmpi slt, %jit3A_287, %sign3A_299 : i32
    %sign3A_301 = arith.extui %sign3A_300 : i1 to i32
    %sign3A_302 = arith.subi %sign3A_298, %sign3A_301 : i32
    %ne3A_303 = arith.cmpi ne, %sign3A_295, %sign3A_302 : i32
    %rem3A_304 = arith.remsi %add3A_286, %jit3A_287 : i32
    %ne3A_305 = arith.constant 0 : i32
    %ne3A_306 = arith.cmpi ne, %rem3A_304, %ne3A_305 : i32
    %and3A_307 = arith.andi %ne3A_303, %ne3A_306 : i1
    %sub3A_308 = arith.constant 1 : i32
    %sub3A_309 = arith.subi %div3A_288, %sub3A_308 : i32
    %select_n3A_310 = arith.select %and3A_307, %sub3A_309, %div3A_288 : i32
    %dma_start3A_311 = arith.constant 0 : i32
    %dma_start3A_312 = arith.constant 0 : i32
    %dma_start3A_313 = tpu.memref_slice %arg3[%dma_start3A_311, %select_n3A_310, %dma_start3A_312] : memref<2x80000x80xi32, #tpu.memory_space<hbm>> -> memref<1x25x80xi32, #tpu.memory_space<hbm>>
    %dma_start3A_314 = tpu.memref_squeeze %dma_start3A_313 : memref<1x25x80xi32, #tpu.memory_space<hbm>> -> memref<25x80xi32, #tpu.memory_space<hbm>>
    %dma_start3A_315 = arith.constant 0 : i32
    %dma_start3A_316 = tpu.memref_slice %arg3[%dma_start3A_311, %select_n3A_310, %dma_start3A_315] : memref<2x80000x80xi32, #tpu.memory_space<hbm>> -> memref<1x25x80xi32, #tpu.memory_space<hbm>>
    %dma_start3A_317 = tpu.memref_squeeze %dma_start3A_316 : memref<1x25x80xi32, #tpu.memory_space<hbm>> -> memref<25x80xi32, #tpu.memory_space<hbm>>
    tpu.enqueue_dma source(%dma_start3A_317 : memref<25x80xi32, #tpu.memory_space<hbm>>) target(%arg12 : memref<25x80xi32, #tpu.memory_space<vmem>>) target_semaphore(%arg19 : memref<!tpu.dma_semaphore, #tpu.memory_space<semaphore_mem>>)
    %dma_start3A_318 = arith.constant 1 : i32
    %dma_start3A_319 = arith.constant 0 : i32
    %dma_start3A_320 = tpu.memref_slice %arg3[%dma_start3A_318, %select_n3A_310, %dma_start3A_319] : memref<2x80000x80xi32, #tpu.memory_space<hbm>> -> memref<1x25x80xi32, #tpu.memory_space<hbm>>
    %dma_start3A_321 = tpu.memref_squeeze %dma_start3A_320 : memref<1x25x80xi32, #tpu.memory_space<hbm>> -> memref<25x80xi32, #tpu.memory_space<hbm>>
    %dma_start3A_322 = arith.constant 0 : i32
    %dma_start3A_323 = tpu.memref_slice %arg3[%dma_start3A_318, %select_n3A_310, %dma_start3A_322] : memref<2x80000x80xi32, #tpu.memory_space<hbm>> -> memref<1x25x80xi32, #tpu.memory_space<hbm>>
    %dma_start3A_324 = tpu.memref_squeeze %dma_start3A_323 : memref<1x25x80xi32, #tpu.memory_space<hbm>> -> memref<25x80xi32, #tpu.memory_space<hbm>>
    tpu.enqueue_dma source(%dma_start3A_324 : memref<25x80xi32, #tpu.memory_space<hbm>>) target(%arg13 : memref<25x80xi32, #tpu.memory_space<vmem>>) target_semaphore(%arg19 : memref<!tpu.dma_semaphore, #tpu.memory_space<semaphore_mem>>)
    %dma_start3A_325 = arith.constant 0 : i32
    %dma_start3A_326 = arith.constant 0 : i32
    %dma_start3A_327 = tpu.memref_slice %arg16[%dma_start3A_325, %dma_start3A_326] : memref<3x2000xf32, #tpu.memory_space<vmem>> -> memref<1x2000xf32, #tpu.memory_space<vmem>>
    %dma_start3A_328 = tpu.memref_squeeze %dma_start3A_327 : memref<1x2000xf32, #tpu.memory_space<vmem>> -> memref<2000xf32, #tpu.memory_space<vmem>>
    %dma_start3A_329 = tpu.memref_slice %arg5[%add3A_286] : memref<6400000xf32, #tpu.memory_space<hbm>> -> memref<2000xf32, #tpu.memory_space<hbm>>
    %dma_start3A_330 = arith.constant 0 : i32
    %dma_start3A_331 = tpu.memref_slice %arg16[%dma_start3A_325, %dma_start3A_330] : memref<3x2000xf32, #tpu.memory_space<vmem>> -> memref<1x2000xf32, #tpu.memory_space<vmem>>
    %dma_start3A_332 = tpu.memref_squeeze %dma_start3A_331 : memref<1x2000xf32, #tpu.memory_space<vmem>> -> memref<2000xf32, #tpu.memory_space<vmem>>
    %dma_start3A_333 = tpu.memref_slice %arg5[%add3A_286] : memref<6400000xf32, #tpu.memory_space<hbm>> -> memref<2000xf32, #tpu.memory_space<hbm>>
    tpu.enqueue_dma source(%dma_start3A_333 : memref<2000xf32, #tpu.memory_space<hbm>>) target(%dma_start3A_332 : memref<2000xf32, #tpu.memory_space<vmem>>) target_semaphore(%arg19 : memref<!tpu.dma_semaphore, #tpu.memory_space<semaphore_mem>>)
    %dma_start3A_334 = arith.constant 1 : i32
    %dma_start3A_335 = arith.constant 0 : i32
    %dma_start3A_336 = tpu.memref_slice %arg16[%dma_start3A_334, %dma_start3A_335] : memref<3x2000xf32, #tpu.memory_space<vmem>> -> memref<1x2000xf32, #tpu.memory_space<vmem>>
    %dma_start3A_337 = tpu.memref_squeeze %dma_start3A_336 : memref<1x2000xf32, #tpu.memory_space<vmem>> -> memref<2000xf32, #tpu.memory_space<vmem>>
    %dma_start3A_338 = tpu.memref_slice %arg6[%add3A_286] : memref<6400000xf32, #tpu.memory_space<hbm>> -> memref<2000xf32, #tpu.memory_space<hbm>>
    %dma_start3A_339 = arith.constant 0 : i32
    %dma_start3A_340 = tpu.memref_slice %arg16[%dma_start3A_334, %dma_start3A_339] : memref<3x2000xf32, #tpu.memory_space<vmem>> -> memref<1x2000xf32, #tpu.memory_space<vmem>>
    %dma_start3A_341 = tpu.memref_squeeze %dma_start3A_340 : memref<1x2000xf32, #tpu.memory_space<vmem>> -> memref<2000xf32, #tpu.memory_space<vmem>>
    %dma_start3A_342 = tpu.memref_slice %arg6[%add3A_286] : memref<6400000xf32, #tpu.memory_space<hbm>> -> memref<2000xf32, #tpu.memory_space<hbm>>
    tpu.enqueue_dma source(%dma_start3A_342 : memref<2000xf32, #tpu.memory_space<hbm>>) target(%dma_start3A_341 : memref<2000xf32, #tpu.memory_space<vmem>>) target_semaphore(%arg19 : memref<!tpu.dma_semaphore, #tpu.memory_space<semaphore_mem>>)
    %dma_start3A_343 = arith.constant 2 : i32
    %dma_start3A_344 = arith.constant 0 : i32
    %dma_start3A_345 = tpu.memref_slice %arg16[%dma_start3A_343, %dma_start3A_344] : memref<3x2000xf32, #tpu.memory_space<vmem>> -> memref<1x2000xf32, #tpu.memory_space<vmem>>
    %dma_start3A_346 = tpu.memref_squeeze %dma_start3A_345 : memref<1x2000xf32, #tpu.memory_space<vmem>> -> memref<2000xf32, #tpu.memory_space<vmem>>
    %dma_start3A_347 = tpu.memref_slice %arg7[%add3A_286] : memref<6400000xf32, #tpu.memory_space<hbm>> -> memref<2000xf32, #tpu.memory_space<hbm>>
    %dma_start3A_348 = arith.constant 0 : i32
    %dma_start3A_349 = tpu.memref_slice %arg16[%dma_start3A_343, %dma_start3A_348] : memref<3x2000xf32, #tpu.memory_space<vmem>> -> memref<1x2000xf32, #tpu.memory_space<vmem>>
    %dma_start3A_350 = tpu.memref_squeeze %dma_start3A_349 : memref<1x2000xf32, #tpu.memory_space<vmem>> -> memref<2000xf32, #tpu.memory_space<vmem>>
    %dma_start3A_351 = tpu.memref_slice %arg7[%add3A_286] : memref<6400000xf32, #tpu.memory_space<hbm>> -> memref<2000xf32, #tpu.memory_space<hbm>>
    tpu.enqueue_dma source(%dma_start3A_351 : memref<2000xf32, #tpu.memory_space<hbm>>) target(%dma_start3A_350 : memref<2000xf32, #tpu.memory_space<vmem>>) target_semaphore(%arg19 : memref<!tpu.dma_semaphore, #tpu.memory_space<semaphore_mem>>)
    %scan3A_352 = arith.constant 0 : i32
    %scan3A_353 = arith.constant 0 : i32
    %scan3A_354 = arith.constant 25 : i32
    %scan3A_355 = arith.addi %scan3A_353, %scan3A_354 : i32
    %scan3A_356 = arith.constant 1 : i32
    scf.for %scan3A_815 = %scan3A_353 to %scan3A_355 step %scan3A_356  : i32 {
      %dma_wait3A_816 = arith.constant 0 : i32
      %dma_wait3A_817 = arith.constant 0 : i32
      %dma_wait3A_818 = tpu.memref_slice %arg24[%scan3A_815, %dma_wait3A_816, %dma_wait3A_817] : memref<25x80x8xf32, #tpu.memory_space<vmem>> -> memref<1x80x8xf32, #tpu.memory_space<vmem>>
      %dma_wait3A_819 = tpu.memref_squeeze %dma_wait3A_818 : memref<1x80x8xf32, #tpu.memory_space<vmem>> -> memref<80x8xf32, #tpu.memory_space<vmem>>
      %dma_wait3A_820 = arith.constant 0 : i32
      %dma_wait3A_821 = tpu.memref_slice %arg22[%scan3A_815, %dma_wait3A_820] : memref<25x80xi32, #tpu.memory_space<vmem>> -> memref<1x80xi32, #tpu.memory_space<vmem>>
      %dma_wait3A_822 = tpu.memref_squeeze %dma_wait3A_821 : memref<1x80xi32, #tpu.memory_space<vmem>> -> memref<80xi32, #tpu.memory_space<vmem>>
      %dma_wait3A_823 = arith.constant 0 : i32
      %dma_wait3A_824 = arith.constant 0 : i32
      %dma_wait3A_825 = tpu.memref_slice %arg2[%dma_wait3A_823, %dma_wait3A_824] : memref<100000x8xf32, #tpu.memory_space<hbm>> -> memref<100000x8xf32, #tpu.memory_space<hbm>>
      tpu.wait_indirect_dma semaphore(%arg30 : memref<!tpu.dma_semaphore, #tpu.memory_space<semaphore_mem>>) src(%dma_wait3A_825 : memref<100000x8xf32, #tpu.memory_space<hbm>>) dst(%dma_wait3A_819 : memref<80x8xf32, #tpu.memory_space<vmem>>)
      %dma_wait3A_826 = arith.constant 0 : i32
      %dma_wait3A_827 = arith.constant 0 : i32
      %dma_wait3A_828 = tpu.memref_slice %arg25[%scan3A_815, %dma_wait3A_826, %dma_wait3A_827] : memref<25x80x8xf32, #tpu.memory_space<vmem>> -> memref<1x80x8xf32, #tpu.memory_space<vmem>>
      %dma_wait3A_829 = tpu.memref_squeeze %dma_wait3A_828 : memref<1x80x8xf32, #tpu.memory_space<vmem>> -> memref<80x8xf32, #tpu.memory_space<vmem>>
      %dma_wait3A_830 = arith.constant 0 : i32
      %dma_wait3A_831 = tpu.memref_slice %arg23[%scan3A_815, %dma_wait3A_830] : memref<25x80xi32, #tpu.memory_space<vmem>> -> memref<1x80xi32, #tpu.memory_space<vmem>>
      %dma_wait3A_832 = tpu.memref_squeeze %dma_wait3A_831 : memref<1x80xi32, #tpu.memory_space<vmem>> -> memref<80xi32, #tpu.memory_space<vmem>>
      %dma_wait3A_833 = arith.constant 0 : i32
      %dma_wait3A_834 = arith.constant 0 : i32
      %dma_wait3A_835 = tpu.memref_slice %arg2[%dma_wait3A_833, %dma_wait3A_834] : memref<100000x8xf32, #tpu.memory_space<hbm>> -> memref<100000x8xf32, #tpu.memory_space<hbm>>
      tpu.wait_indirect_dma semaphore(%arg30 : memref<!tpu.dma_semaphore, #tpu.memory_space<semaphore_mem>>) src(%dma_wait3A_835 : memref<100000x8xf32, #tpu.memory_space<hbm>>) dst(%dma_wait3A_829 : memref<80x8xf32, #tpu.memory_space<vmem>>)
    }
    %scan3A_357 = arith.constant 25 : i32
    %dma_wait3A_358 = arith.constant 0 : i32
    %dma_wait3A_359 = arith.constant 0 : i32
    %dma_wait3A_360 = arith.constant 0 : i32
    %dma_wait3A_361 = tpu.memref_slice %arg3[%dma_wait3A_358, %dma_wait3A_359, %dma_wait3A_360] : memref<2x80000x80xi32, #tpu.memory_space<hbm>> -> memref<1x25x80xi32, #tpu.memory_space<hbm>>
    %dma_wait3A_362 = tpu.memref_squeeze %dma_wait3A_361 : memref<1x25x80xi32, #tpu.memory_space<hbm>> -> memref<25x80xi32, #tpu.memory_space<hbm>>
    %dma_wait3A_363 = arith.constant 0 : i32
    %dma_wait3A_364 = arith.constant 0 : i32
    %dma_wait3A_365 = tpu.memref_slice %arg3[%dma_wait3A_358, %dma_wait3A_363, %dma_wait3A_364] : memref<2x80000x80xi32, #tpu.memory_space<hbm>> -> memref<1x25x80xi32, #tpu.memory_space<hbm>>
    %dma_wait3A_366 = tpu.memref_squeeze %dma_wait3A_365 : memref<1x25x80xi32, #tpu.memory_space<hbm>> -> memref<25x80xi32, #tpu.memory_space<hbm>>
    tpu.wait_dma2 semaphore(%arg19 : memref<!tpu.dma_semaphore, #tpu.memory_space<semaphore_mem>>) src(%dma_wait3A_366 : memref<25x80xi32, #tpu.memory_space<hbm>>) dst(%arg12 : memref<25x80xi32, #tpu.memory_space<vmem>>)
    %dma_wait3A_367 = arith.constant 1 : i32
    %dma_wait3A_368 = arith.constant 0 : i32
    %dma_wait3A_369 = arith.constant 0 : i32
    %dma_wait3A_370 = tpu.memref_slice %arg3[%dma_wait3A_367, %dma_wait3A_368, %dma_wait3A_369] : memref<2x80000x80xi32, #tpu.memory_space<hbm>> -> memref<1x25x80xi32, #tpu.memory_space<hbm>>
    %dma_wait3A_371 = tpu.memref_squeeze %dma_wait3A_370 : memref<1x25x80xi32, #tpu.memory_space<hbm>> -> memref<25x80xi32, #tpu.memory_space<hbm>>
    %dma_wait3A_372 = arith.constant 0 : i32
    %dma_wait3A_373 = arith.constant 0 : i32
    %dma_wait3A_374 = tpu.memref_slice %arg3[%dma_wait3A_367, %dma_wait3A_372, %dma_wait3A_373] : memref<2x80000x80xi32, #tpu.memory_space<hbm>> -> memref<1x25x80xi32, #tpu.memory_space<hbm>>
    %dma_wait3A_375 = tpu.memref_squeeze %dma_wait3A_374 : memref<1x25x80xi32, #tpu.memory_space<hbm>> -> memref<25x80xi32, #tpu.memory_space<hbm>>
    tpu.wait_dma2 semaphore(%arg19 : memref<!tpu.dma_semaphore, #tpu.memory_space<semaphore_mem>>) src(%dma_wait3A_375 : memref<25x80xi32, #tpu.memory_space<hbm>>) dst(%arg13 : memref<25x80xi32, #tpu.memory_space<vmem>>)
    %dma_wait3A_376 = arith.constant 0 : i32
    %dma_wait3A_377 = arith.constant 0 : i32
    %dma_wait3A_378 = tpu.memref_slice %arg16[%dma_wait3A_376, %dma_wait3A_377] : memref<3x2000xf32, #tpu.memory_space<vmem>> -> memref<1x2000xf32, #tpu.memory_space<vmem>>
    %dma_wait3A_379 = tpu.memref_squeeze %dma_wait3A_378 : memref<1x2000xf32, #tpu.memory_space<vmem>> -> memref<2000xf32, #tpu.memory_space<vmem>>
    %dma_wait3A_380 = arith.constant 0 : i32
    %dma_wait3A_381 = tpu.memref_slice %arg5[%dma_wait3A_380] : memref<6400000xf32, #tpu.memory_space<hbm>> -> memref<2000xf32, #tpu.memory_space<hbm>>
    %dma_wait3A_382 = arith.constant 0 : i32
    %dma_wait3A_383 = tpu.memref_slice %arg16[%dma_wait3A_376, %dma_wait3A_382] : memref<3x2000xf32, #tpu.memory_space<vmem>> -> memref<1x2000xf32, #tpu.memory_space<vmem>>
    %dma_wait3A_384 = tpu.memref_squeeze %dma_wait3A_383 : memref<1x2000xf32, #tpu.memory_space<vmem>> -> memref<2000xf32, #tpu.memory_space<vmem>>
    %dma_wait3A_385 = arith.constant 0 : i32
    %dma_wait3A_386 = tpu.memref_slice %arg5[%dma_wait3A_385] : memref<6400000xf32, #tpu.memory_space<hbm>> -> memref<2000xf32, #tpu.memory_space<hbm>>
    tpu.wait_dma2 semaphore(%arg19 : memref<!tpu.dma_semaphore, #tpu.memory_space<semaphore_mem>>) src(%dma_wait3A_386 : memref<2000xf32, #tpu.memory_space<hbm>>) dst(%dma_wait3A_384 : memref<2000xf32, #tpu.memory_space<vmem>>)
    %dma_wait3A_387 = arith.constant 1 : i32
    %dma_wait3A_388 = arith.constant 0 : i32
    %dma_wait3A_389 = tpu.memref_slice %arg16[%dma_wait3A_387, %dma_wait3A_388] : memref<3x2000xf32, #tpu.memory_space<vmem>> -> memref<1x2000xf32, #tpu.memory_space<vmem>>
    %dma_wait3A_390 = tpu.memref_squeeze %dma_wait3A_389 : memref<1x2000xf32, #tpu.memory_space<vmem>> -> memref<2000xf32, #tpu.memory_space<vmem>>
    %dma_wait3A_391 = arith.constant 0 : i32
    %dma_wait3A_392 = tpu.memref_slice %arg6[%dma_wait3A_391] : memref<6400000xf32, #tpu.memory_space<hbm>> -> memref<2000xf32, #tpu.memory_space<hbm>>
    %dma_wait3A_393 = arith.constant 0 : i32
    %dma_wait3A_394 = tpu.memref_slice %arg16[%dma_wait3A_387, %dma_wait3A_393] : memref<3x2000xf32, #tpu.memory_space<vmem>> -> memref<1x2000xf32, #tpu.memory_space<vmem>>
    %dma_wait3A_395 = tpu.memref_squeeze %dma_wait3A_394 : memref<1x2000xf32, #tpu.memory_space<vmem>> -> memref<2000xf32, #tpu.memory_space<vmem>>
    %dma_wait3A_396 = arith.constant 0 : i32
    %dma_wait3A_397 = tpu.memref_slice %arg6[%dma_wait3A_396] : memref<6400000xf32, #tpu.memory_space<hbm>> -> memref<2000xf32, #tpu.memory_space<hbm>>
    tpu.wait_dma2 semaphore(%arg19 : memref<!tpu.dma_semaphore, #tpu.memory_space<semaphore_mem>>) src(%dma_wait3A_397 : memref<2000xf32, #tpu.memory_space<hbm>>) dst(%dma_wait3A_395 : memref<2000xf32, #tpu.memory_space<vmem>>)
    %dma_wait3A_398 = arith.constant 2 : i32
    %dma_wait3A_399 = arith.constant 0 : i32
    %dma_wait3A_400 = tpu.memref_slice %arg16[%dma_wait3A_398, %dma_wait3A_399] : memref<3x2000xf32, #tpu.memory_space<vmem>> -> memref<1x2000xf32, #tpu.memory_space<vmem>>
    %dma_wait3A_401 = tpu.memref_squeeze %dma_wait3A_400 : memref<1x2000xf32, #tpu.memory_space<vmem>> -> memref<2000xf32, #tpu.memory_space<vmem>>
    %dma_wait3A_402 = arith.constant 0 : i32
    %dma_wait3A_403 = tpu.memref_slice %arg7[%dma_wait3A_402] : memref<6400000xf32, #tpu.memory_space<hbm>> -> memref<2000xf32, #tpu.memory_space<hbm>>
    %dma_wait3A_404 = arith.constant 0 : i32
    %dma_wait3A_405 = tpu.memref_slice %arg16[%dma_wait3A_398, %dma_wait3A_404] : memref<3x2000xf32, #tpu.memory_space<vmem>> -> memref<1x2000xf32, #tpu.memory_space<vmem>>
    %dma_wait3A_406 = tpu.memref_squeeze %dma_wait3A_405 : memref<1x2000xf32, #tpu.memory_space<vmem>> -> memref<2000xf32, #tpu.memory_space<vmem>>
    %dma_wait3A_407 = arith.constant 0 : i32
    %dma_wait3A_408 = tpu.memref_slice %arg7[%dma_wait3A_407] : memref<6400000xf32, #tpu.memory_space<hbm>> -> memref<2000xf32, #tpu.memory_space<hbm>>
    tpu.wait_dma2 semaphore(%arg19 : memref<!tpu.dma_semaphore, #tpu.memory_space<semaphore_mem>>) src(%dma_wait3A_408 : memref<2000xf32, #tpu.memory_space<hbm>>) dst(%dma_wait3A_406 : memref<2000xf32, #tpu.memory_space<vmem>>)
    %scan3A_409 = arith.constant 0 : i32
    %scan3A_410 = arith.constant 0 : i32
    %scan3A_411 = arith.constant 25 : i32
    %scan3A_412 = arith.addi %scan3A_410, %scan3A_411 : i32
    %scan3A_413 = arith.constant 1 : i32
    scf.for %scan3A_815 = %scan3A_410 to %scan3A_412 step %scan3A_413  : i32 {
      %dma_start3A_816 = arith.constant 0 : i32
      %dma_start3A_817 = arith.constant 0 : i32
      %dma_start3A_818 = tpu.memref_slice %arg14[%scan3A_815, %dma_start3A_816, %dma_start3A_817] : memref<25x80x8xf32, #tpu.memory_space<vmem>> -> memref<1x80x8xf32, #tpu.memory_space<vmem>>
      %dma_start3A_819 = tpu.memref_squeeze %dma_start3A_818 : memref<1x80x8xf32, #tpu.memory_space<vmem>> -> memref<80x8xf32, #tpu.memory_space<vmem>>
      %dma_start3A_820 = arith.constant 0 : i32
      %dma_start3A_821 = tpu.memref_slice %arg12[%scan3A_815, %dma_start3A_820] : memref<25x80xi32, #tpu.memory_space<vmem>> -> memref<1x80xi32, #tpu.memory_space<vmem>>
      %dma_start3A_822 = tpu.memref_squeeze %dma_start3A_821 : memref<1x80xi32, #tpu.memory_space<vmem>> -> memref<80xi32, #tpu.memory_space<vmem>>
      %dma_start3A_823 = arith.constant 0 : i32
      %dma_start3A_824 = arith.constant 0 : i32
      %dma_start3A_825 = tpu.memref_slice %arg2[%dma_start3A_823, %dma_start3A_824] : memref<100000x8xf32, #tpu.memory_space<hbm>> -> memref<100000x8xf32, #tpu.memory_space<hbm>>
      tpu.enqueue_indirect_dma source(%dma_start3A_825 : memref<100000x8xf32, #tpu.memory_space<hbm>>) target(%dma_start3A_819 : memref<80x8xf32, #tpu.memory_space<vmem>>) offsets(%dma_start3A_822 : memref<80xi32, #tpu.memory_space<vmem>>) semaphore(%arg20 : memref<!tpu.dma_semaphore, #tpu.memory_space<semaphore_mem>>)
      %dma_start3A_826 = arith.constant 0 : i32
      %dma_start3A_827 = arith.constant 0 : i32
      %dma_start3A_828 = tpu.memref_slice %arg15[%scan3A_815, %dma_start3A_826, %dma_start3A_827] : memref<25x80x8xf32, #tpu.memory_space<vmem>> -> memref<1x80x8xf32, #tpu.memory_space<vmem>>
      %dma_start3A_829 = tpu.memref_squeeze %dma_start3A_828 : memref<1x80x8xf32, #tpu.memory_space<vmem>> -> memref<80x8xf32, #tpu.memory_space<vmem>>
      %dma_start3A_830 = arith.constant 0 : i32
      %dma_start3A_831 = tpu.memref_slice %arg13[%scan3A_815, %dma_start3A_830] : memref<25x80xi32, #tpu.memory_space<vmem>> -> memref<1x80xi32, #tpu.memory_space<vmem>>
      %dma_start3A_832 = tpu.memref_squeeze %dma_start3A_831 : memref<1x80xi32, #tpu.memory_space<vmem>> -> memref<80xi32, #tpu.memory_space<vmem>>
      %dma_start3A_833 = arith.constant 0 : i32
      %dma_start3A_834 = arith.constant 0 : i32
      %dma_start3A_835 = tpu.memref_slice %arg2[%dma_start3A_833, %dma_start3A_834] : memref<100000x8xf32, #tpu.memory_space<hbm>> -> memref<100000x8xf32, #tpu.memory_space<hbm>>
      tpu.enqueue_indirect_dma source(%dma_start3A_835 : memref<100000x8xf32, #tpu.memory_space<hbm>>) target(%dma_start3A_829 : memref<80x8xf32, #tpu.memory_space<vmem>>) offsets(%dma_start3A_832 : memref<80xi32, #tpu.memory_space<vmem>>) semaphore(%arg20 : memref<!tpu.dma_semaphore, #tpu.memory_space<semaphore_mem>>)
    }
    %scan3A_414 = arith.constant 25 : i32
    %parallel_loop3A_415 = arith.constant 0 : i32
    %parallel_loop3A_416 = arith.constant 125 : i32
    %parallel_loop3A_417 = arith.constant 1 : i32
    scf.for %parallel_loop3A_815 = %parallel_loop3A_415 to %parallel_loop3A_416 step %parallel_loop3A_417  : i32 {
      %parallel_loop3A_816 = arith.constant 5 : i32
      %parallel_loop3A_817 = arith.divsi %parallel_loop3A_815, %parallel_loop3A_816 : i32
      %parallel_loop3A_818 = arith.constant 0 : i32
      %parallel_loop3A_819 = arith.cmpi sgt, %parallel_loop3A_815, %parallel_loop3A_818 : i32
      %parallel_loop3A_820 = arith.extui %parallel_loop3A_819 : i1 to i32
      %parallel_loop3A_821 = arith.constant 0 : i32
      %parallel_loop3A_822 = arith.cmpi slt, %parallel_loop3A_815, %parallel_loop3A_821 : i32
      %parallel_loop3A_823 = arith.extui %parallel_loop3A_822 : i1 to i32
      %parallel_loop3A_824 = arith.subi %parallel_loop3A_820, %parallel_loop3A_823 : i32
      %parallel_loop3A_825 = arith.constant 0 : i32
      %parallel_loop3A_826 = arith.cmpi sgt, %parallel_loop3A_816, %parallel_loop3A_825 : i32
      %parallel_loop3A_827 = arith.extui %parallel_loop3A_826 : i1 to i32
      %parallel_loop3A_828 = arith.constant 0 : i32
      %parallel_loop3A_829 = arith.cmpi slt, %parallel_loop3A_816, %parallel_loop3A_828 : i32
      %parallel_loop3A_830 = arith.extui %parallel_loop3A_829 : i1 to i32
      %parallel_loop3A_831 = arith.subi %parallel_loop3A_827, %parallel_loop3A_830 : i32
      %parallel_loop3A_832 = arith.cmpi ne, %parallel_loop3A_824, %parallel_loop3A_831 : i32
      %parallel_loop3A_833 = arith.remsi %parallel_loop3A_815, %parallel_loop3A_816 : i32
      %parallel_loop3A_834 = arith.constant 0 : i32
      %parallel_loop3A_835 = arith.cmpi ne, %parallel_loop3A_833, %parallel_loop3A_834 : i32
      %parallel_loop3A_836 = arith.andi %parallel_loop3A_832, %parallel_loop3A_835 : i1
      %parallel_loop3A_837 = arith.constant 1 : i32
      %parallel_loop3A_838 = arith.subi %parallel_loop3A_817, %parallel_loop3A_837 : i32
      %parallel_loop3A_839 = arith.select %parallel_loop3A_836, %parallel_loop3A_838, %parallel_loop3A_817 : i32
      %parallel_loop3A_840 = vector.broadcast %parallel_loop3A_839 : i32 to vector<16xi32>
      %parallel_loop3A_841 = arith.constant 5 : i32
      %parallel_loop3A_842 = arith.constant 0 : i32
      %parallel_loop3A_843 = arith.cmpi eq, %parallel_loop3A_841, %parallel_loop3A_842 : i32
      %parallel_loop3A_844 = arith.constant 1 : i32
      %parallel_loop3A_845 = arith.select %parallel_loop3A_843, %parallel_loop3A_844, %parallel_loop3A_841 : i32
      %parallel_loop3A_846 = arith.remsi %parallel_loop3A_815, %parallel_loop3A_845 : i32
      %parallel_loop3A_847 = arith.constant 0 : i32
      %parallel_loop3A_848 = arith.cmpi ne, %parallel_loop3A_846, %parallel_loop3A_847 : i32
      %parallel_loop3A_849 = arith.constant 0 : i32
      %parallel_loop3A_850 = arith.cmpi slt, %parallel_loop3A_846, %parallel_loop3A_849 : i32
      %parallel_loop3A_851 = arith.constant 0 : i32
      %parallel_loop3A_852 = arith.cmpi slt, %parallel_loop3A_845, %parallel_loop3A_851 : i32
      %parallel_loop3A_853 = arith.xori %parallel_loop3A_850, %parallel_loop3A_852 : i1
      %parallel_loop3A_854 = arith.andi %parallel_loop3A_853, %parallel_loop3A_848 : i1
      %parallel_loop3A_855 = arith.addi %parallel_loop3A_846, %parallel_loop3A_845 : i32
      %parallel_loop3A_856 = arith.select %parallel_loop3A_854, %parallel_loop3A_855, %parallel_loop3A_846 : i32
      %parallel_loop3A_857 = arith.constant 16 : i32
      %parallel_loop3A_858 = arith.muli %parallel_loop3A_856, %parallel_loop3A_857 : i32
      %parallel_loop3A_859 = vector.broadcast %parallel_loop3A_858 : i32 to vector<16xi32>
      %parallel_loop3A_860 = arith.addi %parallel_loop3A_859, %iota3A : vector<16xi32>
      %parallel_loop3A_861 = arith.constant 16 : i32
      %parallel_loop3A_862 = arith.muli %parallel_loop3A_815, %parallel_loop3A_861 : i32
      %parallel_loop3A_863 = vector.broadcast %parallel_loop3A_862 : i32 to vector<16xi32>
      %parallel_loop3A_864 = arith.addi %parallel_loop3A_863, %iota3A : vector<16xi32>
      %parallel_loop3A_865 = arith.constant 0 : i32
      %parallel_loop3A_866 = vector.broadcast %parallel_loop3A_865 : i32 to vector<16xi32>
      %parallel_loop3A_867 = tpu.vector_load_idx %arg24[%parallel_loop3A_840, %parallel_loop3A_860, %parallel_loop3A_866] : memref<25x80x8xf32, #tpu.memory_space<vmem>>[vector<16xi32>, vector<16xi32>, vector<16xi32>], vector<16xf32>,
      %parallel_loop3A_868 = arith.constant 1 : i32
      %parallel_loop3A_869 = vector.broadcast %parallel_loop3A_868 : i32 to vector<16xi32>
      %parallel_loop3A_870 = tpu.vector_load_idx %arg24[%parallel_loop3A_840, %parallel_loop3A_860, %parallel_loop3A_869] : memref<25x80x8xf32, #tpu.memory_space<vmem>>[vector<16xi32>, vector<16xi32>, vector<16xi32>], vector<16xf32>,
      %parallel_loop3A_871 = arith.constant 2 : i32
      %parallel_loop3A_872 = vector.broadcast %parallel_loop3A_871 : i32 to vector<16xi32>
      %parallel_loop3A_873 = tpu.vector_load_idx %arg24[%parallel_loop3A_840, %parallel_loop3A_860, %parallel_loop3A_872] : memref<25x80x8xf32, #tpu.memory_space<vmem>>[vector<16xi32>, vector<16xi32>, vector<16xi32>], vector<16xf32>,
      %parallel_loop3A_874 = arith.constant 3 : i32
      %parallel_loop3A_875 = vector.broadcast %parallel_loop3A_874 : i32 to vector<16xi32>
      %parallel_loop3A_876 = tpu.vector_load_idx %arg24[%parallel_loop3A_840, %parallel_loop3A_860, %parallel_loop3A_875] : memref<25x80x8xf32, #tpu.memory_space<vmem>>[vector<16xi32>, vector<16xi32>, vector<16xi32>], vector<16xf32>,
      %parallel_loop3A_877 = arith.fptosi %parallel_loop3A_876 : vector<16xf32> to vector<16xi32>
      %parallel_loop3A_878 = arith.constant 0 : i32
      %parallel_loop3A_879 = vector.broadcast %parallel_loop3A_878 : i32 to vector<16xi32>
      %parallel_loop3A_880 = tpu.vector_load_idx %arg25[%parallel_loop3A_840, %parallel_loop3A_860, %parallel_loop3A_879] : memref<25x80x8xf32, #tpu.memory_space<vmem>>[vector<16xi32>, vector<16xi32>, vector<16xi32>], vector<16xf32>,
      %parallel_loop3A_881 = arith.constant 1 : i32
      %parallel_loop3A_882 = vector.broadcast %parallel_loop3A_881 : i32 to vector<16xi32>
      %parallel_loop3A_883 = tpu.vector_load_idx %arg25[%parallel_loop3A_840, %parallel_loop3A_860, %parallel_loop3A_882] : memref<25x80x8xf32, #tpu.memory_space<vmem>>[vector<16xi32>, vector<16xi32>, vector<16xi32>], vector<16xf32>,
      %parallel_loop3A_884 = arith.constant 2 : i32
      %parallel_loop3A_885 = vector.broadcast %parallel_loop3A_884 : i32 to vector<16xi32>
      %parallel_loop3A_886 = tpu.vector_load_idx %arg25[%parallel_loop3A_840, %parallel_loop3A_860, %parallel_loop3A_885] : memref<25x80x8xf32, #tpu.memory_space<vmem>>[vector<16xi32>, vector<16xi32>, vector<16xi32>], vector<16xf32>,
      %parallel_loop3A_887 = arith.constant 0 : i32
      %parallel_loop3A_888 = vector.broadcast %parallel_loop3A_887 : i32 to vector<16xi32>
      %parallel_loop3A_889 = tpu.vector_load_idx %arg26[%parallel_loop3A_888, %parallel_loop3A_864] : memref<3x2000xf32, #tpu.memory_space<vmem>>[vector<16xi32>, vector<16xi32>], vector<16xf32>,
      %parallel_loop3A_890 = arith.constant 1 : i32
      %parallel_loop3A_891 = vector.broadcast %parallel_loop3A_890 : i32 to vector<16xi32>
      %parallel_loop3A_892 = tpu.vector_load_idx %arg26[%parallel_loop3A_891, %parallel_loop3A_864] : memref<3x2000xf32, #tpu.memory_space<vmem>>[vector<16xi32>, vector<16xi32>], vector<16xf32>,
      %parallel_loop3A_893 = arith.constant 2 : i32
      %parallel_loop3A_894 = vector.broadcast %parallel_loop3A_893 : i32 to vector<16xi32>
      %parallel_loop3A_895 = tpu.vector_load_idx %arg26[%parallel_loop3A_894, %parallel_loop3A_864] : memref<3x2000xf32, #tpu.memory_space<vmem>>[vector<16xi32>, vector<16xi32>], vector<16xf32>,
      %parallel_loop3A_896 = arith.constant 9 : i32
      %parallel_loop3A_897 = vector.broadcast %parallel_loop3A_896 : i32 to vector<16xi32>
      %parallel_loop3A_898 = arith.muli %parallel_loop3A_877, %parallel_loop3A_897 : vector<16xi32>
      %parallel_loop3A_899 = arith.subf %parallel_loop3A_880, %parallel_loop3A_867 : vector<16xf32>
      %parallel_loop3A_900 = tpu.vector_load_idx %arg32[%parallel_loop3A_898] : memref<144xf32, #tpu.memory_space<vmem>>[vector<16xi32>], vector<16xf32>,
      %parallel_loop3A_901 = arith.mulf %parallel_loop3A_889, %parallel_loop3A_900 : vector<16xf32>
      %parallel_loop3A_902 = arith.addf %parallel_loop3A_899, %parallel_loop3A_901 : vector<16xf32>
      %parallel_loop3A_903 = arith.constant 3 : i32
      %parallel_loop3A_904 = vector.broadcast %parallel_loop3A_903 : i32 to vector<16xi32>
      %parallel_loop3A_905 = arith.addi %parallel_loop3A_898, %parallel_loop3A_904 : vector<16xi32>
      %parallel_loop3A_906 = tpu.vector_load_idx %arg32[%parallel_loop3A_905] : memref<144xf32, #tpu.memory_space<vmem>>[vector<16xi32>], vector<16xf32>,
      %parallel_loop3A_907 = arith.mulf %parallel_loop3A_892, %parallel_loop3A_906 : vector<16xf32>
      %parallel_loop3A_908 = arith.addf %parallel_loop3A_902, %parallel_loop3A_907 : vector<16xf32>
      %parallel_loop3A_909 = arith.constant 6 : i32
      %parallel_loop3A_910 = vector.broadcast %parallel_loop3A_909 : i32 to vector<16xi32>
      %parallel_loop3A_911 = arith.addi %parallel_loop3A_898, %parallel_loop3A_910 : vector<16xi32>
      %parallel_loop3A_912 = tpu.vector_load_idx %arg32[%parallel_loop3A_911] : memref<144xf32, #tpu.memory_space<vmem>>[vector<16xi32>], vector<16xf32>,
      %parallel_loop3A_913 = arith.mulf %parallel_loop3A_895, %parallel_loop3A_912 : vector<16xf32>
      %parallel_loop3A_914 = arith.addf %parallel_loop3A_908, %parallel_loop3A_913 : vector<16xf32>
      %parallel_loop3A_915 = arith.subf %parallel_loop3A_883, %parallel_loop3A_870 : vector<16xf32>
      %parallel_loop3A_916 = arith.constant 1 : i32
      %parallel_loop3A_917 = vector.broadcast %parallel_loop3A_916 : i32 to vector<16xi32>
      %parallel_loop3A_918 = arith.addi %parallel_loop3A_898, %parallel_loop3A_917 : vector<16xi32>
      %parallel_loop3A_919 = tpu.vector_load_idx %arg32[%parallel_loop3A_918] : memref<144xf32, #tpu.memory_space<vmem>>[vector<16xi32>], vector<16xf32>,
      %parallel_loop3A_920 = arith.mulf %parallel_loop3A_889, %parallel_loop3A_919 : vector<16xf32>
      %parallel_loop3A_921 = arith.addf %parallel_loop3A_915, %parallel_loop3A_920 : vector<16xf32>
      %parallel_loop3A_922 = arith.constant 4 : i32
      %parallel_loop3A_923 = vector.broadcast %parallel_loop3A_922 : i32 to vector<16xi32>
      %parallel_loop3A_924 = arith.addi %parallel_loop3A_898, %parallel_loop3A_923 : vector<16xi32>
      %parallel_loop3A_925 = tpu.vector_load_idx %arg32[%parallel_loop3A_924] : memref<144xf32, #tpu.memory_space<vmem>>[vector<16xi32>], vector<16xf32>,
      %parallel_loop3A_926 = arith.mulf %parallel_loop3A_892, %parallel_loop3A_925 : vector<16xf32>
      %parallel_loop3A_927 = arith.addf %parallel_loop3A_921, %parallel_loop3A_926 : vector<16xf32>
      %parallel_loop3A_928 = arith.constant 7 : i32
      %parallel_loop3A_929 = vector.broadcast %parallel_loop3A_928 : i32 to vector<16xi32>
      %parallel_loop3A_930 = arith.addi %parallel_loop3A_898, %parallel_loop3A_929 : vector<16xi32>
      %parallel_loop3A_931 = tpu.vector_load_idx %arg32[%parallel_loop3A_930] : memref<144xf32, #tpu.memory_space<vmem>>[vector<16xi32>], vector<16xf32>,
      %parallel_loop3A_932 = arith.mulf %parallel_loop3A_895, %parallel_loop3A_931 : vector<16xf32>
      %parallel_loop3A_933 = arith.addf %parallel_loop3A_927, %parallel_loop3A_932 : vector<16xf32>
      %parallel_loop3A_934 = arith.subf %parallel_loop3A_886, %parallel_loop3A_873 : vector<16xf32>
      %parallel_loop3A_935 = arith.constant 2 : i32
      %parallel_loop3A_936 = vector.broadcast %parallel_loop3A_935 : i32 to vector<16xi32>
      %parallel_loop3A_937 = arith.addi %parallel_loop3A_898, %parallel_loop3A_936 : vector<16xi32>
      %parallel_loop3A_938 = tpu.vector_load_idx %arg32[%parallel_loop3A_937] : memref<144xf32, #tpu.memory_space<vmem>>[vector<16xi32>], vector<16xf32>,
      %parallel_loop3A_939 = arith.mulf %parallel_loop3A_889, %parallel_loop3A_938 : vector<16xf32>
      %parallel_loop3A_940 = arith.addf %parallel_loop3A_934, %parallel_loop3A_939 : vector<16xf32>
      %parallel_loop3A_941 = arith.constant 5 : i32
      %parallel_loop3A_942 = vector.broadcast %parallel_loop3A_941 : i32 to vector<16xi32>
      %parallel_loop3A_943 = arith.addi %parallel_loop3A_898, %parallel_loop3A_942 : vector<16xi32>
      %parallel_loop3A_944 = tpu.vector_load_idx %arg32[%parallel_loop3A_943] : memref<144xf32, #tpu.memory_space<vmem>>[vector<16xi32>], vector<16xf32>,
      %parallel_loop3A_945 = arith.mulf %parallel_loop3A_892, %parallel_loop3A_944 : vector<16xf32>
      %parallel_loop3A_946 = arith.addf %parallel_loop3A_940, %parallel_loop3A_945 : vector<16xf32>
      %parallel_loop3A_947 = arith.constant 8 : i32
      %parallel_loop3A_948 = vector.broadcast %parallel_loop3A_947 : i32 to vector<16xi32>
      %parallel_loop3A_949 = arith.addi %parallel_loop3A_898, %parallel_loop3A_948 : vector<16xi32>
      %parallel_loop3A_950 = tpu.vector_load_idx %arg32[%parallel_loop3A_949] : memref<144xf32, #tpu.memory_space<vmem>>[vector<16xi32>], vector<16xf32>,
      %parallel_loop3A_951 = arith.mulf %parallel_loop3A_895, %parallel_loop3A_950 : vector<16xf32>
      %parallel_loop3A_952 = arith.addf %parallel_loop3A_946, %parallel_loop3A_951 : vector<16xf32>
      %parallel_loop3A_953 = arith.mulf %parallel_loop3A_914, %parallel_loop3A_914 : vector<16xf32>
      %parallel_loop3A_954 = arith.mulf %parallel_loop3A_933, %parallel_loop3A_933 : vector<16xf32>
      %parallel_loop3A_955 = arith.addf %parallel_loop3A_953, %parallel_loop3A_954 : vector<16xf32>
      %parallel_loop3A_956 = arith.mulf %parallel_loop3A_952, %parallel_loop3A_952 : vector<16xf32>
      %parallel_loop3A_957 = arith.addf %parallel_loop3A_955, %parallel_loop3A_956 : vector<16xf32>
      %parallel_loop3A_958 = vector.bitcast %parallel_loop3A_957 : vector<16xf32> to vector<16xi32>
      %parallel_loop3A_959 = arith.constant 1 : i32
      %parallel_loop3A_960 = vector.broadcast %parallel_loop3A_959 : i32 to vector<16xi32>
      %parallel_loop3A_961 = arith.shrsi %parallel_loop3A_958, %parallel_loop3A_960 : vector<16xi32>
      %parallel_loop3A_962 = arith.constant 1597463007 : i32
      %parallel_loop3A_963 = vector.broadcast %parallel_loop3A_962 : i32 to vector<16xi32>
      %parallel_loop3A_964 = arith.subi %parallel_loop3A_963, %parallel_loop3A_961 : vector<16xi32>
      %parallel_loop3A_965 = vector.bitcast %parallel_loop3A_964 : vector<16xi32> to vector<16xf32>
      %parallel_loop3A_966 = arith.constant 5.000000e-01 : f32
      %parallel_loop3A_967 = vector.broadcast %parallel_loop3A_966 : f32 to vector<16xf32>
      %parallel_loop3A_968 = arith.mulf %parallel_loop3A_967, %parallel_loop3A_957 : vector<16xf32>
      %parallel_loop3A_969 = arith.mulf %parallel_loop3A_968, %parallel_loop3A_965 : vector<16xf32>
      %parallel_loop3A_970 = arith.mulf %parallel_loop3A_969, %parallel_loop3A_965 : vector<16xf32>
      %parallel_loop3A_971 = arith.constant 1.500000e+00 : f32
      %parallel_loop3A_972 = vector.broadcast %parallel_loop3A_971 : f32 to vector<16xf32>
      %parallel_loop3A_973 = arith.subf %parallel_loop3A_972, %parallel_loop3A_970 : vector<16xf32>
      %parallel_loop3A_974 = arith.mulf %parallel_loop3A_965, %parallel_loop3A_973 : vector<16xf32>
      %parallel_loop3A_975 = arith.constant 5.000000e-01 : f32
      %parallel_loop3A_976 = vector.broadcast %parallel_loop3A_975 : f32 to vector<16xf32>
      %parallel_loop3A_977 = arith.mulf %parallel_loop3A_976, %parallel_loop3A_957 : vector<16xf32>
      %parallel_loop3A_978 = arith.mulf %parallel_loop3A_977, %parallel_loop3A_974 : vector<16xf32>
      %parallel_loop3A_979 = arith.mulf %parallel_loop3A_978, %parallel_loop3A_974 : vector<16xf32>
      %parallel_loop3A_980 = arith.constant 1.500000e+00 : f32
      %parallel_loop3A_981 = vector.broadcast %parallel_loop3A_980 : f32 to vector<16xf32>
      %parallel_loop3A_982 = arith.subf %parallel_loop3A_981, %parallel_loop3A_979 : vector<16xf32>
      %parallel_loop3A_983 = arith.mulf %parallel_loop3A_974, %parallel_loop3A_982 : vector<16xf32>
      %parallel_loop3A_984 = arith.constant 5.000000e-01 : f32
      %parallel_loop3A_985 = vector.broadcast %parallel_loop3A_984 : f32 to vector<16xf32>
      %parallel_loop3A_986 = arith.mulf %parallel_loop3A_985, %parallel_loop3A_957 : vector<16xf32>
      %parallel_loop3A_987 = arith.mulf %parallel_loop3A_986, %parallel_loop3A_983 : vector<16xf32>
      %parallel_loop3A_988 = arith.mulf %parallel_loop3A_987, %parallel_loop3A_983 : vector<16xf32>
      %parallel_loop3A_989 = arith.constant 1.500000e+00 : f32
      %parallel_loop3A_990 = vector.broadcast %parallel_loop3A_989 : f32 to vector<16xf32>
      %parallel_loop3A_991 = arith.subf %parallel_loop3A_990, %parallel_loop3A_988 : vector<16xf32>
      %parallel_loop3A_992 = arith.mulf %parallel_loop3A_983, %parallel_loop3A_991 : vector<16xf32>
      %parallel_loop3A_993 = arith.constant 0.000000e+00 : f32
      %parallel_loop3A_994 = vector.broadcast %parallel_loop3A_993 : f32 to vector<16xf32>
      %parallel_loop3A_995 = arith.cmpf ogt, %parallel_loop3A_957, %parallel_loop3A_994 : vector<16xf32>
      %parallel_loop3A_996 = arith.mulf %parallel_loop3A_957, %parallel_loop3A_992 : vector<16xf32>
      %parallel_loop3A_997 = arith.constant 0.000000e+00 : f32
      %parallel_loop3A_998 = vector.broadcast %parallel_loop3A_997 : f32 to vector<16xf32>
      %parallel_loop3A_999 = arith.select %parallel_loop3A_995, %parallel_loop3A_996, %parallel_loop3A_998 : vector<16xi1>, vector<16xf32>
      %parallel_loop3A_1000 = arith.constant 0 : i32
      %parallel_loop3A_1001 = vector.broadcast %parallel_loop3A_1000 : i32 to vector<16xi32>
      tpu.vector_store_idx %arg27[%parallel_loop3A_1001, %parallel_loop3A_864], %parallel_loop3A_914 : memref<3x2000xf32, #tpu.memory_space<vmem>>[vector<16xi32>, vector<16xi32>], vector<16xf32>,
      %parallel_loop3A_1002 = arith.constant 1 : i32
      %parallel_loop3A_1003 = vector.broadcast %parallel_loop3A_1002 : i32 to vector<16xi32>
      tpu.vector_store_idx %arg27[%parallel_loop3A_1003, %parallel_loop3A_864], %parallel_loop3A_933 : memref<3x2000xf32, #tpu.memory_space<vmem>>[vector<16xi32>, vector<16xi32>], vector<16xf32>,
      %parallel_loop3A_1004 = arith.constant 2 : i32
      %parallel_loop3A_1005 = vector.broadcast %parallel_loop3A_1004 : i32 to vector<16xi32>
      tpu.vector_store_idx %arg27[%parallel_loop3A_1005, %parallel_loop3A_864], %parallel_loop3A_952 : memref<3x2000xf32, #tpu.memory_space<vmem>>[vector<16xi32>, vector<16xi32>], vector<16xf32>,
      tpu.vector_store_idx %arg28[%parallel_loop3A_864], %parallel_loop3A_999 : memref<2000xf32, #tpu.memory_space<vmem>>[vector<16xi32>], vector<16xf32>,
    } {sc.loop_unroll_factor = 4 : i64, sc.parallel_access}
    %mul3A_418 = arith.constant 200000 : i32
    %mul3A_419 = arith.muli %add3A, %mul3A_418 : i32
    %add3A_420 = arith.constant 2000 : i32
    %add3A_421 = arith.addi %mul3A_419, %add3A_420 : i32
    %dma_start3A_422 = arith.constant 0 : i32
    %dma_start3A_423 = arith.constant 0 : i32
    %dma_start3A_424 = tpu.memref_slice %arg27[%dma_start3A_422, %dma_start3A_423] : memref<3x2000xf32, #tpu.memory_space<vmem>> -> memref<1x2000xf32, #tpu.memory_space<vmem>>
    %dma_start3A_425 = tpu.memref_squeeze %dma_start3A_424 : memref<1x2000xf32, #tpu.memory_space<vmem>> -> memref<2000xf32, #tpu.memory_space<vmem>>
    %dma_start3A_426 = tpu.memref_slice %arg8[%add3A_421] : memref<6400000xf32, #tpu.memory_space<hbm>> -> memref<2000xf32, #tpu.memory_space<hbm>>
    %dma_start3A_427 = tpu.memref_slice %arg8[%add3A_421] : memref<6400000xf32, #tpu.memory_space<hbm>> -> memref<2000xf32, #tpu.memory_space<hbm>>
    %dma_start3A_428 = arith.constant 0 : i32
    %dma_start3A_429 = tpu.memref_slice %arg27[%dma_start3A_422, %dma_start3A_428] : memref<3x2000xf32, #tpu.memory_space<vmem>> -> memref<1x2000xf32, #tpu.memory_space<vmem>>
    %dma_start3A_430 = tpu.memref_squeeze %dma_start3A_429 : memref<1x2000xf32, #tpu.memory_space<vmem>> -> memref<2000xf32, #tpu.memory_space<vmem>>
    tpu.enqueue_dma source(%dma_start3A_430 : memref<2000xf32, #tpu.memory_space<vmem>>) target(%dma_start3A_427 : memref<2000xf32, #tpu.memory_space<hbm>>) target_semaphore(%arg31 : memref<!tpu.dma_semaphore, #tpu.memory_space<semaphore_mem>>)
    %dma_start3A_431 = arith.constant 1 : i32
    %dma_start3A_432 = arith.constant 0 : i32
    %dma_start3A_433 = tpu.memref_slice %arg27[%dma_start3A_431, %dma_start3A_432] : memref<3x2000xf32, #tpu.memory_space<vmem>> -> memref<1x2000xf32, #tpu.memory_space<vmem>>
    %dma_start3A_434 = tpu.memref_squeeze %dma_start3A_433 : memref<1x2000xf32, #tpu.memory_space<vmem>> -> memref<2000xf32, #tpu.memory_space<vmem>>
    %dma_start3A_435 = tpu.memref_slice %arg9[%add3A_421] : memref<6400000xf32, #tpu.memory_space<hbm>> -> memref<2000xf32, #tpu.memory_space<hbm>>
    %dma_start3A_436 = tpu.memref_slice %arg9[%add3A_421] : memref<6400000xf32, #tpu.memory_space<hbm>> -> memref<2000xf32, #tpu.memory_space<hbm>>
    %dma_start3A_437 = arith.constant 0 : i32
    %dma_start3A_438 = tpu.memref_slice %arg27[%dma_start3A_431, %dma_start3A_437] : memref<3x2000xf32, #tpu.memory_space<vmem>> -> memref<1x2000xf32, #tpu.memory_space<vmem>>
    %dma_start3A_439 = tpu.memref_squeeze %dma_start3A_438 : memref<1x2000xf32, #tpu.memory_space<vmem>> -> memref<2000xf32, #tpu.memory_space<vmem>>
    tpu.enqueue_dma source(%dma_start3A_439 : memref<2000xf32, #tpu.memory_space<vmem>>) target(%dma_start3A_436 : memref<2000xf32, #tpu.memory_space<hbm>>) target_semaphore(%arg31 : memref<!tpu.dma_semaphore, #tpu.memory_space<semaphore_mem>>)
    %dma_start3A_440 = arith.constant 2 : i32
    %dma_start3A_441 = arith.constant 0 : i32
    %dma_start3A_442 = tpu.memref_slice %arg27[%dma_start3A_440, %dma_start3A_441] : memref<3x2000xf32, #tpu.memory_space<vmem>> -> memref<1x2000xf32, #tpu.memory_space<vmem>>
    %dma_start3A_443 = tpu.memref_squeeze %dma_start3A_442 : memref<1x2000xf32, #tpu.memory_space<vmem>> -> memref<2000xf32, #tpu.memory_space<vmem>>
    %dma_start3A_444 = tpu.memref_slice %arg10[%add3A_421] : memref<6400000xf32, #tpu.memory_space<hbm>> -> memref<2000xf32, #tpu.memory_space<hbm>>
    %dma_start3A_445 = tpu.memref_slice %arg10[%add3A_421] : memref<6400000xf32, #tpu.memory_space<hbm>> -> memref<2000xf32, #tpu.memory_space<hbm>>
    %dma_start3A_446 = arith.constant 0 : i32
    %dma_start3A_447 = tpu.memref_slice %arg27[%dma_start3A_440, %dma_start3A_446] : memref<3x2000xf32, #tpu.memory_space<vmem>> -> memref<1x2000xf32, #tpu.memory_space<vmem>>
    %dma_start3A_448 = tpu.memref_squeeze %dma_start3A_447 : memref<1x2000xf32, #tpu.memory_space<vmem>> -> memref<2000xf32, #tpu.memory_space<vmem>>
    tpu.enqueue_dma source(%dma_start3A_448 : memref<2000xf32, #tpu.memory_space<vmem>>) target(%dma_start3A_445 : memref<2000xf32, #tpu.memory_space<hbm>>) target_semaphore(%arg31 : memref<!tpu.dma_semaphore, #tpu.memory_space<semaphore_mem>>)
    %dma_start3A_449 = tpu.memref_slice %arg11[%add3A_421] : memref<6400000xf32, #tpu.memory_space<hbm>> -> memref<2000xf32, #tpu.memory_space<hbm>>
    %dma_start3A_450 = tpu.memref_slice %arg11[%add3A_421] : memref<6400000xf32, #tpu.memory_space<hbm>> -> memref<2000xf32, #tpu.memory_space<hbm>>
    tpu.enqueue_dma source(%arg28 : memref<2000xf32, #tpu.memory_space<vmem>>) target(%dma_start3A_450 : memref<2000xf32, #tpu.memory_space<hbm>>) target_semaphore(%arg31 : memref<!tpu.dma_semaphore, #tpu.memory_space<semaphore_mem>>)
    %mul3A_451 = arith.constant 200000 : i32
    %mul3A_452 = arith.muli %add3A, %mul3A_451 : i32
    %add3A_453 = arith.constant 6000 : i32
    %add3A_454 = arith.addi %mul3A_452, %add3A_453 : i32
    %jit3A_455 = arith.constant 80 : i32
    %div3A_456 = arith.divsi %add3A_454, %jit3A_455 : i32
    %sign3A_457 = arith.constant 0 : i32
    %sign3A_458 = arith.cmpi sgt, %add3A_454, %sign3A_457 : i32
    %sign3A_459 = arith.extui %sign3A_458 : i1 to i32
    %sign3A_460 = arith.constant 0 : i32
    %sign3A_461 = arith.cmpi slt, %add3A_454, %sign3A_460 : i32
    %sign3A_462 = arith.extui %sign3A_461 : i1 to i32
    %sign3A_463 = arith.subi %sign3A_459, %sign3A_462 : i32
    %sign3A_464 = arith.constant 0 : i32
    %sign3A_465 = arith.cmpi sgt, %jit3A_455, %sign3A_464 : i32
    %sign3A_466 = arith.extui %sign3A_465 : i1 to i32
    %sign3A_467 = arith.constant 0 : i32
    %sign3A_468 = arith.cmpi slt, %jit3A_455, %sign3A_467 : i32
    %sign3A_469 = arith.extui %sign3A_468 : i1 to i32
    %sign3A_470 = arith.subi %sign3A_466, %sign3A_469 : i32
    %ne3A_471 = arith.cmpi ne, %sign3A_463, %sign3A_470 : i32
    %rem3A_472 = arith.remsi %add3A_454, %jit3A_455 : i32
    %ne3A_473 = arith.constant 0 : i32
    %ne3A_474 = arith.cmpi ne, %rem3A_472, %ne3A_473 : i32
    %and3A_475 = arith.andi %ne3A_471, %ne3A_474 : i1
    %sub3A_476 = arith.constant 1 : i32
    %sub3A_477 = arith.subi %div3A_456, %sub3A_476 : i32
    %select_n3A_478 = arith.select %and3A_475, %sub3A_477, %div3A_456 : i32
    %dma_start3A_479 = arith.constant 0 : i32
    %dma_start3A_480 = arith.constant 0 : i32
    %dma_start3A_481 = tpu.memref_slice %arg3[%dma_start3A_479, %select_n3A_478, %dma_start3A_480] : memref<2x80000x80xi32, #tpu.memory_space<hbm>> -> memref<1x25x80xi32, #tpu.memory_space<hbm>>
    %dma_start3A_482 = tpu.memref_squeeze %dma_start3A_481 : memref<1x25x80xi32, #tpu.memory_space<hbm>> -> memref<25x80xi32, #tpu.memory_space<hbm>>
    %dma_start3A_483 = arith.constant 0 : i32
    %dma_start3A_484 = tpu.memref_slice %arg3[%dma_start3A_479, %select_n3A_478, %dma_start3A_483] : memref<2x80000x80xi32, #tpu.memory_space<hbm>> -> memref<1x25x80xi32, #tpu.memory_space<hbm>>
    %dma_start3A_485 = tpu.memref_squeeze %dma_start3A_484 : memref<1x25x80xi32, #tpu.memory_space<hbm>> -> memref<25x80xi32, #tpu.memory_space<hbm>>
    tpu.enqueue_dma source(%dma_start3A_485 : memref<25x80xi32, #tpu.memory_space<hbm>>) target(%arg22 : memref<25x80xi32, #tpu.memory_space<vmem>>) target_semaphore(%arg29 : memref<!tpu.dma_semaphore, #tpu.memory_space<semaphore_mem>>)
    %dma_start3A_486 = arith.constant 1 : i32
    %dma_start3A_487 = arith.constant 0 : i32
    %dma_start3A_488 = tpu.memref_slice %arg3[%dma_start3A_486, %select_n3A_478, %dma_start3A_487] : memref<2x80000x80xi32, #tpu.memory_space<hbm>> -> memref<1x25x80xi32, #tpu.memory_space<hbm>>
    %dma_start3A_489 = tpu.memref_squeeze %dma_start3A_488 : memref<1x25x80xi32, #tpu.memory_space<hbm>> -> memref<25x80xi32, #tpu.memory_space<hbm>>
    %dma_start3A_490 = arith.constant 0 : i32
    %dma_start3A_491 = tpu.memref_slice %arg3[%dma_start3A_486, %select_n3A_478, %dma_start3A_490] : memref<2x80000x80xi32, #tpu.memory_space<hbm>> -> memref<1x25x80xi32, #tpu.memory_space<hbm>>
    %dma_start3A_492 = tpu.memref_squeeze %dma_start3A_491 : memref<1x25x80xi32, #tpu.memory_space<hbm>> -> memref<25x80xi32, #tpu.memory_space<hbm>>
    tpu.enqueue_dma source(%dma_start3A_492 : memref<25x80xi32, #tpu.memory_space<hbm>>) target(%arg23 : memref<25x80xi32, #tpu.memory_space<vmem>>) target_semaphore(%arg29 : memref<!tpu.dma_semaphore, #tpu.memory_space<semaphore_mem>>)
    %dma_start3A_493 = arith.constant 0 : i32
    %dma_start3A_494 = arith.constant 0 : i32
    %dma_start3A_495 = tpu.memref_slice %arg26[%dma_start3A_493, %dma_start3A_494] : memref<3x2000xf32, #tpu.memory_space<vmem>> -> memref<1x2000xf32, #tpu.memory_space<vmem>>
    %dma_start3A_496 = tpu.memref_squeeze %dma_start3A_495 : memref<1x2000xf32, #tpu.memory_space<vmem>> -> memref<2000xf32, #tpu.memory_space<vmem>>
    %dma_start3A_497 = tpu.memref_slice %arg5[%add3A_454] : memref<6400000xf32, #tpu.memory_space<hbm>> -> memref<2000xf32, #tpu.memory_space<hbm>>
    %dma_start3A_498 = arith.constant 0 : i32
    %dma_start3A_499 = tpu.memref_slice %arg26[%dma_start3A_493, %dma_start3A_498] : memref<3x2000xf32, #tpu.memory_space<vmem>> -> memref<1x2000xf32, #tpu.memory_space<vmem>>
    %dma_start3A_500 = tpu.memref_squeeze %dma_start3A_499 : memref<1x2000xf32, #tpu.memory_space<vmem>> -> memref<2000xf32, #tpu.memory_space<vmem>>
    %dma_start3A_501 = tpu.memref_slice %arg5[%add3A_454] : memref<6400000xf32, #tpu.memory_space<hbm>> -> memref<2000xf32, #tpu.memory_space<hbm>>
    tpu.enqueue_dma source(%dma_start3A_501 : memref<2000xf32, #tpu.memory_space<hbm>>) target(%dma_start3A_500 : memref<2000xf32, #tpu.memory_space<vmem>>) target_semaphore(%arg29 : memref<!tpu.dma_semaphore, #tpu.memory_space<semaphore_mem>>)
    %dma_start3A_502 = arith.constant 1 : i32
    %dma_start3A_503 = arith.constant 0 : i32
    %dma_start3A_504 = tpu.memref_slice %arg26[%dma_start3A_502, %dma_start3A_503] : memref<3x2000xf32, #tpu.memory_space<vmem>> -> memref<1x2000xf32, #tpu.memory_space<vmem>>
    %dma_start3A_505 = tpu.memref_squeeze %dma_start3A_504 : memref<1x2000xf32, #tpu.memory_space<vmem>> -> memref<2000xf32, #tpu.memory_space<vmem>>
    %dma_start3A_506 = tpu.memref_slice %arg6[%add3A_454] : memref<6400000xf32, #tpu.memory_space<hbm>> -> memref<2000xf32, #tpu.memory_space<hbm>>
    %dma_start3A_507 = arith.constant 0 : i32
    %dma_start3A_508 = tpu.memref_slice %arg26[%dma_start3A_502, %dma_start3A_507] : memref<3x2000xf32, #tpu.memory_space<vmem>> -> memref<1x2000xf32, #tpu.memory_space<vmem>>
    %dma_start3A_509 = tpu.memref_squeeze %dma_start3A_508 : memref<1x2000xf32, #tpu.memory_space<vmem>> -> memref<2000xf32, #tpu.memory_space<vmem>>
    %dma_start3A_510 = tpu.memref_slice %arg6[%add3A_454] : memref<6400000xf32, #tpu.memory_space<hbm>> -> memref<2000xf32, #tpu.memory_space<hbm>>
    tpu.enqueue_dma source(%dma_start3A_510 : memref<2000xf32, #tpu.memory_space<hbm>>) target(%dma_start3A_509 : memref<2000xf32, #tpu.memory_space<vmem>>) target_semaphore(%arg29 : memref<!tpu.dma_semaphore, #tpu.memory_space<semaphore_mem>>)
    %dma_start3A_511 = arith.constant 2 : i32
    %dma_start3A_512 = arith.constant 0 : i32
    %dma_start3A_513 = tpu.memref_slice %arg26[%dma_start3A_511, %dma_start3A_512] : memref<3x2000xf32, #tpu.memory_space<vmem>> -> memref<1x2000xf32, #tpu.memory_space<vmem>>
    %dma_start3A_514 = tpu.memref_squeeze %dma_start3A_513 : memref<1x2000xf32, #tpu.memory_space<vmem>> -> memref<2000xf32, #tpu.memory_space<vmem>>
    %dma_start3A_515 = tpu.memref_slice %arg7[%add3A_454] : memref<6400000xf32, #tpu.memory_space<hbm>> -> memref<2000xf32, #tpu.memory_space<hbm>>
    %dma_start3A_516 = arith.constant 0 : i32
    %dma_start3A_517 = tpu.memref_slice %arg26[%dma_start3A_511, %dma_start3A_516] : memref<3x2000xf32, #tpu.memory_space<vmem>> -> memref<1x2000xf32, #tpu.memory_space<vmem>>
    %dma_start3A_518 = tpu.memref_squeeze %dma_start3A_517 : memref<1x2000xf32, #tpu.memory_space<vmem>> -> memref<2000xf32, #tpu.memory_space<vmem>>
    %dma_start3A_519 = tpu.memref_slice %arg7[%add3A_454] : memref<6400000xf32, #tpu.memory_space<hbm>> -> memref<2000xf32, #tpu.memory_space<hbm>>
    tpu.enqueue_dma source(%dma_start3A_519 : memref<2000xf32, #tpu.memory_space<hbm>>) target(%dma_start3A_518 : memref<2000xf32, #tpu.memory_space<vmem>>) target_semaphore(%arg29 : memref<!tpu.dma_semaphore, #tpu.memory_space<semaphore_mem>>)
    %scan3A_520 = arith.constant 0 : i32
    %scan3A_521 = arith.constant 1 : i32
    %scan3A_522 = arith.constant 48 : i32
    %scan3A_523 = arith.addi %scan3A_521, %scan3A_522 : i32
    %scan3A_524 = arith.constant 1 : i32
    scf.for %scan3A_815 = %scan3A_521 to %scan3A_523 step %scan3A_524  : i32 {
      %mul3A_816 = arith.constant 2 : i32
      %mul3A_817 = arith.muli %mul3A_816, %scan3A_815 : i32
      %scan3A_818 = arith.constant 0 : i32
      %scan3A_819 = arith.constant 0 : i32
      %scan3A_820 = arith.constant 25 : i32
      %scan3A_821 = arith.addi %scan3A_819, %scan3A_820 : i32
      %scan3A_822 = arith.constant 1 : i32
      scf.for %scan3A_1238 = %scan3A_819 to %scan3A_821 step %scan3A_822  : i32 {
        %dma_wait3A_1239 = arith.constant 0 : i32
        %dma_wait3A_1240 = arith.constant 0 : i32
        %dma_wait3A_1241 = tpu.memref_slice %arg14[%scan3A_1238, %dma_wait3A_1239, %dma_wait3A_1240] : memref<25x80x8xf32, #tpu.memory_space<vmem>> -> memref<1x80x8xf32, #tpu.memory_space<vmem>>
        %dma_wait3A_1242 = tpu.memref_squeeze %dma_wait3A_1241 : memref<1x80x8xf32, #tpu.memory_space<vmem>> -> memref<80x8xf32, #tpu.memory_space<vmem>>
        %dma_wait3A_1243 = arith.constant 0 : i32
        %dma_wait3A_1244 = tpu.memref_slice %arg12[%scan3A_1238, %dma_wait3A_1243] : memref<25x80xi32, #tpu.memory_space<vmem>> -> memref<1x80xi32, #tpu.memory_space<vmem>>
        %dma_wait3A_1245 = tpu.memref_squeeze %dma_wait3A_1244 : memref<1x80xi32, #tpu.memory_space<vmem>> -> memref<80xi32, #tpu.memory_space<vmem>>
        %dma_wait3A_1246 = arith.constant 0 : i32
        %dma_wait3A_1247 = arith.constant 0 : i32
        %dma_wait3A_1248 = tpu.memref_slice %arg2[%dma_wait3A_1246, %dma_wait3A_1247] : memref<100000x8xf32, #tpu.memory_space<hbm>> -> memref<100000x8xf32, #tpu.memory_space<hbm>>
        tpu.wait_indirect_dma semaphore(%arg20 : memref<!tpu.dma_semaphore, #tpu.memory_space<semaphore_mem>>) src(%dma_wait3A_1248 : memref<100000x8xf32, #tpu.memory_space<hbm>>) dst(%dma_wait3A_1242 : memref<80x8xf32, #tpu.memory_space<vmem>>)
        %dma_wait3A_1249 = arith.constant 0 : i32
        %dma_wait3A_1250 = arith.constant 0 : i32
        %dma_wait3A_1251 = tpu.memref_slice %arg15[%scan3A_1238, %dma_wait3A_1249, %dma_wait3A_1250] : memref<25x80x8xf32, #tpu.memory_space<vmem>> -> memref<1x80x8xf32, #tpu.memory_space<vmem>>
        %dma_wait3A_1252 = tpu.memref_squeeze %dma_wait3A_1251 : memref<1x80x8xf32, #tpu.memory_space<vmem>> -> memref<80x8xf32, #tpu.memory_space<vmem>>
        %dma_wait3A_1253 = arith.constant 0 : i32
        %dma_wait3A_1254 = tpu.memref_slice %arg13[%scan3A_1238, %dma_wait3A_1253] : memref<25x80xi32, #tpu.memory_space<vmem>> -> memref<1x80xi32, #tpu.memory_space<vmem>>
        %dma_wait3A_1255 = tpu.memref_squeeze %dma_wait3A_1254 : memref<1x80xi32, #tpu.memory_space<vmem>> -> memref<80xi32, #tpu.memory_space<vmem>>
        %dma_wait3A_1256 = arith.constant 0 : i32
        %dma_wait3A_1257 = arith.constant 0 : i32
        %dma_wait3A_1258 = tpu.memref_slice %arg2[%dma_wait3A_1256, %dma_wait3A_1257] : memref<100000x8xf32, #tpu.memory_space<hbm>> -> memref<100000x8xf32, #tpu.memory_space<hbm>>
        tpu.wait_indirect_dma semaphore(%arg20 : memref<!tpu.dma_semaphore, #tpu.memory_space<semaphore_mem>>) src(%dma_wait3A_1258 : memref<100000x8xf32, #tpu.memory_space<hbm>>) dst(%dma_wait3A_1252 : memref<80x8xf32, #tpu.memory_space<vmem>>)
      }
      %scan3A_823 = arith.constant 25 : i32
      %dma_wait3A_824 = arith.constant 0 : i32
      %dma_wait3A_825 = arith.constant 0 : i32
      %dma_wait3A_826 = arith.constant 0 : i32
      %dma_wait3A_827 = tpu.memref_slice %arg3[%dma_wait3A_824, %dma_wait3A_825, %dma_wait3A_826] : memref<2x80000x80xi32, #tpu.memory_space<hbm>> -> memref<1x25x80xi32, #tpu.memory_space<hbm>>
      %dma_wait3A_828 = tpu.memref_squeeze %dma_wait3A_827 : memref<1x25x80xi32, #tpu.memory_space<hbm>> -> memref<25x80xi32, #tpu.memory_space<hbm>>
      %dma_wait3A_829 = arith.constant 0 : i32
      %dma_wait3A_830 = arith.constant 0 : i32
      %dma_wait3A_831 = tpu.memref_slice %arg3[%dma_wait3A_824, %dma_wait3A_829, %dma_wait3A_830] : memref<2x80000x80xi32, #tpu.memory_space<hbm>> -> memref<1x25x80xi32, #tpu.memory_space<hbm>>
      %dma_wait3A_832 = tpu.memref_squeeze %dma_wait3A_831 : memref<1x25x80xi32, #tpu.memory_space<hbm>> -> memref<25x80xi32, #tpu.memory_space<hbm>>
      tpu.wait_dma2 semaphore(%arg29 : memref<!tpu.dma_semaphore, #tpu.memory_space<semaphore_mem>>) src(%dma_wait3A_832 : memref<25x80xi32, #tpu.memory_space<hbm>>) dst(%arg22 : memref<25x80xi32, #tpu.memory_space<vmem>>)
      %dma_wait3A_833 = arith.constant 1 : i32
      %dma_wait3A_834 = arith.constant 0 : i32
      %dma_wait3A_835 = arith.constant 0 : i32
      %dma_wait3A_836 = tpu.memref_slice %arg3[%dma_wait3A_833, %dma_wait3A_834, %dma_wait3A_835] : memref<2x80000x80xi32, #tpu.memory_space<hbm>> -> memref<1x25x80xi32, #tpu.memory_space<hbm>>
      %dma_wait3A_837 = tpu.memref_squeeze %dma_wait3A_836 : memref<1x25x80xi32, #tpu.memory_space<hbm>> -> memref<25x80xi32, #tpu.memory_space<hbm>>
      %dma_wait3A_838 = arith.constant 0 : i32
      %dma_wait3A_839 = arith.constant 0 : i32
      %dma_wait3A_840 = tpu.memref_slice %arg3[%dma_wait3A_833, %dma_wait3A_838, %dma_wait3A_839] : memref<2x80000x80xi32, #tpu.memory_space<hbm>> -> memref<1x25x80xi32, #tpu.memory_space<hbm>>
      %dma_wait3A_841 = tpu.memref_squeeze %dma_wait3A_840 : memref<1x25x80xi32, #tpu.memory_space<hbm>> -> memref<25x80xi32, #tpu.memory_space<hbm>>
      tpu.wait_dma2 semaphore(%arg29 : memref<!tpu.dma_semaphore, #tpu.memory_space<semaphore_mem>>) src(%dma_wait3A_841 : memref<25x80xi32, #tpu.memory_space<hbm>>) dst(%arg23 : memref<25x80xi32, #tpu.memory_space<vmem>>)
      %dma_wait3A_842 = arith.constant 0 : i32
      %dma_wait3A_843 = arith.constant 0 : i32
      %dma_wait3A_844 = tpu.memref_slice %arg26[%dma_wait3A_842, %dma_wait3A_843] : memref<3x2000xf32, #tpu.memory_space<vmem>> -> memref<1x2000xf32, #tpu.memory_space<vmem>>
      %dma_wait3A_845 = tpu.memref_squeeze %dma_wait3A_844 : memref<1x2000xf32, #tpu.memory_space<vmem>> -> memref<2000xf32, #tpu.memory_space<vmem>>
      %dma_wait3A_846 = arith.constant 0 : i32
      %dma_wait3A_847 = tpu.memref_slice %arg5[%dma_wait3A_846] : memref<6400000xf32, #tpu.memory_space<hbm>> -> memref<2000xf32, #tpu.memory_space<hbm>>
      %dma_wait3A_848 = arith.constant 0 : i32
      %dma_wait3A_849 = tpu.memref_slice %arg26[%dma_wait3A_842, %dma_wait3A_848] : memref<3x2000xf32, #tpu.memory_space<vmem>> -> memref<1x2000xf32, #tpu.memory_space<vmem>>
      %dma_wait3A_850 = tpu.memref_squeeze %dma_wait3A_849 : memref<1x2000xf32, #tpu.memory_space<vmem>> -> memref<2000xf32, #tpu.memory_space<vmem>>
      %dma_wait3A_851 = arith.constant 0 : i32
      %dma_wait3A_852 = tpu.memref_slice %arg5[%dma_wait3A_851] : memref<6400000xf32, #tpu.memory_space<hbm>> -> memref<2000xf32, #tpu.memory_space<hbm>>
      tpu.wait_dma2 semaphore(%arg29 : memref<!tpu.dma_semaphore, #tpu.memory_space<semaphore_mem>>) src(%dma_wait3A_852 : memref<2000xf32, #tpu.memory_space<hbm>>) dst(%dma_wait3A_850 : memref<2000xf32, #tpu.memory_space<vmem>>)
      %dma_wait3A_853 = arith.constant 1 : i32
      %dma_wait3A_854 = arith.constant 0 : i32
      %dma_wait3A_855 = tpu.memref_slice %arg26[%dma_wait3A_853, %dma_wait3A_854] : memref<3x2000xf32, #tpu.memory_space<vmem>> -> memref<1x2000xf32, #tpu.memory_space<vmem>>
      %dma_wait3A_856 = tpu.memref_squeeze %dma_wait3A_855 : memref<1x2000xf32, #tpu.memory_space<vmem>> -> memref<2000xf32, #tpu.memory_space<vmem>>
      %dma_wait3A_857 = arith.constant 0 : i32
      %dma_wait3A_858 = tpu.memref_slice %arg6[%dma_wait3A_857] : memref<6400000xf32, #tpu.memory_space<hbm>> -> memref<2000xf32, #tpu.memory_space<hbm>>
      %dma_wait3A_859 = arith.constant 0 : i32
      %dma_wait3A_860 = tpu.memref_slice %arg26[%dma_wait3A_853, %dma_wait3A_859] : memref<3x2000xf32, #tpu.memory_space<vmem>> -> memref<1x2000xf32, #tpu.memory_space<vmem>>
      %dma_wait3A_861 = tpu.memref_squeeze %dma_wait3A_860 : memref<1x2000xf32, #tpu.memory_space<vmem>> -> memref<2000xf32, #tpu.memory_space<vmem>>
      %dma_wait3A_862 = arith.constant 0 : i32
      %dma_wait3A_863 = tpu.memref_slice %arg6[%dma_wait3A_862] : memref<6400000xf32, #tpu.memory_space<hbm>> -> memref<2000xf32, #tpu.memory_space<hbm>>
      tpu.wait_dma2 semaphore(%arg29 : memref<!tpu.dma_semaphore, #tpu.memory_space<semaphore_mem>>) src(%dma_wait3A_863 : memref<2000xf32, #tpu.memory_space<hbm>>) dst(%dma_wait3A_861 : memref<2000xf32, #tpu.memory_space<vmem>>)
      %dma_wait3A_864 = arith.constant 2 : i32
      %dma_wait3A_865 = arith.constant 0 : i32
      %dma_wait3A_866 = tpu.memref_slice %arg26[%dma_wait3A_864, %dma_wait3A_865] : memref<3x2000xf32, #tpu.memory_space<vmem>> -> memref<1x2000xf32, #tpu.memory_space<vmem>>
      %dma_wait3A_867 = tpu.memref_squeeze %dma_wait3A_866 : memref<1x2000xf32, #tpu.memory_space<vmem>> -> memref<2000xf32, #tpu.memory_space<vmem>>
      %dma_wait3A_868 = arith.constant 0 : i32
      %dma_wait3A_869 = tpu.memref_slice %arg7[%dma_wait3A_868] : memref<6400000xf32, #tpu.memory_space<hbm>> -> memref<2000xf32, #tpu.memory_space<hbm>>
      %dma_wait3A_870 = arith.constant 0 : i32
      %dma_wait3A_871 = tpu.memref_slice %arg26[%dma_wait3A_864, %dma_wait3A_870] : memref<3x2000xf32, #tpu.memory_space<vmem>> -> memref<1x2000xf32, #tpu.memory_space<vmem>>
      %dma_wait3A_872 = tpu.memref_squeeze %dma_wait3A_871 : memref<1x2000xf32, #tpu.memory_space<vmem>> -> memref<2000xf32, #tpu.memory_space<vmem>>
      %dma_wait3A_873 = arith.constant 0 : i32
      %dma_wait3A_874 = tpu.memref_slice %arg7[%dma_wait3A_873] : memref<6400000xf32, #tpu.memory_space<hbm>> -> memref<2000xf32, #tpu.memory_space<hbm>>
      tpu.wait_dma2 semaphore(%arg29 : memref<!tpu.dma_semaphore, #tpu.memory_space<semaphore_mem>>) src(%dma_wait3A_874 : memref<2000xf32, #tpu.memory_space<hbm>>) dst(%dma_wait3A_872 : memref<2000xf32, #tpu.memory_space<vmem>>)
      %scan3A_875 = arith.constant 0 : i32
      %scan3A_876 = arith.constant 0 : i32
      %scan3A_877 = arith.constant 25 : i32
      %scan3A_878 = arith.addi %scan3A_876, %scan3A_877 : i32
      %scan3A_879 = arith.constant 1 : i32
      scf.for %scan3A_1238 = %scan3A_876 to %scan3A_878 step %scan3A_879  : i32 {
        %dma_start3A_1239 = arith.constant 0 : i32
        %dma_start3A_1240 = arith.constant 0 : i32
        %dma_start3A_1241 = tpu.memref_slice %arg24[%scan3A_1238, %dma_start3A_1239, %dma_start3A_1240] : memref<25x80x8xf32, #tpu.memory_space<vmem>> -> memref<1x80x8xf32, #tpu.memory_space<vmem>>
        %dma_start3A_1242 = tpu.memref_squeeze %dma_start3A_1241 : memref<1x80x8xf32, #tpu.memory_space<vmem>> -> memref<80x8xf32, #tpu.memory_space<vmem>>
        %dma_start3A_1243 = arith.constant 0 : i32
        %dma_start3A_1244 = tpu.memref_slice %arg22[%scan3A_1238, %dma_start3A_1243] : memref<25x80xi32, #tpu.memory_space<vmem>> -> memref<1x80xi32, #tpu.memory_space<vmem>>
        %dma_start3A_1245 = tpu.memref_squeeze %dma_start3A_1244 : memref<1x80xi32, #tpu.memory_space<vmem>> -> memref<80xi32, #tpu.memory_space<vmem>>
        %dma_start3A_1246 = arith.constant 0 : i32
        %dma_start3A_1247 = arith.constant 0 : i32
        %dma_start3A_1248 = tpu.memref_slice %arg2[%dma_start3A_1246, %dma_start3A_1247] : memref<100000x8xf32, #tpu.memory_space<hbm>> -> memref<100000x8xf32, #tpu.memory_space<hbm>>
        tpu.enqueue_indirect_dma source(%dma_start3A_1248 : memref<100000x8xf32, #tpu.memory_space<hbm>>) target(%dma_start3A_1242 : memref<80x8xf32, #tpu.memory_space<vmem>>) offsets(%dma_start3A_1245 : memref<80xi32, #tpu.memory_space<vmem>>) semaphore(%arg30 : memref<!tpu.dma_semaphore, #tpu.memory_space<semaphore_mem>>)
        %dma_start3A_1249 = arith.constant 0 : i32
        %dma_start3A_1250 = arith.constant 0 : i32
        %dma_start3A_1251 = tpu.memref_slice %arg25[%scan3A_1238, %dma_start3A_1249, %dma_start3A_1250] : memref<25x80x8xf32, #tpu.memory_space<vmem>> -> memref<1x80x8xf32, #tpu.memory_space<vmem>>
        %dma_start3A_1252 = tpu.memref_squeeze %dma_start3A_1251 : memref<1x80x8xf32, #tpu.memory_space<vmem>> -> memref<80x8xf32, #tpu.memory_space<vmem>>
        %dma_start3A_1253 = arith.constant 0 : i32
        %dma_start3A_1254 = tpu.memref_slice %arg23[%scan3A_1238, %dma_start3A_1253] : memref<25x80xi32, #tpu.memory_space<vmem>> -> memref<1x80xi32, #tpu.memory_space<vmem>>
        %dma_start3A_1255 = tpu.memref_squeeze %dma_start3A_1254 : memref<1x80xi32, #tpu.memory_space<vmem>> -> memref<80xi32, #tpu.memory_space<vmem>>
        %dma_start3A_1256 = arith.constant 0 : i32
        %dma_start3A_1257 = arith.constant 0 : i32
        %dma_start3A_1258 = tpu.memref_slice %arg2[%dma_start3A_1256, %dma_start3A_1257] : memref<100000x8xf32, #tpu.memory_space<hbm>> -> memref<100000x8xf32, #tpu.memory_space<hbm>>
        tpu.enqueue_indirect_dma source(%dma_start3A_1258 : memref<100000x8xf32, #tpu.memory_space<hbm>>) target(%dma_start3A_1252 : memref<80x8xf32, #tpu.memory_space<vmem>>) offsets(%dma_start3A_1255 : memref<80xi32, #tpu.memory_space<vmem>>) semaphore(%arg30 : memref<!tpu.dma_semaphore, #tpu.memory_space<semaphore_mem>>)
      }
      %scan3A_880 = arith.constant 25 : i32
      %dma_wait3A_881 = arith.constant 0 : i32
      %dma_wait3A_882 = arith.constant 0 : i32
      %dma_wait3A_883 = tpu.memref_slice %arg17[%dma_wait3A_881, %dma_wait3A_882] : memref<3x2000xf32, #tpu.memory_space<vmem>> -> memref<1x2000xf32, #tpu.memory_space<vmem>>
      %dma_wait3A_884 = tpu.memref_squeeze %dma_wait3A_883 : memref<1x2000xf32, #tpu.memory_space<vmem>> -> memref<2000xf32, #tpu.memory_space<vmem>>
      %dma_wait3A_885 = arith.constant 0 : i32
      %dma_wait3A_886 = tpu.memref_slice %arg8[%dma_wait3A_885] : memref<6400000xf32, #tpu.memory_space<hbm>> -> memref<2000xf32, #tpu.memory_space<hbm>>
      %dma_wait3A_887 = arith.constant 0 : i32
      %dma_wait3A_888 = tpu.memref_slice %arg8[%dma_wait3A_887] : memref<6400000xf32, #tpu.memory_space<hbm>> -> memref<2000xf32, #tpu.memory_space<hbm>>
      %dma_wait3A_889 = arith.constant 0 : i32
      %dma_wait3A_890 = tpu.memref_slice %arg17[%dma_wait3A_881, %dma_wait3A_889] : memref<3x2000xf32, #tpu.memory_space<vmem>> -> memref<1x2000xf32, #tpu.memory_space<vmem>>
      %dma_wait3A_891 = tpu.memref_squeeze %dma_wait3A_890 : memref<1x2000xf32, #tpu.memory_space<vmem>> -> memref<2000xf32, #tpu.memory_space<vmem>>
      tpu.wait_dma2 semaphore(%arg21 : memref<!tpu.dma_semaphore, #tpu.memory_space<semaphore_mem>>) src(%dma_wait3A_891 : memref<2000xf32, #tpu.memory_space<vmem>>) dst(%dma_wait3A_888 : memref<2000xf32, #tpu.memory_space<hbm>>)
      %dma_wait3A_892 = arith.constant 1 : i32
      %dma_wait3A_893 = arith.constant 0 : i32
      %dma_wait3A_894 = tpu.memref_slice %arg17[%dma_wait3A_892, %dma_wait3A_893] : memref<3x2000xf32, #tpu.memory_space<vmem>> -> memref<1x2000xf32, #tpu.memory_space<vmem>>
      %dma_wait3A_895 = tpu.memref_squeeze %dma_wait3A_894 : memref<1x2000xf32, #tpu.memory_space<vmem>> -> memref<2000xf32, #tpu.memory_space<vmem>>
      %dma_wait3A_896 = arith.constant 0 : i32
      %dma_wait3A_897 = tpu.memref_slice %arg9[%dma_wait3A_896] : memref<6400000xf32, #tpu.memory_space<hbm>> -> memref<2000xf32, #tpu.memory_space<hbm>>
      %dma_wait3A_898 = arith.constant 0 : i32
      %dma_wait3A_899 = tpu.memref_slice %arg9[%dma_wait3A_898] : memref<6400000xf32, #tpu.memory_space<hbm>> -> memref<2000xf32, #tpu.memory_space<hbm>>
      %dma_wait3A_900 = arith.constant 0 : i32
      %dma_wait3A_901 = tpu.memref_slice %arg17[%dma_wait3A_892, %dma_wait3A_900] : memref<3x2000xf32, #tpu.memory_space<vmem>> -> memref<1x2000xf32, #tpu.memory_space<vmem>>
      %dma_wait3A_902 = tpu.memref_squeeze %dma_wait3A_901 : memref<1x2000xf32, #tpu.memory_space<vmem>> -> memref<2000xf32, #tpu.memory_space<vmem>>
      tpu.wait_dma2 semaphore(%arg21 : memref<!tpu.dma_semaphore, #tpu.memory_space<semaphore_mem>>) src(%dma_wait3A_902 : memref<2000xf32, #tpu.memory_space<vmem>>) dst(%dma_wait3A_899 : memref<2000xf32, #tpu.memory_space<hbm>>)
      %dma_wait3A_903 = arith.constant 2 : i32
      %dma_wait3A_904 = arith.constant 0 : i32
      %dma_wait3A_905 = tpu.memref_slice %arg17[%dma_wait3A_903, %dma_wait3A_904] : memref<3x2000xf32, #tpu.memory_space<vmem>> -> memref<1x2000xf32, #tpu.memory_space<vmem>>
      %dma_wait3A_906 = tpu.memref_squeeze %dma_wait3A_905 : memref<1x2000xf32, #tpu.memory_space<vmem>> -> memref<2000xf32, #tpu.memory_space<vmem>>
      %dma_wait3A_907 = arith.constant 0 : i32
      %dma_wait3A_908 = tpu.memref_slice %arg10[%dma_wait3A_907] : memref<6400000xf32, #tpu.memory_space<hbm>> -> memref<2000xf32, #tpu.memory_space<hbm>>
      %dma_wait3A_909 = arith.constant 0 : i32
      %dma_wait3A_910 = tpu.memref_slice %arg10[%dma_wait3A_909] : memref<6400000xf32, #tpu.memory_space<hbm>> -> memref<2000xf32, #tpu.memory_space<hbm>>
      %dma_wait3A_911 = arith.constant 0 : i32
      %dma_wait3A_912 = tpu.memref_slice %arg17[%dma_wait3A_903, %dma_wait3A_911] : memref<3x2000xf32, #tpu.memory_space<vmem>> -> memref<1x2000xf32, #tpu.memory_space<vmem>>
      %dma_wait3A_913 = tpu.memref_squeeze %dma_wait3A_912 : memref<1x2000xf32, #tpu.memory_space<vmem>> -> memref<2000xf32, #tpu.memory_space<vmem>>
      tpu.wait_dma2 semaphore(%arg21 : memref<!tpu.dma_semaphore, #tpu.memory_space<semaphore_mem>>) src(%dma_wait3A_913 : memref<2000xf32, #tpu.memory_space<vmem>>) dst(%dma_wait3A_910 : memref<2000xf32, #tpu.memory_space<hbm>>)
      %dma_wait3A_914 = arith.constant 0 : i32
      %dma_wait3A_915 = tpu.memref_slice %arg11[%dma_wait3A_914] : memref<6400000xf32, #tpu.memory_space<hbm>> -> memref<2000xf32, #tpu.memory_space<hbm>>
      %dma_wait3A_916 = arith.constant 0 : i32
      %dma_wait3A_917 = tpu.memref_slice %arg11[%dma_wait3A_916] : memref<6400000xf32, #tpu.memory_space<hbm>> -> memref<2000xf32, #tpu.memory_space<hbm>>
      tpu.wait_dma2 semaphore(%arg21 : memref<!tpu.dma_semaphore, #tpu.memory_space<semaphore_mem>>) src(%arg18 : memref<2000xf32, #tpu.memory_space<vmem>>) dst(%dma_wait3A_917 : memref<2000xf32, #tpu.memory_space<hbm>>)
      %parallel_loop3A_918 = arith.constant 0 : i32
      %parallel_loop3A_919 = arith.constant 125 : i32
      %parallel_loop3A_920 = arith.constant 1 : i32
      scf.for %parallel_loop3A_1238 = %parallel_loop3A_918 to %parallel_loop3A_919 step %parallel_loop3A_920  : i32 {
        %parallel_loop3A_1239 = arith.constant 5 : i32
        %parallel_loop3A_1240 = arith.divsi %parallel_loop3A_1238, %parallel_loop3A_1239 : i32
        %parallel_loop3A_1241 = arith.constant 0 : i32
        %parallel_loop3A_1242 = arith.cmpi sgt, %parallel_loop3A_1238, %parallel_loop3A_1241 : i32
        %parallel_loop3A_1243 = arith.extui %parallel_loop3A_1242 : i1 to i32
        %parallel_loop3A_1244 = arith.constant 0 : i32
        %parallel_loop3A_1245 = arith.cmpi slt, %parallel_loop3A_1238, %parallel_loop3A_1244 : i32
        %parallel_loop3A_1246 = arith.extui %parallel_loop3A_1245 : i1 to i32
        %parallel_loop3A_1247 = arith.subi %parallel_loop3A_1243, %parallel_loop3A_1246 : i32
        %parallel_loop3A_1248 = arith.constant 0 : i32
        %parallel_loop3A_1249 = arith.cmpi sgt, %parallel_loop3A_1239, %parallel_loop3A_1248 : i32
        %parallel_loop3A_1250 = arith.extui %parallel_loop3A_1249 : i1 to i32
        %parallel_loop3A_1251 = arith.constant 0 : i32
        %parallel_loop3A_1252 = arith.cmpi slt, %parallel_loop3A_1239, %parallel_loop3A_1251 : i32
        %parallel_loop3A_1253 = arith.extui %parallel_loop3A_1252 : i1 to i32
        %parallel_loop3A_1254 = arith.subi %parallel_loop3A_1250, %parallel_loop3A_1253 : i32
        %parallel_loop3A_1255 = arith.cmpi ne, %parallel_loop3A_1247, %parallel_loop3A_1254 : i32
        %parallel_loop3A_1256 = arith.remsi %parallel_loop3A_1238, %parallel_loop3A_1239 : i32
        %parallel_loop3A_1257 = arith.constant 0 : i32
        %parallel_loop3A_1258 = arith.cmpi ne, %parallel_loop3A_1256, %parallel_loop3A_1257 : i32
        %parallel_loop3A_1259 = arith.andi %parallel_loop3A_1255, %parallel_loop3A_1258 : i1
        %parallel_loop3A_1260 = arith.constant 1 : i32
        %parallel_loop3A_1261 = arith.subi %parallel_loop3A_1240, %parallel_loop3A_1260 : i32
        %parallel_loop3A_1262 = arith.select %parallel_loop3A_1259, %parallel_loop3A_1261, %parallel_loop3A_1240 : i32
        %parallel_loop3A_1263 = vector.broadcast %parallel_loop3A_1262 : i32 to vector<16xi32>
        %parallel_loop3A_1264 = arith.constant 5 : i32
        %parallel_loop3A_1265 = arith.constant 0 : i32
        %parallel_loop3A_1266 = arith.cmpi eq, %parallel_loop3A_1264, %parallel_loop3A_1265 : i32
        %parallel_loop3A_1267 = arith.constant 1 : i32
        %parallel_loop3A_1268 = arith.select %parallel_loop3A_1266, %parallel_loop3A_1267, %parallel_loop3A_1264 : i32
        %parallel_loop3A_1269 = arith.remsi %parallel_loop3A_1238, %parallel_loop3A_1268 : i32
        %parallel_loop3A_1270 = arith.constant 0 : i32
        %parallel_loop3A_1271 = arith.cmpi ne, %parallel_loop3A_1269, %parallel_loop3A_1270 : i32
        %parallel_loop3A_1272 = arith.constant 0 : i32
        %parallel_loop3A_1273 = arith.cmpi slt, %parallel_loop3A_1269, %parallel_loop3A_1272 : i32
        %parallel_loop3A_1274 = arith.constant 0 : i32
        %parallel_loop3A_1275 = arith.cmpi slt, %parallel_loop3A_1268, %parallel_loop3A_1274 : i32
        %parallel_loop3A_1276 = arith.xori %parallel_loop3A_1273, %parallel_loop3A_1275 : i1
        %parallel_loop3A_1277 = arith.andi %parallel_loop3A_1276, %parallel_loop3A_1271 : i1
        %parallel_loop3A_1278 = arith.addi %parallel_loop3A_1269, %parallel_loop3A_1268 : i32
        %parallel_loop3A_1279 = arith.select %parallel_loop3A_1277, %parallel_loop3A_1278, %parallel_loop3A_1269 : i32
        %parallel_loop3A_1280 = arith.constant 16 : i32
        %parallel_loop3A_1281 = arith.muli %parallel_loop3A_1279, %parallel_loop3A_1280 : i32
        %parallel_loop3A_1282 = vector.broadcast %parallel_loop3A_1281 : i32 to vector<16xi32>
        %parallel_loop3A_1283 = arith.addi %parallel_loop3A_1282, %iota3A : vector<16xi32>
        %parallel_loop3A_1284 = arith.constant 16 : i32
        %parallel_loop3A_1285 = arith.muli %parallel_loop3A_1238, %parallel_loop3A_1284 : i32
        %parallel_loop3A_1286 = vector.broadcast %parallel_loop3A_1285 : i32 to vector<16xi32>
        %parallel_loop3A_1287 = arith.addi %parallel_loop3A_1286, %iota3A : vector<16xi32>
        %parallel_loop3A_1288 = arith.constant 0 : i32
        %parallel_loop3A_1289 = vector.broadcast %parallel_loop3A_1288 : i32 to vector<16xi32>
        %parallel_loop3A_1290 = tpu.vector_load_idx %arg14[%parallel_loop3A_1263, %parallel_loop3A_1283, %parallel_loop3A_1289] : memref<25x80x8xf32, #tpu.memory_space<vmem>>[vector<16xi32>, vector<16xi32>, vector<16xi32>], vector<16xf32>,
        %parallel_loop3A_1291 = arith.constant 1 : i32
        %parallel_loop3A_1292 = vector.broadcast %parallel_loop3A_1291 : i32 to vector<16xi32>
        %parallel_loop3A_1293 = tpu.vector_load_idx %arg14[%parallel_loop3A_1263, %parallel_loop3A_1283, %parallel_loop3A_1292] : memref<25x80x8xf32, #tpu.memory_space<vmem>>[vector<16xi32>, vector<16xi32>, vector<16xi32>], vector<16xf32>,
        %parallel_loop3A_1294 = arith.constant 2 : i32
        %parallel_loop3A_1295 = vector.broadcast %parallel_loop3A_1294 : i32 to vector<16xi32>
        %parallel_loop3A_1296 = tpu.vector_load_idx %arg14[%parallel_loop3A_1263, %parallel_loop3A_1283, %parallel_loop3A_1295] : memref<25x80x8xf32, #tpu.memory_space<vmem>>[vector<16xi32>, vector<16xi32>, vector<16xi32>], vector<16xf32>,
        %parallel_loop3A_1297 = arith.constant 3 : i32
        %parallel_loop3A_1298 = vector.broadcast %parallel_loop3A_1297 : i32 to vector<16xi32>
        %parallel_loop3A_1299 = tpu.vector_load_idx %arg14[%parallel_loop3A_1263, %parallel_loop3A_1283, %parallel_loop3A_1298] : memref<25x80x8xf32, #tpu.memory_space<vmem>>[vector<16xi32>, vector<16xi32>, vector<16xi32>], vector<16xf32>,
        %parallel_loop3A_1300 = arith.fptosi %parallel_loop3A_1299 : vector<16xf32> to vector<16xi32>
        %parallel_loop3A_1301 = arith.constant 0 : i32
        %parallel_loop3A_1302 = vector.broadcast %parallel_loop3A_1301 : i32 to vector<16xi32>
        %parallel_loop3A_1303 = tpu.vector_load_idx %arg15[%parallel_loop3A_1263, %parallel_loop3A_1283, %parallel_loop3A_1302] : memref<25x80x8xf32, #tpu.memory_space<vmem>>[vector<16xi32>, vector<16xi32>, vector<16xi32>], vector<16xf32>,
        %parallel_loop3A_1304 = arith.constant 1 : i32
        %parallel_loop3A_1305 = vector.broadcast %parallel_loop3A_1304 : i32 to vector<16xi32>
        %parallel_loop3A_1306 = tpu.vector_load_idx %arg15[%parallel_loop3A_1263, %parallel_loop3A_1283, %parallel_loop3A_1305] : memref<25x80x8xf32, #tpu.memory_space<vmem>>[vector<16xi32>, vector<16xi32>, vector<16xi32>], vector<16xf32>,
        %parallel_loop3A_1307 = arith.constant 2 : i32
        %parallel_loop3A_1308 = vector.broadcast %parallel_loop3A_1307 : i32 to vector<16xi32>
        %parallel_loop3A_1309 = tpu.vector_load_idx %arg15[%parallel_loop3A_1263, %parallel_loop3A_1283, %parallel_loop3A_1308] : memref<25x80x8xf32, #tpu.memory_space<vmem>>[vector<16xi32>, vector<16xi32>, vector<16xi32>], vector<16xf32>,
        %parallel_loop3A_1310 = arith.constant 0 : i32
        %parallel_loop3A_1311 = vector.broadcast %parallel_loop3A_1310 : i32 to vector<16xi32>
        %parallel_loop3A_1312 = tpu.vector_load_idx %arg16[%parallel_loop3A_1311, %parallel_loop3A_1287] : memref<3x2000xf32, #tpu.memory_space<vmem>>[vector<16xi32>, vector<16xi32>], vector<16xf32>,
        %parallel_loop3A_1313 = arith.constant 1 : i32
        %parallel_loop3A_1314 = vector.broadcast %parallel_loop3A_1313 : i32 to vector<16xi32>
        %parallel_loop3A_1315 = tpu.vector_load_idx %arg16[%parallel_loop3A_1314, %parallel_loop3A_1287] : memref<3x2000xf32, #tpu.memory_space<vmem>>[vector<16xi32>, vector<16xi32>], vector<16xf32>,
        %parallel_loop3A_1316 = arith.constant 2 : i32
        %parallel_loop3A_1317 = vector.broadcast %parallel_loop3A_1316 : i32 to vector<16xi32>
        %parallel_loop3A_1318 = tpu.vector_load_idx %arg16[%parallel_loop3A_1317, %parallel_loop3A_1287] : memref<3x2000xf32, #tpu.memory_space<vmem>>[vector<16xi32>, vector<16xi32>], vector<16xf32>,
        %parallel_loop3A_1319 = arith.constant 9 : i32
        %parallel_loop3A_1320 = vector.broadcast %parallel_loop3A_1319 : i32 to vector<16xi32>
        %parallel_loop3A_1321 = arith.muli %parallel_loop3A_1300, %parallel_loop3A_1320 : vector<16xi32>
        %parallel_loop3A_1322 = arith.subf %parallel_loop3A_1303, %parallel_loop3A_1290 : vector<16xf32>
        %parallel_loop3A_1323 = tpu.vector_load_idx %arg32[%parallel_loop3A_1321] : memref<144xf32, #tpu.memory_space<vmem>>[vector<16xi32>], vector<16xf32>,
        %parallel_loop3A_1324 = arith.mulf %parallel_loop3A_1312, %parallel_loop3A_1323 : vector<16xf32>
        %parallel_loop3A_1325 = arith.addf %parallel_loop3A_1322, %parallel_loop3A_1324 : vector<16xf32>
        %parallel_loop3A_1326 = arith.constant 3 : i32
        %parallel_loop3A_1327 = vector.broadcast %parallel_loop3A_1326 : i32 to vector<16xi32>
        %parallel_loop3A_1328 = arith.addi %parallel_loop3A_1321, %parallel_loop3A_1327 : vector<16xi32>
        %parallel_loop3A_1329 = tpu.vector_load_idx %arg32[%parallel_loop3A_1328] : memref<144xf32, #tpu.memory_space<vmem>>[vector<16xi32>], vector<16xf32>,
        %parallel_loop3A_1330 = arith.mulf %parallel_loop3A_1315, %parallel_loop3A_1329 : vector<16xf32>
        %parallel_loop3A_1331 = arith.addf %parallel_loop3A_1325, %parallel_loop3A_1330 : vector<16xf32>
        %parallel_loop3A_1332 = arith.constant 6 : i32
        %parallel_loop3A_1333 = vector.broadcast %parallel_loop3A_1332 : i32 to vector<16xi32>
        %parallel_loop3A_1334 = arith.addi %parallel_loop3A_1321, %parallel_loop3A_1333 : vector<16xi32>
        %parallel_loop3A_1335 = tpu.vector_load_idx %arg32[%parallel_loop3A_1334] : memref<144xf32, #tpu.memory_space<vmem>>[vector<16xi32>], vector<16xf32>,
        %parallel_loop3A_1336 = arith.mulf %parallel_loop3A_1318, %parallel_loop3A_1335 : vector<16xf32>
        %parallel_loop3A_1337 = arith.addf %parallel_loop3A_1331, %parallel_loop3A_1336 : vector<16xf32>
        %parallel_loop3A_1338 = arith.subf %parallel_loop3A_1306, %parallel_loop3A_1293 : vector<16xf32>
        %parallel_loop3A_1339 = arith.constant 1 : i32
        %parallel_loop3A_1340 = vector.broadcast %parallel_loop3A_1339 : i32 to vector<16xi32>
        %parallel_loop3A_1341 = arith.addi %parallel_loop3A_1321, %parallel_loop3A_1340 : vector<16xi32>
        %parallel_loop3A_1342 = tpu.vector_load_idx %arg32[%parallel_loop3A_1341] : memref<144xf32, #tpu.memory_space<vmem>>[vector<16xi32>], vector<16xf32>,
        %parallel_loop3A_1343 = arith.mulf %parallel_loop3A_1312, %parallel_loop3A_1342 : vector<16xf32>
        %parallel_loop3A_1344 = arith.addf %parallel_loop3A_1338, %parallel_loop3A_1343 : vector<16xf32>
        %parallel_loop3A_1345 = arith.constant 4 : i32
        %parallel_loop3A_1346 = vector.broadcast %parallel_loop3A_1345 : i32 to vector<16xi32>
        %parallel_loop3A_1347 = arith.addi %parallel_loop3A_1321, %parallel_loop3A_1346 : vector<16xi32>
        %parallel_loop3A_1348 = tpu.vector_load_idx %arg32[%parallel_loop3A_1347] : memref<144xf32, #tpu.memory_space<vmem>>[vector<16xi32>], vector<16xf32>,
        %parallel_loop3A_1349 = arith.mulf %parallel_loop3A_1315, %parallel_loop3A_1348 : vector<16xf32>
        %parallel_loop3A_1350 = arith.addf %parallel_loop3A_1344, %parallel_loop3A_1349 : vector<16xf32>
        %parallel_loop3A_1351 = arith.constant 7 : i32
        %parallel_loop3A_1352 = vector.broadcast %parallel_loop3A_1351 : i32 to vector<16xi32>
        %parallel_loop3A_1353 = arith.addi %parallel_loop3A_1321, %parallel_loop3A_1352 : vector<16xi32>
        %parallel_loop3A_1354 = tpu.vector_load_idx %arg32[%parallel_loop3A_1353] : memref<144xf32, #tpu.memory_space<vmem>>[vector<16xi32>], vector<16xf32>,
        %parallel_loop3A_1355 = arith.mulf %parallel_loop3A_1318, %parallel_loop3A_1354 : vector<16xf32>
        %parallel_loop3A_1356 = arith.addf %parallel_loop3A_1350, %parallel_loop3A_1355 : vector<16xf32>
        %parallel_loop3A_1357 = arith.subf %parallel_loop3A_1309, %parallel_loop3A_1296 : vector<16xf32>
        %parallel_loop3A_1358 = arith.constant 2 : i32
        %parallel_loop3A_1359 = vector.broadcast %parallel_loop3A_1358 : i32 to vector<16xi32>
        %parallel_loop3A_1360 = arith.addi %parallel_loop3A_1321, %parallel_loop3A_1359 : vector<16xi32>
        %parallel_loop3A_1361 = tpu.vector_load_idx %arg32[%parallel_loop3A_1360] : memref<144xf32, #tpu.memory_space<vmem>>[vector<16xi32>], vector<16xf32>,
        %parallel_loop3A_1362 = arith.mulf %parallel_loop3A_1312, %parallel_loop3A_1361 : vector<16xf32>
        %parallel_loop3A_1363 = arith.addf %parallel_loop3A_1357, %parallel_loop3A_1362 : vector<16xf32>
        %parallel_loop3A_1364 = arith.constant 5 : i32
        %parallel_loop3A_1365 = vector.broadcast %parallel_loop3A_1364 : i32 to vector<16xi32>
        %parallel_loop3A_1366 = arith.addi %parallel_loop3A_1321, %parallel_loop3A_1365 : vector<16xi32>
        %parallel_loop3A_1367 = tpu.vector_load_idx %arg32[%parallel_loop3A_1366] : memref<144xf32, #tpu.memory_space<vmem>>[vector<16xi32>], vector<16xf32>,
        %parallel_loop3A_1368 = arith.mulf %parallel_loop3A_1315, %parallel_loop3A_1367 : vector<16xf32>
        %parallel_loop3A_1369 = arith.addf %parallel_loop3A_1363, %parallel_loop3A_1368 : vector<16xf32>
        %parallel_loop3A_1370 = arith.constant 8 : i32
        %parallel_loop3A_1371 = vector.broadcast %parallel_loop3A_1370 : i32 to vector<16xi32>
        %parallel_loop3A_1372 = arith.addi %parallel_loop3A_1321, %parallel_loop3A_1371 : vector<16xi32>
        %parallel_loop3A_1373 = tpu.vector_load_idx %arg32[%parallel_loop3A_1372] : memref<144xf32, #tpu.memory_space<vmem>>[vector<16xi32>], vector<16xf32>,
        %parallel_loop3A_1374 = arith.mulf %parallel_loop3A_1318, %parallel_loop3A_1373 : vector<16xf32>
        %parallel_loop3A_1375 = arith.addf %parallel_loop3A_1369, %parallel_loop3A_1374 : vector<16xf32>
        %parallel_loop3A_1376 = arith.mulf %parallel_loop3A_1337, %parallel_loop3A_1337 : vector<16xf32>
        %parallel_loop3A_1377 = arith.mulf %parallel_loop3A_1356, %parallel_loop3A_1356 : vector<16xf32>
        %parallel_loop3A_1378 = arith.addf %parallel_loop3A_1376, %parallel_loop3A_1377 : vector<16xf32>
        %parallel_loop3A_1379 = arith.mulf %parallel_loop3A_1375, %parallel_loop3A_1375 : vector<16xf32>
        %parallel_loop3A_1380 = arith.addf %parallel_loop3A_1378, %parallel_loop3A_1379 : vector<16xf32>
        %parallel_loop3A_1381 = vector.bitcast %parallel_loop3A_1380 : vector<16xf32> to vector<16xi32>
        %parallel_loop3A_1382 = arith.constant 1 : i32
        %parallel_loop3A_1383 = vector.broadcast %parallel_loop3A_1382 : i32 to vector<16xi32>
        %parallel_loop3A_1384 = arith.shrsi %parallel_loop3A_1381, %parallel_loop3A_1383 : vector<16xi32>
        %parallel_loop3A_1385 = arith.constant 1597463007 : i32
        %parallel_loop3A_1386 = vector.broadcast %parallel_loop3A_1385 : i32 to vector<16xi32>
        %parallel_loop3A_1387 = arith.subi %parallel_loop3A_1386, %parallel_loop3A_1384 : vector<16xi32>
        %parallel_loop3A_1388 = vector.bitcast %parallel_loop3A_1387 : vector<16xi32> to vector<16xf32>
        %parallel_loop3A_1389 = arith.constant 5.000000e-01 : f32
        %parallel_loop3A_1390 = vector.broadcast %parallel_loop3A_1389 : f32 to vector<16xf32>
        %parallel_loop3A_1391 = arith.mulf %parallel_loop3A_1390, %parallel_loop3A_1380 : vector<16xf32>
        %parallel_loop3A_1392 = arith.mulf %parallel_loop3A_1391, %parallel_loop3A_1388 : vector<16xf32>
        %parallel_loop3A_1393 = arith.mulf %parallel_loop3A_1392, %parallel_loop3A_1388 : vector<16xf32>
        %parallel_loop3A_1394 = arith.constant 1.500000e+00 : f32
        %parallel_loop3A_1395 = vector.broadcast %parallel_loop3A_1394 : f32 to vector<16xf32>
        %parallel_loop3A_1396 = arith.subf %parallel_loop3A_1395, %parallel_loop3A_1393 : vector<16xf32>
        %parallel_loop3A_1397 = arith.mulf %parallel_loop3A_1388, %parallel_loop3A_1396 : vector<16xf32>
        %parallel_loop3A_1398 = arith.constant 5.000000e-01 : f32
        %parallel_loop3A_1399 = vector.broadcast %parallel_loop3A_1398 : f32 to vector<16xf32>
        %parallel_loop3A_1400 = arith.mulf %parallel_loop3A_1399, %parallel_loop3A_1380 : vector<16xf32>
        %parallel_loop3A_1401 = arith.mulf %parallel_loop3A_1400, %parallel_loop3A_1397 : vector<16xf32>
        %parallel_loop3A_1402 = arith.mulf %parallel_loop3A_1401, %parallel_loop3A_1397 : vector<16xf32>
        %parallel_loop3A_1403 = arith.constant 1.500000e+00 : f32
        %parallel_loop3A_1404 = vector.broadcast %parallel_loop3A_1403 : f32 to vector<16xf32>
        %parallel_loop3A_1405 = arith.subf %parallel_loop3A_1404, %parallel_loop3A_1402 : vector<16xf32>
        %parallel_loop3A_1406 = arith.mulf %parallel_loop3A_1397, %parallel_loop3A_1405 : vector<16xf32>
        %parallel_loop3A_1407 = arith.constant 5.000000e-01 : f32
        %parallel_loop3A_1408 = vector.broadcast %parallel_loop3A_1407 : f32 to vector<16xf32>
        %parallel_loop3A_1409 = arith.mulf %parallel_loop3A_1408, %parallel_loop3A_1380 : vector<16xf32>
        %parallel_loop3A_1410 = arith.mulf %parallel_loop3A_1409, %parallel_loop3A_1406 : vector<16xf32>
        %parallel_loop3A_1411 = arith.mulf %parallel_loop3A_1410, %parallel_loop3A_1406 : vector<16xf32>
        %parallel_loop3A_1412 = arith.constant 1.500000e+00 : f32
        %parallel_loop3A_1413 = vector.broadcast %parallel_loop3A_1412 : f32 to vector<16xf32>
        %parallel_loop3A_1414 = arith.subf %parallel_loop3A_1413, %parallel_loop3A_1411 : vector<16xf32>
        %parallel_loop3A_1415 = arith.mulf %parallel_loop3A_1406, %parallel_loop3A_1414 : vector<16xf32>
        %parallel_loop3A_1416 = arith.constant 0.000000e+00 : f32
        %parallel_loop3A_1417 = vector.broadcast %parallel_loop3A_1416 : f32 to vector<16xf32>
        %parallel_loop3A_1418 = arith.cmpf ogt, %parallel_loop3A_1380, %parallel_loop3A_1417 : vector<16xf32>
        %parallel_loop3A_1419 = arith.mulf %parallel_loop3A_1380, %parallel_loop3A_1415 : vector<16xf32>
        %parallel_loop3A_1420 = arith.constant 0.000000e+00 : f32
        %parallel_loop3A_1421 = vector.broadcast %parallel_loop3A_1420 : f32 to vector<16xf32>
        %parallel_loop3A_1422 = arith.select %parallel_loop3A_1418, %parallel_loop3A_1419, %parallel_loop3A_1421 : vector<16xi1>, vector<16xf32>
        %parallel_loop3A_1423 = arith.constant 0 : i32
        %parallel_loop3A_1424 = vector.broadcast %parallel_loop3A_1423 : i32 to vector<16xi32>
        tpu.vector_store_idx %arg17[%parallel_loop3A_1424, %parallel_loop3A_1287], %parallel_loop3A_1337 : memref<3x2000xf32, #tpu.memory_space<vmem>>[vector<16xi32>, vector<16xi32>], vector<16xf32>,
        %parallel_loop3A_1425 = arith.constant 1 : i32
        %parallel_loop3A_1426 = vector.broadcast %parallel_loop3A_1425 : i32 to vector<16xi32>
        tpu.vector_store_idx %arg17[%parallel_loop3A_1426, %parallel_loop3A_1287], %parallel_loop3A_1356 : memref<3x2000xf32, #tpu.memory_space<vmem>>[vector<16xi32>, vector<16xi32>], vector<16xf32>,
        %parallel_loop3A_1427 = arith.constant 2 : i32
        %parallel_loop3A_1428 = vector.broadcast %parallel_loop3A_1427 : i32 to vector<16xi32>
        tpu.vector_store_idx %arg17[%parallel_loop3A_1428, %parallel_loop3A_1287], %parallel_loop3A_1375 : memref<3x2000xf32, #tpu.memory_space<vmem>>[vector<16xi32>, vector<16xi32>], vector<16xf32>,
        tpu.vector_store_idx %arg18[%parallel_loop3A_1287], %parallel_loop3A_1422 : memref<2000xf32, #tpu.memory_space<vmem>>[vector<16xi32>], vector<16xf32>,
      } {sc.loop_unroll_factor = 4 : i64, sc.parallel_access}
      %mul3A_921 = arith.constant 200000 : i32
      %mul3A_922 = arith.muli %add3A, %mul3A_921 : i32
      %mul3A_923 = arith.constant 2000 : i32
      %mul3A_924 = arith.muli %mul3A_817, %mul3A_923 : i32
      %add3A_925 = arith.addi %mul3A_922, %mul3A_924 : i32
      %dma_start3A_926 = arith.constant 0 : i32
      %dma_start3A_927 = arith.constant 0 : i32
      %dma_start3A_928 = tpu.memref_slice %arg17[%dma_start3A_926, %dma_start3A_927] : memref<3x2000xf32, #tpu.memory_space<vmem>> -> memref<1x2000xf32, #tpu.memory_space<vmem>>
      %dma_start3A_929 = tpu.memref_squeeze %dma_start3A_928 : memref<1x2000xf32, #tpu.memory_space<vmem>> -> memref<2000xf32, #tpu.memory_space<vmem>>
      %dma_start3A_930 = tpu.memref_slice %arg8[%add3A_925] : memref<6400000xf32, #tpu.memory_space<hbm>> -> memref<2000xf32, #tpu.memory_space<hbm>>
      %dma_start3A_931 = tpu.memref_slice %arg8[%add3A_925] : memref<6400000xf32, #tpu.memory_space<hbm>> -> memref<2000xf32, #tpu.memory_space<hbm>>
      %dma_start3A_932 = arith.constant 0 : i32
      %dma_start3A_933 = tpu.memref_slice %arg17[%dma_start3A_926, %dma_start3A_932] : memref<3x2000xf32, #tpu.memory_space<vmem>> -> memref<1x2000xf32, #tpu.memory_space<vmem>>
      %dma_start3A_934 = tpu.memref_squeeze %dma_start3A_933 : memref<1x2000xf32, #tpu.memory_space<vmem>> -> memref<2000xf32, #tpu.memory_space<vmem>>
      tpu.enqueue_dma source(%dma_start3A_934 : memref<2000xf32, #tpu.memory_space<vmem>>) target(%dma_start3A_931 : memref<2000xf32, #tpu.memory_space<hbm>>) target_semaphore(%arg21 : memref<!tpu.dma_semaphore, #tpu.memory_space<semaphore_mem>>)
      %dma_start3A_935 = arith.constant 1 : i32
      %dma_start3A_936 = arith.constant 0 : i32
      %dma_start3A_937 = tpu.memref_slice %arg17[%dma_start3A_935, %dma_start3A_936] : memref<3x2000xf32, #tpu.memory_space<vmem>> -> memref<1x2000xf32, #tpu.memory_space<vmem>>
      %dma_start3A_938 = tpu.memref_squeeze %dma_start3A_937 : memref<1x2000xf32, #tpu.memory_space<vmem>> -> memref<2000xf32, #tpu.memory_space<vmem>>
      %dma_start3A_939 = tpu.memref_slice %arg9[%add3A_925] : memref<6400000xf32, #tpu.memory_space<hbm>> -> memref<2000xf32, #tpu.memory_space<hbm>>
      %dma_start3A_940 = tpu.memref_slice %arg9[%add3A_925] : memref<6400000xf32, #tpu.memory_space<hbm>> -> memref<2000xf32, #tpu.memory_space<hbm>>
      %dma_start3A_941 = arith.constant 0 : i32
      %dma_start3A_942 = tpu.memref_slice %arg17[%dma_start3A_935, %dma_start3A_941] : memref<3x2000xf32, #tpu.memory_space<vmem>> -> memref<1x2000xf32, #tpu.memory_space<vmem>>
      %dma_start3A_943 = tpu.memref_squeeze %dma_start3A_942 : memref<1x2000xf32, #tpu.memory_space<vmem>> -> memref<2000xf32, #tpu.memory_space<vmem>>
      tpu.enqueue_dma source(%dma_start3A_943 : memref<2000xf32, #tpu.memory_space<vmem>>) target(%dma_start3A_940 : memref<2000xf32, #tpu.memory_space<hbm>>) target_semaphore(%arg21 : memref<!tpu.dma_semaphore, #tpu.memory_space<semaphore_mem>>)
      %dma_start3A_944 = arith.constant 2 : i32
      %dma_start3A_945 = arith.constant 0 : i32
      %dma_start3A_946 = tpu.memref_slice %arg17[%dma_start3A_944, %dma_start3A_945] : memref<3x2000xf32, #tpu.memory_space<vmem>> -> memref<1x2000xf32, #tpu.memory_space<vmem>>
      %dma_start3A_947 = tpu.memref_squeeze %dma_start3A_946 : memref<1x2000xf32, #tpu.memory_space<vmem>> -> memref<2000xf32, #tpu.memory_space<vmem>>
      %dma_start3A_948 = tpu.memref_slice %arg10[%add3A_925] : memref<6400000xf32, #tpu.memory_space<hbm>> -> memref<2000xf32, #tpu.memory_space<hbm>>
      %dma_start3A_949 = tpu.memref_slice %arg10[%add3A_925] : memref<6400000xf32, #tpu.memory_space<hbm>> -> memref<2000xf32, #tpu.memory_space<hbm>>
      %dma_start3A_950 = arith.constant 0 : i32
      %dma_start3A_951 = tpu.memref_slice %arg17[%dma_start3A_944, %dma_start3A_950] : memref<3x2000xf32, #tpu.memory_space<vmem>> -> memref<1x2000xf32, #tpu.memory_space<vmem>>
      %dma_start3A_952 = tpu.memref_squeeze %dma_start3A_951 : memref<1x2000xf32, #tpu.memory_space<vmem>> -> memref<2000xf32, #tpu.memory_space<vmem>>
      tpu.enqueue_dma source(%dma_start3A_952 : memref<2000xf32, #tpu.memory_space<vmem>>) target(%dma_start3A_949 : memref<2000xf32, #tpu.memory_space<hbm>>) target_semaphore(%arg21 : memref<!tpu.dma_semaphore, #tpu.memory_space<semaphore_mem>>)
      %dma_start3A_953 = tpu.memref_slice %arg11[%add3A_925] : memref<6400000xf32, #tpu.memory_space<hbm>> -> memref<2000xf32, #tpu.memory_space<hbm>>
      %dma_start3A_954 = tpu.memref_slice %arg11[%add3A_925] : memref<6400000xf32, #tpu.memory_space<hbm>> -> memref<2000xf32, #tpu.memory_space<hbm>>
      tpu.enqueue_dma source(%arg18 : memref<2000xf32, #tpu.memory_space<vmem>>) target(%dma_start3A_954 : memref<2000xf32, #tpu.memory_space<hbm>>) target_semaphore(%arg21 : memref<!tpu.dma_semaphore, #tpu.memory_space<semaphore_mem>>)
      %add3A_955 = arith.constant 2 : i32
      %add3A_956 = arith.addi %mul3A_817, %add3A_955 : i32
      %mul3A_957 = arith.constant 200000 : i32
      %mul3A_958 = arith.muli %add3A, %mul3A_957 : i32
      %mul3A_959 = arith.constant 2000 : i32
      %mul3A_960 = arith.muli %add3A_956, %mul3A_959 : i32
      %add3A_961 = arith.addi %mul3A_958, %mul3A_960 : i32
      %jit3A_962 = arith.constant 80 : i32
      %div3A_963 = arith.divsi %add3A_961, %jit3A_962 : i32
      %sign3A_964 = arith.constant 0 : i32
      %sign3A_965 = arith.cmpi sgt, %add3A_961, %sign3A_964 : i32
      %sign3A_966 = arith.extui %sign3A_965 : i1 to i32
      %sign3A_967 = arith.constant 0 : i32
      %sign3A_968 = arith.cmpi slt, %add3A_961, %sign3A_967 : i32
      %sign3A_969 = arith.extui %sign3A_968 : i1 to i32
      %sign3A_970 = arith.subi %sign3A_966, %sign3A_969 : i32
      %sign3A_971 = arith.constant 0 : i32
      %sign3A_972 = arith.cmpi sgt, %jit3A_962, %sign3A_971 : i32
      %sign3A_973 = arith.extui %sign3A_972 : i1 to i32
      %sign3A_974 = arith.constant 0 : i32
      %sign3A_975 = arith.cmpi slt, %jit3A_962, %sign3A_974 : i32
      %sign3A_976 = arith.extui %sign3A_975 : i1 to i32
      %sign3A_977 = arith.subi %sign3A_973, %sign3A_976 : i32
      %ne3A_978 = arith.cmpi ne, %sign3A_970, %sign3A_977 : i32
      %rem3A_979 = arith.remsi %add3A_961, %jit3A_962 : i32
      %ne3A_980 = arith.constant 0 : i32
      %ne3A_981 = arith.cmpi ne, %rem3A_979, %ne3A_980 : i32
      %and3A_982 = arith.andi %ne3A_978, %ne3A_981 : i1
      %sub3A_983 = arith.constant 1 : i32
      %sub3A_984 = arith.subi %div3A_963, %sub3A_983 : i32
      %select_n3A_985 = arith.select %and3A_982, %sub3A_984, %div3A_963 : i32
      %dma_start3A_986 = arith.constant 0 : i32
      %dma_start3A_987 = arith.constant 0 : i32
      %dma_start3A_988 = tpu.memref_slice %arg3[%dma_start3A_986, %select_n3A_985, %dma_start3A_987] : memref<2x80000x80xi32, #tpu.memory_space<hbm>> -> memref<1x25x80xi32, #tpu.memory_space<hbm>>
      %dma_start3A_989 = tpu.memref_squeeze %dma_start3A_988 : memref<1x25x80xi32, #tpu.memory_space<hbm>> -> memref<25x80xi32, #tpu.memory_space<hbm>>
      %dma_start3A_990 = arith.constant 0 : i32
      %dma_start3A_991 = tpu.memref_slice %arg3[%dma_start3A_986, %select_n3A_985, %dma_start3A_990] : memref<2x80000x80xi32, #tpu.memory_space<hbm>> -> memref<1x25x80xi32, #tpu.memory_space<hbm>>
      %dma_start3A_992 = tpu.memref_squeeze %dma_start3A_991 : memref<1x25x80xi32, #tpu.memory_space<hbm>> -> memref<25x80xi32, #tpu.memory_space<hbm>>
      tpu.enqueue_dma source(%dma_start3A_992 : memref<25x80xi32, #tpu.memory_space<hbm>>) target(%arg12 : memref<25x80xi32, #tpu.memory_space<vmem>>) target_semaphore(%arg19 : memref<!tpu.dma_semaphore, #tpu.memory_space<semaphore_mem>>)
      %dma_start3A_993 = arith.constant 1 : i32
      %dma_start3A_994 = arith.constant 0 : i32
      %dma_start3A_995 = tpu.memref_slice %arg3[%dma_start3A_993, %select_n3A_985, %dma_start3A_994] : memref<2x80000x80xi32, #tpu.memory_space<hbm>> -> memref<1x25x80xi32, #tpu.memory_space<hbm>>
      %dma_start3A_996 = tpu.memref_squeeze %dma_start3A_995 : memref<1x25x80xi32, #tpu.memory_space<hbm>> -> memref<25x80xi32, #tpu.memory_space<hbm>>
      %dma_start3A_997 = arith.constant 0 : i32
      %dma_start3A_998 = tpu.memref_slice %arg3[%dma_start3A_993, %select_n3A_985, %dma_start3A_997] : memref<2x80000x80xi32, #tpu.memory_space<hbm>> -> memref<1x25x80xi32, #tpu.memory_space<hbm>>
      %dma_start3A_999 = tpu.memref_squeeze %dma_start3A_998 : memref<1x25x80xi32, #tpu.memory_space<hbm>> -> memref<25x80xi32, #tpu.memory_space<hbm>>
      tpu.enqueue_dma source(%dma_start3A_999 : memref<25x80xi32, #tpu.memory_space<hbm>>) target(%arg13 : memref<25x80xi32, #tpu.memory_space<vmem>>) target_semaphore(%arg19 : memref<!tpu.dma_semaphore, #tpu.memory_space<semaphore_mem>>)
      %dma_start3A_1000 = arith.constant 0 : i32
      %dma_start3A_1001 = arith.constant 0 : i32
      %dma_start3A_1002 = tpu.memref_slice %arg16[%dma_start3A_1000, %dma_start3A_1001] : memref<3x2000xf32, #tpu.memory_space<vmem>> -> memref<1x2000xf32, #tpu.memory_space<vmem>>
      %dma_start3A_1003 = tpu.memref_squeeze %dma_start3A_1002 : memref<1x2000xf32, #tpu.memory_space<vmem>> -> memref<2000xf32, #tpu.memory_space<vmem>>
      %dma_start3A_1004 = tpu.memref_slice %arg5[%add3A_961] : memref<6400000xf32, #tpu.memory_space<hbm>> -> memref<2000xf32, #tpu.memory_space<hbm>>
      %dma_start3A_1005 = arith.constant 0 : i32
      %dma_start3A_1006 = tpu.memref_slice %arg16[%dma_start3A_1000, %dma_start3A_1005] : memref<3x2000xf32, #tpu.memory_space<vmem>> -> memref<1x2000xf32, #tpu.memory_space<vmem>>
      %dma_start3A_1007 = tpu.memref_squeeze %dma_start3A_1006 : memref<1x2000xf32, #tpu.memory_space<vmem>> -> memref<2000xf32, #tpu.memory_space<vmem>>
      %dma_start3A_1008 = tpu.memref_slice %arg5[%add3A_961] : memref<6400000xf32, #tpu.memory_space<hbm>> -> memref<2000xf32, #tpu.memory_space<hbm>>
      tpu.enqueue_dma source(%dma_start3A_1008 : memref<2000xf32, #tpu.memory_space<hbm>>) target(%dma_start3A_1007 : memref<2000xf32, #tpu.memory_space<vmem>>) target_semaphore(%arg19 : memref<!tpu.dma_semaphore, #tpu.memory_space<semaphore_mem>>)
      %dma_start3A_1009 = arith.constant 1 : i32
      %dma_start3A_1010 = arith.constant 0 : i32
      %dma_start3A_1011 = tpu.memref_slice %arg16[%dma_start3A_1009, %dma_start3A_1010] : memref<3x2000xf32, #tpu.memory_space<vmem>> -> memref<1x2000xf32, #tpu.memory_space<vmem>>
      %dma_start3A_1012 = tpu.memref_squeeze %dma_start3A_1011 : memref<1x2000xf32, #tpu.memory_space<vmem>> -> memref<2000xf32, #tpu.memory_space<vmem>>
      %dma_start3A_1013 = tpu.memref_slice %arg6[%add3A_961] : memref<6400000xf32, #tpu.memory_space<hbm>> -> memref<2000xf32, #tpu.memory_space<hbm>>
      %dma_start3A_1014 = arith.constant 0 : i32
      %dma_start3A_1015 = tpu.memref_slice %arg16[%dma_start3A_1009, %dma_start3A_1014] : memref<3x2000xf32, #tpu.memory_space<vmem>> -> memref<1x2000xf32, #tpu.memory_space<vmem>>
      %dma_start3A_1016 = tpu.memref_squeeze %dma_start3A_1015 : memref<1x2000xf32, #tpu.memory_space<vmem>> -> memref<2000xf32, #tpu.memory_space<vmem>>
      %dma_start3A_1017 = tpu.memref_slice %arg6[%add3A_961] : memref<6400000xf32, #tpu.memory_space<hbm>> -> memref<2000xf32, #tpu.memory_space<hbm>>
      tpu.enqueue_dma source(%dma_start3A_1017 : memref<2000xf32, #tpu.memory_space<hbm>>) target(%dma_start3A_1016 : memref<2000xf32, #tpu.memory_space<vmem>>) target_semaphore(%arg19 : memref<!tpu.dma_semaphore, #tpu.memory_space<semaphore_mem>>)
      %dma_start3A_1018 = arith.constant 2 : i32
      %dma_start3A_1019 = arith.constant 0 : i32
      %dma_start3A_1020 = tpu.memref_slice %arg16[%dma_start3A_1018, %dma_start3A_1019] : memref<3x2000xf32, #tpu.memory_space<vmem>> -> memref<1x2000xf32, #tpu.memory_space<vmem>>
      %dma_start3A_1021 = tpu.memref_squeeze %dma_start3A_1020 : memref<1x2000xf32, #tpu.memory_space<vmem>> -> memref<2000xf32, #tpu.memory_space<vmem>>
      %dma_start3A_1022 = tpu.memref_slice %arg7[%add3A_961] : memref<6400000xf32, #tpu.memory_space<hbm>> -> memref<2000xf32, #tpu.memory_space<hbm>>
      %dma_start3A_1023 = arith.constant 0 : i32
      %dma_start3A_1024 = tpu.memref_slice %arg16[%dma_start3A_1018, %dma_start3A_1023] : memref<3x2000xf32, #tpu.memory_space<vmem>> -> memref<1x2000xf32, #tpu.memory_space<vmem>>
      %dma_start3A_1025 = tpu.memref_squeeze %dma_start3A_1024 : memref<1x2000xf32, #tpu.memory_space<vmem>> -> memref<2000xf32, #tpu.memory_space<vmem>>
      %dma_start3A_1026 = tpu.memref_slice %arg7[%add3A_961] : memref<6400000xf32, #tpu.memory_space<hbm>> -> memref<2000xf32, #tpu.memory_space<hbm>>
      tpu.enqueue_dma source(%dma_start3A_1026 : memref<2000xf32, #tpu.memory_space<hbm>>) target(%dma_start3A_1025 : memref<2000xf32, #tpu.memory_space<vmem>>) target_semaphore(%arg19 : memref<!tpu.dma_semaphore, #tpu.memory_space<semaphore_mem>>)
      %add3A_1027 = arith.constant 1 : i32
      %add3A_1028 = arith.addi %mul3A_817, %add3A_1027 : i32
      %scan3A_1029 = arith.constant 0 : i32
      %scan3A_1030 = arith.constant 0 : i32
      %scan3A_1031 = arith.constant 25 : i32
      %scan3A_1032 = arith.addi %scan3A_1030, %scan3A_1031 : i32
      %scan3A_1033 = arith.constant 1 : i32
      scf.for %scan3A_1238 = %scan3A_1030 to %scan3A_1032 step %scan3A_1033  : i32 {
        %dma_wait3A_1239 = arith.constant 0 : i32
        %dma_wait3A_1240 = arith.constant 0 : i32
        %dma_wait3A_1241 = tpu.memref_slice %arg24[%scan3A_1238, %dma_wait3A_1239, %dma_wait3A_1240] : memref<25x80x8xf32, #tpu.memory_space<vmem>> -> memref<1x80x8xf32, #tpu.memory_space<vmem>>
        %dma_wait3A_1242 = tpu.memref_squeeze %dma_wait3A_1241 : memref<1x80x8xf32, #tpu.memory_space<vmem>> -> memref<80x8xf32, #tpu.memory_space<vmem>>
        %dma_wait3A_1243 = arith.constant 0 : i32
        %dma_wait3A_1244 = tpu.memref_slice %arg22[%scan3A_1238, %dma_wait3A_1243] : memref<25x80xi32, #tpu.memory_space<vmem>> -> memref<1x80xi32, #tpu.memory_space<vmem>>
        %dma_wait3A_1245 = tpu.memref_squeeze %dma_wait3A_1244 : memref<1x80xi32, #tpu.memory_space<vmem>> -> memref<80xi32, #tpu.memory_space<vmem>>
        %dma_wait3A_1246 = arith.constant 0 : i32
        %dma_wait3A_1247 = arith.constant 0 : i32
        %dma_wait3A_1248 = tpu.memref_slice %arg2[%dma_wait3A_1246, %dma_wait3A_1247] : memref<100000x8xf32, #tpu.memory_space<hbm>> -> memref<100000x8xf32, #tpu.memory_space<hbm>>
        tpu.wait_indirect_dma semaphore(%arg30 : memref<!tpu.dma_semaphore, #tpu.memory_space<semaphore_mem>>) src(%dma_wait3A_1248 : memref<100000x8xf32, #tpu.memory_space<hbm>>) dst(%dma_wait3A_1242 : memref<80x8xf32, #tpu.memory_space<vmem>>)
        %dma_wait3A_1249 = arith.constant 0 : i32
        %dma_wait3A_1250 = arith.constant 0 : i32
        %dma_wait3A_1251 = tpu.memref_slice %arg25[%scan3A_1238, %dma_wait3A_1249, %dma_wait3A_1250] : memref<25x80x8xf32, #tpu.memory_space<vmem>> -> memref<1x80x8xf32, #tpu.memory_space<vmem>>
        %dma_wait3A_1252 = tpu.memref_squeeze %dma_wait3A_1251 : memref<1x80x8xf32, #tpu.memory_space<vmem>> -> memref<80x8xf32, #tpu.memory_space<vmem>>
        %dma_wait3A_1253 = arith.constant 0 : i32
        %dma_wait3A_1254 = tpu.memref_slice %arg23[%scan3A_1238, %dma_wait3A_1253] : memref<25x80xi32, #tpu.memory_space<vmem>> -> memref<1x80xi32, #tpu.memory_space<vmem>>
        %dma_wait3A_1255 = tpu.memref_squeeze %dma_wait3A_1254 : memref<1x80xi32, #tpu.memory_space<vmem>> -> memref<80xi32, #tpu.memory_space<vmem>>
        %dma_wait3A_1256 = arith.constant 0 : i32
        %dma_wait3A_1257 = arith.constant 0 : i32
        %dma_wait3A_1258 = tpu.memref_slice %arg2[%dma_wait3A_1256, %dma_wait3A_1257] : memref<100000x8xf32, #tpu.memory_space<hbm>> -> memref<100000x8xf32, #tpu.memory_space<hbm>>
        tpu.wait_indirect_dma semaphore(%arg30 : memref<!tpu.dma_semaphore, #tpu.memory_space<semaphore_mem>>) src(%dma_wait3A_1258 : memref<100000x8xf32, #tpu.memory_space<hbm>>) dst(%dma_wait3A_1252 : memref<80x8xf32, #tpu.memory_space<vmem>>)
      }
      %scan3A_1034 = arith.constant 25 : i32
      %dma_wait3A_1035 = arith.constant 0 : i32
      %dma_wait3A_1036 = arith.constant 0 : i32
      %dma_wait3A_1037 = arith.constant 0 : i32
      %dma_wait3A_1038 = tpu.memref_slice %arg3[%dma_wait3A_1035, %dma_wait3A_1036, %dma_wait3A_1037] : memref<2x80000x80xi32, #tpu.memory_space<hbm>> -> memref<1x25x80xi32, #tpu.memory_space<hbm>>
      %dma_wait3A_1039 = tpu.memref_squeeze %dma_wait3A_1038 : memref<1x25x80xi32, #tpu.memory_space<hbm>> -> memref<25x80xi32, #tpu.memory_space<hbm>>
      %dma_wait3A_1040 = arith.constant 0 : i32
      %dma_wait3A_1041 = arith.constant 0 : i32
      %dma_wait3A_1042 = tpu.memref_slice %arg3[%dma_wait3A_1035, %dma_wait3A_1040, %dma_wait3A_1041] : memref<2x80000x80xi32, #tpu.memory_space<hbm>> -> memref<1x25x80xi32, #tpu.memory_space<hbm>>
      %dma_wait3A_1043 = tpu.memref_squeeze %dma_wait3A_1042 : memref<1x25x80xi32, #tpu.memory_space<hbm>> -> memref<25x80xi32, #tpu.memory_space<hbm>>
      tpu.wait_dma2 semaphore(%arg19 : memref<!tpu.dma_semaphore, #tpu.memory_space<semaphore_mem>>) src(%dma_wait3A_1043 : memref<25x80xi32, #tpu.memory_space<hbm>>) dst(%arg12 : memref<25x80xi32, #tpu.memory_space<vmem>>)
      %dma_wait3A_1044 = arith.constant 1 : i32
      %dma_wait3A_1045 = arith.constant 0 : i32
      %dma_wait3A_1046 = arith.constant 0 : i32
      %dma_wait3A_1047 = tpu.memref_slice %arg3[%dma_wait3A_1044, %dma_wait3A_1045, %dma_wait3A_1046] : memref<2x80000x80xi32, #tpu.memory_space<hbm>> -> memref<1x25x80xi32, #tpu.memory_space<hbm>>
      %dma_wait3A_1048 = tpu.memref_squeeze %dma_wait3A_1047 : memref<1x25x80xi32, #tpu.memory_space<hbm>> -> memref<25x80xi32, #tpu.memory_space<hbm>>
      %dma_wait3A_1049 = arith.constant 0 : i32
      %dma_wait3A_1050 = arith.constant 0 : i32
      %dma_wait3A_1051 = tpu.memref_slice %arg3[%dma_wait3A_1044, %dma_wait3A_1049, %dma_wait3A_1050] : memref<2x80000x80xi32, #tpu.memory_space<hbm>> -> memref<1x25x80xi32, #tpu.memory_space<hbm>>
      %dma_wait3A_1052 = tpu.memref_squeeze %dma_wait3A_1051 : memref<1x25x80xi32, #tpu.memory_space<hbm>> -> memref<25x80xi32, #tpu.memory_space<hbm>>
      tpu.wait_dma2 semaphore(%arg19 : memref<!tpu.dma_semaphore, #tpu.memory_space<semaphore_mem>>) src(%dma_wait3A_1052 : memref<25x80xi32, #tpu.memory_space<hbm>>) dst(%arg13 : memref<25x80xi32, #tpu.memory_space<vmem>>)
      %dma_wait3A_1053 = arith.constant 0 : i32
      %dma_wait3A_1054 = arith.constant 0 : i32
      %dma_wait3A_1055 = tpu.memref_slice %arg16[%dma_wait3A_1053, %dma_wait3A_1054] : memref<3x2000xf32, #tpu.memory_space<vmem>> -> memref<1x2000xf32, #tpu.memory_space<vmem>>
      %dma_wait3A_1056 = tpu.memref_squeeze %dma_wait3A_1055 : memref<1x2000xf32, #tpu.memory_space<vmem>> -> memref<2000xf32, #tpu.memory_space<vmem>>
      %dma_wait3A_1057 = arith.constant 0 : i32
      %dma_wait3A_1058 = tpu.memref_slice %arg5[%dma_wait3A_1057] : memref<6400000xf32, #tpu.memory_space<hbm>> -> memref<2000xf32, #tpu.memory_space<hbm>>
      %dma_wait3A_1059 = arith.constant 0 : i32
      %dma_wait3A_1060 = tpu.memref_slice %arg16[%dma_wait3A_1053, %dma_wait3A_1059] : memref<3x2000xf32, #tpu.memory_space<vmem>> -> memref<1x2000xf32, #tpu.memory_space<vmem>>
      %dma_wait3A_1061 = tpu.memref_squeeze %dma_wait3A_1060 : memref<1x2000xf32, #tpu.memory_space<vmem>> -> memref<2000xf32, #tpu.memory_space<vmem>>
      %dma_wait3A_1062 = arith.constant 0 : i32
      %dma_wait3A_1063 = tpu.memref_slice %arg5[%dma_wait3A_1062] : memref<6400000xf32, #tpu.memory_space<hbm>> -> memref<2000xf32, #tpu.memory_space<hbm>>
      tpu.wait_dma2 semaphore(%arg19 : memref<!tpu.dma_semaphore, #tpu.memory_space<semaphore_mem>>) src(%dma_wait3A_1063 : memref<2000xf32, #tpu.memory_space<hbm>>) dst(%dma_wait3A_1061 : memref<2000xf32, #tpu.memory_space<vmem>>)
      %dma_wait3A_1064 = arith.constant 1 : i32
      %dma_wait3A_1065 = arith.constant 0 : i32
      %dma_wait3A_1066 = tpu.memref_slice %arg16[%dma_wait3A_1064, %dma_wait3A_1065] : memref<3x2000xf32, #tpu.memory_space<vmem>> -> memref<1x2000xf32, #tpu.memory_space<vmem>>
      %dma_wait3A_1067 = tpu.memref_squeeze %dma_wait3A_1066 : memref<1x2000xf32, #tpu.memory_space<vmem>> -> memref<2000xf32, #tpu.memory_space<vmem>>
      %dma_wait3A_1068 = arith.constant 0 : i32
      %dma_wait3A_1069 = tpu.memref_slice %arg6[%dma_wait3A_1068] : memref<6400000xf32, #tpu.memory_space<hbm>> -> memref<2000xf32, #tpu.memory_space<hbm>>
      %dma_wait3A_1070 = arith.constant 0 : i32
      %dma_wait3A_1071 = tpu.memref_slice %arg16[%dma_wait3A_1064, %dma_wait3A_1070] : memref<3x2000xf32, #tpu.memory_space<vmem>> -> memref<1x2000xf32, #tpu.memory_space<vmem>>
      %dma_wait3A_1072 = tpu.memref_squeeze %dma_wait3A_1071 : memref<1x2000xf32, #tpu.memory_space<vmem>> -> memref<2000xf32, #tpu.memory_space<vmem>>
      %dma_wait3A_1073 = arith.constant 0 : i32
      %dma_wait3A_1074 = tpu.memref_slice %arg6[%dma_wait3A_1073] : memref<6400000xf32, #tpu.memory_space<hbm>> -> memref<2000xf32, #tpu.memory_space<hbm>>
      tpu.wait_dma2 semaphore(%arg19 : memref<!tpu.dma_semaphore, #tpu.memory_space<semaphore_mem>>) src(%dma_wait3A_1074 : memref<2000xf32, #tpu.memory_space<hbm>>) dst(%dma_wait3A_1072 : memref<2000xf32, #tpu.memory_space<vmem>>)
      %dma_wait3A_1075 = arith.constant 2 : i32
      %dma_wait3A_1076 = arith.constant 0 : i32
      %dma_wait3A_1077 = tpu.memref_slice %arg16[%dma_wait3A_1075, %dma_wait3A_1076] : memref<3x2000xf32, #tpu.memory_space<vmem>> -> memref<1x2000xf32, #tpu.memory_space<vmem>>
      %dma_wait3A_1078 = tpu.memref_squeeze %dma_wait3A_1077 : memref<1x2000xf32, #tpu.memory_space<vmem>> -> memref<2000xf32, #tpu.memory_space<vmem>>
      %dma_wait3A_1079 = arith.constant 0 : i32
      %dma_wait3A_1080 = tpu.memref_slice %arg7[%dma_wait3A_1079] : memref<6400000xf32, #tpu.memory_space<hbm>> -> memref<2000xf32, #tpu.memory_space<hbm>>
      %dma_wait3A_1081 = arith.constant 0 : i32
      %dma_wait3A_1082 = tpu.memref_slice %arg16[%dma_wait3A_1075, %dma_wait3A_1081] : memref<3x2000xf32, #tpu.memory_space<vmem>> -> memref<1x2000xf32, #tpu.memory_space<vmem>>
      %dma_wait3A_1083 = tpu.memref_squeeze %dma_wait3A_1082 : memref<1x2000xf32, #tpu.memory_space<vmem>> -> memref<2000xf32, #tpu.memory_space<vmem>>
      %dma_wait3A_1084 = arith.constant 0 : i32
      %dma_wait3A_1085 = tpu.memref_slice %arg7[%dma_wait3A_1084] : memref<6400000xf32, #tpu.memory_space<hbm>> -> memref<2000xf32, #tpu.memory_space<hbm>>
      tpu.wait_dma2 semaphore(%arg19 : memref<!tpu.dma_semaphore, #tpu.memory_space<semaphore_mem>>) src(%dma_wait3A_1085 : memref<2000xf32, #tpu.memory_space<hbm>>) dst(%dma_wait3A_1083 : memref<2000xf32, #tpu.memory_space<vmem>>)
      %scan3A_1086 = arith.constant 0 : i32
      %scan3A_1087 = arith.constant 0 : i32
      %scan3A_1088 = arith.constant 25 : i32
      %scan3A_1089 = arith.addi %scan3A_1087, %scan3A_1088 : i32
      %scan3A_1090 = arith.constant 1 : i32
      scf.for %scan3A_1238 = %scan3A_1087 to %scan3A_1089 step %scan3A_1090  : i32 {
        %dma_start3A_1239 = arith.constant 0 : i32
        %dma_start3A_1240 = arith.constant 0 : i32
        %dma_start3A_1241 = tpu.memref_slice %arg14[%scan3A_1238, %dma_start3A_1239, %dma_start3A_1240] : memref<25x80x8xf32, #tpu.memory_space<vmem>> -> memref<1x80x8xf32, #tpu.memory_space<vmem>>
        %dma_start3A_1242 = tpu.memref_squeeze %dma_start3A_1241 : memref<1x80x8xf32, #tpu.memory_space<vmem>> -> memref<80x8xf32, #tpu.memory_space<vmem>>
        %dma_start3A_1243 = arith.constant 0 : i32
        %dma_start3A_1244 = tpu.memref_slice %arg12[%scan3A_1238, %dma_start3A_1243] : memref<25x80xi32, #tpu.memory_space<vmem>> -> memref<1x80xi32, #tpu.memory_space<vmem>>
        %dma_start3A_1245 = tpu.memref_squeeze %dma_start3A_1244 : memref<1x80xi32, #tpu.memory_space<vmem>> -> memref<80xi32, #tpu.memory_space<vmem>>
        %dma_start3A_1246 = arith.constant 0 : i32
        %dma_start3A_1247 = arith.constant 0 : i32
        %dma_start3A_1248 = tpu.memref_slice %arg2[%dma_start3A_1246, %dma_start3A_1247] : memref<100000x8xf32, #tpu.memory_space<hbm>> -> memref<100000x8xf32, #tpu.memory_space<hbm>>
        tpu.enqueue_indirect_dma source(%dma_start3A_1248 : memref<100000x8xf32, #tpu.memory_space<hbm>>) target(%dma_start3A_1242 : memref<80x8xf32, #tpu.memory_space<vmem>>) offsets(%dma_start3A_1245 : memref<80xi32, #tpu.memory_space<vmem>>) semaphore(%arg20 : memref<!tpu.dma_semaphore, #tpu.memory_space<semaphore_mem>>)
        %dma_start3A_1249 = arith.constant 0 : i32
        %dma_start3A_1250 = arith.constant 0 : i32
        %dma_start3A_1251 = tpu.memref_slice %arg15[%scan3A_1238, %dma_start3A_1249, %dma_start3A_1250] : memref<25x80x8xf32, #tpu.memory_space<vmem>> -> memref<1x80x8xf32, #tpu.memory_space<vmem>>
        %dma_start3A_1252 = tpu.memref_squeeze %dma_start3A_1251 : memref<1x80x8xf32, #tpu.memory_space<vmem>> -> memref<80x8xf32, #tpu.memory_space<vmem>>
        %dma_start3A_1253 = arith.constant 0 : i32
        %dma_start3A_1254 = tpu.memref_slice %arg13[%scan3A_1238, %dma_start3A_1253] : memref<25x80xi32, #tpu.memory_space<vmem>> -> memref<1x80xi32, #tpu.memory_space<vmem>>
        %dma_start3A_1255 = tpu.memref_squeeze %dma_start3A_1254 : memref<1x80xi32, #tpu.memory_space<vmem>> -> memref<80xi32, #tpu.memory_space<vmem>>
        %dma_start3A_1256 = arith.constant 0 : i32
        %dma_start3A_1257 = arith.constant 0 : i32
        %dma_start3A_1258 = tpu.memref_slice %arg2[%dma_start3A_1256, %dma_start3A_1257] : memref<100000x8xf32, #tpu.memory_space<hbm>> -> memref<100000x8xf32, #tpu.memory_space<hbm>>
        tpu.enqueue_indirect_dma source(%dma_start3A_1258 : memref<100000x8xf32, #tpu.memory_space<hbm>>) target(%dma_start3A_1252 : memref<80x8xf32, #tpu.memory_space<vmem>>) offsets(%dma_start3A_1255 : memref<80xi32, #tpu.memory_space<vmem>>) semaphore(%arg20 : memref<!tpu.dma_semaphore, #tpu.memory_space<semaphore_mem>>)
      }
      %scan3A_1091 = arith.constant 25 : i32
      %dma_wait3A_1092 = arith.constant 0 : i32
      %dma_wait3A_1093 = arith.constant 0 : i32
      %dma_wait3A_1094 = tpu.memref_slice %arg27[%dma_wait3A_1092, %dma_wait3A_1093] : memref<3x2000xf32, #tpu.memory_space<vmem>> -> memref<1x2000xf32, #tpu.memory_space<vmem>>
      %dma_wait3A_1095 = tpu.memref_squeeze %dma_wait3A_1094 : memref<1x2000xf32, #tpu.memory_space<vmem>> -> memref<2000xf32, #tpu.memory_space<vmem>>
      %dma_wait3A_1096 = arith.constant 0 : i32
      %dma_wait3A_1097 = tpu.memref_slice %arg8[%dma_wait3A_1096] : memref<6400000xf32, #tpu.memory_space<hbm>> -> memref<2000xf32, #tpu.memory_space<hbm>>
      %dma_wait3A_1098 = arith.constant 0 : i32
      %dma_wait3A_1099 = tpu.memref_slice %arg8[%dma_wait3A_1098] : memref<6400000xf32, #tpu.memory_space<hbm>> -> memref<2000xf32, #tpu.memory_space<hbm>>
      %dma_wait3A_1100 = arith.constant 0 : i32
      %dma_wait3A_1101 = tpu.memref_slice %arg27[%dma_wait3A_1092, %dma_wait3A_1100] : memref<3x2000xf32, #tpu.memory_space<vmem>> -> memref<1x2000xf32, #tpu.memory_space<vmem>>
      %dma_wait3A_1102 = tpu.memref_squeeze %dma_wait3A_1101 : memref<1x2000xf32, #tpu.memory_space<vmem>> -> memref<2000xf32, #tpu.memory_space<vmem>>
      tpu.wait_dma2 semaphore(%arg31 : memref<!tpu.dma_semaphore, #tpu.memory_space<semaphore_mem>>) src(%dma_wait3A_1102 : memref<2000xf32, #tpu.memory_space<vmem>>) dst(%dma_wait3A_1099 : memref<2000xf32, #tpu.memory_space<hbm>>)
      %dma_wait3A_1103 = arith.constant 1 : i32
      %dma_wait3A_1104 = arith.constant 0 : i32
      %dma_wait3A_1105 = tpu.memref_slice %arg27[%dma_wait3A_1103, %dma_wait3A_1104] : memref<3x2000xf32, #tpu.memory_space<vmem>> -> memref<1x2000xf32, #tpu.memory_space<vmem>>
      %dma_wait3A_1106 = tpu.memref_squeeze %dma_wait3A_1105 : memref<1x2000xf32, #tpu.memory_space<vmem>> -> memref<2000xf32, #tpu.memory_space<vmem>>
      %dma_wait3A_1107 = arith.constant 0 : i32
      %dma_wait3A_1108 = tpu.memref_slice %arg9[%dma_wait3A_1107] : memref<6400000xf32, #tpu.memory_space<hbm>> -> memref<2000xf32, #tpu.memory_space<hbm>>
      %dma_wait3A_1109 = arith.constant 0 : i32
      %dma_wait3A_1110 = tpu.memref_slice %arg9[%dma_wait3A_1109] : memref<6400000xf32, #tpu.memory_space<hbm>> -> memref<2000xf32, #tpu.memory_space<hbm>>
      %dma_wait3A_1111 = arith.constant 0 : i32
      %dma_wait3A_1112 = tpu.memref_slice %arg27[%dma_wait3A_1103, %dma_wait3A_1111] : memref<3x2000xf32, #tpu.memory_space<vmem>> -> memref<1x2000xf32, #tpu.memory_space<vmem>>
      %dma_wait3A_1113 = tpu.memref_squeeze %dma_wait3A_1112 : memref<1x2000xf32, #tpu.memory_space<vmem>> -> memref<2000xf32, #tpu.memory_space<vmem>>
      tpu.wait_dma2 semaphore(%arg31 : memref<!tpu.dma_semaphore, #tpu.memory_space<semaphore_mem>>) src(%dma_wait3A_1113 : memref<2000xf32, #tpu.memory_space<vmem>>) dst(%dma_wait3A_1110 : memref<2000xf32, #tpu.memory_space<hbm>>)
      %dma_wait3A_1114 = arith.constant 2 : i32
      %dma_wait3A_1115 = arith.constant 0 : i32
      %dma_wait3A_1116 = tpu.memref_slice %arg27[%dma_wait3A_1114, %dma_wait3A_1115] : memref<3x2000xf32, #tpu.memory_space<vmem>> -> memref<1x2000xf32, #tpu.memory_space<vmem>>
      %dma_wait3A_1117 = tpu.memref_squeeze %dma_wait3A_1116 : memref<1x2000xf32, #tpu.memory_space<vmem>> -> memref<2000xf32, #tpu.memory_space<vmem>>
      %dma_wait3A_1118 = arith.constant 0 : i32
      %dma_wait3A_1119 = tpu.memref_slice %arg10[%dma_wait3A_1118] : memref<6400000xf32, #tpu.memory_space<hbm>> -> memref<2000xf32, #tpu.memory_space<hbm>>
      %dma_wait3A_1120 = arith.constant 0 : i32
      %dma_wait3A_1121 = tpu.memref_slice %arg10[%dma_wait3A_1120] : memref<6400000xf32, #tpu.memory_space<hbm>> -> memref<2000xf32, #tpu.memory_space<hbm>>
      %dma_wait3A_1122 = arith.constant 0 : i32
      %dma_wait3A_1123 = tpu.memref_slice %arg27[%dma_wait3A_1114, %dma_wait3A_1122] : memref<3x2000xf32, #tpu.memory_space<vmem>> -> memref<1x2000xf32, #tpu.memory_space<vmem>>
      %dma_wait3A_1124 = tpu.memref_squeeze %dma_wait3A_1123 : memref<1x2000xf32, #tpu.memory_space<vmem>> -> memref<2000xf32, #tpu.memory_space<vmem>>
      tpu.wait_dma2 semaphore(%arg31 : memref<!tpu.dma_semaphore, #tpu.memory_space<semaphore_mem>>) src(%dma_wait3A_1124 : memref<2000xf32, #tpu.memory_space<vmem>>) dst(%dma_wait3A_1121 : memref<2000xf32, #tpu.memory_space<hbm>>)
      %dma_wait3A_1125 = arith.constant 0 : i32
      %dma_wait3A_1126 = tpu.memref_slice %arg11[%dma_wait3A_1125] : memref<6400000xf32, #tpu.memory_space<hbm>> -> memref<2000xf32, #tpu.memory_space<hbm>>
      %dma_wait3A_1127 = arith.constant 0 : i32
      %dma_wait3A_1128 = tpu.memref_slice %arg11[%dma_wait3A_1127] : memref<6400000xf32, #tpu.memory_space<hbm>> -> memref<2000xf32, #tpu.memory_space<hbm>>
      tpu.wait_dma2 semaphore(%arg31 : memref<!tpu.dma_semaphore, #tpu.memory_space<semaphore_mem>>) src(%arg28 : memref<2000xf32, #tpu.memory_space<vmem>>) dst(%dma_wait3A_1128 : memref<2000xf32, #tpu.memory_space<hbm>>)
      %parallel_loop3A_1129 = arith.constant 0 : i32
      %parallel_loop3A_1130 = arith.constant 125 : i32
      %parallel_loop3A_1131 = arith.constant 1 : i32
      scf.for %parallel_loop3A_1238 = %parallel_loop3A_1129 to %parallel_loop3A_1130 step %parallel_loop3A_1131  : i32 {
        %parallel_loop3A_1239 = arith.constant 5 : i32
        %parallel_loop3A_1240 = arith.divsi %parallel_loop3A_1238, %parallel_loop3A_1239 : i32
        %parallel_loop3A_1241 = arith.constant 0 : i32
        %parallel_loop3A_1242 = arith.cmpi sgt, %parallel_loop3A_1238, %parallel_loop3A_1241 : i32
        %parallel_loop3A_1243 = arith.extui %parallel_loop3A_1242 : i1 to i32
        %parallel_loop3A_1244 = arith.constant 0 : i32
        %parallel_loop3A_1245 = arith.cmpi slt, %parallel_loop3A_1238, %parallel_loop3A_1244 : i32
        %parallel_loop3A_1246 = arith.extui %parallel_loop3A_1245 : i1 to i32
        %parallel_loop3A_1247 = arith.subi %parallel_loop3A_1243, %parallel_loop3A_1246 : i32
        %parallel_loop3A_1248 = arith.constant 0 : i32
        %parallel_loop3A_1249 = arith.cmpi sgt, %parallel_loop3A_1239, %parallel_loop3A_1248 : i32
        %parallel_loop3A_1250 = arith.extui %parallel_loop3A_1249 : i1 to i32
        %parallel_loop3A_1251 = arith.constant 0 : i32
        %parallel_loop3A_1252 = arith.cmpi slt, %parallel_loop3A_1239, %parallel_loop3A_1251 : i32
        %parallel_loop3A_1253 = arith.extui %parallel_loop3A_1252 : i1 to i32
        %parallel_loop3A_1254 = arith.subi %parallel_loop3A_1250, %parallel_loop3A_1253 : i32
        %parallel_loop3A_1255 = arith.cmpi ne, %parallel_loop3A_1247, %parallel_loop3A_1254 : i32
        %parallel_loop3A_1256 = arith.remsi %parallel_loop3A_1238, %parallel_loop3A_1239 : i32
        %parallel_loop3A_1257 = arith.constant 0 : i32
        %parallel_loop3A_1258 = arith.cmpi ne, %parallel_loop3A_1256, %parallel_loop3A_1257 : i32
        %parallel_loop3A_1259 = arith.andi %parallel_loop3A_1255, %parallel_loop3A_1258 : i1
        %parallel_loop3A_1260 = arith.constant 1 : i32
        %parallel_loop3A_1261 = arith.subi %parallel_loop3A_1240, %parallel_loop3A_1260 : i32
        %parallel_loop3A_1262 = arith.select %parallel_loop3A_1259, %parallel_loop3A_1261, %parallel_loop3A_1240 : i32
        %parallel_loop3A_1263 = vector.broadcast %parallel_loop3A_1262 : i32 to vector<16xi32>
        %parallel_loop3A_1264 = arith.constant 5 : i32
        %parallel_loop3A_1265 = arith.constant 0 : i32
        %parallel_loop3A_1266 = arith.cmpi eq, %parallel_loop3A_1264, %parallel_loop3A_1265 : i32
        %parallel_loop3A_1267 = arith.constant 1 : i32
        %parallel_loop3A_1268 = arith.select %parallel_loop3A_1266, %parallel_loop3A_1267, %parallel_loop3A_1264 : i32
        %parallel_loop3A_1269 = arith.remsi %parallel_loop3A_1238, %parallel_loop3A_1268 : i32
        %parallel_loop3A_1270 = arith.constant 0 : i32
        %parallel_loop3A_1271 = arith.cmpi ne, %parallel_loop3A_1269, %parallel_loop3A_1270 : i32
        %parallel_loop3A_1272 = arith.constant 0 : i32
        %parallel_loop3A_1273 = arith.cmpi slt, %parallel_loop3A_1269, %parallel_loop3A_1272 : i32
        %parallel_loop3A_1274 = arith.constant 0 : i32
        %parallel_loop3A_1275 = arith.cmpi slt, %parallel_loop3A_1268, %parallel_loop3A_1274 : i32
        %parallel_loop3A_1276 = arith.xori %parallel_loop3A_1273, %parallel_loop3A_1275 : i1
        %parallel_loop3A_1277 = arith.andi %parallel_loop3A_1276, %parallel_loop3A_1271 : i1
        %parallel_loop3A_1278 = arith.addi %parallel_loop3A_1269, %parallel_loop3A_1268 : i32
        %parallel_loop3A_1279 = arith.select %parallel_loop3A_1277, %parallel_loop3A_1278, %parallel_loop3A_1269 : i32
        %parallel_loop3A_1280 = arith.constant 16 : i32
        %parallel_loop3A_1281 = arith.muli %parallel_loop3A_1279, %parallel_loop3A_1280 : i32
        %parallel_loop3A_1282 = vector.broadcast %parallel_loop3A_1281 : i32 to vector<16xi32>
        %parallel_loop3A_1283 = arith.addi %parallel_loop3A_1282, %iota3A : vector<16xi32>
        %parallel_loop3A_1284 = arith.constant 16 : i32
        %parallel_loop3A_1285 = arith.muli %parallel_loop3A_1238, %parallel_loop3A_1284 : i32
        %parallel_loop3A_1286 = vector.broadcast %parallel_loop3A_1285 : i32 to vector<16xi32>
        %parallel_loop3A_1287 = arith.addi %parallel_loop3A_1286, %iota3A : vector<16xi32>
        %parallel_loop3A_1288 = arith.constant 0 : i32
        %parallel_loop3A_1289 = vector.broadcast %parallel_loop3A_1288 : i32 to vector<16xi32>
        %parallel_loop3A_1290 = tpu.vector_load_idx %arg24[%parallel_loop3A_1263, %parallel_loop3A_1283, %parallel_loop3A_1289] : memref<25x80x8xf32, #tpu.memory_space<vmem>>[vector<16xi32>, vector<16xi32>, vector<16xi32>], vector<16xf32>,
        %parallel_loop3A_1291 = arith.constant 1 : i32
        %parallel_loop3A_1292 = vector.broadcast %parallel_loop3A_1291 : i32 to vector<16xi32>
        %parallel_loop3A_1293 = tpu.vector_load_idx %arg24[%parallel_loop3A_1263, %parallel_loop3A_1283, %parallel_loop3A_1292] : memref<25x80x8xf32, #tpu.memory_space<vmem>>[vector<16xi32>, vector<16xi32>, vector<16xi32>], vector<16xf32>,
        %parallel_loop3A_1294 = arith.constant 2 : i32
        %parallel_loop3A_1295 = vector.broadcast %parallel_loop3A_1294 : i32 to vector<16xi32>
        %parallel_loop3A_1296 = tpu.vector_load_idx %arg24[%parallel_loop3A_1263, %parallel_loop3A_1283, %parallel_loop3A_1295] : memref<25x80x8xf32, #tpu.memory_space<vmem>>[vector<16xi32>, vector<16xi32>, vector<16xi32>], vector<16xf32>,
        %parallel_loop3A_1297 = arith.constant 3 : i32
        %parallel_loop3A_1298 = vector.broadcast %parallel_loop3A_1297 : i32 to vector<16xi32>
        %parallel_loop3A_1299 = tpu.vector_load_idx %arg24[%parallel_loop3A_1263, %parallel_loop3A_1283, %parallel_loop3A_1298] : memref<25x80x8xf32, #tpu.memory_space<vmem>>[vector<16xi32>, vector<16xi32>, vector<16xi32>], vector<16xf32>,
        %parallel_loop3A_1300 = arith.fptosi %parallel_loop3A_1299 : vector<16xf32> to vector<16xi32>
        %parallel_loop3A_1301 = arith.constant 0 : i32
        %parallel_loop3A_1302 = vector.broadcast %parallel_loop3A_1301 : i32 to vector<16xi32>
        %parallel_loop3A_1303 = tpu.vector_load_idx %arg25[%parallel_loop3A_1263, %parallel_loop3A_1283, %parallel_loop3A_1302] : memref<25x80x8xf32, #tpu.memory_space<vmem>>[vector<16xi32>, vector<16xi32>, vector<16xi32>], vector<16xf32>,
        %parallel_loop3A_1304 = arith.constant 1 : i32
        %parallel_loop3A_1305 = vector.broadcast %parallel_loop3A_1304 : i32 to vector<16xi32>
        %parallel_loop3A_1306 = tpu.vector_load_idx %arg25[%parallel_loop3A_1263, %parallel_loop3A_1283, %parallel_loop3A_1305] : memref<25x80x8xf32, #tpu.memory_space<vmem>>[vector<16xi32>, vector<16xi32>, vector<16xi32>], vector<16xf32>,
        %parallel_loop3A_1307 = arith.constant 2 : i32
        %parallel_loop3A_1308 = vector.broadcast %parallel_loop3A_1307 : i32 to vector<16xi32>
        %parallel_loop3A_1309 = tpu.vector_load_idx %arg25[%parallel_loop3A_1263, %parallel_loop3A_1283, %parallel_loop3A_1308] : memref<25x80x8xf32, #tpu.memory_space<vmem>>[vector<16xi32>, vector<16xi32>, vector<16xi32>], vector<16xf32>,
        %parallel_loop3A_1310 = arith.constant 0 : i32
        %parallel_loop3A_1311 = vector.broadcast %parallel_loop3A_1310 : i32 to vector<16xi32>
        %parallel_loop3A_1312 = tpu.vector_load_idx %arg26[%parallel_loop3A_1311, %parallel_loop3A_1287] : memref<3x2000xf32, #tpu.memory_space<vmem>>[vector<16xi32>, vector<16xi32>], vector<16xf32>,
        %parallel_loop3A_1313 = arith.constant 1 : i32
        %parallel_loop3A_1314 = vector.broadcast %parallel_loop3A_1313 : i32 to vector<16xi32>
        %parallel_loop3A_1315 = tpu.vector_load_idx %arg26[%parallel_loop3A_1314, %parallel_loop3A_1287] : memref<3x2000xf32, #tpu.memory_space<vmem>>[vector<16xi32>, vector<16xi32>], vector<16xf32>,
        %parallel_loop3A_1316 = arith.constant 2 : i32
        %parallel_loop3A_1317 = vector.broadcast %parallel_loop3A_1316 : i32 to vector<16xi32>
        %parallel_loop3A_1318 = tpu.vector_load_idx %arg26[%parallel_loop3A_1317, %parallel_loop3A_1287] : memref<3x2000xf32, #tpu.memory_space<vmem>>[vector<16xi32>, vector<16xi32>], vector<16xf32>,
        %parallel_loop3A_1319 = arith.constant 9 : i32
        %parallel_loop3A_1320 = vector.broadcast %parallel_loop3A_1319 : i32 to vector<16xi32>
        %parallel_loop3A_1321 = arith.muli %parallel_loop3A_1300, %parallel_loop3A_1320 : vector<16xi32>
        %parallel_loop3A_1322 = arith.subf %parallel_loop3A_1303, %parallel_loop3A_1290 : vector<16xf32>
        %parallel_loop3A_1323 = tpu.vector_load_idx %arg32[%parallel_loop3A_1321] : memref<144xf32, #tpu.memory_space<vmem>>[vector<16xi32>], vector<16xf32>,
        %parallel_loop3A_1324 = arith.mulf %parallel_loop3A_1312, %parallel_loop3A_1323 : vector<16xf32>
        %parallel_loop3A_1325 = arith.addf %parallel_loop3A_1322, %parallel_loop3A_1324 : vector<16xf32>
        %parallel_loop3A_1326 = arith.constant 3 : i32
        %parallel_loop3A_1327 = vector.broadcast %parallel_loop3A_1326 : i32 to vector<16xi32>
        %parallel_loop3A_1328 = arith.addi %parallel_loop3A_1321, %parallel_loop3A_1327 : vector<16xi32>
        %parallel_loop3A_1329 = tpu.vector_load_idx %arg32[%parallel_loop3A_1328] : memref<144xf32, #tpu.memory_space<vmem>>[vector<16xi32>], vector<16xf32>,
        %parallel_loop3A_1330 = arith.mulf %parallel_loop3A_1315, %parallel_loop3A_1329 : vector<16xf32>
        %parallel_loop3A_1331 = arith.addf %parallel_loop3A_1325, %parallel_loop3A_1330 : vector<16xf32>
        %parallel_loop3A_1332 = arith.constant 6 : i32
        %parallel_loop3A_1333 = vector.broadcast %parallel_loop3A_1332 : i32 to vector<16xi32>
        %parallel_loop3A_1334 = arith.addi %parallel_loop3A_1321, %parallel_loop3A_1333 : vector<16xi32>
        %parallel_loop3A_1335 = tpu.vector_load_idx %arg32[%parallel_loop3A_1334] : memref<144xf32, #tpu.memory_space<vmem>>[vector<16xi32>], vector<16xf32>,
        %parallel_loop3A_1336 = arith.mulf %parallel_loop3A_1318, %parallel_loop3A_1335 : vector<16xf32>
        %parallel_loop3A_1337 = arith.addf %parallel_loop3A_1331, %parallel_loop3A_1336 : vector<16xf32>
        %parallel_loop3A_1338 = arith.subf %parallel_loop3A_1306, %parallel_loop3A_1293 : vector<16xf32>
        %parallel_loop3A_1339 = arith.constant 1 : i32
        %parallel_loop3A_1340 = vector.broadcast %parallel_loop3A_1339 : i32 to vector<16xi32>
        %parallel_loop3A_1341 = arith.addi %parallel_loop3A_1321, %parallel_loop3A_1340 : vector<16xi32>
        %parallel_loop3A_1342 = tpu.vector_load_idx %arg32[%parallel_loop3A_1341] : memref<144xf32, #tpu.memory_space<vmem>>[vector<16xi32>], vector<16xf32>,
        %parallel_loop3A_1343 = arith.mulf %parallel_loop3A_1312, %parallel_loop3A_1342 : vector<16xf32>
        %parallel_loop3A_1344 = arith.addf %parallel_loop3A_1338, %parallel_loop3A_1343 : vector<16xf32>
        %parallel_loop3A_1345 = arith.constant 4 : i32
        %parallel_loop3A_1346 = vector.broadcast %parallel_loop3A_1345 : i32 to vector<16xi32>
        %parallel_loop3A_1347 = arith.addi %parallel_loop3A_1321, %parallel_loop3A_1346 : vector<16xi32>
        %parallel_loop3A_1348 = tpu.vector_load_idx %arg32[%parallel_loop3A_1347] : memref<144xf32, #tpu.memory_space<vmem>>[vector<16xi32>], vector<16xf32>,
        %parallel_loop3A_1349 = arith.mulf %parallel_loop3A_1315, %parallel_loop3A_1348 : vector<16xf32>
        %parallel_loop3A_1350 = arith.addf %parallel_loop3A_1344, %parallel_loop3A_1349 : vector<16xf32>
        %parallel_loop3A_1351 = arith.constant 7 : i32
        %parallel_loop3A_1352 = vector.broadcast %parallel_loop3A_1351 : i32 to vector<16xi32>
        %parallel_loop3A_1353 = arith.addi %parallel_loop3A_1321, %parallel_loop3A_1352 : vector<16xi32>
        %parallel_loop3A_1354 = tpu.vector_load_idx %arg32[%parallel_loop3A_1353] : memref<144xf32, #tpu.memory_space<vmem>>[vector<16xi32>], vector<16xf32>,
        %parallel_loop3A_1355 = arith.mulf %parallel_loop3A_1318, %parallel_loop3A_1354 : vector<16xf32>
        %parallel_loop3A_1356 = arith.addf %parallel_loop3A_1350, %parallel_loop3A_1355 : vector<16xf32>
        %parallel_loop3A_1357 = arith.subf %parallel_loop3A_1309, %parallel_loop3A_1296 : vector<16xf32>
        %parallel_loop3A_1358 = arith.constant 2 : i32
        %parallel_loop3A_1359 = vector.broadcast %parallel_loop3A_1358 : i32 to vector<16xi32>
        %parallel_loop3A_1360 = arith.addi %parallel_loop3A_1321, %parallel_loop3A_1359 : vector<16xi32>
        %parallel_loop3A_1361 = tpu.vector_load_idx %arg32[%parallel_loop3A_1360] : memref<144xf32, #tpu.memory_space<vmem>>[vector<16xi32>], vector<16xf32>,
        %parallel_loop3A_1362 = arith.mulf %parallel_loop3A_1312, %parallel_loop3A_1361 : vector<16xf32>
        %parallel_loop3A_1363 = arith.addf %parallel_loop3A_1357, %parallel_loop3A_1362 : vector<16xf32>
        %parallel_loop3A_1364 = arith.constant 5 : i32
        %parallel_loop3A_1365 = vector.broadcast %parallel_loop3A_1364 : i32 to vector<16xi32>
        %parallel_loop3A_1366 = arith.addi %parallel_loop3A_1321, %parallel_loop3A_1365 : vector<16xi32>
        %parallel_loop3A_1367 = tpu.vector_load_idx %arg32[%parallel_loop3A_1366] : memref<144xf32, #tpu.memory_space<vmem>>[vector<16xi32>], vector<16xf32>,
        %parallel_loop3A_1368 = arith.mulf %parallel_loop3A_1315, %parallel_loop3A_1367 : vector<16xf32>
        %parallel_loop3A_1369 = arith.addf %parallel_loop3A_1363, %parallel_loop3A_1368 : vector<16xf32>
        %parallel_loop3A_1370 = arith.constant 8 : i32
        %parallel_loop3A_1371 = vector.broadcast %parallel_loop3A_1370 : i32 to vector<16xi32>
        %parallel_loop3A_1372 = arith.addi %parallel_loop3A_1321, %parallel_loop3A_1371 : vector<16xi32>
        %parallel_loop3A_1373 = tpu.vector_load_idx %arg32[%parallel_loop3A_1372] : memref<144xf32, #tpu.memory_space<vmem>>[vector<16xi32>], vector<16xf32>,
        %parallel_loop3A_1374 = arith.mulf %parallel_loop3A_1318, %parallel_loop3A_1373 : vector<16xf32>
        %parallel_loop3A_1375 = arith.addf %parallel_loop3A_1369, %parallel_loop3A_1374 : vector<16xf32>
        %parallel_loop3A_1376 = arith.mulf %parallel_loop3A_1337, %parallel_loop3A_1337 : vector<16xf32>
        %parallel_loop3A_1377 = arith.mulf %parallel_loop3A_1356, %parallel_loop3A_1356 : vector<16xf32>
        %parallel_loop3A_1378 = arith.addf %parallel_loop3A_1376, %parallel_loop3A_1377 : vector<16xf32>
        %parallel_loop3A_1379 = arith.mulf %parallel_loop3A_1375, %parallel_loop3A_1375 : vector<16xf32>
        %parallel_loop3A_1380 = arith.addf %parallel_loop3A_1378, %parallel_loop3A_1379 : vector<16xf32>
        %parallel_loop3A_1381 = vector.bitcast %parallel_loop3A_1380 : vector<16xf32> to vector<16xi32>
        %parallel_loop3A_1382 = arith.constant 1 : i32
        %parallel_loop3A_1383 = vector.broadcast %parallel_loop3A_1382 : i32 to vector<16xi32>
        %parallel_loop3A_1384 = arith.shrsi %parallel_loop3A_1381, %parallel_loop3A_1383 : vector<16xi32>
        %parallel_loop3A_1385 = arith.constant 1597463007 : i32
        %parallel_loop3A_1386 = vector.broadcast %parallel_loop3A_1385 : i32 to vector<16xi32>
        %parallel_loop3A_1387 = arith.subi %parallel_loop3A_1386, %parallel_loop3A_1384 : vector<16xi32>
        %parallel_loop3A_1388 = vector.bitcast %parallel_loop3A_1387 : vector<16xi32> to vector<16xf32>
        %parallel_loop3A_1389 = arith.constant 5.000000e-01 : f32
        %parallel_loop3A_1390 = vector.broadcast %parallel_loop3A_1389 : f32 to vector<16xf32>
        %parallel_loop3A_1391 = arith.mulf %parallel_loop3A_1390, %parallel_loop3A_1380 : vector<16xf32>
        %parallel_loop3A_1392 = arith.mulf %parallel_loop3A_1391, %parallel_loop3A_1388 : vector<16xf32>
        %parallel_loop3A_1393 = arith.mulf %parallel_loop3A_1392, %parallel_loop3A_1388 : vector<16xf32>
        %parallel_loop3A_1394 = arith.constant 1.500000e+00 : f32
        %parallel_loop3A_1395 = vector.broadcast %parallel_loop3A_1394 : f32 to vector<16xf32>
        %parallel_loop3A_1396 = arith.subf %parallel_loop3A_1395, %parallel_loop3A_1393 : vector<16xf32>
        %parallel_loop3A_1397 = arith.mulf %parallel_loop3A_1388, %parallel_loop3A_1396 : vector<16xf32>
        %parallel_loop3A_1398 = arith.constant 5.000000e-01 : f32
        %parallel_loop3A_1399 = vector.broadcast %parallel_loop3A_1398 : f32 to vector<16xf32>
        %parallel_loop3A_1400 = arith.mulf %parallel_loop3A_1399, %parallel_loop3A_1380 : vector<16xf32>
        %parallel_loop3A_1401 = arith.mulf %parallel_loop3A_1400, %parallel_loop3A_1397 : vector<16xf32>
        %parallel_loop3A_1402 = arith.mulf %parallel_loop3A_1401, %parallel_loop3A_1397 : vector<16xf32>
        %parallel_loop3A_1403 = arith.constant 1.500000e+00 : f32
        %parallel_loop3A_1404 = vector.broadcast %parallel_loop3A_1403 : f32 to vector<16xf32>
        %parallel_loop3A_1405 = arith.subf %parallel_loop3A_1404, %parallel_loop3A_1402 : vector<16xf32>
        %parallel_loop3A_1406 = arith.mulf %parallel_loop3A_1397, %parallel_loop3A_1405 : vector<16xf32>
        %parallel_loop3A_1407 = arith.constant 5.000000e-01 : f32
        %parallel_loop3A_1408 = vector.broadcast %parallel_loop3A_1407 : f32 to vector<16xf32>
        %parallel_loop3A_1409 = arith.mulf %parallel_loop3A_1408, %parallel_loop3A_1380 : vector<16xf32>
        %parallel_loop3A_1410 = arith.mulf %parallel_loop3A_1409, %parallel_loop3A_1406 : vector<16xf32>
        %parallel_loop3A_1411 = arith.mulf %parallel_loop3A_1410, %parallel_loop3A_1406 : vector<16xf32>
        %parallel_loop3A_1412 = arith.constant 1.500000e+00 : f32
        %parallel_loop3A_1413 = vector.broadcast %parallel_loop3A_1412 : f32 to vector<16xf32>
        %parallel_loop3A_1414 = arith.subf %parallel_loop3A_1413, %parallel_loop3A_1411 : vector<16xf32>
        %parallel_loop3A_1415 = arith.mulf %parallel_loop3A_1406, %parallel_loop3A_1414 : vector<16xf32>
        %parallel_loop3A_1416 = arith.constant 0.000000e+00 : f32
        %parallel_loop3A_1417 = vector.broadcast %parallel_loop3A_1416 : f32 to vector<16xf32>
        %parallel_loop3A_1418 = arith.cmpf ogt, %parallel_loop3A_1380, %parallel_loop3A_1417 : vector<16xf32>
        %parallel_loop3A_1419 = arith.mulf %parallel_loop3A_1380, %parallel_loop3A_1415 : vector<16xf32>
        %parallel_loop3A_1420 = arith.constant 0.000000e+00 : f32
        %parallel_loop3A_1421 = vector.broadcast %parallel_loop3A_1420 : f32 to vector<16xf32>
        %parallel_loop3A_1422 = arith.select %parallel_loop3A_1418, %parallel_loop3A_1419, %parallel_loop3A_1421 : vector<16xi1>, vector<16xf32>
        %parallel_loop3A_1423 = arith.constant 0 : i32
        %parallel_loop3A_1424 = vector.broadcast %parallel_loop3A_1423 : i32 to vector<16xi32>
        tpu.vector_store_idx %arg27[%parallel_loop3A_1424, %parallel_loop3A_1287], %parallel_loop3A_1337 : memref<3x2000xf32, #tpu.memory_space<vmem>>[vector<16xi32>, vector<16xi32>], vector<16xf32>,
        %parallel_loop3A_1425 = arith.constant 1 : i32
        %parallel_loop3A_1426 = vector.broadcast %parallel_loop3A_1425 : i32 to vector<16xi32>
        tpu.vector_store_idx %arg27[%parallel_loop3A_1426, %parallel_loop3A_1287], %parallel_loop3A_1356 : memref<3x2000xf32, #tpu.memory_space<vmem>>[vector<16xi32>, vector<16xi32>], vector<16xf32>,
        %parallel_loop3A_1427 = arith.constant 2 : i32
        %parallel_loop3A_1428 = vector.broadcast %parallel_loop3A_1427 : i32 to vector<16xi32>
        tpu.vector_store_idx %arg27[%parallel_loop3A_1428, %parallel_loop3A_1287], %parallel_loop3A_1375 : memref<3x2000xf32, #tpu.memory_space<vmem>>[vector<16xi32>, vector<16xi32>], vector<16xf32>,
        tpu.vector_store_idx %arg28[%parallel_loop3A_1287], %parallel_loop3A_1422 : memref<2000xf32, #tpu.memory_space<vmem>>[vector<16xi32>], vector<16xf32>,
      } {sc.loop_unroll_factor = 4 : i64, sc.parallel_access}
      %mul3A_1132 = arith.constant 200000 : i32
      %mul3A_1133 = arith.muli %add3A, %mul3A_1132 : i32
      %mul3A_1134 = arith.constant 2000 : i32
      %mul3A_1135 = arith.muli %add3A_1028, %mul3A_1134 : i32
      %add3A_1136 = arith.addi %mul3A_1133, %mul3A_1135 : i32
      %dma_start3A_1137 = arith.constant 0 : i32
      %dma_start3A_1138 = arith.constant 0 : i32
      %dma_start3A_1139 = tpu.memref_slice %arg27[%dma_start3A_1137, %dma_start3A_1138] : memref<3x2000xf32, #tpu.memory_space<vmem>> -> memref<1x2000xf32, #tpu.memory_space<vmem>>
      %dma_start3A_1140 = tpu.memref_squeeze %dma_start3A_1139 : memref<1x2000xf32, #tpu.memory_space<vmem>> -> memref<2000xf32, #tpu.memory_space<vmem>>
      %dma_start3A_1141 = tpu.memref_slice %arg8[%add3A_1136] : memref<6400000xf32, #tpu.memory_space<hbm>> -> memref<2000xf32, #tpu.memory_space<hbm>>
      %dma_start3A_1142 = tpu.memref_slice %arg8[%add3A_1136] : memref<6400000xf32, #tpu.memory_space<hbm>> -> memref<2000xf32, #tpu.memory_space<hbm>>
      %dma_start3A_1143 = arith.constant 0 : i32
      %dma_start3A_1144 = tpu.memref_slice %arg27[%dma_start3A_1137, %dma_start3A_1143] : memref<3x2000xf32, #tpu.memory_space<vmem>> -> memref<1x2000xf32, #tpu.memory_space<vmem>>
      %dma_start3A_1145 = tpu.memref_squeeze %dma_start3A_1144 : memref<1x2000xf32, #tpu.memory_space<vmem>> -> memref<2000xf32, #tpu.memory_space<vmem>>
      tpu.enqueue_dma source(%dma_start3A_1145 : memref<2000xf32, #tpu.memory_space<vmem>>) target(%dma_start3A_1142 : memref<2000xf32, #tpu.memory_space<hbm>>) target_semaphore(%arg31 : memref<!tpu.dma_semaphore, #tpu.memory_space<semaphore_mem>>)
      %dma_start3A_1146 = arith.constant 1 : i32
      %dma_start3A_1147 = arith.constant 0 : i32
      %dma_start3A_1148 = tpu.memref_slice %arg27[%dma_start3A_1146, %dma_start3A_1147] : memref<3x2000xf32, #tpu.memory_space<vmem>> -> memref<1x2000xf32, #tpu.memory_space<vmem>>
      %dma_start3A_1149 = tpu.memref_squeeze %dma_start3A_1148 : memref<1x2000xf32, #tpu.memory_space<vmem>> -> memref<2000xf32, #tpu.memory_space<vmem>>
      %dma_start3A_1150 = tpu.memref_slice %arg9[%add3A_1136] : memref<6400000xf32, #tpu.memory_space<hbm>> -> memref<2000xf32, #tpu.memory_space<hbm>>
      %dma_start3A_1151 = tpu.memref_slice %arg9[%add3A_1136] : memref<6400000xf32, #tpu.memory_space<hbm>> -> memref<2000xf32, #tpu.memory_space<hbm>>
      %dma_start3A_1152 = arith.constant 0 : i32
      %dma_start3A_1153 = tpu.memref_slice %arg27[%dma_start3A_1146, %dma_start3A_1152] : memref<3x2000xf32, #tpu.memory_space<vmem>> -> memref<1x2000xf32, #tpu.memory_space<vmem>>
      %dma_start3A_1154 = tpu.memref_squeeze %dma_start3A_1153 : memref<1x2000xf32, #tpu.memory_space<vmem>> -> memref<2000xf32, #tpu.memory_space<vmem>>
      tpu.enqueue_dma source(%dma_start3A_1154 : memref<2000xf32, #tpu.memory_space<vmem>>) target(%dma_start3A_1151 : memref<2000xf32, #tpu.memory_space<hbm>>) target_semaphore(%arg31 : memref<!tpu.dma_semaphore, #tpu.memory_space<semaphore_mem>>)
      %dma_start3A_1155 = arith.constant 2 : i32
      %dma_start3A_1156 = arith.constant 0 : i32
      %dma_start3A_1157 = tpu.memref_slice %arg27[%dma_start3A_1155, %dma_start3A_1156] : memref<3x2000xf32, #tpu.memory_space<vmem>> -> memref<1x2000xf32, #tpu.memory_space<vmem>>
      %dma_start3A_1158 = tpu.memref_squeeze %dma_start3A_1157 : memref<1x2000xf32, #tpu.memory_space<vmem>> -> memref<2000xf32, #tpu.memory_space<vmem>>
      %dma_start3A_1159 = tpu.memref_slice %arg10[%add3A_1136] : memref<6400000xf32, #tpu.memory_space<hbm>> -> memref<2000xf32, #tpu.memory_space<hbm>>
      %dma_start3A_1160 = tpu.memref_slice %arg10[%add3A_1136] : memref<6400000xf32, #tpu.memory_space<hbm>> -> memref<2000xf32, #tpu.memory_space<hbm>>
      %dma_start3A_1161 = arith.constant 0 : i32
      %dma_start3A_1162 = tpu.memref_slice %arg27[%dma_start3A_1155, %dma_start3A_1161] : memref<3x2000xf32, #tpu.memory_space<vmem>> -> memref<1x2000xf32, #tpu.memory_space<vmem>>
      %dma_start3A_1163 = tpu.memref_squeeze %dma_start3A_1162 : memref<1x2000xf32, #tpu.memory_space<vmem>> -> memref<2000xf32, #tpu.memory_space<vmem>>
      tpu.enqueue_dma source(%dma_start3A_1163 : memref<2000xf32, #tpu.memory_space<vmem>>) target(%dma_start3A_1160 : memref<2000xf32, #tpu.memory_space<hbm>>) target_semaphore(%arg31 : memref<!tpu.dma_semaphore, #tpu.memory_space<semaphore_mem>>)
      %dma_start3A_1164 = tpu.memref_slice %arg11[%add3A_1136] : memref<6400000xf32, #tpu.memory_space<hbm>> -> memref<2000xf32, #tpu.memory_space<hbm>>
      %dma_start3A_1165 = tpu.memref_slice %arg11[%add3A_1136] : memref<6400000xf32, #tpu.memory_space<hbm>> -> memref<2000xf32, #tpu.memory_space<hbm>>
      tpu.enqueue_dma source(%arg28 : memref<2000xf32, #tpu.memory_space<vmem>>) target(%dma_start3A_1165 : memref<2000xf32, #tpu.memory_space<hbm>>) target_semaphore(%arg31 : memref<!tpu.dma_semaphore, #tpu.memory_space<semaphore_mem>>)
      %add3A_1166 = arith.constant 2 : i32
      %add3A_1167 = arith.addi %add3A_1028, %add3A_1166 : i32
      %mul3A_1168 = arith.constant 200000 : i32
      %mul3A_1169 = arith.muli %add3A, %mul3A_1168 : i32
      %mul3A_1170 = arith.constant 2000 : i32
      %mul3A_1171 = arith.muli %add3A_1167, %mul3A_1170 : i32
      %add3A_1172 = arith.addi %mul3A_1169, %mul3A_1171 : i32
      %jit3A_1173 = arith.constant 80 : i32
      %div3A_1174 = arith.divsi %add3A_1172, %jit3A_1173 : i32
      %sign3A_1175 = arith.constant 0 : i32
      %sign3A_1176 = arith.cmpi sgt, %add3A_1172, %sign3A_1175 : i32
      %sign3A_1177 = arith.extui %sign3A_1176 : i1 to i32
      %sign3A_1178 = arith.constant 0 : i32
      %sign3A_1179 = arith.cmpi slt, %add3A_1172, %sign3A_1178 : i32
      %sign3A_1180 = arith.extui %sign3A_1179 : i1 to i32
      %sign3A_1181 = arith.subi %sign3A_1177, %sign3A_1180 : i32
      %sign3A_1182 = arith.constant 0 : i32
      %sign3A_1183 = arith.cmpi sgt, %jit3A_1173, %sign3A_1182 : i32
      %sign3A_1184 = arith.extui %sign3A_1183 : i1 to i32
      %sign3A_1185 = arith.constant 0 : i32
      %sign3A_1186 = arith.cmpi slt, %jit3A_1173, %sign3A_1185 : i32
      %sign3A_1187 = arith.extui %sign3A_1186 : i1 to i32
      %sign3A_1188 = arith.subi %sign3A_1184, %sign3A_1187 : i32
      %ne3A_1189 = arith.cmpi ne, %sign3A_1181, %sign3A_1188 : i32
      %rem3A_1190 = arith.remsi %add3A_1172, %jit3A_1173 : i32
      %ne3A_1191 = arith.constant 0 : i32
      %ne3A_1192 = arith.cmpi ne, %rem3A_1190, %ne3A_1191 : i32
      %and3A_1193 = arith.andi %ne3A_1189, %ne3A_1192 : i1
      %sub3A_1194 = arith.constant 1 : i32
      %sub3A_1195 = arith.subi %div3A_1174, %sub3A_1194 : i32
      %select_n3A_1196 = arith.select %and3A_1193, %sub3A_1195, %div3A_1174 : i32
      %dma_start3A_1197 = arith.constant 0 : i32
      %dma_start3A_1198 = arith.constant 0 : i32
      %dma_start3A_1199 = tpu.memref_slice %arg3[%dma_start3A_1197, %select_n3A_1196, %dma_start3A_1198] : memref<2x80000x80xi32, #tpu.memory_space<hbm>> -> memref<1x25x80xi32, #tpu.memory_space<hbm>>
      %dma_start3A_1200 = tpu.memref_squeeze %dma_start3A_1199 : memref<1x25x80xi32, #tpu.memory_space<hbm>> -> memref<25x80xi32, #tpu.memory_space<hbm>>
      %dma_start3A_1201 = arith.constant 0 : i32
      %dma_start3A_1202 = tpu.memref_slice %arg3[%dma_start3A_1197, %select_n3A_1196, %dma_start3A_1201] : memref<2x80000x80xi32, #tpu.memory_space<hbm>> -> memref<1x25x80xi32, #tpu.memory_space<hbm>>
      %dma_start3A_1203 = tpu.memref_squeeze %dma_start3A_1202 : memref<1x25x80xi32, #tpu.memory_space<hbm>> -> memref<25x80xi32, #tpu.memory_space<hbm>>
      tpu.enqueue_dma source(%dma_start3A_1203 : memref<25x80xi32, #tpu.memory_space<hbm>>) target(%arg22 : memref<25x80xi32, #tpu.memory_space<vmem>>) target_semaphore(%arg29 : memref<!tpu.dma_semaphore, #tpu.memory_space<semaphore_mem>>)
      %dma_start3A_1204 = arith.constant 1 : i32
      %dma_start3A_1205 = arith.constant 0 : i32
      %dma_start3A_1206 = tpu.memref_slice %arg3[%dma_start3A_1204, %select_n3A_1196, %dma_start3A_1205] : memref<2x80000x80xi32, #tpu.memory_space<hbm>> -> memref<1x25x80xi32, #tpu.memory_space<hbm>>
      %dma_start3A_1207 = tpu.memref_squeeze %dma_start3A_1206 : memref<1x25x80xi32, #tpu.memory_space<hbm>> -> memref<25x80xi32, #tpu.memory_space<hbm>>
      %dma_start3A_1208 = arith.constant 0 : i32
      %dma_start3A_1209 = tpu.memref_slice %arg3[%dma_start3A_1204, %select_n3A_1196, %dma_start3A_1208] : memref<2x80000x80xi32, #tpu.memory_space<hbm>> -> memref<1x25x80xi32, #tpu.memory_space<hbm>>
      %dma_start3A_1210 = tpu.memref_squeeze %dma_start3A_1209 : memref<1x25x80xi32, #tpu.memory_space<hbm>> -> memref<25x80xi32, #tpu.memory_space<hbm>>
      tpu.enqueue_dma source(%dma_start3A_1210 : memref<25x80xi32, #tpu.memory_space<hbm>>) target(%arg23 : memref<25x80xi32, #tpu.memory_space<vmem>>) target_semaphore(%arg29 : memref<!tpu.dma_semaphore, #tpu.memory_space<semaphore_mem>>)
      %dma_start3A_1211 = arith.constant 0 : i32
      %dma_start3A_1212 = arith.constant 0 : i32
      %dma_start3A_1213 = tpu.memref_slice %arg26[%dma_start3A_1211, %dma_start3A_1212] : memref<3x2000xf32, #tpu.memory_space<vmem>> -> memref<1x2000xf32, #tpu.memory_space<vmem>>
      %dma_start3A_1214 = tpu.memref_squeeze %dma_start3A_1213 : memref<1x2000xf32, #tpu.memory_space<vmem>> -> memref<2000xf32, #tpu.memory_space<vmem>>
      %dma_start3A_1215 = tpu.memref_slice %arg5[%add3A_1172] : memref<6400000xf32, #tpu.memory_space<hbm>> -> memref<2000xf32, #tpu.memory_space<hbm>>
      %dma_start3A_1216 = arith.constant 0 : i32
      %dma_start3A_1217 = tpu.memref_slice %arg26[%dma_start3A_1211, %dma_start3A_1216] : memref<3x2000xf32, #tpu.memory_space<vmem>> -> memref<1x2000xf32, #tpu.memory_space<vmem>>
      %dma_start3A_1218 = tpu.memref_squeeze %dma_start3A_1217 : memref<1x2000xf32, #tpu.memory_space<vmem>> -> memref<2000xf32, #tpu.memory_space<vmem>>
      %dma_start3A_1219 = tpu.memref_slice %arg5[%add3A_1172] : memref<6400000xf32, #tpu.memory_space<hbm>> -> memref<2000xf32, #tpu.memory_space<hbm>>
      tpu.enqueue_dma source(%dma_start3A_1219 : memref<2000xf32, #tpu.memory_space<hbm>>) target(%dma_start3A_1218 : memref<2000xf32, #tpu.memory_space<vmem>>) target_semaphore(%arg29 : memref<!tpu.dma_semaphore, #tpu.memory_space<semaphore_mem>>)
      %dma_start3A_1220 = arith.constant 1 : i32
      %dma_start3A_1221 = arith.constant 0 : i32
      %dma_start3A_1222 = tpu.memref_slice %arg26[%dma_start3A_1220, %dma_start3A_1221] : memref<3x2000xf32, #tpu.memory_space<vmem>> -> memref<1x2000xf32, #tpu.memory_space<vmem>>
      %dma_start3A_1223 = tpu.memref_squeeze %dma_start3A_1222 : memref<1x2000xf32, #tpu.memory_space<vmem>> -> memref<2000xf32, #tpu.memory_space<vmem>>
      %dma_start3A_1224 = tpu.memref_slice %arg6[%add3A_1172] : memref<6400000xf32, #tpu.memory_space<hbm>> -> memref<2000xf32, #tpu.memory_space<hbm>>
      %dma_start3A_1225 = arith.constant 0 : i32
      %dma_start3A_1226 = tpu.memref_slice %arg26[%dma_start3A_1220, %dma_start3A_1225] : memref<3x2000xf32, #tpu.memory_space<vmem>> -> memref<1x2000xf32, #tpu.memory_space<vmem>>
      %dma_start3A_1227 = tpu.memref_squeeze %dma_start3A_1226 : memref<1x2000xf32, #tpu.memory_space<vmem>> -> memref<2000xf32, #tpu.memory_space<vmem>>
      %dma_start3A_1228 = tpu.memref_slice %arg6[%add3A_1172] : memref<6400000xf32, #tpu.memory_space<hbm>> -> memref<2000xf32, #tpu.memory_space<hbm>>
      tpu.enqueue_dma source(%dma_start3A_1228 : memref<2000xf32, #tpu.memory_space<hbm>>) target(%dma_start3A_1227 : memref<2000xf32, #tpu.memory_space<vmem>>) target_semaphore(%arg29 : memref<!tpu.dma_semaphore, #tpu.memory_space<semaphore_mem>>)
      %dma_start3A_1229 = arith.constant 2 : i32
      %dma_start3A_1230 = arith.constant 0 : i32
      %dma_start3A_1231 = tpu.memref_slice %arg26[%dma_start3A_1229, %dma_start3A_1230] : memref<3x2000xf32, #tpu.memory_space<vmem>> -> memref<1x2000xf32, #tpu.memory_space<vmem>>
      %dma_start3A_1232 = tpu.memref_squeeze %dma_start3A_1231 : memref<1x2000xf32, #tpu.memory_space<vmem>> -> memref<2000xf32, #tpu.memory_space<vmem>>
      %dma_start3A_1233 = tpu.memref_slice %arg7[%add3A_1172] : memref<6400000xf32, #tpu.memory_space<hbm>> -> memref<2000xf32, #tpu.memory_space<hbm>>
      %dma_start3A_1234 = arith.constant 0 : i32
      %dma_start3A_1235 = tpu.memref_slice %arg26[%dma_start3A_1229, %dma_start3A_1234] : memref<3x2000xf32, #tpu.memory_space<vmem>> -> memref<1x2000xf32, #tpu.memory_space<vmem>>
      %dma_start3A_1236 = tpu.memref_squeeze %dma_start3A_1235 : memref<1x2000xf32, #tpu.memory_space<vmem>> -> memref<2000xf32, #tpu.memory_space<vmem>>
      %dma_start3A_1237 = tpu.memref_slice %arg7[%add3A_1172] : memref<6400000xf32, #tpu.memory_space<hbm>> -> memref<2000xf32, #tpu.memory_space<hbm>>
      tpu.enqueue_dma source(%dma_start3A_1237 : memref<2000xf32, #tpu.memory_space<hbm>>) target(%dma_start3A_1236 : memref<2000xf32, #tpu.memory_space<vmem>>) target_semaphore(%arg29 : memref<!tpu.dma_semaphore, #tpu.memory_space<semaphore_mem>>)
    }
    %scan3A_525 = arith.constant 48 : i32
    %scan3A_526 = arith.constant 0 : i32
    %scan3A_527 = arith.constant 0 : i32
    %scan3A_528 = arith.constant 25 : i32
    %scan3A_529 = arith.addi %scan3A_527, %scan3A_528 : i32
    %scan3A_530 = arith.constant 1 : i32
    scf.for %scan3A_815 = %scan3A_527 to %scan3A_529 step %scan3A_530  : i32 {
      %dma_wait3A_816 = arith.constant 0 : i32
      %dma_wait3A_817 = arith.constant 0 : i32
      %dma_wait3A_818 = tpu.memref_slice %arg14[%scan3A_815, %dma_wait3A_816, %dma_wait3A_817] : memref<25x80x8xf32, #tpu.memory_space<vmem>> -> memref<1x80x8xf32, #tpu.memory_space<vmem>>
      %dma_wait3A_819 = tpu.memref_squeeze %dma_wait3A_818 : memref<1x80x8xf32, #tpu.memory_space<vmem>> -> memref<80x8xf32, #tpu.memory_space<vmem>>
      %dma_wait3A_820 = arith.constant 0 : i32
      %dma_wait3A_821 = tpu.memref_slice %arg12[%scan3A_815, %dma_wait3A_820] : memref<25x80xi32, #tpu.memory_space<vmem>> -> memref<1x80xi32, #tpu.memory_space<vmem>>
      %dma_wait3A_822 = tpu.memref_squeeze %dma_wait3A_821 : memref<1x80xi32, #tpu.memory_space<vmem>> -> memref<80xi32, #tpu.memory_space<vmem>>
      %dma_wait3A_823 = arith.constant 0 : i32
      %dma_wait3A_824 = arith.constant 0 : i32
      %dma_wait3A_825 = tpu.memref_slice %arg2[%dma_wait3A_823, %dma_wait3A_824] : memref<100000x8xf32, #tpu.memory_space<hbm>> -> memref<100000x8xf32, #tpu.memory_space<hbm>>
      tpu.wait_indirect_dma semaphore(%arg20 : memref<!tpu.dma_semaphore, #tpu.memory_space<semaphore_mem>>) src(%dma_wait3A_825 : memref<100000x8xf32, #tpu.memory_space<hbm>>) dst(%dma_wait3A_819 : memref<80x8xf32, #tpu.memory_space<vmem>>)
      %dma_wait3A_826 = arith.constant 0 : i32
      %dma_wait3A_827 = arith.constant 0 : i32
      %dma_wait3A_828 = tpu.memref_slice %arg15[%scan3A_815, %dma_wait3A_826, %dma_wait3A_827] : memref<25x80x8xf32, #tpu.memory_space<vmem>> -> memref<1x80x8xf32, #tpu.memory_space<vmem>>
      %dma_wait3A_829 = tpu.memref_squeeze %dma_wait3A_828 : memref<1x80x8xf32, #tpu.memory_space<vmem>> -> memref<80x8xf32, #tpu.memory_space<vmem>>
      %dma_wait3A_830 = arith.constant 0 : i32
      %dma_wait3A_831 = tpu.memref_slice %arg13[%scan3A_815, %dma_wait3A_830] : memref<25x80xi32, #tpu.memory_space<vmem>> -> memref<1x80xi32, #tpu.memory_space<vmem>>
      %dma_wait3A_832 = tpu.memref_squeeze %dma_wait3A_831 : memref<1x80xi32, #tpu.memory_space<vmem>> -> memref<80xi32, #tpu.memory_space<vmem>>
      %dma_wait3A_833 = arith.constant 0 : i32
      %dma_wait3A_834 = arith.constant 0 : i32
      %dma_wait3A_835 = tpu.memref_slice %arg2[%dma_wait3A_833, %dma_wait3A_834] : memref<100000x8xf32, #tpu.memory_space<hbm>> -> memref<100000x8xf32, #tpu.memory_space<hbm>>
      tpu.wait_indirect_dma semaphore(%arg20 : memref<!tpu.dma_semaphore, #tpu.memory_space<semaphore_mem>>) src(%dma_wait3A_835 : memref<100000x8xf32, #tpu.memory_space<hbm>>) dst(%dma_wait3A_829 : memref<80x8xf32, #tpu.memory_space<vmem>>)
    }
    %scan3A_531 = arith.constant 25 : i32
    %dma_wait3A_532 = arith.constant 0 : i32
    %dma_wait3A_533 = arith.constant 0 : i32
    %dma_wait3A_534 = arith.constant 0 : i32
    %dma_wait3A_535 = tpu.memref_slice %arg3[%dma_wait3A_532, %dma_wait3A_533, %dma_wait3A_534] : memref<2x80000x80xi32, #tpu.memory_space<hbm>> -> memref<1x25x80xi32, #tpu.memory_space<hbm>>
    %dma_wait3A_536 = tpu.memref_squeeze %dma_wait3A_535 : memref<1x25x80xi32, #tpu.memory_space<hbm>> -> memref<25x80xi32, #tpu.memory_space<hbm>>
    %dma_wait3A_537 = arith.constant 0 : i32
    %dma_wait3A_538 = arith.constant 0 : i32
    %dma_wait3A_539 = tpu.memref_slice %arg3[%dma_wait3A_532, %dma_wait3A_537, %dma_wait3A_538] : memref<2x80000x80xi32, #tpu.memory_space<hbm>> -> memref<1x25x80xi32, #tpu.memory_space<hbm>>
    %dma_wait3A_540 = tpu.memref_squeeze %dma_wait3A_539 : memref<1x25x80xi32, #tpu.memory_space<hbm>> -> memref<25x80xi32, #tpu.memory_space<hbm>>
    tpu.wait_dma2 semaphore(%arg29 : memref<!tpu.dma_semaphore, #tpu.memory_space<semaphore_mem>>) src(%dma_wait3A_540 : memref<25x80xi32, #tpu.memory_space<hbm>>) dst(%arg22 : memref<25x80xi32, #tpu.memory_space<vmem>>)
    %dma_wait3A_541 = arith.constant 1 : i32
    %dma_wait3A_542 = arith.constant 0 : i32
    %dma_wait3A_543 = arith.constant 0 : i32
    %dma_wait3A_544 = tpu.memref_slice %arg3[%dma_wait3A_541, %dma_wait3A_542, %dma_wait3A_543] : memref<2x80000x80xi32, #tpu.memory_space<hbm>> -> memref<1x25x80xi32, #tpu.memory_space<hbm>>
    %dma_wait3A_545 = tpu.memref_squeeze %dma_wait3A_544 : memref<1x25x80xi32, #tpu.memory_space<hbm>> -> memref<25x80xi32, #tpu.memory_space<hbm>>
    %dma_wait3A_546 = arith.constant 0 : i32
    %dma_wait3A_547 = arith.constant 0 : i32
    %dma_wait3A_548 = tpu.memref_slice %arg3[%dma_wait3A_541, %dma_wait3A_546, %dma_wait3A_547] : memref<2x80000x80xi32, #tpu.memory_space<hbm>> -> memref<1x25x80xi32, #tpu.memory_space<hbm>>
    %dma_wait3A_549 = tpu.memref_squeeze %dma_wait3A_548 : memref<1x25x80xi32, #tpu.memory_space<hbm>> -> memref<25x80xi32, #tpu.memory_space<hbm>>
    tpu.wait_dma2 semaphore(%arg29 : memref<!tpu.dma_semaphore, #tpu.memory_space<semaphore_mem>>) src(%dma_wait3A_549 : memref<25x80xi32, #tpu.memory_space<hbm>>) dst(%arg23 : memref<25x80xi32, #tpu.memory_space<vmem>>)
    %dma_wait3A_550 = arith.constant 0 : i32
    %dma_wait3A_551 = arith.constant 0 : i32
    %dma_wait3A_552 = tpu.memref_slice %arg26[%dma_wait3A_550, %dma_wait3A_551] : memref<3x2000xf32, #tpu.memory_space<vmem>> -> memref<1x2000xf32, #tpu.memory_space<vmem>>
    %dma_wait3A_553 = tpu.memref_squeeze %dma_wait3A_552 : memref<1x2000xf32, #tpu.memory_space<vmem>> -> memref<2000xf32, #tpu.memory_space<vmem>>
    %dma_wait3A_554 = arith.constant 0 : i32
    %dma_wait3A_555 = tpu.memref_slice %arg5[%dma_wait3A_554] : memref<6400000xf32, #tpu.memory_space<hbm>> -> memref<2000xf32, #tpu.memory_space<hbm>>
    %dma_wait3A_556 = arith.constant 0 : i32
    %dma_wait3A_557 = tpu.memref_slice %arg26[%dma_wait3A_550, %dma_wait3A_556] : memref<3x2000xf32, #tpu.memory_space<vmem>> -> memref<1x2000xf32, #tpu.memory_space<vmem>>
    %dma_wait3A_558 = tpu.memref_squeeze %dma_wait3A_557 : memref<1x2000xf32, #tpu.memory_space<vmem>> -> memref<2000xf32, #tpu.memory_space<vmem>>
    %dma_wait3A_559 = arith.constant 0 : i32
    %dma_wait3A_560 = tpu.memref_slice %arg5[%dma_wait3A_559] : memref<6400000xf32, #tpu.memory_space<hbm>> -> memref<2000xf32, #tpu.memory_space<hbm>>
    tpu.wait_dma2 semaphore(%arg29 : memref<!tpu.dma_semaphore, #tpu.memory_space<semaphore_mem>>) src(%dma_wait3A_560 : memref<2000xf32, #tpu.memory_space<hbm>>) dst(%dma_wait3A_558 : memref<2000xf32, #tpu.memory_space<vmem>>)
    %dma_wait3A_561 = arith.constant 1 : i32
    %dma_wait3A_562 = arith.constant 0 : i32
    %dma_wait3A_563 = tpu.memref_slice %arg26[%dma_wait3A_561, %dma_wait3A_562] : memref<3x2000xf32, #tpu.memory_space<vmem>> -> memref<1x2000xf32, #tpu.memory_space<vmem>>
    %dma_wait3A_564 = tpu.memref_squeeze %dma_wait3A_563 : memref<1x2000xf32, #tpu.memory_space<vmem>> -> memref<2000xf32, #tpu.memory_space<vmem>>
    %dma_wait3A_565 = arith.constant 0 : i32
    %dma_wait3A_566 = tpu.memref_slice %arg6[%dma_wait3A_565] : memref<6400000xf32, #tpu.memory_space<hbm>> -> memref<2000xf32, #tpu.memory_space<hbm>>
    %dma_wait3A_567 = arith.constant 0 : i32
    %dma_wait3A_568 = tpu.memref_slice %arg26[%dma_wait3A_561, %dma_wait3A_567] : memref<3x2000xf32, #tpu.memory_space<vmem>> -> memref<1x2000xf32, #tpu.memory_space<vmem>>
    %dma_wait3A_569 = tpu.memref_squeeze %dma_wait3A_568 : memref<1x2000xf32, #tpu.memory_space<vmem>> -> memref<2000xf32, #tpu.memory_space<vmem>>
    %dma_wait3A_570 = arith.constant 0 : i32
    %dma_wait3A_571 = tpu.memref_slice %arg6[%dma_wait3A_570] : memref<6400000xf32, #tpu.memory_space<hbm>> -> memref<2000xf32, #tpu.memory_space<hbm>>
    tpu.wait_dma2 semaphore(%arg29 : memref<!tpu.dma_semaphore, #tpu.memory_space<semaphore_mem>>) src(%dma_wait3A_571 : memref<2000xf32, #tpu.memory_space<hbm>>) dst(%dma_wait3A_569 : memref<2000xf32, #tpu.memory_space<vmem>>)
    %dma_wait3A_572 = arith.constant 2 : i32
    %dma_wait3A_573 = arith.constant 0 : i32
    %dma_wait3A_574 = tpu.memref_slice %arg26[%dma_wait3A_572, %dma_wait3A_573] : memref<3x2000xf32, #tpu.memory_space<vmem>> -> memref<1x2000xf32, #tpu.memory_space<vmem>>
    %dma_wait3A_575 = tpu.memref_squeeze %dma_wait3A_574 : memref<1x2000xf32, #tpu.memory_space<vmem>> -> memref<2000xf32, #tpu.memory_space<vmem>>
    %dma_wait3A_576 = arith.constant 0 : i32
    %dma_wait3A_577 = tpu.memref_slice %arg7[%dma_wait3A_576] : memref<6400000xf32, #tpu.memory_space<hbm>> -> memref<2000xf32, #tpu.memory_space<hbm>>
    %dma_wait3A_578 = arith.constant 0 : i32
    %dma_wait3A_579 = tpu.memref_slice %arg26[%dma_wait3A_572, %dma_wait3A_578] : memref<3x2000xf32, #tpu.memory_space<vmem>> -> memref<1x2000xf32, #tpu.memory_space<vmem>>
    %dma_wait3A_580 = tpu.memref_squeeze %dma_wait3A_579 : memref<1x2000xf32, #tpu.memory_space<vmem>> -> memref<2000xf32, #tpu.memory_space<vmem>>
    %dma_wait3A_581 = arith.constant 0 : i32
    %dma_wait3A_582 = tpu.memref_slice %arg7[%dma_wait3A_581] : memref<6400000xf32, #tpu.memory_space<hbm>> -> memref<2000xf32, #tpu.memory_space<hbm>>
    tpu.wait_dma2 semaphore(%arg29 : memref<!tpu.dma_semaphore, #tpu.memory_space<semaphore_mem>>) src(%dma_wait3A_582 : memref<2000xf32, #tpu.memory_space<hbm>>) dst(%dma_wait3A_580 : memref<2000xf32, #tpu.memory_space<vmem>>)
    %scan3A_583 = arith.constant 0 : i32
    %scan3A_584 = arith.constant 0 : i32
    %scan3A_585 = arith.constant 25 : i32
    %scan3A_586 = arith.addi %scan3A_584, %scan3A_585 : i32
    %scan3A_587 = arith.constant 1 : i32
    scf.for %scan3A_815 = %scan3A_584 to %scan3A_586 step %scan3A_587  : i32 {
      %dma_start3A_816 = arith.constant 0 : i32
      %dma_start3A_817 = arith.constant 0 : i32
      %dma_start3A_818 = tpu.memref_slice %arg24[%scan3A_815, %dma_start3A_816, %dma_start3A_817] : memref<25x80x8xf32, #tpu.memory_space<vmem>> -> memref<1x80x8xf32, #tpu.memory_space<vmem>>
      %dma_start3A_819 = tpu.memref_squeeze %dma_start3A_818 : memref<1x80x8xf32, #tpu.memory_space<vmem>> -> memref<80x8xf32, #tpu.memory_space<vmem>>
      %dma_start3A_820 = arith.constant 0 : i32
      %dma_start3A_821 = tpu.memref_slice %arg22[%scan3A_815, %dma_start3A_820] : memref<25x80xi32, #tpu.memory_space<vmem>> -> memref<1x80xi32, #tpu.memory_space<vmem>>
      %dma_start3A_822 = tpu.memref_squeeze %dma_start3A_821 : memref<1x80xi32, #tpu.memory_space<vmem>> -> memref<80xi32, #tpu.memory_space<vmem>>
      %dma_start3A_823 = arith.constant 0 : i32
      %dma_start3A_824 = arith.constant 0 : i32
      %dma_start3A_825 = tpu.memref_slice %arg2[%dma_start3A_823, %dma_start3A_824] : memref<100000x8xf32, #tpu.memory_space<hbm>> -> memref<100000x8xf32, #tpu.memory_space<hbm>>
      tpu.enqueue_indirect_dma source(%dma_start3A_825 : memref<100000x8xf32, #tpu.memory_space<hbm>>) target(%dma_start3A_819 : memref<80x8xf32, #tpu.memory_space<vmem>>) offsets(%dma_start3A_822 : memref<80xi32, #tpu.memory_space<vmem>>) semaphore(%arg30 : memref<!tpu.dma_semaphore, #tpu.memory_space<semaphore_mem>>)
      %dma_start3A_826 = arith.constant 0 : i32
      %dma_start3A_827 = arith.constant 0 : i32
      %dma_start3A_828 = tpu.memref_slice %arg25[%scan3A_815, %dma_start3A_826, %dma_start3A_827] : memref<25x80x8xf32, #tpu.memory_space<vmem>> -> memref<1x80x8xf32, #tpu.memory_space<vmem>>
      %dma_start3A_829 = tpu.memref_squeeze %dma_start3A_828 : memref<1x80x8xf32, #tpu.memory_space<vmem>> -> memref<80x8xf32, #tpu.memory_space<vmem>>
      %dma_start3A_830 = arith.constant 0 : i32
      %dma_start3A_831 = tpu.memref_slice %arg23[%scan3A_815, %dma_start3A_830] : memref<25x80xi32, #tpu.memory_space<vmem>> -> memref<1x80xi32, #tpu.memory_space<vmem>>
      %dma_start3A_832 = tpu.memref_squeeze %dma_start3A_831 : memref<1x80xi32, #tpu.memory_space<vmem>> -> memref<80xi32, #tpu.memory_space<vmem>>
      %dma_start3A_833 = arith.constant 0 : i32
      %dma_start3A_834 = arith.constant 0 : i32
      %dma_start3A_835 = tpu.memref_slice %arg2[%dma_start3A_833, %dma_start3A_834] : memref<100000x8xf32, #tpu.memory_space<hbm>> -> memref<100000x8xf32, #tpu.memory_space<hbm>>
      tpu.enqueue_indirect_dma source(%dma_start3A_835 : memref<100000x8xf32, #tpu.memory_space<hbm>>) target(%dma_start3A_829 : memref<80x8xf32, #tpu.memory_space<vmem>>) offsets(%dma_start3A_832 : memref<80xi32, #tpu.memory_space<vmem>>) semaphore(%arg30 : memref<!tpu.dma_semaphore, #tpu.memory_space<semaphore_mem>>)
    }
    %scan3A_588 = arith.constant 25 : i32
    %dma_wait3A_589 = arith.constant 0 : i32
    %dma_wait3A_590 = arith.constant 0 : i32
    %dma_wait3A_591 = tpu.memref_slice %arg17[%dma_wait3A_589, %dma_wait3A_590] : memref<3x2000xf32, #tpu.memory_space<vmem>> -> memref<1x2000xf32, #tpu.memory_space<vmem>>
    %dma_wait3A_592 = tpu.memref_squeeze %dma_wait3A_591 : memref<1x2000xf32, #tpu.memory_space<vmem>> -> memref<2000xf32, #tpu.memory_space<vmem>>
    %dma_wait3A_593 = arith.constant 0 : i32
    %dma_wait3A_594 = tpu.memref_slice %arg8[%dma_wait3A_593] : memref<6400000xf32, #tpu.memory_space<hbm>> -> memref<2000xf32, #tpu.memory_space<hbm>>
    %dma_wait3A_595 = arith.constant 0 : i32
    %dma_wait3A_596 = tpu.memref_slice %arg8[%dma_wait3A_595] : memref<6400000xf32, #tpu.memory_space<hbm>> -> memref<2000xf32, #tpu.memory_space<hbm>>
    %dma_wait3A_597 = arith.constant 0 : i32
    %dma_wait3A_598 = tpu.memref_slice %arg17[%dma_wait3A_589, %dma_wait3A_597] : memref<3x2000xf32, #tpu.memory_space<vmem>> -> memref<1x2000xf32, #tpu.memory_space<vmem>>
    %dma_wait3A_599 = tpu.memref_squeeze %dma_wait3A_598 : memref<1x2000xf32, #tpu.memory_space<vmem>> -> memref<2000xf32, #tpu.memory_space<vmem>>
    tpu.wait_dma2 semaphore(%arg21 : memref<!tpu.dma_semaphore, #tpu.memory_space<semaphore_mem>>) src(%dma_wait3A_599 : memref<2000xf32, #tpu.memory_space<vmem>>) dst(%dma_wait3A_596 : memref<2000xf32, #tpu.memory_space<hbm>>)
    %dma_wait3A_600 = arith.constant 1 : i32
    %dma_wait3A_601 = arith.constant 0 : i32
    %dma_wait3A_602 = tpu.memref_slice %arg17[%dma_wait3A_600, %dma_wait3A_601] : memref<3x2000xf32, #tpu.memory_space<vmem>> -> memref<1x2000xf32, #tpu.memory_space<vmem>>
    %dma_wait3A_603 = tpu.memref_squeeze %dma_wait3A_602 : memref<1x2000xf32, #tpu.memory_space<vmem>> -> memref<2000xf32, #tpu.memory_space<vmem>>
    %dma_wait3A_604 = arith.constant 0 : i32
    %dma_wait3A_605 = tpu.memref_slice %arg9[%dma_wait3A_604] : memref<6400000xf32, #tpu.memory_space<hbm>> -> memref<2000xf32, #tpu.memory_space<hbm>>
    %dma_wait3A_606 = arith.constant 0 : i32
    %dma_wait3A_607 = tpu.memref_slice %arg9[%dma_wait3A_606] : memref<6400000xf32, #tpu.memory_space<hbm>> -> memref<2000xf32, #tpu.memory_space<hbm>>
    %dma_wait3A_608 = arith.constant 0 : i32
    %dma_wait3A_609 = tpu.memref_slice %arg17[%dma_wait3A_600, %dma_wait3A_608] : memref<3x2000xf32, #tpu.memory_space<vmem>> -> memref<1x2000xf32, #tpu.memory_space<vmem>>
    %dma_wait3A_610 = tpu.memref_squeeze %dma_wait3A_609 : memref<1x2000xf32, #tpu.memory_space<vmem>> -> memref<2000xf32, #tpu.memory_space<vmem>>
    tpu.wait_dma2 semaphore(%arg21 : memref<!tpu.dma_semaphore, #tpu.memory_space<semaphore_mem>>) src(%dma_wait3A_610 : memref<2000xf32, #tpu.memory_space<vmem>>) dst(%dma_wait3A_607 : memref<2000xf32, #tpu.memory_space<hbm>>)
    %dma_wait3A_611 = arith.constant 2 : i32
    %dma_wait3A_612 = arith.constant 0 : i32
    %dma_wait3A_613 = tpu.memref_slice %arg17[%dma_wait3A_611, %dma_wait3A_612] : memref<3x2000xf32, #tpu.memory_space<vmem>> -> memref<1x2000xf32, #tpu.memory_space<vmem>>
    %dma_wait3A_614 = tpu.memref_squeeze %dma_wait3A_613 : memref<1x2000xf32, #tpu.memory_space<vmem>> -> memref<2000xf32, #tpu.memory_space<vmem>>
    %dma_wait3A_615 = arith.constant 0 : i32
    %dma_wait3A_616 = tpu.memref_slice %arg10[%dma_wait3A_615] : memref<6400000xf32, #tpu.memory_space<hbm>> -> memref<2000xf32, #tpu.memory_space<hbm>>
    %dma_wait3A_617 = arith.constant 0 : i32
    %dma_wait3A_618 = tpu.memref_slice %arg10[%dma_wait3A_617] : memref<6400000xf32, #tpu.memory_space<hbm>> -> memref<2000xf32, #tpu.memory_space<hbm>>
    %dma_wait3A_619 = arith.constant 0 : i32
    %dma_wait3A_620 = tpu.memref_slice %arg17[%dma_wait3A_611, %dma_wait3A_619] : memref<3x2000xf32, #tpu.memory_space<vmem>> -> memref<1x2000xf32, #tpu.memory_space<vmem>>
    %dma_wait3A_621 = tpu.memref_squeeze %dma_wait3A_620 : memref<1x2000xf32, #tpu.memory_space<vmem>> -> memref<2000xf32, #tpu.memory_space<vmem>>
    tpu.wait_dma2 semaphore(%arg21 : memref<!tpu.dma_semaphore, #tpu.memory_space<semaphore_mem>>) src(%dma_wait3A_621 : memref<2000xf32, #tpu.memory_space<vmem>>) dst(%dma_wait3A_618 : memref<2000xf32, #tpu.memory_space<hbm>>)
    %dma_wait3A_622 = arith.constant 0 : i32
    %dma_wait3A_623 = tpu.memref_slice %arg11[%dma_wait3A_622] : memref<6400000xf32, #tpu.memory_space<hbm>> -> memref<2000xf32, #tpu.memory_space<hbm>>
    %dma_wait3A_624 = arith.constant 0 : i32
    %dma_wait3A_625 = tpu.memref_slice %arg11[%dma_wait3A_624] : memref<6400000xf32, #tpu.memory_space<hbm>> -> memref<2000xf32, #tpu.memory_space<hbm>>
    tpu.wait_dma2 semaphore(%arg21 : memref<!tpu.dma_semaphore, #tpu.memory_space<semaphore_mem>>) src(%arg18 : memref<2000xf32, #tpu.memory_space<vmem>>) dst(%dma_wait3A_625 : memref<2000xf32, #tpu.memory_space<hbm>>)
    %parallel_loop3A_626 = arith.constant 0 : i32
    %parallel_loop3A_627 = arith.constant 125 : i32
    %parallel_loop3A_628 = arith.constant 1 : i32
    scf.for %parallel_loop3A_815 = %parallel_loop3A_626 to %parallel_loop3A_627 step %parallel_loop3A_628  : i32 {
      %parallel_loop3A_816 = arith.constant 5 : i32
      %parallel_loop3A_817 = arith.divsi %parallel_loop3A_815, %parallel_loop3A_816 : i32
      %parallel_loop3A_818 = arith.constant 0 : i32
      %parallel_loop3A_819 = arith.cmpi sgt, %parallel_loop3A_815, %parallel_loop3A_818 : i32
      %parallel_loop3A_820 = arith.extui %parallel_loop3A_819 : i1 to i32
      %parallel_loop3A_821 = arith.constant 0 : i32
      %parallel_loop3A_822 = arith.cmpi slt, %parallel_loop3A_815, %parallel_loop3A_821 : i32
      %parallel_loop3A_823 = arith.extui %parallel_loop3A_822 : i1 to i32
      %parallel_loop3A_824 = arith.subi %parallel_loop3A_820, %parallel_loop3A_823 : i32
      %parallel_loop3A_825 = arith.constant 0 : i32
      %parallel_loop3A_826 = arith.cmpi sgt, %parallel_loop3A_816, %parallel_loop3A_825 : i32
      %parallel_loop3A_827 = arith.extui %parallel_loop3A_826 : i1 to i32
      %parallel_loop3A_828 = arith.constant 0 : i32
      %parallel_loop3A_829 = arith.cmpi slt, %parallel_loop3A_816, %parallel_loop3A_828 : i32
      %parallel_loop3A_830 = arith.extui %parallel_loop3A_829 : i1 to i32
      %parallel_loop3A_831 = arith.subi %parallel_loop3A_827, %parallel_loop3A_830 : i32
      %parallel_loop3A_832 = arith.cmpi ne, %parallel_loop3A_824, %parallel_loop3A_831 : i32
      %parallel_loop3A_833 = arith.remsi %parallel_loop3A_815, %parallel_loop3A_816 : i32
      %parallel_loop3A_834 = arith.constant 0 : i32
      %parallel_loop3A_835 = arith.cmpi ne, %parallel_loop3A_833, %parallel_loop3A_834 : i32
      %parallel_loop3A_836 = arith.andi %parallel_loop3A_832, %parallel_loop3A_835 : i1
      %parallel_loop3A_837 = arith.constant 1 : i32
      %parallel_loop3A_838 = arith.subi %parallel_loop3A_817, %parallel_loop3A_837 : i32
      %parallel_loop3A_839 = arith.select %parallel_loop3A_836, %parallel_loop3A_838, %parallel_loop3A_817 : i32
      %parallel_loop3A_840 = vector.broadcast %parallel_loop3A_839 : i32 to vector<16xi32>
      %parallel_loop3A_841 = arith.constant 5 : i32
      %parallel_loop3A_842 = arith.constant 0 : i32
      %parallel_loop3A_843 = arith.cmpi eq, %parallel_loop3A_841, %parallel_loop3A_842 : i32
      %parallel_loop3A_844 = arith.constant 1 : i32
      %parallel_loop3A_845 = arith.select %parallel_loop3A_843, %parallel_loop3A_844, %parallel_loop3A_841 : i32
      %parallel_loop3A_846 = arith.remsi %parallel_loop3A_815, %parallel_loop3A_845 : i32
      %parallel_loop3A_847 = arith.constant 0 : i32
      %parallel_loop3A_848 = arith.cmpi ne, %parallel_loop3A_846, %parallel_loop3A_847 : i32
      %parallel_loop3A_849 = arith.constant 0 : i32
      %parallel_loop3A_850 = arith.cmpi slt, %parallel_loop3A_846, %parallel_loop3A_849 : i32
      %parallel_loop3A_851 = arith.constant 0 : i32
      %parallel_loop3A_852 = arith.cmpi slt, %parallel_loop3A_845, %parallel_loop3A_851 : i32
      %parallel_loop3A_853 = arith.xori %parallel_loop3A_850, %parallel_loop3A_852 : i1
      %parallel_loop3A_854 = arith.andi %parallel_loop3A_853, %parallel_loop3A_848 : i1
      %parallel_loop3A_855 = arith.addi %parallel_loop3A_846, %parallel_loop3A_845 : i32
      %parallel_loop3A_856 = arith.select %parallel_loop3A_854, %parallel_loop3A_855, %parallel_loop3A_846 : i32
      %parallel_loop3A_857 = arith.constant 16 : i32
      %parallel_loop3A_858 = arith.muli %parallel_loop3A_856, %parallel_loop3A_857 : i32
      %parallel_loop3A_859 = vector.broadcast %parallel_loop3A_858 : i32 to vector<16xi32>
      %parallel_loop3A_860 = arith.addi %parallel_loop3A_859, %iota3A : vector<16xi32>
      %parallel_loop3A_861 = arith.constant 16 : i32
      %parallel_loop3A_862 = arith.muli %parallel_loop3A_815, %parallel_loop3A_861 : i32
      %parallel_loop3A_863 = vector.broadcast %parallel_loop3A_862 : i32 to vector<16xi32>
      %parallel_loop3A_864 = arith.addi %parallel_loop3A_863, %iota3A : vector<16xi32>
      %parallel_loop3A_865 = arith.constant 0 : i32
      %parallel_loop3A_866 = vector.broadcast %parallel_loop3A_865 : i32 to vector<16xi32>
      %parallel_loop3A_867 = tpu.vector_load_idx %arg14[%parallel_loop3A_840, %parallel_loop3A_860, %parallel_loop3A_866] : memref<25x80x8xf32, #tpu.memory_space<vmem>>[vector<16xi32>, vector<16xi32>, vector<16xi32>], vector<16xf32>,
      %parallel_loop3A_868 = arith.constant 1 : i32
      %parallel_loop3A_869 = vector.broadcast %parallel_loop3A_868 : i32 to vector<16xi32>
      %parallel_loop3A_870 = tpu.vector_load_idx %arg14[%parallel_loop3A_840, %parallel_loop3A_860, %parallel_loop3A_869] : memref<25x80x8xf32, #tpu.memory_space<vmem>>[vector<16xi32>, vector<16xi32>, vector<16xi32>], vector<16xf32>,
      %parallel_loop3A_871 = arith.constant 2 : i32
      %parallel_loop3A_872 = vector.broadcast %parallel_loop3A_871 : i32 to vector<16xi32>
      %parallel_loop3A_873 = tpu.vector_load_idx %arg14[%parallel_loop3A_840, %parallel_loop3A_860, %parallel_loop3A_872] : memref<25x80x8xf32, #tpu.memory_space<vmem>>[vector<16xi32>, vector<16xi32>, vector<16xi32>], vector<16xf32>,
      %parallel_loop3A_874 = arith.constant 3 : i32
      %parallel_loop3A_875 = vector.broadcast %parallel_loop3A_874 : i32 to vector<16xi32>
      %parallel_loop3A_876 = tpu.vector_load_idx %arg14[%parallel_loop3A_840, %parallel_loop3A_860, %parallel_loop3A_875] : memref<25x80x8xf32, #tpu.memory_space<vmem>>[vector<16xi32>, vector<16xi32>, vector<16xi32>], vector<16xf32>,
      %parallel_loop3A_877 = arith.fptosi %parallel_loop3A_876 : vector<16xf32> to vector<16xi32>
      %parallel_loop3A_878 = arith.constant 0 : i32
      %parallel_loop3A_879 = vector.broadcast %parallel_loop3A_878 : i32 to vector<16xi32>
      %parallel_loop3A_880 = tpu.vector_load_idx %arg15[%parallel_loop3A_840, %parallel_loop3A_860, %parallel_loop3A_879] : memref<25x80x8xf32, #tpu.memory_space<vmem>>[vector<16xi32>, vector<16xi32>, vector<16xi32>], vector<16xf32>,
      %parallel_loop3A_881 = arith.constant 1 : i32
      %parallel_loop3A_882 = vector.broadcast %parallel_loop3A_881 : i32 to vector<16xi32>
      %parallel_loop3A_883 = tpu.vector_load_idx %arg15[%parallel_loop3A_840, %parallel_loop3A_860, %parallel_loop3A_882] : memref<25x80x8xf32, #tpu.memory_space<vmem>>[vector<16xi32>, vector<16xi32>, vector<16xi32>], vector<16xf32>,
      %parallel_loop3A_884 = arith.constant 2 : i32
      %parallel_loop3A_885 = vector.broadcast %parallel_loop3A_884 : i32 to vector<16xi32>
      %parallel_loop3A_886 = tpu.vector_load_idx %arg15[%parallel_loop3A_840, %parallel_loop3A_860, %parallel_loop3A_885] : memref<25x80x8xf32, #tpu.memory_space<vmem>>[vector<16xi32>, vector<16xi32>, vector<16xi32>], vector<16xf32>,
      %parallel_loop3A_887 = arith.constant 0 : i32
      %parallel_loop3A_888 = vector.broadcast %parallel_loop3A_887 : i32 to vector<16xi32>
      %parallel_loop3A_889 = tpu.vector_load_idx %arg16[%parallel_loop3A_888, %parallel_loop3A_864] : memref<3x2000xf32, #tpu.memory_space<vmem>>[vector<16xi32>, vector<16xi32>], vector<16xf32>,
      %parallel_loop3A_890 = arith.constant 1 : i32
      %parallel_loop3A_891 = vector.broadcast %parallel_loop3A_890 : i32 to vector<16xi32>
      %parallel_loop3A_892 = tpu.vector_load_idx %arg16[%parallel_loop3A_891, %parallel_loop3A_864] : memref<3x2000xf32, #tpu.memory_space<vmem>>[vector<16xi32>, vector<16xi32>], vector<16xf32>,
      %parallel_loop3A_893 = arith.constant 2 : i32
      %parallel_loop3A_894 = vector.broadcast %parallel_loop3A_893 : i32 to vector<16xi32>
      %parallel_loop3A_895 = tpu.vector_load_idx %arg16[%parallel_loop3A_894, %parallel_loop3A_864] : memref<3x2000xf32, #tpu.memory_space<vmem>>[vector<16xi32>, vector<16xi32>], vector<16xf32>,
      %parallel_loop3A_896 = arith.constant 9 : i32
      %parallel_loop3A_897 = vector.broadcast %parallel_loop3A_896 : i32 to vector<16xi32>
      %parallel_loop3A_898 = arith.muli %parallel_loop3A_877, %parallel_loop3A_897 : vector<16xi32>
      %parallel_loop3A_899 = arith.subf %parallel_loop3A_880, %parallel_loop3A_867 : vector<16xf32>
      %parallel_loop3A_900 = tpu.vector_load_idx %arg32[%parallel_loop3A_898] : memref<144xf32, #tpu.memory_space<vmem>>[vector<16xi32>], vector<16xf32>,
      %parallel_loop3A_901 = arith.mulf %parallel_loop3A_889, %parallel_loop3A_900 : vector<16xf32>
      %parallel_loop3A_902 = arith.addf %parallel_loop3A_899, %parallel_loop3A_901 : vector<16xf32>
      %parallel_loop3A_903 = arith.constant 3 : i32
      %parallel_loop3A_904 = vector.broadcast %parallel_loop3A_903 : i32 to vector<16xi32>
      %parallel_loop3A_905 = arith.addi %parallel_loop3A_898, %parallel_loop3A_904 : vector<16xi32>
      %parallel_loop3A_906 = tpu.vector_load_idx %arg32[%parallel_loop3A_905] : memref<144xf32, #tpu.memory_space<vmem>>[vector<16xi32>], vector<16xf32>,
      %parallel_loop3A_907 = arith.mulf %parallel_loop3A_892, %parallel_loop3A_906 : vector<16xf32>
      %parallel_loop3A_908 = arith.addf %parallel_loop3A_902, %parallel_loop3A_907 : vector<16xf32>
      %parallel_loop3A_909 = arith.constant 6 : i32
      %parallel_loop3A_910 = vector.broadcast %parallel_loop3A_909 : i32 to vector<16xi32>
      %parallel_loop3A_911 = arith.addi %parallel_loop3A_898, %parallel_loop3A_910 : vector<16xi32>
      %parallel_loop3A_912 = tpu.vector_load_idx %arg32[%parallel_loop3A_911] : memref<144xf32, #tpu.memory_space<vmem>>[vector<16xi32>], vector<16xf32>,
      %parallel_loop3A_913 = arith.mulf %parallel_loop3A_895, %parallel_loop3A_912 : vector<16xf32>
      %parallel_loop3A_914 = arith.addf %parallel_loop3A_908, %parallel_loop3A_913 : vector<16xf32>
      %parallel_loop3A_915 = arith.subf %parallel_loop3A_883, %parallel_loop3A_870 : vector<16xf32>
      %parallel_loop3A_916 = arith.constant 1 : i32
      %parallel_loop3A_917 = vector.broadcast %parallel_loop3A_916 : i32 to vector<16xi32>
      %parallel_loop3A_918 = arith.addi %parallel_loop3A_898, %parallel_loop3A_917 : vector<16xi32>
      %parallel_loop3A_919 = tpu.vector_load_idx %arg32[%parallel_loop3A_918] : memref<144xf32, #tpu.memory_space<vmem>>[vector<16xi32>], vector<16xf32>,
      %parallel_loop3A_920 = arith.mulf %parallel_loop3A_889, %parallel_loop3A_919 : vector<16xf32>
      %parallel_loop3A_921 = arith.addf %parallel_loop3A_915, %parallel_loop3A_920 : vector<16xf32>
      %parallel_loop3A_922 = arith.constant 4 : i32
      %parallel_loop3A_923 = vector.broadcast %parallel_loop3A_922 : i32 to vector<16xi32>
      %parallel_loop3A_924 = arith.addi %parallel_loop3A_898, %parallel_loop3A_923 : vector<16xi32>
      %parallel_loop3A_925 = tpu.vector_load_idx %arg32[%parallel_loop3A_924] : memref<144xf32, #tpu.memory_space<vmem>>[vector<16xi32>], vector<16xf32>,
      %parallel_loop3A_926 = arith.mulf %parallel_loop3A_892, %parallel_loop3A_925 : vector<16xf32>
      %parallel_loop3A_927 = arith.addf %parallel_loop3A_921, %parallel_loop3A_926 : vector<16xf32>
      %parallel_loop3A_928 = arith.constant 7 : i32
      %parallel_loop3A_929 = vector.broadcast %parallel_loop3A_928 : i32 to vector<16xi32>
      %parallel_loop3A_930 = arith.addi %parallel_loop3A_898, %parallel_loop3A_929 : vector<16xi32>
      %parallel_loop3A_931 = tpu.vector_load_idx %arg32[%parallel_loop3A_930] : memref<144xf32, #tpu.memory_space<vmem>>[vector<16xi32>], vector<16xf32>,
      %parallel_loop3A_932 = arith.mulf %parallel_loop3A_895, %parallel_loop3A_931 : vector<16xf32>
      %parallel_loop3A_933 = arith.addf %parallel_loop3A_927, %parallel_loop3A_932 : vector<16xf32>
      %parallel_loop3A_934 = arith.subf %parallel_loop3A_886, %parallel_loop3A_873 : vector<16xf32>
      %parallel_loop3A_935 = arith.constant 2 : i32
      %parallel_loop3A_936 = vector.broadcast %parallel_loop3A_935 : i32 to vector<16xi32>
      %parallel_loop3A_937 = arith.addi %parallel_loop3A_898, %parallel_loop3A_936 : vector<16xi32>
      %parallel_loop3A_938 = tpu.vector_load_idx %arg32[%parallel_loop3A_937] : memref<144xf32, #tpu.memory_space<vmem>>[vector<16xi32>], vector<16xf32>,
      %parallel_loop3A_939 = arith.mulf %parallel_loop3A_889, %parallel_loop3A_938 : vector<16xf32>
      %parallel_loop3A_940 = arith.addf %parallel_loop3A_934, %parallel_loop3A_939 : vector<16xf32>
      %parallel_loop3A_941 = arith.constant 5 : i32
      %parallel_loop3A_942 = vector.broadcast %parallel_loop3A_941 : i32 to vector<16xi32>
      %parallel_loop3A_943 = arith.addi %parallel_loop3A_898, %parallel_loop3A_942 : vector<16xi32>
      %parallel_loop3A_944 = tpu.vector_load_idx %arg32[%parallel_loop3A_943] : memref<144xf32, #tpu.memory_space<vmem>>[vector<16xi32>], vector<16xf32>,
      %parallel_loop3A_945 = arith.mulf %parallel_loop3A_892, %parallel_loop3A_944 : vector<16xf32>
      %parallel_loop3A_946 = arith.addf %parallel_loop3A_940, %parallel_loop3A_945 : vector<16xf32>
      %parallel_loop3A_947 = arith.constant 8 : i32
      %parallel_loop3A_948 = vector.broadcast %parallel_loop3A_947 : i32 to vector<16xi32>
      %parallel_loop3A_949 = arith.addi %parallel_loop3A_898, %parallel_loop3A_948 : vector<16xi32>
      %parallel_loop3A_950 = tpu.vector_load_idx %arg32[%parallel_loop3A_949] : memref<144xf32, #tpu.memory_space<vmem>>[vector<16xi32>], vector<16xf32>,
      %parallel_loop3A_951 = arith.mulf %parallel_loop3A_895, %parallel_loop3A_950 : vector<16xf32>
      %parallel_loop3A_952 = arith.addf %parallel_loop3A_946, %parallel_loop3A_951 : vector<16xf32>
      %parallel_loop3A_953 = arith.mulf %parallel_loop3A_914, %parallel_loop3A_914 : vector<16xf32>
      %parallel_loop3A_954 = arith.mulf %parallel_loop3A_933, %parallel_loop3A_933 : vector<16xf32>
      %parallel_loop3A_955 = arith.addf %parallel_loop3A_953, %parallel_loop3A_954 : vector<16xf32>
      %parallel_loop3A_956 = arith.mulf %parallel_loop3A_952, %parallel_loop3A_952 : vector<16xf32>
      %parallel_loop3A_957 = arith.addf %parallel_loop3A_955, %parallel_loop3A_956 : vector<16xf32>
      %parallel_loop3A_958 = vector.bitcast %parallel_loop3A_957 : vector<16xf32> to vector<16xi32>
      %parallel_loop3A_959 = arith.constant 1 : i32
      %parallel_loop3A_960 = vector.broadcast %parallel_loop3A_959 : i32 to vector<16xi32>
      %parallel_loop3A_961 = arith.shrsi %parallel_loop3A_958, %parallel_loop3A_960 : vector<16xi32>
      %parallel_loop3A_962 = arith.constant 1597463007 : i32
      %parallel_loop3A_963 = vector.broadcast %parallel_loop3A_962 : i32 to vector<16xi32>
      %parallel_loop3A_964 = arith.subi %parallel_loop3A_963, %parallel_loop3A_961 : vector<16xi32>
      %parallel_loop3A_965 = vector.bitcast %parallel_loop3A_964 : vector<16xi32> to vector<16xf32>
      %parallel_loop3A_966 = arith.constant 5.000000e-01 : f32
      %parallel_loop3A_967 = vector.broadcast %parallel_loop3A_966 : f32 to vector<16xf32>
      %parallel_loop3A_968 = arith.mulf %parallel_loop3A_967, %parallel_loop3A_957 : vector<16xf32>
      %parallel_loop3A_969 = arith.mulf %parallel_loop3A_968, %parallel_loop3A_965 : vector<16xf32>
      %parallel_loop3A_970 = arith.mulf %parallel_loop3A_969, %parallel_loop3A_965 : vector<16xf32>
      %parallel_loop3A_971 = arith.constant 1.500000e+00 : f32
      %parallel_loop3A_972 = vector.broadcast %parallel_loop3A_971 : f32 to vector<16xf32>
      %parallel_loop3A_973 = arith.subf %parallel_loop3A_972, %parallel_loop3A_970 : vector<16xf32>
      %parallel_loop3A_974 = arith.mulf %parallel_loop3A_965, %parallel_loop3A_973 : vector<16xf32>
      %parallel_loop3A_975 = arith.constant 5.000000e-01 : f32
      %parallel_loop3A_976 = vector.broadcast %parallel_loop3A_975 : f32 to vector<16xf32>
      %parallel_loop3A_977 = arith.mulf %parallel_loop3A_976, %parallel_loop3A_957 : vector<16xf32>
      %parallel_loop3A_978 = arith.mulf %parallel_loop3A_977, %parallel_loop3A_974 : vector<16xf32>
      %parallel_loop3A_979 = arith.mulf %parallel_loop3A_978, %parallel_loop3A_974 : vector<16xf32>
      %parallel_loop3A_980 = arith.constant 1.500000e+00 : f32
      %parallel_loop3A_981 = vector.broadcast %parallel_loop3A_980 : f32 to vector<16xf32>
      %parallel_loop3A_982 = arith.subf %parallel_loop3A_981, %parallel_loop3A_979 : vector<16xf32>
      %parallel_loop3A_983 = arith.mulf %parallel_loop3A_974, %parallel_loop3A_982 : vector<16xf32>
      %parallel_loop3A_984 = arith.constant 5.000000e-01 : f32
      %parallel_loop3A_985 = vector.broadcast %parallel_loop3A_984 : f32 to vector<16xf32>
      %parallel_loop3A_986 = arith.mulf %parallel_loop3A_985, %parallel_loop3A_957 : vector<16xf32>
      %parallel_loop3A_987 = arith.mulf %parallel_loop3A_986, %parallel_loop3A_983 : vector<16xf32>
      %parallel_loop3A_988 = arith.mulf %parallel_loop3A_987, %parallel_loop3A_983 : vector<16xf32>
      %parallel_loop3A_989 = arith.constant 1.500000e+00 : f32
      %parallel_loop3A_990 = vector.broadcast %parallel_loop3A_989 : f32 to vector<16xf32>
      %parallel_loop3A_991 = arith.subf %parallel_loop3A_990, %parallel_loop3A_988 : vector<16xf32>
      %parallel_loop3A_992 = arith.mulf %parallel_loop3A_983, %parallel_loop3A_991 : vector<16xf32>
      %parallel_loop3A_993 = arith.constant 0.000000e+00 : f32
      %parallel_loop3A_994 = vector.broadcast %parallel_loop3A_993 : f32 to vector<16xf32>
      %parallel_loop3A_995 = arith.cmpf ogt, %parallel_loop3A_957, %parallel_loop3A_994 : vector<16xf32>
      %parallel_loop3A_996 = arith.mulf %parallel_loop3A_957, %parallel_loop3A_992 : vector<16xf32>
      %parallel_loop3A_997 = arith.constant 0.000000e+00 : f32
      %parallel_loop3A_998 = vector.broadcast %parallel_loop3A_997 : f32 to vector<16xf32>
      %parallel_loop3A_999 = arith.select %parallel_loop3A_995, %parallel_loop3A_996, %parallel_loop3A_998 : vector<16xi1>, vector<16xf32>
      %parallel_loop3A_1000 = arith.constant 0 : i32
      %parallel_loop3A_1001 = vector.broadcast %parallel_loop3A_1000 : i32 to vector<16xi32>
      tpu.vector_store_idx %arg17[%parallel_loop3A_1001, %parallel_loop3A_864], %parallel_loop3A_914 : memref<3x2000xf32, #tpu.memory_space<vmem>>[vector<16xi32>, vector<16xi32>], vector<16xf32>,
      %parallel_loop3A_1002 = arith.constant 1 : i32
      %parallel_loop3A_1003 = vector.broadcast %parallel_loop3A_1002 : i32 to vector<16xi32>
      tpu.vector_store_idx %arg17[%parallel_loop3A_1003, %parallel_loop3A_864], %parallel_loop3A_933 : memref<3x2000xf32, #tpu.memory_space<vmem>>[vector<16xi32>, vector<16xi32>], vector<16xf32>,
      %parallel_loop3A_1004 = arith.constant 2 : i32
      %parallel_loop3A_1005 = vector.broadcast %parallel_loop3A_1004 : i32 to vector<16xi32>
      tpu.vector_store_idx %arg17[%parallel_loop3A_1005, %parallel_loop3A_864], %parallel_loop3A_952 : memref<3x2000xf32, #tpu.memory_space<vmem>>[vector<16xi32>, vector<16xi32>], vector<16xf32>,
      tpu.vector_store_idx %arg18[%parallel_loop3A_864], %parallel_loop3A_999 : memref<2000xf32, #tpu.memory_space<vmem>>[vector<16xi32>], vector<16xf32>,
    } {sc.loop_unroll_factor = 4 : i64, sc.parallel_access}
    %mul3A_629 = arith.constant 200000 : i32
    %mul3A_630 = arith.muli %add3A, %mul3A_629 : i32
    %add3A_631 = arith.constant 196000 : i32
    %add3A_632 = arith.addi %mul3A_630, %add3A_631 : i32
    %dma_start3A_633 = arith.constant 0 : i32
    %dma_start3A_634 = arith.constant 0 : i32
    %dma_start3A_635 = tpu.memref_slice %arg17[%dma_start3A_633, %dma_start3A_634] : memref<3x2000xf32, #tpu.memory_space<vmem>> -> memref<1x2000xf32, #tpu.memory_space<vmem>>
    %dma_start3A_636 = tpu.memref_squeeze %dma_start3A_635 : memref<1x2000xf32, #tpu.memory_space<vmem>> -> memref<2000xf32, #tpu.memory_space<vmem>>
    %dma_start3A_637 = tpu.memref_slice %arg8[%add3A_632] : memref<6400000xf32, #tpu.memory_space<hbm>> -> memref<2000xf32, #tpu.memory_space<hbm>>
    %dma_start3A_638 = tpu.memref_slice %arg8[%add3A_632] : memref<6400000xf32, #tpu.memory_space<hbm>> -> memref<2000xf32, #tpu.memory_space<hbm>>
    %dma_start3A_639 = arith.constant 0 : i32
    %dma_start3A_640 = tpu.memref_slice %arg17[%dma_start3A_633, %dma_start3A_639] : memref<3x2000xf32, #tpu.memory_space<vmem>> -> memref<1x2000xf32, #tpu.memory_space<vmem>>
    %dma_start3A_641 = tpu.memref_squeeze %dma_start3A_640 : memref<1x2000xf32, #tpu.memory_space<vmem>> -> memref<2000xf32, #tpu.memory_space<vmem>>
    tpu.enqueue_dma source(%dma_start3A_641 : memref<2000xf32, #tpu.memory_space<vmem>>) target(%dma_start3A_638 : memref<2000xf32, #tpu.memory_space<hbm>>) target_semaphore(%arg21 : memref<!tpu.dma_semaphore, #tpu.memory_space<semaphore_mem>>)
    %dma_start3A_642 = arith.constant 1 : i32
    %dma_start3A_643 = arith.constant 0 : i32
    %dma_start3A_644 = tpu.memref_slice %arg17[%dma_start3A_642, %dma_start3A_643] : memref<3x2000xf32, #tpu.memory_space<vmem>> -> memref<1x2000xf32, #tpu.memory_space<vmem>>
    %dma_start3A_645 = tpu.memref_squeeze %dma_start3A_644 : memref<1x2000xf32, #tpu.memory_space<vmem>> -> memref<2000xf32, #tpu.memory_space<vmem>>
    %dma_start3A_646 = tpu.memref_slice %arg9[%add3A_632] : memref<6400000xf32, #tpu.memory_space<hbm>> -> memref<2000xf32, #tpu.memory_space<hbm>>
    %dma_start3A_647 = tpu.memref_slice %arg9[%add3A_632] : memref<6400000xf32, #tpu.memory_space<hbm>> -> memref<2000xf32, #tpu.memory_space<hbm>>
    %dma_start3A_648 = arith.constant 0 : i32
    %dma_start3A_649 = tpu.memref_slice %arg17[%dma_start3A_642, %dma_start3A_648] : memref<3x2000xf32, #tpu.memory_space<vmem>> -> memref<1x2000xf32, #tpu.memory_space<vmem>>
    %dma_start3A_650 = tpu.memref_squeeze %dma_start3A_649 : memref<1x2000xf32, #tpu.memory_space<vmem>> -> memref<2000xf32, #tpu.memory_space<vmem>>
    tpu.enqueue_dma source(%dma_start3A_650 : memref<2000xf32, #tpu.memory_space<vmem>>) target(%dma_start3A_647 : memref<2000xf32, #tpu.memory_space<hbm>>) target_semaphore(%arg21 : memref<!tpu.dma_semaphore, #tpu.memory_space<semaphore_mem>>)
    %dma_start3A_651 = arith.constant 2 : i32
    %dma_start3A_652 = arith.constant 0 : i32
    %dma_start3A_653 = tpu.memref_slice %arg17[%dma_start3A_651, %dma_start3A_652] : memref<3x2000xf32, #tpu.memory_space<vmem>> -> memref<1x2000xf32, #tpu.memory_space<vmem>>
    %dma_start3A_654 = tpu.memref_squeeze %dma_start3A_653 : memref<1x2000xf32, #tpu.memory_space<vmem>> -> memref<2000xf32, #tpu.memory_space<vmem>>
    %dma_start3A_655 = tpu.memref_slice %arg10[%add3A_632] : memref<6400000xf32, #tpu.memory_space<hbm>> -> memref<2000xf32, #tpu.memory_space<hbm>>
    %dma_start3A_656 = tpu.memref_slice %arg10[%add3A_632] : memref<6400000xf32, #tpu.memory_space<hbm>> -> memref<2000xf32, #tpu.memory_space<hbm>>
    %dma_start3A_657 = arith.constant 0 : i32
    %dma_start3A_658 = tpu.memref_slice %arg17[%dma_start3A_651, %dma_start3A_657] : memref<3x2000xf32, #tpu.memory_space<vmem>> -> memref<1x2000xf32, #tpu.memory_space<vmem>>
    %dma_start3A_659 = tpu.memref_squeeze %dma_start3A_658 : memref<1x2000xf32, #tpu.memory_space<vmem>> -> memref<2000xf32, #tpu.memory_space<vmem>>
    tpu.enqueue_dma source(%dma_start3A_659 : memref<2000xf32, #tpu.memory_space<vmem>>) target(%dma_start3A_656 : memref<2000xf32, #tpu.memory_space<hbm>>) target_semaphore(%arg21 : memref<!tpu.dma_semaphore, #tpu.memory_space<semaphore_mem>>)
    %dma_start3A_660 = tpu.memref_slice %arg11[%add3A_632] : memref<6400000xf32, #tpu.memory_space<hbm>> -> memref<2000xf32, #tpu.memory_space<hbm>>
    %dma_start3A_661 = tpu.memref_slice %arg11[%add3A_632] : memref<6400000xf32, #tpu.memory_space<hbm>> -> memref<2000xf32, #tpu.memory_space<hbm>>
    tpu.enqueue_dma source(%arg18 : memref<2000xf32, #tpu.memory_space<vmem>>) target(%dma_start3A_661 : memref<2000xf32, #tpu.memory_space<hbm>>) target_semaphore(%arg21 : memref<!tpu.dma_semaphore, #tpu.memory_space<semaphore_mem>>)
    %scan3A_662 = arith.constant 0 : i32
    %scan3A_663 = arith.constant 0 : i32
    %scan3A_664 = arith.constant 25 : i32
    %scan3A_665 = arith.addi %scan3A_663, %scan3A_664 : i32
    %scan3A_666 = arith.constant 1 : i32
    scf.for %scan3A_815 = %scan3A_663 to %scan3A_665 step %scan3A_666  : i32 {
      %dma_wait3A_816 = arith.constant 0 : i32
      %dma_wait3A_817 = arith.constant 0 : i32
      %dma_wait3A_818 = tpu.memref_slice %arg24[%scan3A_815, %dma_wait3A_816, %dma_wait3A_817] : memref<25x80x8xf32, #tpu.memory_space<vmem>> -> memref<1x80x8xf32, #tpu.memory_space<vmem>>
      %dma_wait3A_819 = tpu.memref_squeeze %dma_wait3A_818 : memref<1x80x8xf32, #tpu.memory_space<vmem>> -> memref<80x8xf32, #tpu.memory_space<vmem>>
      %dma_wait3A_820 = arith.constant 0 : i32
      %dma_wait3A_821 = tpu.memref_slice %arg22[%scan3A_815, %dma_wait3A_820] : memref<25x80xi32, #tpu.memory_space<vmem>> -> memref<1x80xi32, #tpu.memory_space<vmem>>
      %dma_wait3A_822 = tpu.memref_squeeze %dma_wait3A_821 : memref<1x80xi32, #tpu.memory_space<vmem>> -> memref<80xi32, #tpu.memory_space<vmem>>
      %dma_wait3A_823 = arith.constant 0 : i32
      %dma_wait3A_824 = arith.constant 0 : i32
      %dma_wait3A_825 = tpu.memref_slice %arg2[%dma_wait3A_823, %dma_wait3A_824] : memref<100000x8xf32, #tpu.memory_space<hbm>> -> memref<100000x8xf32, #tpu.memory_space<hbm>>
      tpu.wait_indirect_dma semaphore(%arg30 : memref<!tpu.dma_semaphore, #tpu.memory_space<semaphore_mem>>) src(%dma_wait3A_825 : memref<100000x8xf32, #tpu.memory_space<hbm>>) dst(%dma_wait3A_819 : memref<80x8xf32, #tpu.memory_space<vmem>>)
      %dma_wait3A_826 = arith.constant 0 : i32
      %dma_wait3A_827 = arith.constant 0 : i32
      %dma_wait3A_828 = tpu.memref_slice %arg25[%scan3A_815, %dma_wait3A_826, %dma_wait3A_827] : memref<25x80x8xf32, #tpu.memory_space<vmem>> -> memref<1x80x8xf32, #tpu.memory_space<vmem>>
      %dma_wait3A_829 = tpu.memref_squeeze %dma_wait3A_828 : memref<1x80x8xf32, #tpu.memory_space<vmem>> -> memref<80x8xf32, #tpu.memory_space<vmem>>
      %dma_wait3A_830 = arith.constant 0 : i32
      %dma_wait3A_831 = tpu.memref_slice %arg23[%scan3A_815, %dma_wait3A_830] : memref<25x80xi32, #tpu.memory_space<vmem>> -> memref<1x80xi32, #tpu.memory_space<vmem>>
      %dma_wait3A_832 = tpu.memref_squeeze %dma_wait3A_831 : memref<1x80xi32, #tpu.memory_space<vmem>> -> memref<80xi32, #tpu.memory_space<vmem>>
      %dma_wait3A_833 = arith.constant 0 : i32
      %dma_wait3A_834 = arith.constant 0 : i32
      %dma_wait3A_835 = tpu.memref_slice %arg2[%dma_wait3A_833, %dma_wait3A_834] : memref<100000x8xf32, #tpu.memory_space<hbm>> -> memref<100000x8xf32, #tpu.memory_space<hbm>>
      tpu.wait_indirect_dma semaphore(%arg30 : memref<!tpu.dma_semaphore, #tpu.memory_space<semaphore_mem>>) src(%dma_wait3A_835 : memref<100000x8xf32, #tpu.memory_space<hbm>>) dst(%dma_wait3A_829 : memref<80x8xf32, #tpu.memory_space<vmem>>)
    }
    %scan3A_667 = arith.constant 25 : i32
    %dma_wait3A_668 = arith.constant 0 : i32
    %dma_wait3A_669 = arith.constant 0 : i32
    %dma_wait3A_670 = tpu.memref_slice %arg27[%dma_wait3A_668, %dma_wait3A_669] : memref<3x2000xf32, #tpu.memory_space<vmem>> -> memref<1x2000xf32, #tpu.memory_space<vmem>>
    %dma_wait3A_671 = tpu.memref_squeeze %dma_wait3A_670 : memref<1x2000xf32, #tpu.memory_space<vmem>> -> memref<2000xf32, #tpu.memory_space<vmem>>
    %dma_wait3A_672 = arith.constant 0 : i32
    %dma_wait3A_673 = tpu.memref_slice %arg8[%dma_wait3A_672] : memref<6400000xf32, #tpu.memory_space<hbm>> -> memref<2000xf32, #tpu.memory_space<hbm>>
    %dma_wait3A_674 = arith.constant 0 : i32
    %dma_wait3A_675 = tpu.memref_slice %arg8[%dma_wait3A_674] : memref<6400000xf32, #tpu.memory_space<hbm>> -> memref<2000xf32, #tpu.memory_space<hbm>>
    %dma_wait3A_676 = arith.constant 0 : i32
    %dma_wait3A_677 = tpu.memref_slice %arg27[%dma_wait3A_668, %dma_wait3A_676] : memref<3x2000xf32, #tpu.memory_space<vmem>> -> memref<1x2000xf32, #tpu.memory_space<vmem>>
    %dma_wait3A_678 = tpu.memref_squeeze %dma_wait3A_677 : memref<1x2000xf32, #tpu.memory_space<vmem>> -> memref<2000xf32, #tpu.memory_space<vmem>>
    tpu.wait_dma2 semaphore(%arg31 : memref<!tpu.dma_semaphore, #tpu.memory_space<semaphore_mem>>) src(%dma_wait3A_678 : memref<2000xf32, #tpu.memory_space<vmem>>) dst(%dma_wait3A_675 : memref<2000xf32, #tpu.memory_space<hbm>>)
    %dma_wait3A_679 = arith.constant 1 : i32
    %dma_wait3A_680 = arith.constant 0 : i32
    %dma_wait3A_681 = tpu.memref_slice %arg27[%dma_wait3A_679, %dma_wait3A_680] : memref<3x2000xf32, #tpu.memory_space<vmem>> -> memref<1x2000xf32, #tpu.memory_space<vmem>>
    %dma_wait3A_682 = tpu.memref_squeeze %dma_wait3A_681 : memref<1x2000xf32, #tpu.memory_space<vmem>> -> memref<2000xf32, #tpu.memory_space<vmem>>
    %dma_wait3A_683 = arith.constant 0 : i32
    %dma_wait3A_684 = tpu.memref_slice %arg9[%dma_wait3A_683] : memref<6400000xf32, #tpu.memory_space<hbm>> -> memref<2000xf32, #tpu.memory_space<hbm>>
    %dma_wait3A_685 = arith.constant 0 : i32
    %dma_wait3A_686 = tpu.memref_slice %arg9[%dma_wait3A_685] : memref<6400000xf32, #tpu.memory_space<hbm>> -> memref<2000xf32, #tpu.memory_space<hbm>>
    %dma_wait3A_687 = arith.constant 0 : i32
    %dma_wait3A_688 = tpu.memref_slice %arg27[%dma_wait3A_679, %dma_wait3A_687] : memref<3x2000xf32, #tpu.memory_space<vmem>> -> memref<1x2000xf32, #tpu.memory_space<vmem>>
    %dma_wait3A_689 = tpu.memref_squeeze %dma_wait3A_688 : memref<1x2000xf32, #tpu.memory_space<vmem>> -> memref<2000xf32, #tpu.memory_space<vmem>>
    tpu.wait_dma2 semaphore(%arg31 : memref<!tpu.dma_semaphore, #tpu.memory_space<semaphore_mem>>) src(%dma_wait3A_689 : memref<2000xf32, #tpu.memory_space<vmem>>) dst(%dma_wait3A_686 : memref<2000xf32, #tpu.memory_space<hbm>>)
    %dma_wait3A_690 = arith.constant 2 : i32
    %dma_wait3A_691 = arith.constant 0 : i32
    %dma_wait3A_692 = tpu.memref_slice %arg27[%dma_wait3A_690, %dma_wait3A_691] : memref<3x2000xf32, #tpu.memory_space<vmem>> -> memref<1x2000xf32, #tpu.memory_space<vmem>>
    %dma_wait3A_693 = tpu.memref_squeeze %dma_wait3A_692 : memref<1x2000xf32, #tpu.memory_space<vmem>> -> memref<2000xf32, #tpu.memory_space<vmem>>
    %dma_wait3A_694 = arith.constant 0 : i32
    %dma_wait3A_695 = tpu.memref_slice %arg10[%dma_wait3A_694] : memref<6400000xf32, #tpu.memory_space<hbm>> -> memref<2000xf32, #tpu.memory_space<hbm>>
    %dma_wait3A_696 = arith.constant 0 : i32
    %dma_wait3A_697 = tpu.memref_slice %arg10[%dma_wait3A_696] : memref<6400000xf32, #tpu.memory_space<hbm>> -> memref<2000xf32, #tpu.memory_space<hbm>>
    %dma_wait3A_698 = arith.constant 0 : i32
    %dma_wait3A_699 = tpu.memref_slice %arg27[%dma_wait3A_690, %dma_wait3A_698] : memref<3x2000xf32, #tpu.memory_space<vmem>> -> memref<1x2000xf32, #tpu.memory_space<vmem>>
    %dma_wait3A_700 = tpu.memref_squeeze %dma_wait3A_699 : memref<1x2000xf32, #tpu.memory_space<vmem>> -> memref<2000xf32, #tpu.memory_space<vmem>>
    tpu.wait_dma2 semaphore(%arg31 : memref<!tpu.dma_semaphore, #tpu.memory_space<semaphore_mem>>) src(%dma_wait3A_700 : memref<2000xf32, #tpu.memory_space<vmem>>) dst(%dma_wait3A_697 : memref<2000xf32, #tpu.memory_space<hbm>>)
    %dma_wait3A_701 = arith.constant 0 : i32
    %dma_wait3A_702 = tpu.memref_slice %arg11[%dma_wait3A_701] : memref<6400000xf32, #tpu.memory_space<hbm>> -> memref<2000xf32, #tpu.memory_space<hbm>>
    %dma_wait3A_703 = arith.constant 0 : i32
    %dma_wait3A_704 = tpu.memref_slice %arg11[%dma_wait3A_703] : memref<6400000xf32, #tpu.memory_space<hbm>> -> memref<2000xf32, #tpu.memory_space<hbm>>
    tpu.wait_dma2 semaphore(%arg31 : memref<!tpu.dma_semaphore, #tpu.memory_space<semaphore_mem>>) src(%arg28 : memref<2000xf32, #tpu.memory_space<vmem>>) dst(%dma_wait3A_704 : memref<2000xf32, #tpu.memory_space<hbm>>)
    %parallel_loop3A_705 = arith.constant 0 : i32
    %parallel_loop3A_706 = arith.constant 125 : i32
    %parallel_loop3A_707 = arith.constant 1 : i32
    scf.for %parallel_loop3A_815 = %parallel_loop3A_705 to %parallel_loop3A_706 step %parallel_loop3A_707  : i32 {
      %parallel_loop3A_816 = arith.constant 5 : i32
      %parallel_loop3A_817 = arith.divsi %parallel_loop3A_815, %parallel_loop3A_816 : i32
      %parallel_loop3A_818 = arith.constant 0 : i32
      %parallel_loop3A_819 = arith.cmpi sgt, %parallel_loop3A_815, %parallel_loop3A_818 : i32
      %parallel_loop3A_820 = arith.extui %parallel_loop3A_819 : i1 to i32
      %parallel_loop3A_821 = arith.constant 0 : i32
      %parallel_loop3A_822 = arith.cmpi slt, %parallel_loop3A_815, %parallel_loop3A_821 : i32
      %parallel_loop3A_823 = arith.extui %parallel_loop3A_822 : i1 to i32
      %parallel_loop3A_824 = arith.subi %parallel_loop3A_820, %parallel_loop3A_823 : i32
      %parallel_loop3A_825 = arith.constant 0 : i32
      %parallel_loop3A_826 = arith.cmpi sgt, %parallel_loop3A_816, %parallel_loop3A_825 : i32
      %parallel_loop3A_827 = arith.extui %parallel_loop3A_826 : i1 to i32
      %parallel_loop3A_828 = arith.constant 0 : i32
      %parallel_loop3A_829 = arith.cmpi slt, %parallel_loop3A_816, %parallel_loop3A_828 : i32
      %parallel_loop3A_830 = arith.extui %parallel_loop3A_829 : i1 to i32
      %parallel_loop3A_831 = arith.subi %parallel_loop3A_827, %parallel_loop3A_830 : i32
      %parallel_loop3A_832 = arith.cmpi ne, %parallel_loop3A_824, %parallel_loop3A_831 : i32
      %parallel_loop3A_833 = arith.remsi %parallel_loop3A_815, %parallel_loop3A_816 : i32
      %parallel_loop3A_834 = arith.constant 0 : i32
      %parallel_loop3A_835 = arith.cmpi ne, %parallel_loop3A_833, %parallel_loop3A_834 : i32
      %parallel_loop3A_836 = arith.andi %parallel_loop3A_832, %parallel_loop3A_835 : i1
      %parallel_loop3A_837 = arith.constant 1 : i32
      %parallel_loop3A_838 = arith.subi %parallel_loop3A_817, %parallel_loop3A_837 : i32
      %parallel_loop3A_839 = arith.select %parallel_loop3A_836, %parallel_loop3A_838, %parallel_loop3A_817 : i32
      %parallel_loop3A_840 = vector.broadcast %parallel_loop3A_839 : i32 to vector<16xi32>
      %parallel_loop3A_841 = arith.constant 5 : i32
      %parallel_loop3A_842 = arith.constant 0 : i32
      %parallel_loop3A_843 = arith.cmpi eq, %parallel_loop3A_841, %parallel_loop3A_842 : i32
      %parallel_loop3A_844 = arith.constant 1 : i32
      %parallel_loop3A_845 = arith.select %parallel_loop3A_843, %parallel_loop3A_844, %parallel_loop3A_841 : i32
      %parallel_loop3A_846 = arith.remsi %parallel_loop3A_815, %parallel_loop3A_845 : i32
      %parallel_loop3A_847 = arith.constant 0 : i32
      %parallel_loop3A_848 = arith.cmpi ne, %parallel_loop3A_846, %parallel_loop3A_847 : i32
      %parallel_loop3A_849 = arith.constant 0 : i32
      %parallel_loop3A_850 = arith.cmpi slt, %parallel_loop3A_846, %parallel_loop3A_849 : i32
      %parallel_loop3A_851 = arith.constant 0 : i32
      %parallel_loop3A_852 = arith.cmpi slt, %parallel_loop3A_845, %parallel_loop3A_851 : i32
      %parallel_loop3A_853 = arith.xori %parallel_loop3A_850, %parallel_loop3A_852 : i1
      %parallel_loop3A_854 = arith.andi %parallel_loop3A_853, %parallel_loop3A_848 : i1
      %parallel_loop3A_855 = arith.addi %parallel_loop3A_846, %parallel_loop3A_845 : i32
      %parallel_loop3A_856 = arith.select %parallel_loop3A_854, %parallel_loop3A_855, %parallel_loop3A_846 : i32
      %parallel_loop3A_857 = arith.constant 16 : i32
      %parallel_loop3A_858 = arith.muli %parallel_loop3A_856, %parallel_loop3A_857 : i32
      %parallel_loop3A_859 = vector.broadcast %parallel_loop3A_858 : i32 to vector<16xi32>
      %parallel_loop3A_860 = arith.addi %parallel_loop3A_859, %iota3A : vector<16xi32>
      %parallel_loop3A_861 = arith.constant 16 : i32
      %parallel_loop3A_862 = arith.muli %parallel_loop3A_815, %parallel_loop3A_861 : i32
      %parallel_loop3A_863 = vector.broadcast %parallel_loop3A_862 : i32 to vector<16xi32>
      %parallel_loop3A_864 = arith.addi %parallel_loop3A_863, %iota3A : vector<16xi32>
      %parallel_loop3A_865 = arith.constant 0 : i32
      %parallel_loop3A_866 = vector.broadcast %parallel_loop3A_865 : i32 to vector<16xi32>
      %parallel_loop3A_867 = tpu.vector_load_idx %arg24[%parallel_loop3A_840, %parallel_loop3A_860, %parallel_loop3A_866] : memref<25x80x8xf32, #tpu.memory_space<vmem>>[vector<16xi32>, vector<16xi32>, vector<16xi32>], vector<16xf32>,
      %parallel_loop3A_868 = arith.constant 1 : i32
      %parallel_loop3A_869 = vector.broadcast %parallel_loop3A_868 : i32 to vector<16xi32>
      %parallel_loop3A_870 = tpu.vector_load_idx %arg24[%parallel_loop3A_840, %parallel_loop3A_860, %parallel_loop3A_869] : memref<25x80x8xf32, #tpu.memory_space<vmem>>[vector<16xi32>, vector<16xi32>, vector<16xi32>], vector<16xf32>,
      %parallel_loop3A_871 = arith.constant 2 : i32
      %parallel_loop3A_872 = vector.broadcast %parallel_loop3A_871 : i32 to vector<16xi32>
      %parallel_loop3A_873 = tpu.vector_load_idx %arg24[%parallel_loop3A_840, %parallel_loop3A_860, %parallel_loop3A_872] : memref<25x80x8xf32, #tpu.memory_space<vmem>>[vector<16xi32>, vector<16xi32>, vector<16xi32>], vector<16xf32>,
      %parallel_loop3A_874 = arith.constant 3 : i32
      %parallel_loop3A_875 = vector.broadcast %parallel_loop3A_874 : i32 to vector<16xi32>
      %parallel_loop3A_876 = tpu.vector_load_idx %arg24[%parallel_loop3A_840, %parallel_loop3A_860, %parallel_loop3A_875] : memref<25x80x8xf32, #tpu.memory_space<vmem>>[vector<16xi32>, vector<16xi32>, vector<16xi32>], vector<16xf32>,
      %parallel_loop3A_877 = arith.fptosi %parallel_loop3A_876 : vector<16xf32> to vector<16xi32>
      %parallel_loop3A_878 = arith.constant 0 : i32
      %parallel_loop3A_879 = vector.broadcast %parallel_loop3A_878 : i32 to vector<16xi32>
      %parallel_loop3A_880 = tpu.vector_load_idx %arg25[%parallel_loop3A_840, %parallel_loop3A_860, %parallel_loop3A_879] : memref<25x80x8xf32, #tpu.memory_space<vmem>>[vector<16xi32>, vector<16xi32>, vector<16xi32>], vector<16xf32>,
      %parallel_loop3A_881 = arith.constant 1 : i32
      %parallel_loop3A_882 = vector.broadcast %parallel_loop3A_881 : i32 to vector<16xi32>
      %parallel_loop3A_883 = tpu.vector_load_idx %arg25[%parallel_loop3A_840, %parallel_loop3A_860, %parallel_loop3A_882] : memref<25x80x8xf32, #tpu.memory_space<vmem>>[vector<16xi32>, vector<16xi32>, vector<16xi32>], vector<16xf32>,
      %parallel_loop3A_884 = arith.constant 2 : i32
      %parallel_loop3A_885 = vector.broadcast %parallel_loop3A_884 : i32 to vector<16xi32>
      %parallel_loop3A_886 = tpu.vector_load_idx %arg25[%parallel_loop3A_840, %parallel_loop3A_860, %parallel_loop3A_885] : memref<25x80x8xf32, #tpu.memory_space<vmem>>[vector<16xi32>, vector<16xi32>, vector<16xi32>], vector<16xf32>,
      %parallel_loop3A_887 = arith.constant 0 : i32
      %parallel_loop3A_888 = vector.broadcast %parallel_loop3A_887 : i32 to vector<16xi32>
      %parallel_loop3A_889 = tpu.vector_load_idx %arg26[%parallel_loop3A_888, %parallel_loop3A_864] : memref<3x2000xf32, #tpu.memory_space<vmem>>[vector<16xi32>, vector<16xi32>], vector<16xf32>,
      %parallel_loop3A_890 = arith.constant 1 : i32
      %parallel_loop3A_891 = vector.broadcast %parallel_loop3A_890 : i32 to vector<16xi32>
      %parallel_loop3A_892 = tpu.vector_load_idx %arg26[%parallel_loop3A_891, %parallel_loop3A_864] : memref<3x2000xf32, #tpu.memory_space<vmem>>[vector<16xi32>, vector<16xi32>], vector<16xf32>,
      %parallel_loop3A_893 = arith.constant 2 : i32
      %parallel_loop3A_894 = vector.broadcast %parallel_loop3A_893 : i32 to vector<16xi32>
      %parallel_loop3A_895 = tpu.vector_load_idx %arg26[%parallel_loop3A_894, %parallel_loop3A_864] : memref<3x2000xf32, #tpu.memory_space<vmem>>[vector<16xi32>, vector<16xi32>], vector<16xf32>,
      %parallel_loop3A_896 = arith.constant 9 : i32
      %parallel_loop3A_897 = vector.broadcast %parallel_loop3A_896 : i32 to vector<16xi32>
      %parallel_loop3A_898 = arith.muli %parallel_loop3A_877, %parallel_loop3A_897 : vector<16xi32>
      %parallel_loop3A_899 = arith.subf %parallel_loop3A_880, %parallel_loop3A_867 : vector<16xf32>
      %parallel_loop3A_900 = tpu.vector_load_idx %arg32[%parallel_loop3A_898] : memref<144xf32, #tpu.memory_space<vmem>>[vector<16xi32>], vector<16xf32>,
      %parallel_loop3A_901 = arith.mulf %parallel_loop3A_889, %parallel_loop3A_900 : vector<16xf32>
      %parallel_loop3A_902 = arith.addf %parallel_loop3A_899, %parallel_loop3A_901 : vector<16xf32>
      %parallel_loop3A_903 = arith.constant 3 : i32
      %parallel_loop3A_904 = vector.broadcast %parallel_loop3A_903 : i32 to vector<16xi32>
      %parallel_loop3A_905 = arith.addi %parallel_loop3A_898, %parallel_loop3A_904 : vector<16xi32>
      %parallel_loop3A_906 = tpu.vector_load_idx %arg32[%parallel_loop3A_905] : memref<144xf32, #tpu.memory_space<vmem>>[vector<16xi32>], vector<16xf32>,
      %parallel_loop3A_907 = arith.mulf %parallel_loop3A_892, %parallel_loop3A_906 : vector<16xf32>
      %parallel_loop3A_908 = arith.addf %parallel_loop3A_902, %parallel_loop3A_907 : vector<16xf32>
      %parallel_loop3A_909 = arith.constant 6 : i32
      %parallel_loop3A_910 = vector.broadcast %parallel_loop3A_909 : i32 to vector<16xi32>
      %parallel_loop3A_911 = arith.addi %parallel_loop3A_898, %parallel_loop3A_910 : vector<16xi32>
      %parallel_loop3A_912 = tpu.vector_load_idx %arg32[%parallel_loop3A_911] : memref<144xf32, #tpu.memory_space<vmem>>[vector<16xi32>], vector<16xf32>,
      %parallel_loop3A_913 = arith.mulf %parallel_loop3A_895, %parallel_loop3A_912 : vector<16xf32>
      %parallel_loop3A_914 = arith.addf %parallel_loop3A_908, %parallel_loop3A_913 : vector<16xf32>
      %parallel_loop3A_915 = arith.subf %parallel_loop3A_883, %parallel_loop3A_870 : vector<16xf32>
      %parallel_loop3A_916 = arith.constant 1 : i32
      %parallel_loop3A_917 = vector.broadcast %parallel_loop3A_916 : i32 to vector<16xi32>
      %parallel_loop3A_918 = arith.addi %parallel_loop3A_898, %parallel_loop3A_917 : vector<16xi32>
      %parallel_loop3A_919 = tpu.vector_load_idx %arg32[%parallel_loop3A_918] : memref<144xf32, #tpu.memory_space<vmem>>[vector<16xi32>], vector<16xf32>,
      %parallel_loop3A_920 = arith.mulf %parallel_loop3A_889, %parallel_loop3A_919 : vector<16xf32>
      %parallel_loop3A_921 = arith.addf %parallel_loop3A_915, %parallel_loop3A_920 : vector<16xf32>
      %parallel_loop3A_922 = arith.constant 4 : i32
      %parallel_loop3A_923 = vector.broadcast %parallel_loop3A_922 : i32 to vector<16xi32>
      %parallel_loop3A_924 = arith.addi %parallel_loop3A_898, %parallel_loop3A_923 : vector<16xi32>
      %parallel_loop3A_925 = tpu.vector_load_idx %arg32[%parallel_loop3A_924] : memref<144xf32, #tpu.memory_space<vmem>>[vector<16xi32>], vector<16xf32>,
      %parallel_loop3A_926 = arith.mulf %parallel_loop3A_892, %parallel_loop3A_925 : vector<16xf32>
      %parallel_loop3A_927 = arith.addf %parallel_loop3A_921, %parallel_loop3A_926 : vector<16xf32>
      %parallel_loop3A_928 = arith.constant 7 : i32
      %parallel_loop3A_929 = vector.broadcast %parallel_loop3A_928 : i32 to vector<16xi32>
      %parallel_loop3A_930 = arith.addi %parallel_loop3A_898, %parallel_loop3A_929 : vector<16xi32>
      %parallel_loop3A_931 = tpu.vector_load_idx %arg32[%parallel_loop3A_930] : memref<144xf32, #tpu.memory_space<vmem>>[vector<16xi32>], vector<16xf32>,
      %parallel_loop3A_932 = arith.mulf %parallel_loop3A_895, %parallel_loop3A_931 : vector<16xf32>
      %parallel_loop3A_933 = arith.addf %parallel_loop3A_927, %parallel_loop3A_932 : vector<16xf32>
      %parallel_loop3A_934 = arith.subf %parallel_loop3A_886, %parallel_loop3A_873 : vector<16xf32>
      %parallel_loop3A_935 = arith.constant 2 : i32
      %parallel_loop3A_936 = vector.broadcast %parallel_loop3A_935 : i32 to vector<16xi32>
      %parallel_loop3A_937 = arith.addi %parallel_loop3A_898, %parallel_loop3A_936 : vector<16xi32>
      %parallel_loop3A_938 = tpu.vector_load_idx %arg32[%parallel_loop3A_937] : memref<144xf32, #tpu.memory_space<vmem>>[vector<16xi32>], vector<16xf32>,
      %parallel_loop3A_939 = arith.mulf %parallel_loop3A_889, %parallel_loop3A_938 : vector<16xf32>
      %parallel_loop3A_940 = arith.addf %parallel_loop3A_934, %parallel_loop3A_939 : vector<16xf32>
      %parallel_loop3A_941 = arith.constant 5 : i32
      %parallel_loop3A_942 = vector.broadcast %parallel_loop3A_941 : i32 to vector<16xi32>
      %parallel_loop3A_943 = arith.addi %parallel_loop3A_898, %parallel_loop3A_942 : vector<16xi32>
      %parallel_loop3A_944 = tpu.vector_load_idx %arg32[%parallel_loop3A_943] : memref<144xf32, #tpu.memory_space<vmem>>[vector<16xi32>], vector<16xf32>,
      %parallel_loop3A_945 = arith.mulf %parallel_loop3A_892, %parallel_loop3A_944 : vector<16xf32>
      %parallel_loop3A_946 = arith.addf %parallel_loop3A_940, %parallel_loop3A_945 : vector<16xf32>
      %parallel_loop3A_947 = arith.constant 8 : i32
      %parallel_loop3A_948 = vector.broadcast %parallel_loop3A_947 : i32 to vector<16xi32>
      %parallel_loop3A_949 = arith.addi %parallel_loop3A_898, %parallel_loop3A_948 : vector<16xi32>
      %parallel_loop3A_950 = tpu.vector_load_idx %arg32[%parallel_loop3A_949] : memref<144xf32, #tpu.memory_space<vmem>>[vector<16xi32>], vector<16xf32>,
      %parallel_loop3A_951 = arith.mulf %parallel_loop3A_895, %parallel_loop3A_950 : vector<16xf32>
      %parallel_loop3A_952 = arith.addf %parallel_loop3A_946, %parallel_loop3A_951 : vector<16xf32>
      %parallel_loop3A_953 = arith.mulf %parallel_loop3A_914, %parallel_loop3A_914 : vector<16xf32>
      %parallel_loop3A_954 = arith.mulf %parallel_loop3A_933, %parallel_loop3A_933 : vector<16xf32>
      %parallel_loop3A_955 = arith.addf %parallel_loop3A_953, %parallel_loop3A_954 : vector<16xf32>
      %parallel_loop3A_956 = arith.mulf %parallel_loop3A_952, %parallel_loop3A_952 : vector<16xf32>
      %parallel_loop3A_957 = arith.addf %parallel_loop3A_955, %parallel_loop3A_956 : vector<16xf32>
      %parallel_loop3A_958 = vector.bitcast %parallel_loop3A_957 : vector<16xf32> to vector<16xi32>
      %parallel_loop3A_959 = arith.constant 1 : i32
      %parallel_loop3A_960 = vector.broadcast %parallel_loop3A_959 : i32 to vector<16xi32>
      %parallel_loop3A_961 = arith.shrsi %parallel_loop3A_958, %parallel_loop3A_960 : vector<16xi32>
      %parallel_loop3A_962 = arith.constant 1597463007 : i32
      %parallel_loop3A_963 = vector.broadcast %parallel_loop3A_962 : i32 to vector<16xi32>
      %parallel_loop3A_964 = arith.subi %parallel_loop3A_963, %parallel_loop3A_961 : vector<16xi32>
      %parallel_loop3A_965 = vector.bitcast %parallel_loop3A_964 : vector<16xi32> to vector<16xf32>
      %parallel_loop3A_966 = arith.constant 5.000000e-01 : f32
      %parallel_loop3A_967 = vector.broadcast %parallel_loop3A_966 : f32 to vector<16xf32>
      %parallel_loop3A_968 = arith.mulf %parallel_loop3A_967, %parallel_loop3A_957 : vector<16xf32>
      %parallel_loop3A_969 = arith.mulf %parallel_loop3A_968, %parallel_loop3A_965 : vector<16xf32>
      %parallel_loop3A_970 = arith.mulf %parallel_loop3A_969, %parallel_loop3A_965 : vector<16xf32>
      %parallel_loop3A_971 = arith.constant 1.500000e+00 : f32
      %parallel_loop3A_972 = vector.broadcast %parallel_loop3A_971 : f32 to vector<16xf32>
      %parallel_loop3A_973 = arith.subf %parallel_loop3A_972, %parallel_loop3A_970 : vector<16xf32>
      %parallel_loop3A_974 = arith.mulf %parallel_loop3A_965, %parallel_loop3A_973 : vector<16xf32>
      %parallel_loop3A_975 = arith.constant 5.000000e-01 : f32
      %parallel_loop3A_976 = vector.broadcast %parallel_loop3A_975 : f32 to vector<16xf32>
      %parallel_loop3A_977 = arith.mulf %parallel_loop3A_976, %parallel_loop3A_957 : vector<16xf32>
      %parallel_loop3A_978 = arith.mulf %parallel_loop3A_977, %parallel_loop3A_974 : vector<16xf32>
      %parallel_loop3A_979 = arith.mulf %parallel_loop3A_978, %parallel_loop3A_974 : vector<16xf32>
      %parallel_loop3A_980 = arith.constant 1.500000e+00 : f32
      %parallel_loop3A_981 = vector.broadcast %parallel_loop3A_980 : f32 to vector<16xf32>
      %parallel_loop3A_982 = arith.subf %parallel_loop3A_981, %parallel_loop3A_979 : vector<16xf32>
      %parallel_loop3A_983 = arith.mulf %parallel_loop3A_974, %parallel_loop3A_982 : vector<16xf32>
      %parallel_loop3A_984 = arith.constant 5.000000e-01 : f32
      %parallel_loop3A_985 = vector.broadcast %parallel_loop3A_984 : f32 to vector<16xf32>
      %parallel_loop3A_986 = arith.mulf %parallel_loop3A_985, %parallel_loop3A_957 : vector<16xf32>
      %parallel_loop3A_987 = arith.mulf %parallel_loop3A_986, %parallel_loop3A_983 : vector<16xf32>
      %parallel_loop3A_988 = arith.mulf %parallel_loop3A_987, %parallel_loop3A_983 : vector<16xf32>
      %parallel_loop3A_989 = arith.constant 1.500000e+00 : f32
      %parallel_loop3A_990 = vector.broadcast %parallel_loop3A_989 : f32 to vector<16xf32>
      %parallel_loop3A_991 = arith.subf %parallel_loop3A_990, %parallel_loop3A_988 : vector<16xf32>
      %parallel_loop3A_992 = arith.mulf %parallel_loop3A_983, %parallel_loop3A_991 : vector<16xf32>
      %parallel_loop3A_993 = arith.constant 0.000000e+00 : f32
      %parallel_loop3A_994 = vector.broadcast %parallel_loop3A_993 : f32 to vector<16xf32>
      %parallel_loop3A_995 = arith.cmpf ogt, %parallel_loop3A_957, %parallel_loop3A_994 : vector<16xf32>
      %parallel_loop3A_996 = arith.mulf %parallel_loop3A_957, %parallel_loop3A_992 : vector<16xf32>
      %parallel_loop3A_997 = arith.constant 0.000000e+00 : f32
      %parallel_loop3A_998 = vector.broadcast %parallel_loop3A_997 : f32 to vector<16xf32>
      %parallel_loop3A_999 = arith.select %parallel_loop3A_995, %parallel_loop3A_996, %parallel_loop3A_998 : vector<16xi1>, vector<16xf32>
      %parallel_loop3A_1000 = arith.constant 0 : i32
      %parallel_loop3A_1001 = vector.broadcast %parallel_loop3A_1000 : i32 to vector<16xi32>
      tpu.vector_store_idx %arg27[%parallel_loop3A_1001, %parallel_loop3A_864], %parallel_loop3A_914 : memref<3x2000xf32, #tpu.memory_space<vmem>>[vector<16xi32>, vector<16xi32>], vector<16xf32>,
      %parallel_loop3A_1002 = arith.constant 1 : i32
      %parallel_loop3A_1003 = vector.broadcast %parallel_loop3A_1002 : i32 to vector<16xi32>
      tpu.vector_store_idx %arg27[%parallel_loop3A_1003, %parallel_loop3A_864], %parallel_loop3A_933 : memref<3x2000xf32, #tpu.memory_space<vmem>>[vector<16xi32>, vector<16xi32>], vector<16xf32>,
      %parallel_loop3A_1004 = arith.constant 2 : i32
      %parallel_loop3A_1005 = vector.broadcast %parallel_loop3A_1004 : i32 to vector<16xi32>
      tpu.vector_store_idx %arg27[%parallel_loop3A_1005, %parallel_loop3A_864], %parallel_loop3A_952 : memref<3x2000xf32, #tpu.memory_space<vmem>>[vector<16xi32>, vector<16xi32>], vector<16xf32>,
      tpu.vector_store_idx %arg28[%parallel_loop3A_864], %parallel_loop3A_999 : memref<2000xf32, #tpu.memory_space<vmem>>[vector<16xi32>], vector<16xf32>,
    } {sc.loop_unroll_factor = 4 : i64, sc.parallel_access}
    %mul3A_708 = arith.constant 200000 : i32
    %mul3A_709 = arith.muli %add3A, %mul3A_708 : i32
    %add3A_710 = arith.constant 198000 : i32
    %add3A_711 = arith.addi %mul3A_709, %add3A_710 : i32
    %dma_start3A_712 = arith.constant 0 : i32
    %dma_start3A_713 = arith.constant 0 : i32
    %dma_start3A_714 = tpu.memref_slice %arg27[%dma_start3A_712, %dma_start3A_713] : memref<3x2000xf32, #tpu.memory_space<vmem>> -> memref<1x2000xf32, #tpu.memory_space<vmem>>
    %dma_start3A_715 = tpu.memref_squeeze %dma_start3A_714 : memref<1x2000xf32, #tpu.memory_space<vmem>> -> memref<2000xf32, #tpu.memory_space<vmem>>
    %dma_start3A_716 = tpu.memref_slice %arg8[%add3A_711] : memref<6400000xf32, #tpu.memory_space<hbm>> -> memref<2000xf32, #tpu.memory_space<hbm>>
    %dma_start3A_717 = tpu.memref_slice %arg8[%add3A_711] : memref<6400000xf32, #tpu.memory_space<hbm>> -> memref<2000xf32, #tpu.memory_space<hbm>>
    %dma_start3A_718 = arith.constant 0 : i32
    %dma_start3A_719 = tpu.memref_slice %arg27[%dma_start3A_712, %dma_start3A_718] : memref<3x2000xf32, #tpu.memory_space<vmem>> -> memref<1x2000xf32, #tpu.memory_space<vmem>>
    %dma_start3A_720 = tpu.memref_squeeze %dma_start3A_719 : memref<1x2000xf32, #tpu.memory_space<vmem>> -> memref<2000xf32, #tpu.memory_space<vmem>>
    tpu.enqueue_dma source(%dma_start3A_720 : memref<2000xf32, #tpu.memory_space<vmem>>) target(%dma_start3A_717 : memref<2000xf32, #tpu.memory_space<hbm>>) target_semaphore(%arg31 : memref<!tpu.dma_semaphore, #tpu.memory_space<semaphore_mem>>)
    %dma_start3A_721 = arith.constant 1 : i32
    %dma_start3A_722 = arith.constant 0 : i32
    %dma_start3A_723 = tpu.memref_slice %arg27[%dma_start3A_721, %dma_start3A_722] : memref<3x2000xf32, #tpu.memory_space<vmem>> -> memref<1x2000xf32, #tpu.memory_space<vmem>>
    %dma_start3A_724 = tpu.memref_squeeze %dma_start3A_723 : memref<1x2000xf32, #tpu.memory_space<vmem>> -> memref<2000xf32, #tpu.memory_space<vmem>>
    %dma_start3A_725 = tpu.memref_slice %arg9[%add3A_711] : memref<6400000xf32, #tpu.memory_space<hbm>> -> memref<2000xf32, #tpu.memory_space<hbm>>
    %dma_start3A_726 = tpu.memref_slice %arg9[%add3A_711] : memref<6400000xf32, #tpu.memory_space<hbm>> -> memref<2000xf32, #tpu.memory_space<hbm>>
    %dma_start3A_727 = arith.constant 0 : i32
    %dma_start3A_728 = tpu.memref_slice %arg27[%dma_start3A_721, %dma_start3A_727] : memref<3x2000xf32, #tpu.memory_space<vmem>> -> memref<1x2000xf32, #tpu.memory_space<vmem>>
    %dma_start3A_729 = tpu.memref_squeeze %dma_start3A_728 : memref<1x2000xf32, #tpu.memory_space<vmem>> -> memref<2000xf32, #tpu.memory_space<vmem>>
    tpu.enqueue_dma source(%dma_start3A_729 : memref<2000xf32, #tpu.memory_space<vmem>>) target(%dma_start3A_726 : memref<2000xf32, #tpu.memory_space<hbm>>) target_semaphore(%arg31 : memref<!tpu.dma_semaphore, #tpu.memory_space<semaphore_mem>>)
    %dma_start3A_730 = arith.constant 2 : i32
    %dma_start3A_731 = arith.constant 0 : i32
    %dma_start3A_732 = tpu.memref_slice %arg27[%dma_start3A_730, %dma_start3A_731] : memref<3x2000xf32, #tpu.memory_space<vmem>> -> memref<1x2000xf32, #tpu.memory_space<vmem>>
    %dma_start3A_733 = tpu.memref_squeeze %dma_start3A_732 : memref<1x2000xf32, #tpu.memory_space<vmem>> -> memref<2000xf32, #tpu.memory_space<vmem>>
    %dma_start3A_734 = tpu.memref_slice %arg10[%add3A_711] : memref<6400000xf32, #tpu.memory_space<hbm>> -> memref<2000xf32, #tpu.memory_space<hbm>>
    %dma_start3A_735 = tpu.memref_slice %arg10[%add3A_711] : memref<6400000xf32, #tpu.memory_space<hbm>> -> memref<2000xf32, #tpu.memory_space<hbm>>
    %dma_start3A_736 = arith.constant 0 : i32
    %dma_start3A_737 = tpu.memref_slice %arg27[%dma_start3A_730, %dma_start3A_736] : memref<3x2000xf32, #tpu.memory_space<vmem>> -> memref<1x2000xf32, #tpu.memory_space<vmem>>
    %dma_start3A_738 = tpu.memref_squeeze %dma_start3A_737 : memref<1x2000xf32, #tpu.memory_space<vmem>> -> memref<2000xf32, #tpu.memory_space<vmem>>
    tpu.enqueue_dma source(%dma_start3A_738 : memref<2000xf32, #tpu.memory_space<vmem>>) target(%dma_start3A_735 : memref<2000xf32, #tpu.memory_space<hbm>>) target_semaphore(%arg31 : memref<!tpu.dma_semaphore, #tpu.memory_space<semaphore_mem>>)
    %dma_start3A_739 = tpu.memref_slice %arg11[%add3A_711] : memref<6400000xf32, #tpu.memory_space<hbm>> -> memref<2000xf32, #tpu.memory_space<hbm>>
    %dma_start3A_740 = tpu.memref_slice %arg11[%add3A_711] : memref<6400000xf32, #tpu.memory_space<hbm>> -> memref<2000xf32, #tpu.memory_space<hbm>>
    tpu.enqueue_dma source(%arg28 : memref<2000xf32, #tpu.memory_space<vmem>>) target(%dma_start3A_740 : memref<2000xf32, #tpu.memory_space<hbm>>) target_semaphore(%arg31 : memref<!tpu.dma_semaphore, #tpu.memory_space<semaphore_mem>>)
    %dma_wait3A_741 = arith.constant 0 : i32
    %dma_wait3A_742 = arith.constant 0 : i32
    %dma_wait3A_743 = tpu.memref_slice %arg17[%dma_wait3A_741, %dma_wait3A_742] : memref<3x2000xf32, #tpu.memory_space<vmem>> -> memref<1x2000xf32, #tpu.memory_space<vmem>>
    %dma_wait3A_744 = tpu.memref_squeeze %dma_wait3A_743 : memref<1x2000xf32, #tpu.memory_space<vmem>> -> memref<2000xf32, #tpu.memory_space<vmem>>
    %dma_wait3A_745 = arith.constant 0 : i32
    %dma_wait3A_746 = tpu.memref_slice %arg8[%dma_wait3A_745] : memref<6400000xf32, #tpu.memory_space<hbm>> -> memref<2000xf32, #tpu.memory_space<hbm>>
    %dma_wait3A_747 = arith.constant 0 : i32
    %dma_wait3A_748 = tpu.memref_slice %arg8[%dma_wait3A_747] : memref<6400000xf32, #tpu.memory_space<hbm>> -> memref<2000xf32, #tpu.memory_space<hbm>>
    %dma_wait3A_749 = arith.constant 0 : i32
    %dma_wait3A_750 = tpu.memref_slice %arg17[%dma_wait3A_741, %dma_wait3A_749] : memref<3x2000xf32, #tpu.memory_space<vmem>> -> memref<1x2000xf32, #tpu.memory_space<vmem>>
    %dma_wait3A_751 = tpu.memref_squeeze %dma_wait3A_750 : memref<1x2000xf32, #tpu.memory_space<vmem>> -> memref<2000xf32, #tpu.memory_space<vmem>>
    tpu.wait_dma2 semaphore(%arg21 : memref<!tpu.dma_semaphore, #tpu.memory_space<semaphore_mem>>) src(%dma_wait3A_751 : memref<2000xf32, #tpu.memory_space<vmem>>) dst(%dma_wait3A_748 : memref<2000xf32, #tpu.memory_space<hbm>>)
    %dma_wait3A_752 = arith.constant 1 : i32
    %dma_wait3A_753 = arith.constant 0 : i32
    %dma_wait3A_754 = tpu.memref_slice %arg17[%dma_wait3A_752, %dma_wait3A_753] : memref<3x2000xf32, #tpu.memory_space<vmem>> -> memref<1x2000xf32, #tpu.memory_space<vmem>>
    %dma_wait3A_755 = tpu.memref_squeeze %dma_wait3A_754 : memref<1x2000xf32, #tpu.memory_space<vmem>> -> memref<2000xf32, #tpu.memory_space<vmem>>
    %dma_wait3A_756 = arith.constant 0 : i32
    %dma_wait3A_757 = tpu.memref_slice %arg9[%dma_wait3A_756] : memref<6400000xf32, #tpu.memory_space<hbm>> -> memref<2000xf32, #tpu.memory_space<hbm>>
    %dma_wait3A_758 = arith.constant 0 : i32
    %dma_wait3A_759 = tpu.memref_slice %arg9[%dma_wait3A_758] : memref<6400000xf32, #tpu.memory_space<hbm>> -> memref<2000xf32, #tpu.memory_space<hbm>>
    %dma_wait3A_760 = arith.constant 0 : i32
    %dma_wait3A_761 = tpu.memref_slice %arg17[%dma_wait3A_752, %dma_wait3A_760] : memref<3x2000xf32, #tpu.memory_space<vmem>> -> memref<1x2000xf32, #tpu.memory_space<vmem>>
    %dma_wait3A_762 = tpu.memref_squeeze %dma_wait3A_761 : memref<1x2000xf32, #tpu.memory_space<vmem>> -> memref<2000xf32, #tpu.memory_space<vmem>>
    tpu.wait_dma2 semaphore(%arg21 : memref<!tpu.dma_semaphore, #tpu.memory_space<semaphore_mem>>) src(%dma_wait3A_762 : memref<2000xf32, #tpu.memory_space<vmem>>) dst(%dma_wait3A_759 : memref<2000xf32, #tpu.memory_space<hbm>>)
    %dma_wait3A_763 = arith.constant 2 : i32
    %dma_wait3A_764 = arith.constant 0 : i32
    %dma_wait3A_765 = tpu.memref_slice %arg17[%dma_wait3A_763, %dma_wait3A_764] : memref<3x2000xf32, #tpu.memory_space<vmem>> -> memref<1x2000xf32, #tpu.memory_space<vmem>>
    %dma_wait3A_766 = tpu.memref_squeeze %dma_wait3A_765 : memref<1x2000xf32, #tpu.memory_space<vmem>> -> memref<2000xf32, #tpu.memory_space<vmem>>
    %dma_wait3A_767 = arith.constant 0 : i32
    %dma_wait3A_768 = tpu.memref_slice %arg10[%dma_wait3A_767] : memref<6400000xf32, #tpu.memory_space<hbm>> -> memref<2000xf32, #tpu.memory_space<hbm>>
    %dma_wait3A_769 = arith.constant 0 : i32
    %dma_wait3A_770 = tpu.memref_slice %arg10[%dma_wait3A_769] : memref<6400000xf32, #tpu.memory_space<hbm>> -> memref<2000xf32, #tpu.memory_space<hbm>>
    %dma_wait3A_771 = arith.constant 0 : i32
    %dma_wait3A_772 = tpu.memref_slice %arg17[%dma_wait3A_763, %dma_wait3A_771] : memref<3x2000xf32, #tpu.memory_space<vmem>> -> memref<1x2000xf32, #tpu.memory_space<vmem>>
    %dma_wait3A_773 = tpu.memref_squeeze %dma_wait3A_772 : memref<1x2000xf32, #tpu.memory_space<vmem>> -> memref<2000xf32, #tpu.memory_space<vmem>>
    tpu.wait_dma2 semaphore(%arg21 : memref<!tpu.dma_semaphore, #tpu.memory_space<semaphore_mem>>) src(%dma_wait3A_773 : memref<2000xf32, #tpu.memory_space<vmem>>) dst(%dma_wait3A_770 : memref<2000xf32, #tpu.memory_space<hbm>>)
    %dma_wait3A_774 = arith.constant 0 : i32
    %dma_wait3A_775 = tpu.memref_slice %arg11[%dma_wait3A_774] : memref<6400000xf32, #tpu.memory_space<hbm>> -> memref<2000xf32, #tpu.memory_space<hbm>>
    %dma_wait3A_776 = arith.constant 0 : i32
    %dma_wait3A_777 = tpu.memref_slice %arg11[%dma_wait3A_776] : memref<6400000xf32, #tpu.memory_space<hbm>> -> memref<2000xf32, #tpu.memory_space<hbm>>
    tpu.wait_dma2 semaphore(%arg21 : memref<!tpu.dma_semaphore, #tpu.memory_space<semaphore_mem>>) src(%arg18 : memref<2000xf32, #tpu.memory_space<vmem>>) dst(%dma_wait3A_777 : memref<2000xf32, #tpu.memory_space<hbm>>)
    %dma_wait3A_778 = arith.constant 0 : i32
    %dma_wait3A_779 = arith.constant 0 : i32
    %dma_wait3A_780 = tpu.memref_slice %arg27[%dma_wait3A_778, %dma_wait3A_779] : memref<3x2000xf32, #tpu.memory_space<vmem>> -> memref<1x2000xf32, #tpu.memory_space<vmem>>
    %dma_wait3A_781 = tpu.memref_squeeze %dma_wait3A_780 : memref<1x2000xf32, #tpu.memory_space<vmem>> -> memref<2000xf32, #tpu.memory_space<vmem>>
    %dma_wait3A_782 = arith.constant 0 : i32
    %dma_wait3A_783 = tpu.memref_slice %arg8[%dma_wait3A_782] : memref<6400000xf32, #tpu.memory_space<hbm>> -> memref<2000xf32, #tpu.memory_space<hbm>>
    %dma_wait3A_784 = arith.constant 0 : i32
    %dma_wait3A_785 = tpu.memref_slice %arg8[%dma_wait3A_784] : memref<6400000xf32, #tpu.memory_space<hbm>> -> memref<2000xf32, #tpu.memory_space<hbm>>
    %dma_wait3A_786 = arith.constant 0 : i32
    %dma_wait3A_787 = tpu.memref_slice %arg27[%dma_wait3A_778, %dma_wait3A_786] : memref<3x2000xf32, #tpu.memory_space<vmem>> -> memref<1x2000xf32, #tpu.memory_space<vmem>>
    %dma_wait3A_788 = tpu.memref_squeeze %dma_wait3A_787 : memref<1x2000xf32, #tpu.memory_space<vmem>> -> memref<2000xf32, #tpu.memory_space<vmem>>
    tpu.wait_dma2 semaphore(%arg31 : memref<!tpu.dma_semaphore, #tpu.memory_space<semaphore_mem>>) src(%dma_wait3A_788 : memref<2000xf32, #tpu.memory_space<vmem>>) dst(%dma_wait3A_785 : memref<2000xf32, #tpu.memory_space<hbm>>)
    %dma_wait3A_789 = arith.constant 1 : i32
    %dma_wait3A_790 = arith.constant 0 : i32
    %dma_wait3A_791 = tpu.memref_slice %arg27[%dma_wait3A_789, %dma_wait3A_790] : memref<3x2000xf32, #tpu.memory_space<vmem>> -> memref<1x2000xf32, #tpu.memory_space<vmem>>
    %dma_wait3A_792 = tpu.memref_squeeze %dma_wait3A_791 : memref<1x2000xf32, #tpu.memory_space<vmem>> -> memref<2000xf32, #tpu.memory_space<vmem>>
    %dma_wait3A_793 = arith.constant 0 : i32
    %dma_wait3A_794 = tpu.memref_slice %arg9[%dma_wait3A_793] : memref<6400000xf32, #tpu.memory_space<hbm>> -> memref<2000xf32, #tpu.memory_space<hbm>>
    %dma_wait3A_795 = arith.constant 0 : i32
    %dma_wait3A_796 = tpu.memref_slice %arg9[%dma_wait3A_795] : memref<6400000xf32, #tpu.memory_space<hbm>> -> memref<2000xf32, #tpu.memory_space<hbm>>
    %dma_wait3A_797 = arith.constant 0 : i32
    %dma_wait3A_798 = tpu.memref_slice %arg27[%dma_wait3A_789, %dma_wait3A_797] : memref<3x2000xf32, #tpu.memory_space<vmem>> -> memref<1x2000xf32, #tpu.memory_space<vmem>>
    %dma_wait3A_799 = tpu.memref_squeeze %dma_wait3A_798 : memref<1x2000xf32, #tpu.memory_space<vmem>> -> memref<2000xf32, #tpu.memory_space<vmem>>
    tpu.wait_dma2 semaphore(%arg31 : memref<!tpu.dma_semaphore, #tpu.memory_space<semaphore_mem>>) src(%dma_wait3A_799 : memref<2000xf32, #tpu.memory_space<vmem>>) dst(%dma_wait3A_796 : memref<2000xf32, #tpu.memory_space<hbm>>)
    %dma_wait3A_800 = arith.constant 2 : i32
    %dma_wait3A_801 = arith.constant 0 : i32
    %dma_wait3A_802 = tpu.memref_slice %arg27[%dma_wait3A_800, %dma_wait3A_801] : memref<3x2000xf32, #tpu.memory_space<vmem>> -> memref<1x2000xf32, #tpu.memory_space<vmem>>
    %dma_wait3A_803 = tpu.memref_squeeze %dma_wait3A_802 : memref<1x2000xf32, #tpu.memory_space<vmem>> -> memref<2000xf32, #tpu.memory_space<vmem>>
    %dma_wait3A_804 = arith.constant 0 : i32
    %dma_wait3A_805 = tpu.memref_slice %arg10[%dma_wait3A_804] : memref<6400000xf32, #tpu.memory_space<hbm>> -> memref<2000xf32, #tpu.memory_space<hbm>>
    %dma_wait3A_806 = arith.constant 0 : i32
    %dma_wait3A_807 = tpu.memref_slice %arg10[%dma_wait3A_806] : memref<6400000xf32, #tpu.memory_space<hbm>> -> memref<2000xf32, #tpu.memory_space<hbm>>
    %dma_wait3A_808 = arith.constant 0 : i32
    %dma_wait3A_809 = tpu.memref_slice %arg27[%dma_wait3A_800, %dma_wait3A_808] : memref<3x2000xf32, #tpu.memory_space<vmem>> -> memref<1x2000xf32, #tpu.memory_space<vmem>>
    %dma_wait3A_810 = tpu.memref_squeeze %dma_wait3A_809 : memref<1x2000xf32, #tpu.memory_space<vmem>> -> memref<2000xf32, #tpu.memory_space<vmem>>
    tpu.wait_dma2 semaphore(%arg31 : memref<!tpu.dma_semaphore, #tpu.memory_space<semaphore_mem>>) src(%dma_wait3A_810 : memref<2000xf32, #tpu.memory_space<vmem>>) dst(%dma_wait3A_807 : memref<2000xf32, #tpu.memory_space<hbm>>)
    %dma_wait3A_811 = arith.constant 0 : i32
    %dma_wait3A_812 = tpu.memref_slice %arg11[%dma_wait3A_811] : memref<6400000xf32, #tpu.memory_space<hbm>> -> memref<2000xf32, #tpu.memory_space<hbm>>
    %dma_wait3A_813 = arith.constant 0 : i32
    %dma_wait3A_814 = tpu.memref_slice %arg11[%dma_wait3A_813] : memref<6400000xf32, #tpu.memory_space<hbm>> -> memref<2000xf32, #tpu.memory_space<hbm>>
    tpu.wait_dma2 semaphore(%arg31 : memref<!tpu.dma_semaphore, #tpu.memory_space<semaphore_mem>>) src(%arg28 : memref<2000xf32, #tpu.memory_space<vmem>>) dst(%dma_wait3A_814 : memref<2000xf32, #tpu.memory_space<hbm>>)
    return
  }
}

</mosaic_0001>

<sc_bundles>
// kernel: kernel.3.cloned.1.call-start
scs
__scs_entry_jumppad:
0x0: {  	(pc) =	sbr.rel $0x88, $3  }
0x1: {  	(tag) =	ssettag $0x0;
	lr =	simm.s32 $0x1  }
0x2: {  	[smem:$0x3F9C] =	sst lr;
	_ =	strace $0xD0000000  }
0x3: {  	_ = 	snop  }
0x4: {  	_ = 	snop  }
0x5: {  	_ = 	snop  }
0x6: {  	_ = 	snop  }
0x7: {  	_ = 	snop  }
__scs_overlays_trampoline_lowered:
0x8: {  	[smem:$0x3FAB] =	sst s0  }
0x9: {  	[smem:$0x3FAC] =	sst s1  }
0xa: {  	[smem:$0x3FAD] =	sst s2  }
0xb: {  	[smem:$0x3FAE] =	sst s3  }
0xc: {  	[smem:$0x3FAF] =	sst s4  }
0xd: {  	[smem:$0x3FB0] =	sst s5  }
0xe: {  	[smem:$0x3FB1] =	sst s6  }
0xf: {  	[smem:$0x3FB2] =	sst s7  }
0x10: {  	[smem:$0x3FB3] =	sst s8  }
0x11: {  	[smem:$0x3FB4] =	sst s9;
	s0 =	simm.s32 @!p0 $0x0  }
0x12: {  	s1 =	sld [smem:$0x3F9A];
	s0 =	simm.s32 @p0 $0x1  }
0x13: {  	[smem:$0x3FB5] =	sst s0;
	s0 =	simm.s32 @!p1 $0x0  }
0x14: {  	s2 =	sld [smem:$0x3F99];
	s0 =	simm.s32 @p1 $0x1  }
0x15: {  	[smem:$0x3FB6] =	sst s0;
	s0 =	simm.s32 @!p2 $0x0  }
0x16: {  	s3 =	sld [smem:$0x3FDB];
	s0 =	simm.s32 @p2 $0x1  }
0x17: {  	s4 =	simm.s32 $0x1BF5;
	[smem:$0x3FB8] =	sst s0  }
0x18: {  	s0 =	sld [smem:$0x3F9B];
	_ =	swait.ge [sflag:s4], $0x0  }
0x19: {  	s7 =	sld [smem:$0x3F9C]  }
0x1a: {  	s8 =	sadd.s32 $0xFFFFE003, lr  }
0x1b: {  	s9 =	sadd.s32 $0xFFFFFEF7, lr;
	s5 =	simm.s32 $0xFFFFFFFF;
	p2 =	slt.u32 s8, $0xFFFFF086  }
0x1c: {  	p1 =	slt.u32 s9, $0xF7A;
	s5 =	simm.s32 @!p2 $0x0  }
0x1d: {  	s5 =	simm.s32 @p1 $0x1;
	p0 =	seq.s32 s7, s2  }
0x1e: {  	s7 =	smul.u32 @!p0 $0xF7A, s2;
	p2 =	seq.s32 @!p0 s5, $0x0  }
0x1f: {  	s9 =	smul.u32 $0xF7A, s1;
	s8 =	simm.s32 @!p0 $0x1BF5;
	p2 =	por !p2, p0  }
0x20: {  	[sflag:s8] =	ssyncset.s32 @!p0 $0xFFFFF086;
	s6 =	sadd.s32 @!p0 s3, s7;
	s7 =	simm.s32 @!p0 $0x108  }
0x21: {  	s3 =	sadd.s32 s3, s9;
	s6 =	sadd.s32 @!p0 $0x88, s6;
	s7 =	simm.s32 @p2 $0x1082  }
0x22: {  	[simem:s7], [sflag:s8] =	dma.local @!p0 [hbm:s6], $0xF7A  }
0x23: {  	s9 =	sor.u32 $0xD0000000, s2;
	s6 =	simm.s32 $0x108;
	_ =	swait.ge @!p0 [sflag:s8], $0x0  }
0x24: {  	s3 =	sadd.s32 $0x88, s3;
	s6 =	simm.s32 @!p1 $0x1082;
	[sflag:s4] =	ssyncset.s32 $0xFFFFF086  }
0x25: {  	[simem:s6], [sflag:s4] =	dma.local [hbm:s3], $0xF7A  }
0x26: {  	[smem:$0x3F9C] =	sst s1;
	(tag) =	ssettag s2;
	_ =	strace s9  }
0x27: {  	s1 =	sld [smem:$0x3FAC]  }
0x28: {  	s2 =	sld [smem:$0x3FAD]  }
0x29: {  	s4 =	sld [smem:$0x3FAF]  }
0x2a: {  	p0 =	seq.s32 s5, $0x0;
	s5 =	sld [smem:$0x3FB0]  }
0x2b: {  	s6 =	sld [smem:$0x3FB1]  }
0x2c: {  	s7 =	sld [smem:$0x3FB2]  }
0x2d: {  	s3 =	simm.s32 $0x108;
	s8 =	sld [smem:$0x3FB3]  }
0x2e: {  	s3 =	simm.s32 @!p0 $0x1082;
	s9 =	sld [smem:$0x3FB4]  }
0x2f: {  	lr =	sadd.s32 s0, s3;
	s0 =	sld [smem:$0x3FAB]  }
0x30: {  	s3 =	sld [smem:$0x3FAE]  }
0x31: {  	[smem:$0x3FB7] =	sst s10  }
0x32: {  	s10 =	sld [smem:$0x3FB5];
	_ =	sdelay $0x3  }
0x33: {  	p0 =	seq.s32 s10, $0x1;
	s10 =	sld [smem:$0x3FB7];
	_ =	sdelay $0x3  }
0x34: {  	[smem:$0x3FB7] =	sst s10  }
0x35: {  	s10 =	sld [smem:$0x3FB6];
	_ =	sdelay $0x3  }
0x36: {  	p1 =	seq.s32 s10, $0x1;
	s10 =	sld [smem:$0x3FB7];
	_ =	sdelay $0x3  }
0x37: {  	[smem:$0x3FB7] =	sst s10  }
0x38: {  	s10 =	sld [smem:$0x3FB8]  }
0x39: {  	_ = 	snop;
	(pc) =	sbr.ind lr, $3  }
0x3a: {  	_ = 	snop  }
0x3b: {  	_ = 	snop  }
0x3c: {  	p2 =	seq.s32 s10, $0x1;
	s10 =	sld [smem:$0x3FB7]  }
0x3d: {  	_ =	shalt  }
0x3e: {  	_ =	shalt  }
0x3f: {  	_ =	shalt  }
0x40: {  	_ =	shalt  }
0x41: {  	_ =	shalt  }
0x42: {  	_ =	shalt  }
0x43: {  	_ =	shalt  }
0x44: {  	_ =	shalt  }
0x45: {  	_ =	shalt  }
0x46: {  	_ =	shalt  }
0x47: {  	_ =	shalt  }
0x48: {  	_ =	shalt  }
0x49: {  	_ =	shalt  }
0x4a: {  	_ =	shalt  }
0x4b: {  	_ =	shalt  }
0x4c: {  	_ =	shalt  }
0x4d: {  	_ =	shalt  }
0x4e: {  	_ =	shalt  }
0x4f: {  	_ =	shalt  }
0x50: {  	_ =	shalt  }
0x51: {  	_ =	shalt  }
0x52: {  	_ =	shalt  }
0x53: {  	_ =	shalt  }
0x54: {  	_ =	shalt  }
0x55: {  	_ =	shalt  }
0x56: {  	_ =	shalt  }
0x57: {  	_ =	shalt  }
0x58: {  	_ =	shalt  }
0x59: {  	_ =	shalt  }
0x5a: {  	_ =	shalt  }
0x5b: {  	_ =	shalt  }
0x5c: {  	_ =	shalt  }
0x5d: {  	_ =	shalt  }
0x5e: {  	_ =	shalt  }
0x5f: {  	_ =	shalt  }
0x60: {  	_ =	shalt  }
0x61: {  	_ =	shalt  }
0x62: {  	_ =	shalt  }
0x63: {  	_ =	shalt  }
0x64: {  	_ =	shalt  }
0x65: {  	_ =	shalt  }
0x66: {  	_ =	shalt  }
0x67: {  	_ =	shalt  }
0x68: {  	_ =	shalt  }
0x69: {  	_ =	shalt  }
0x6a: {  	_ =	shalt  }
0x6b: {  	_ =	shalt  }
0x6c: {  	_ =	shalt  }
0x6d: {  	_ =	shalt  }
0x6e: {  	_ =	shalt  }
0x6f: {  	_ =	shalt  }
0x70: {  	_ =	shalt  }
0x71: {  	_ =	shalt  }
0x72: {  	_ =	shalt  }
0x73: {  	_ =	shalt  }
0x74: {  	_ =	shalt  }
0x75: {  	_ =	shalt  }
0x76: {  	_ =	shalt  }
0x77: {  	_ =	shalt  }
0x78: {  	_ =	shalt  }
0x79: {  	_ =	shalt  }
0x7a: {  	_ =	shalt  }
0x7b: {  	_ =	shalt  }
0x7c: {  	_ =	shalt  }
0x7d: {  	_ =	shalt  }
0x7e: {  	_ =	shalt  }
0x7f: {  	_ =	shalt  }
0x80: {  	_ =	shalt  }
0x81: {  	_ =	shalt  }
0x82: {  	_ =	shalt  }
0x83: {  	_ =	shalt  }
0x84: {  	_ =	shalt  }
0x85: {  	_ =	shalt  }
0x86: {  	_ =	shalt  }
0x87: {  	_ =	shalt  }
.Lfunc_end0:
.L_simem_size_0:
called_computation.1_lowered:
.L_overlay_start_0:
0x88: {  	s2 =	sld [smem:$0x3FD9]  }
0x89: {  	s3 =	sld [smem:$0x3FFE];
	_ =	sdelay $0x1  }
0x8a: {  	s1 =	srdreg.scid  }
0x8b: {  	s0 =	sand.u32 $0x1, s1  }
0x8c: {  	s14 =	sshll.u32 s0, $0xA;
	s2 =	sadd.s32 s3, s2  }
0x8d: {  	s2 =	sadd.s32 s2, s14  }
0x8e: {  	[smem:$0x3FC3] =	sst s2  }
0x8f: {  	_ = 	snop  }
0x90: {  	s2 =	sld [smem:$0x3FD0];
	_ =	sdelay $0x2  }
0x91: {  	s15 =	simm.s32 $0xA;
	s4 =	simm.s32 $0x10  }
0x92: {  	[smem:s4], [sflag:s15] =	dma.local [hbm:s2], $0x1  }
0x93: {  	_ =	swait.eq [sflag:s15], $0x1  }
0x94: {  	[sflag:s15] =	ssyncset.done $0x0  }
0x95: {  	[sflag:s15] =	ssyncadd.s32 $0xFFFFFFFF  }
0x96: {  	s16 =	sld [smem:$0x11];
	(tm) =	ssettm $0x1  }
0x97: {  	s17 =	sld [smem:$0x3FFB];
	_ =	sdelay $0x3  }
0x98: {  	_ =	strace s17  }
0x99: {  	s3 =	sld [smem:$0x3FFC];
	_ =	sdelay $0x3  }
0x9a: {  	_ =	strace s3  }
0x9b: {  	s3 =	sld [smem:$0x3FFD];
	_ =	sdelay $0x3  }
0x9c: {  	_ =	strace s3  }
0x9d: {  	_ =	strace $0x8FFFFFFF  }
0x9e: {  	s18 =	sld [smem:$0x3FDB];
	_ =	sdelay $0x1  }
0x9f: {  	s19 =	simm.s32 $_scs_section_size  }
0xa0: {  	s5 =	simm.s32 $_size__tile_overlayer_lowered;
	s6 =	simm.s32 $_tile_overlayer_lowered  }
0xa1: {  	s22 =	simm.s32 $0x1BFF;
	s21 =	sshll.u32 s6, $0x1;
	s3 =	sadd.s32 s19, s18  }
0xa2: {  	s7 =	simm.s32 $0x0;
	s20 =	sshll.u32 s5, $0x1;
	s5 =	sadd.s32 s21, s3  }
0xa3: {  	[timem:s7], [sflag:s22] =	dma.local [hbm:s5], s20  }
0xa4: {  	_ =	swait.ge [sflag:s22], s20  }
0xa5: {  	s4 =	ssub.s32 $0x0, s20;
	[sflag:s22] =	ssyncset.done $0x0  }
0xa6: {  	[sflag:s22] =	ssyncadd.s32 s4;
	_ =	sdelay $0x1  }
0xa7: {  	s23 =	simm.s32 $0x1B8B  }
0xa8: {  	_ =	swait.ge [sflag:s23], $0x1  }
0xa9: {  	[sflag:s23] =	ssyncset.done $0x0  }
0xaa: {  	s25 =	simm.s32 $0x1B8E;
	s24 =	sld [smem:$0x3FFE];
	[sflag:s23] =	ssyncadd.s32 $0xFFFFFFFF  }
0xab: {  	s26 =	simm.s32 $execute0_lowered;
	[smem:$0x3FD2] =	sst s25  }
0xac: {  	s5 =	sshll.u32 s26, $0x1;
	_ =	strace $0x80000049;
	[dreg:$0x1] =	wrdreg $0xFFFFFFFF  }
0xad: {  	s28 =	simm.s32 $_size_execute0_lowered;
	s3 =	sadd.s32 s3, s5;
	[dreg:$0x0] =	wrdreg $0x0  }
0xae: {  	s5 =	sshll.u32 s28, $0x1;
	[dreg:$0x2] =	wrdreg s3  }
0xaf: {  	[dreg:$0x3] =	wrdreg s5  }
0xb0: {  	[dreg:$0x4] =	wrdreg $0xC0  }
0xb1: {  	_ =	task [dreg:s7], $0x5FFFF  }
0xb2: {  	[dreg:$0x1] =	wrdreg $0xFFFFFFFF  }
0xb3: {  	[dreg:$0x0] =	wrdreg $0x60  }
0xb4: {  	[dreg:$0x2] =	wrdreg s24  }
0xb5: {  	[dreg:$0x3] =	wrdreg s16  }
0xb6: {  	[dreg:$0x4] =	wrdreg $0x9  }
0xb7: {  	_ =	task.clear_ibuf [dreg:s7], $0x5FFFF;
	_ =	strace $0x90000049  }
0xb8: {  	s29 =	simm.s32 $0x9;
	_ =	strace $0x8000004B  }
0xb9: {  	_ =	swait.ge [sflag:s29], $0x1  }
0xba: {  	[sflag:s29] =	ssyncadd.s32 $0xFFFFFFFF  }
0xbb: {  	_ =	strace $0x9000004B  }
0xbc: {  	_ =	sfence  }
0xbd: {  	s30 =	sld [smem:$0x0];
	_ =	sdelay $0x2  }
0xbe: {  	s31 =	sshll.u32 s1, $0xD;
	s1 =	sshrl.u32 s1, $0x2  }
0xbf: {  	s3 =	sand.u32 $0x4000, s31;
	s1 =	sadd.s32 s1, s30  }
0xc0: {  	s0 =	sor.u32 s3, s0;
	s1 =	sshll.u32 s1, $0x11  }
0xc1: {  	s0 =	sor.u32 s1, s0  }
0xc2: {  	s0 =	sadd.s32 $0x8F2B, s0  }
0xc3: {  	[sflag:s0] =	ssyncadd.remote.s32 $0x1  }
0xc4: {  	_ =	sfence.sel $0xFFFF  }
0xc5: {  	[dreg:$0x0] =	wrdreg $0xFFFFFFFF;
	(pc) =	sbr.abs _section_cstart, $3  }
0xc6: {  	[dreg:$0x1] =	wrdreg $0xFFFFFFFF  }
0xc7: {  	_ =	task.clear_ibuf [dreg:s7], $0x2FFFF;
	_ =	strace $0x9FFFFFFF  }
0xc8: {  	(tm) =	ssettm $0x7FFFFFFF  }
0xc9: {  	_ =	shalt  }
tec
execute0_lowered:
.L_overlay_start_1:
0x0: {  	(tag) =	ssettag $0x1  }
0x1: {  	s0 =	rddreg [dreg:$0x0]  }
0x2: {  	s14 =	rddreg [dreg:$0x1];
	s3 =	simm.s32 $0x0;
	s1 =	srdreg.scid  }
0x3: {  	s2 =	stileid.u32;
	[smem:$0x7FF] =	sst s3  }
0x4: {  	s1 =	sand.u32 $0x1, s1;
	s2 =	sshll.u32 s2, $0x1;
	s20 =	sadd.s32 $0x3D2000, s0  }
0x5: {  	s10 =	sadd.s32 $0x1400, s0;
	_ =	strace $0x8000004A;
	[dreg:$0x9] =	wrdreg s20  }
0x6: {  	s4 =	sadd.s32 $0x3D2200, s0;
	s8 =	sadd.s32 $0x24B400, s0;
	[dreg:$0x6] =	wrdreg s10  }
0x7: {  	s9 =	sadd.s32 $0x187E00, s0;
	s11 =	sadd.s32 $0x3EAA00, s0;
	[dreg:$0x4] =	wrdreg s8  }
0x8: {  	s16 =	sadd.s32 $0x4AE000, s0;
	s17 =	sadd.s32 $0x571600, s0;
	[dreg:$0x5] =	wrdreg s9  }
0x9: {  	s2 =	sor.u32 s1, s2;
	s1 =	ssub.s32 $0x2, s1;
	[dreg:$0x7] =	wrdreg s11  }
0xa: {  	[dreg:$0xb] =	wrdreg s16;
	s7 =	smul.u32 $0x30D40, s2;
	s22 =	sshrl.u32 s1, $0x1  }
0xb: {  	s15 =	sadd.s32 $0x30EA00, s0;
	[dreg:$0xc] =	wrdreg s17;
	s0 =	ssub.s32 s1, s22  }
0xc: {  	s12 =	sadd.s32 $0x7D0, s7;
	s13 =	sadd.s32 $0xFA0, s7;
	[dreg:$0x3] =	wrdreg s7  }
0xd: {  	s6 =	sadd.s32 $0x61A800, s7;
	s21 =	smulhi.u32 $0xCCCCCCCD, s12;
	[dreg:$0x8] =	wrdreg s12  }
0xe: {  	s0 =	smax.u32 s0, $0x1;
	s5 =	smulhi.u32 $0xCCCCCCCD, s13;
	[dreg:$0xa] =	wrdreg s13  }
0xf: {  	s23 =	sshrl.u32 s6, $0x3;
	s6 =	sadd.s32 $0x1770, s7;
	[smem:$0x7FA] =	sst s0  }
0x10: {  	s19 =	sshrl.u32 s13, $0x3;
	s1 =	sadd.s32 s10, s23;
	[dreg:$0xe] =	wrdreg s6  }
0x11: {  	s13 =	sadd.s32 s15, s19;
	s5 =	sshrl.u32 s5, $0x6;
	[dreg:$0xd] =	wrdreg s1  }
0x12: {  	s20 =	sadd.s32 s8, s19;
	[dreg:$0x11] =	wrdreg s13;
	s5 =	smul.u32 $0x50, s5  }
0x13: {  	s2 =	sshrl.u32 s21, $0x6;
	[dreg:$0x12] =	wrdreg s20;
	s1 =	sadd.s32 s9, s19  }
0x14: {  	s2 =	smul.u32 $0x50, s2;
	s25 =	sshrl.u32 s5, $0x3;
	s5 =	sshrl.u32 s12, $0x3  }
0x15: {  	s26 =	smulhi.u32 $0xCCCCCCCD, s6;
	[dreg:$0x13] =	wrdreg s1;
	s22 =	sadd.s32 s15, s5  }
0x16: {  	s24 =	sshrl.u32 s2, $0x3;
	s23 =	sadd.s32 s8, s5;
	[dreg:$0x14] =	wrdreg s22  }
0x17: {  	s18 =	sadd.s32 s10, s24;
	s24 =	sadd.s32 s9, s5;
	[dreg:$0x15] =	wrdreg s23  }
0x18: {  	s12 =	sadd.s32 s10, s25;
	s25 =	sadd.s32 s11, s5;
	[dreg:$0x16] =	wrdreg s24  }
0x19: {  	s2 =	sshrl.u32 s26, $0x6;
	s26 =	sadd.s32 s16, s5;
	[dreg:$0x17] =	wrdreg s25  }
0x1a: {  	s13 =	sadd.s32 s17, s5;
	[dreg:$0x18] =	wrdreg s26  }
0x1b: {  	s20 =	sshrl.u32 s6, $0x3;
	s19 =	sadd.s32 s14, s5;
	[dreg:$0x19] =	wrdreg s13  }
0x1c: {  	s5 =	sadd.s32 s9, s20;
	[dreg:$0x1a] =	wrdreg s19  }
0x1d: {  	[dreg:$0x1e] =	wrdreg s5  }
0x1e: {  	s21 =	smul.u32 $0x50, s2;
	[dreg:$0xf] =	wrdreg s18  }
0x1f: {  	s2 =	sshrl.u32 s7, $0x3;
	s23 =	sadd.s32 s8, s20;
	[dreg:$0x10] =	wrdreg s12  }
0x20: {  	s5 =	sadd.s32 s10, s2;
	[dreg:$0x1d] =	wrdreg s23  }
0x21: {  	s7 =	sadd.s32 s15, s2;
	[smem:$0x7EE] =	sst s5  }
0x22: {  	s8 =	sadd.s32 s8, s2;
	[smem:$0x7EF] =	sst s7  }
0x23: {  	s9 =	sadd.s32 s9, s2;
	[smem:$0x7F0] =	sst s8  }
0x24: {  	s29 =	simm.s32 $0x8CA0;
	s13 =	sadd.s32 s16, s2;
	[smem:$0x7F1] =	sst s9  }
0x25: {  	s22 =	sadd.s32 $0x5FB4, s2;
	s19 =	sadd.s32 s17, s2;
	[smem:$0x7F3] =	sst s13  }
0x26: {  	s1 =	sshrl.u32 s21, $0x3;
	s21 =	sadd.s32 s15, s20;
	[smem:$0x7F4] =	sst s19  }
0x27: {  	s31 =	simm.s32 $0x4E20;
	s24 =	sadd.s32 s11, s22;
	[dreg:$0x1c] =	wrdreg s21  }
0x28: {  	s28 =	simm.s32 $0xBB80;
	s25 =	sadd.s32 s16, s22;
	[dreg:$0x1f] =	wrdreg s24  }
0x29: {  	s30 =	simm.s32 $0x17ED0;
	s26 =	sadd.s32 s17, s22;
	[smem:$0x7EB] =	sst s25  }
0x2a: {  	s0 =	simm.s32 $0x3;
	s20 =	sadd.s32 s14, s2;
	[smem:$0x7EC] =	sst s26  }
0x2b: {  	s6 =	sadd.s32 s10, s1;
	s1 =	sadd.s32 s14, s22;
	[smem:$0x7F5] =	sst s20  }
0x2c: {  	s19 =	simm.s32 $0xFA0;
	s10 =	sadd.s32 s11, s2;
	[smem:$0x7ED] =	sst s1  }
0x2d: {  	s21 =	sadd.s32 $0x60AE, s2;
	s24 =	sadd.s32 $0xC3500, s18;
	[smem:$0x7F2] =	sst s10  }
0x2e: {  	s25 =	sadd.s32 $0xC3500, s12;
	s18 =	simm.s32 $0x4;
	[smem:$0x7FB] =	sst s24  }
0x2f: {  	s12 =	simm.s32 $0xD2F0;
	s20 =	simm.s32 $0x11170;
	[smem:$0x7FC] =	sst s25  }
0x30: {  	s2 =	sadd.s32 s11, s21;
	s22 =	sadd.s32 s16, s21;
	[dreg:$0x1b] =	wrdreg s6  }
0x31: {  	s23 =	sadd.s32 s17, s21;
	s1 =	sadd.s32 s14, s21;
	[smem:$0x7F6] =	sst s2  }
0x32: {  	s26 =	sadd.s32 $0xC3500, s6;
	s25 =	simm.s32 $0x186A0;
	[smem:$0x7F7] =	sst s22  }
0x33: {  	s16 =	simm.s32 $0x14FF0;
	s24 =	simm.s32 $0x2;
	[smem:$0x7F8] =	sst s23  }
0x34: {  	s21 =	simm.s32 $0x16760;
	s6 =	simm.s32 $0x0;
	[smem:$0x7F9] =	sst s1  }
0x35: {  	v0 =	vlaneseq.u32;
	[smem:$0x7FD] =	sst s26;
	s22 =	simm.s32 $0x1;
	s23 =	simm.s32 $0x50  }
0x36: {  	v1 =	vmul.u32 $0x8, v0;
	v2 =	vor.u32 $0x7D0, v0;
	v3 =	vor.u32 $0xFA0, v0;
	s26 =	simm.s32 $0xA410;
	s1 =	simm.s32 $0x5;
	s2 =	simm.s32 $0x6  }
.LBB2_1:
0x37: {  	[smem:$0x7EA] =	sst s6  }
0x38: {  	s5 =	rddreg [dreg:$0x9];
	s9 =	simm.s32 $0x7  }
0x39: {  	[tilespmem:s25], [sflag:$0x7] =	stream.linear.gather [hbm4b:s5+s3], $0x90, $0x38;
	[tilespmem:$0x18730] =	vst v63  }
0x3a: {  	_ =	swait.ge [sflag:s9], $0x90  }
0x3b: {  	s10 =	sld [smem:$0x7EE]  }
0x3c: {  	[sflag:s9] =	ssyncset.done $0x0  }
0x3d: {  	s11 =	rddreg [dreg:$0xd];
	[sflag:s9] =	ssyncadd.s32 $0xFFFFFF70  }
0x3e: {  	[tilespmem:s3], [sflag:$0x1] =	stream.linear.gather [hbm4b:s10+s3], $0x7D0, $0x38;
	[tilespmem:$0x18730] =	vst v63  }
0x3f: {  	s13 =	simm.s32 $0x7D0;
	s17 =	sld [smem:$0x7EF]  }
0x40: {  	[tilespmem:s13], [sflag:$0x1] =	stream.linear.gather [hbm4b:s11+s3], $0x7D0, $0x38;
	[tilespmem:$0x18730] =	vst v63  }
0x41: {  	s6 =	sld [smem:$0x7F0]  }
0x42: {  	[tilespmem:s29], [sflag:$0x1] =	stream.linear.gather [hbm4b:s17+s3], $0x7D0, $0x38;
	[tilespmem:$0x18730] =	vst v63  }
0x43: {  	s7 =	simm.s32 $0x9470;
	s8 =	sld [smem:$0x7F1]  }
0x44: {  	[tilespmem:s7], [sflag:$0x1] =	stream.linear.gather [hbm4b:s6+s3], $0x7D0, $0x38;
	[tilespmem:$0x18730] =	vst v63  }
0x45: {  	s9 =	simm.s32 $0x9C40;
	s10 =	rddreg [dreg:$0xf]  }
0x46: {  	[tilespmem:s9], [sflag:$0x1] =	stream.linear.gather [hbm4b:s8+s3], $0x7D0, $0x38;
	[tilespmem:$0x18730] =	vst v63  }
0x47: {  	s11 =	simm.s32 $0xC350;
	s13 =	sld [smem:$0x7FB]  }
0x48: {  	[tilespmem:s11], [sflag:$0x4] =	stream.linear.gather [hbm4b:s10+s3], $0x7D0, $0x38;
	[tilespmem:$0x18730] =	vst v63  }
0x49: {  	s17 =	simm.s32 $0xCB20  }
0x4a: {  	[tilespmem:s17], [sflag:$0x4] =	stream.linear.gather [hbm4b:s13+s3], $0x7D0, $0x38;
	[tilespmem:$0x18730] =	vst v63  }
0x4b: {  	s7 =	rddreg [dreg:$0x14]  }
0x4c: {  	[tilespmem:s16], [sflag:$0x4] =	stream.linear.gather [hbm4b:s7+s3], $0x7D0, $0x38;
	[tilespmem:$0x18730] =	vst v63  }
0x4d: {  	s8 =	rddreg [dreg:$0x15];
	s9 =	simm.s32 $0x157C0  }
0x4e: {  	[tilespmem:s9], [sflag:$0x4] =	stream.linear.gather [hbm4b:s8+s3], $0x7D0, $0x38;
	[tilespmem:$0x18730] =	vst v63  }
0x4f: {  	s10 =	rddreg [dreg:$0x16];
	s11 =	simm.s32 $0x15F90  }
0x50: {  	[tilespmem:s11], [sflag:$0x4] =	stream.linear.gather [hbm4b:s10+s3], $0x7D0, $0x38;
	[tilespmem:$0x18730] =	vst v63  }
0x51: {  	_ =	swait.ge [sflag:s22], $0x7D0  }
0x52: {  	[sflag:s22] =	ssyncset.done $0x0  }
0x53: {  	[sflag:s22] =	ssyncadd.s32 $0xFFFFF830  }
0x54: {  	_ =	swait.ge [sflag:s22], $0x7D0  }
0x55: {  	[sflag:s22] =	ssyncset.done $0x0  }
0x56: {  	[sflag:s22] =	ssyncadd.s32 $0xFFFFF830  }
0x57: {  	_ =	swait.ge [sflag:s22], $0x7D0  }
0x58: {  	[sflag:s22] =	ssyncset.done $0x0  }
0x59: {  	[sflag:s22] =	ssyncadd.s32 $0xFFFFF830  }
0x5a: {  	_ =	swait.ge [sflag:s22], $0x7D0  }
0x5b: {  	[sflag:s22] =	ssyncset.done $0x0  }
0x5c: {  	[sflag:s22] =	ssyncadd.s32 $0xFFFFF830  }
0x5d: {  	_ =	swait.ge [sflag:s22], $0x7D0  }
0x5e: {  	[sflag:s22] =	ssyncset.done $0x0  }
0x5f: {  	s5 =	simm.s32 $0x140;
	s13 =	simm.s32 $0x0;
	[sflag:s22] =	ssyncadd.s32 $0xFFFFF830  }
0x60: {  	[tilespmem:s19], [sflag:$0x2] =	stream.indirect.gather [hbm4b:s4+s23], $0x8, s13, s23, $0xb8;
	[tilespmem:$0x18730] =	vst v63  }
0x61: {  	s6 =	simm.s32 $0x1220;
	s17 =	simm.s32 $0x7D0;
	s7 =	simm.s32 $0x4E20  }
0x62: {  	[tilespmem:s31], [sflag:$0x2] =	stream.indirect.gather [hbm4b:s4+s23], $0x8, s17, s23, $0xb8;
	[tilespmem:$0x18730] =	vst v63  }
.LBB2_2:
0x63: {  	s11 =	sshra.s32 s5, $0x2;
	p0 =	sne.s32 s5, $0x1E00;
	s5 =	sadd.s32 $0x140, s5  }
0x64: {  	[tilespmem:s6], [sflag:$0x2] =	stream.indirect.gather [hbm4b:s4+s23], $0x8, s11, s23, $0xb8;
	[tilespmem:$0x18730] =	vst v63  }
.Ltmp0:
0x65: {  	_ = 	snop;
	(pc) =	sbr.rel @p0 .LBB2_2-.Ltmp0, $4  }
0x66: {  	s7 =	sadd.s32 $0x280, s7;
	s11 =	sadd.s32 $0x7D0, s11  }
0x67: {  	[tilespmem:s7], [sflag:$0x2] =	stream.indirect.gather [hbm4b:s4+s23], $0x8, s11, s23, $0xb8;
	[tilespmem:$0x18730] =	vst v63  }
0x68: {  	_ = 	snop  }
0x69: {  	s6 =	sadd.s32 $0x280, s6  }
0x6a: {  	_ =	swait.ge [sflag:s24], $0x280  }
0x6b: {  	[sflag:s24] =	ssyncset.done $0x0  }
0x6c: {  	[sflag:s24] =	ssyncadd.s32 $0xFFFFFD80  }
0x6d: {  	_ =	swait.ge [sflag:s24], $0x280  }
0x6e: {  	s5 =	simm.s32 $0x18;
	[sflag:s24] =	ssyncset.done $0x0  }
.LBB2_4:
0x6f: {  	p0 =	sne.s32 s5, $0x1;
	s5 =	sadd.s32 $0xFFFFFFFF, s5;
	[sflag:s24] =	ssyncadd.s32 $0xFFFFFD80  }
.Ltmp1:
0x70: {  	_ =	swait.ge [sflag:s24], $0x280;
	(pc) =	sbr.rel @p0 .LBB2_4-.Ltmp1, $4  }
0x71: {  	[sflag:s24] =	ssyncset.done $0x0  }
0x72: {  	[sflag:s24] =	ssyncadd.s32 $0xFFFFFD80  }
0x73: {  	_ =	swait.ge [sflag:s24], $0x280  }
0x74: {  	[sflag:s24] =	ssyncset.done $0x0  }
0x75: {  	[sflag:s24] =	ssyncadd.s32 $0xFFFFFD80  }
0x76: {  	_ =	swait.ge [sflag:s18], $0x7D0  }
0x77: {  	[sflag:s18] =	ssyncset.done $0x0  }
0x78: {  	[sflag:s18] =	ssyncadd.s32 $0xFFFFF830  }
0x79: {  	_ =	swait.ge [sflag:s18], $0x7D0  }
0x7a: {  	[sflag:s18] =	ssyncset.done $0x0  }
0x7b: {  	[sflag:s18] =	ssyncadd.s32 $0xFFFFF830  }
0x7c: {  	_ =	swait.ge [sflag:s18], $0x7D0  }
0x7d: {  	[sflag:s18] =	ssyncset.done $0x0  }
0x7e: {  	[sflag:s18] =	ssyncadd.s32 $0xFFFFF830  }
0x7f: {  	_ =	swait.ge [sflag:s18], $0x7D0  }
0x80: {  	[sflag:s18] =	ssyncset.done $0x0  }
0x81: {  	[sflag:s18] =	ssyncadd.s32 $0xFFFFF830  }
0x82: {  	_ =	swait.ge [sflag:s18], $0x7D0  }
0x83: {  	[sflag:s18] =	ssyncset.done $0x0  }
0x84: {  	s5 =	simm.s32 $0xD2F0;
	s6 =	simm.s32 $0xC350;
	[sflag:s18] =	ssyncadd.s32 $0xFFFFF830  }
0x85: {  	[tilespmem:s5], [sflag:$0x5] =	stream.indirect.gather [hbm4b:s4+s23], $0x8, s6, s23, $0xb8;
	[tilespmem:$0x18730] =	vst v63  }
0x86: {  	s7 =	simm.s32 $0xCB20;
	s6 =	simm.s32 $0x11170  }
0x87: {  	[tilespmem:s6], [sflag:$0x5] =	stream.indirect.gather [hbm4b:s4+s23], $0x8, s7, s23, $0xb8;
	[tilespmem:$0x18730] =	vst v63  }
0x88: {  	s7 =	simm.s32 $0x140  }
.LBB2_6:
0x89: {  	p0 =	sne.s32 s7, $0x1E00  }
.Ltmp2:
0x8a: {  	s11 =	sshra.s32 s7, $0x2;
	s7 =	sadd.s32 $0x140, s7;
	(pc) =	sbr.rel @p0 .LBB2_6-.Ltmp2, $4  }
0x8b: {  	s5 =	sadd.s32 $0x280, s5;
	s13 =	sadd.s32 $0xC350, s11  }
0x8c: {  	[tilespmem:s5], [sflag:$0x5] =	stream.indirect.gather [hbm4b:s4+s23], $0x8, s13, s23, $0xb8;
	[tilespmem:$0x18730] =	vst v63  }
0x8d: {  	s6 =	sadd.s32 $0x280, s6;
	s11 =	sadd.s32 $0xCB20, s11  }
0x8e: {  	[tilespmem:s6], [sflag:$0x5] =	stream.indirect.gather [hbm4b:s4+s23], $0x8, s11, s23, $0xb8;
	[tilespmem:$0x18730] =	vst v63  }
0x8f: {  	s13 =	simm.s32 $0xFFFFFFFC;
	s11 =	simm.s32 $0x30  }
.LBB2_8:
0x90: {  	s5 =	smul.u32 $0xCD, s13;
	_ =	sdelay $0x1  }
0x91: {  	s6 =	sadd.s32 $0x334, s5  }
0x92: {  	s7 =	sshrl.u32 s6, $0xA  }
0x93: {  	s17 =	smul.u32 $0x5, s7  }
0x94: {  	s6 =	sadd.s32 $0x4, s13  }
0x95: {  	s7 =	sand.u32 $0x3F, s7;
	s17 =	ssub.s32 s6, s17  }
0x96: {  	v4 =	vmov s7;
	s8 =	sshll.u32 s17, $0x4  }
0x97: {  	v4 =	vmul.u32 $0x280, v4;
	s7 =	sand.u32 $0xF0, s8  }
0x98: {  	v5 =	vmov s7  }
0x99: {  	v4 =	vbroadcast v4, $0x0;
	v5 =	vshll.u32 v5, $0x3  }
0x9a: {  	v5 =	vor.u32 v1, v5  }
0x9b: {  	v6 =	vadd.s32 v4, v5  }
0x9c: {  	s9 =	sadd.s32 $0x401, s5  }
0x9d: {  	s7 =	sshrl.u32 s9, $0xA;
	v4 =	vor.u32 $0x3, v6  }
0x9e: {  	s10 =	smul.u32 $0x5, s7;
	v7 =	vor.u32 $0x1, v6  }
0x9f: {  	v8 =	vor.u32 $0x2, v6  }
0xa0: {  	s17 =	ssub.s32 s13, s10;
	v10 =	vld.idx.msk [tilespmem:v6+s19+$0x0], $0xffff  }
0xa1: {  	s7 =	sand.u32 $0x3F, s7;
	s17 =	sshll.u32 s17, $0x4;
	v13 =	vld.idx.msk [tilespmem:v6+s31+$0x0], $0xffff  }
0xa2: {  	v14 =	vmov s7;
	s17 =	sadd.s32 $0x50, s17;
	v4 =	vld.idx.msk [tilespmem:v4+s19+$0x0], $0xffff  }
0xa3: {  	s8 =	sadd.s32 $0xFFFFFFD0, s11;
	v57 =	vmul.u32 $0x280, v14;
	s7 =	sand.u32 $0xF0, s17;
	v11 =	vld.idx.msk [tilespmem:v7+s19+$0x0], $0xffff  }
0xa4: {  	v5 =	vadd.s32 s8, v2;
	v16 =	vmov s7;
	v12 =	vld.idx.msk [tilespmem:v8+s19+$0x0], $0xffff  }
0xa5: {  	s10 =	sadd.s32 $0xFFFFFFE0, s11;
	v6 =	vadd.s32 s8, v3;
	v16 =	vshll.u32 v16, $0x3;
	v15 =	vld.idx.msk [tilespmem:v7+s31+$0x0], $0xffff;
	v7 =	vbroadcast v57, $0x0  }
0xa6: {  	v58 =	vld.idx.msk [tilespmem:v8+s31+$0x0], $0xffff;
	v16 =	vor.u32 v1, v16;
	v8 =	vadd.s32 s10, v2  }
0xa7: {  	v16 =	vadd.s32 v7, v16;
	_ =	sdelay $0x1  }
0xa8: {  	v19 =	vld.idx.msk [tilespmem:v5+s29+$0x0], $0xffff;
	v7 =	vor.u32 $0x3, v16  }
0xa9: {  	v28 =	vor.u32 $0x1, v16;
	v21 =	vld.idx.msk [tilespmem:v6+s29+$0x0], $0xffff  }
0xaa: {  	v29 =	vor.u32 $0x2, v16;
	v4 =	vtrunc.f32 v4;
	v40 =	vld.idx.msk [tilespmem:v8+s29+$0x0], $0xffff  }
0xab: {  	v9 =	vcvt.f32.s32 v4;
	v31 =	vld.idx.msk [tilespmem:v16+s19+$0x0], $0xffff  }
0xac: {  	v16 =	vld.idx.msk [tilespmem:v16+s31+$0x0], $0xffff  }
0xad: {  	v4 =	vor.u32 s8, v0;
	v9 =	vmul.u32 $0x9, v9;
	v7 =	vld.idx.msk [tilespmem:v7+s19+$0x0], $0xffff  }
0xae: {  	v32 =	vld.idx.msk [tilespmem:v28+s19+$0x0], $0xffff  }
0xaf: {  	v34 =	vld.idx.msk [tilespmem:v29+s19+$0x0], $0xffff;
	v59 =	vadd.s32 $0x3, v9  }
0xb0: {  	v28 =	vld.idx.msk [tilespmem:v28+s31+$0x0], $0xffff;
	v18 =	vadd.s32 $0x6, v9  }
0xb1: {  	s8 =	sadd.s32 $0x4CE, s5;
	v29 =	vld.idx.msk [tilespmem:v29+s31+$0x0], $0xffff;
	v20 =	vadd.s32 $0x1, v9  }
0xb2: {  	s7 =	sshrl.u32 s8, $0xA;
	v22 =	vadd.s32 $0x4, v9;
	v17 =	vld.idx.msk [tilespmem:v4+s29+$0x0], $0xffff  }
0xb3: {  	s9 =	smul.u32 $0x5, s7;
	v60 =	vadd.s32 $0x7, v9;
	v23 =	vld.idx.msk [tilespmem:v9+s25+$0x0], $0xffff  }
0xb4: {  	v25 =	vadd.s32 $0x2, v9;
	v7 =	vtrunc.f32 v7;
	v24 =	vld.idx.msk [tilespmem:v59+s25+$0x0], $0xffff  }
0xb5: {  	v26 =	vadd.s32 $0x5, v9;
	s8 =	ssub.s32 s13, s9;
	v33 =	vcvt.f32.s32 v7;
	v18 =	vld.idx.msk [tilespmem:v18+s25+$0x0], $0xffff  }
0xb6: {  	s7 =	sand.u32 $0x3F, s7;
	s8 =	sshll.u32 s8, $0x4;
	v9 =	vadd.s32 $0x8, v9;
	v20 =	vld.idx.msk [tilespmem:v20+s25+$0x0], $0xffff  }
0xb7: {  	v35 =	vmov s7;
	s9 =	sadd.s32 $0x60, s8;
	v7 =	vor.u32 s10, v0;
	v22 =	vld.idx.msk [tilespmem:v22+s25+$0x0], $0xffff;
	v33 =	vmul.u32 $0x9, v33  }
0xb8: {  	v35 =	vmul.u32 $0x280, v35;
	s7 =	sand.u32 $0xF0, s9;
	v27 =	vld.idx.msk [tilespmem:v60+s25+$0x0], $0xffff  }
0xb9: {  	v37 =	vmov s7;
	v25 =	vld.idx.msk [tilespmem:v25+s25+$0x0], $0xffff;
	v36 =	vadd.s32 $0x3, v33  }
0xba: {  	v35 =	vbroadcast v35, $0x0;
	v26 =	vld.idx.msk [tilespmem:v26+s25+$0x0], $0xffff;
	v37 =	vshll.u32 v37, $0x3;
	v39 =	vadd.s32 $0x6, v33  }
0xbb: {  	v37 =	vor.u32 v1, v37;
	v41 =	vadd.s32 $0x1, v33;
	v30 =	vld.idx.msk [tilespmem:v9+s25+$0x0], $0xffff  }
0xbc: {  	v35 =	vadd.s32 v35, v37;
	v43 =	vadd.s32 $0x4, v33;
	v38 =	vld.idx.msk [tilespmem:v7+s29+$0x0], $0xffff  }
0xbd: {  	v37 =	vor.u32 $0x3, v35;
	v62 =	vld.idx.msk [tilespmem:v33+s25+$0x0], $0xffff  }
0xbe: {  	v44 =	vadd.s32 $0x7, v33;
	v36 =	vld.idx.msk [tilespmem:v36+s25+$0x0], $0xffff  }
0xbf: {  	v45 =	vadd.s32 $0x2, v33;
	v63 =	vmul.f32 v24, v19;
	v24 =	vld.idx.msk [tilespmem:v39+s25+$0x0], $0xffff  }
0xc0: {  	v47 =	vadd.s32 $0x5, v33;
	v46 =	vmul.f32 v20, v17;
	v20 =	vld.idx.msk [tilespmem:v41+s25+$0x0], $0xffff  }
0xc1: {  	v51 =	vor.u32 $0x1, v35;
	v43 =	vld.idx.msk [tilespmem:v43+s25+$0x0], $0xffff  }
0xc2: {  	v10 =	vsub.f32 v13, v10;
	v11 =	vsub.f32 v15, v11;
	v52 =	vor.u32 $0x2, v35;
	v49 =	vld.idx.msk [tilespmem:v37+s19+$0x0], $0xffff  }
0xc3: {  	s5 =	sadd.s32 $0x59B, s5;
	v9 =	vadd.s32 s10, v3;
	v61 =	vmul.f32 v23, v17;
	v50 =	vmul.f32 v25, v17;
	v17 =	vld.idx.msk [tilespmem:v44+s25+$0x0], $0xffff  }
0xc4: {  	v12 =	vsub.f32 v58, v12;
	s5 =	sshrl.u32 s5, $0xA;
	v48 =	vmul.f32 v22, v19;
	v18 =	vmul.f32 v18, v21;
	v25 =	vld.idx.msk [tilespmem:v45+s25+$0x0], $0xffff  }
0xc5: {  	v16 =	vsub.f32 v16, v31;
	s10 =	smul.u32 $0x5, s5;
	s5 =	sand.u32 $0x3F, s5;
	v53 =	vmul.f32 v27, v21;
	v19 =	vmul.f32 v26, v19;
	v26 =	vld.idx.msk [tilespmem:v47+s25+$0x0], $0xffff  }
0xc6: {  	v56 =	vmov s5;
	v10 =	vadd.f32 v61, v10;
	v11 =	vadd.f32 v46, v11;
	v31 =	vld.idx.msk [tilespmem:v51+s31+$0x0], $0xffff  }
0xc7: {  	v57 =	vmul.u32 $0x280, v56;
	v33 =	vadd.s32 $0x8, v33;
	v12 =	vadd.f32 v50, v12;
	v37 =	vld.idx.msk [tilespmem:v52+s31+$0x0], $0xffff  }
0xc8: {  	s7 =	ssub.s32 s13, s10;
	s13 =	sadd.s32 $0xFFFFFFF0, s11;
	v10 =	vadd.f32 v63, v10;
	v42 =	vld.idx.msk [tilespmem:v9+s29+$0x0], $0xffff;
	v11 =	vadd.f32 v48, v11;
	v55 =	vtrunc.f32 v49  }
0xc9: {  	s7 =	sshll.u32 s7, $0x4;
	v54 =	vadd.f32 v19, v12;
	v19 =	vld.idx.msk [tilespmem:v35+s19+$0x0], $0xffff;
	v12 =	vadd.s32 s13, v3;
	v15 =	vcvt.f32.s32 v55  }
0xca: {  	s17 =	sadd.s32 $0x70, s7;
	v21 =	vmul.f32 v30, v21;
	v30 =	vld.idx.msk [tilespmem:v52+s19+$0x0], $0xffff;
	v13 =	vadd.f32 v53, v11;
	v11 =	vadd.s32 s13, v2  }
0xcb: {  	s5 =	sand.u32 $0xF0, s17;
	v35 =	vld.idx.msk [tilespmem:v35+s31+$0x0], $0xffff;
	v14 =	vadd.f32 v18, v10;
	v10 =	vor.u32 s13, v0;
	v41 =	vmul.u32 $0x9, v15  }
0xcc: {  	v28 =	vsub.f32 v28, v32;
	v59 =	vbroadcast v57, $0x0;
	v58 =	vmov s5;
	v27 =	vld.idx.msk [tilespmem:v33+s25+$0x0], $0xffff  }
0xcd: {  	v33 =	vld.idx.msk [tilespmem:v51+s19+$0x0], $0xffff;
	v23 =	vmul.f32 v62, v38;
	v45 =	vmul.f32 v14, v14;
	v60 =	vadd.s32 $0x3, v41  }
0xce: {  	v20 =	vmul.f32 v20, v38;
	v47 =	vld.idx.msk [tilespmem:v12+s29+$0x0], $0xffff;
	v15 =	vshll.u32 v58, $0x3;
	v62 =	vadd.s32 $0x6, v41  }
0xcf: {  	v16 =	vadd.f32 v23, v16;
	v23 =	vld.idx.msk [tilespmem:v11+s29+$0x0], $0xffff;
	v61 =	vor.u32 v1, v15;
	v48 =	vadd.s32 $0x1, v41  }
0xd0: {  	v15 =	vadd.f32 v21, v54;
	v21 =	vld.idx.msk [tilespmem:v10+s29+$0x0], $0xffff;
	v44 =	vadd.s32 v59, v61;
	v49 =	vadd.s32 $0x4, v41  }
0xd1: {  	v46 =	vmul.f32 v13, v13;
	v53 =	vmul.f32 v24, v42;
	v52 =	vor.u32 $0x3, v44;
	v24 =	vld.idx.msk [tilespmem:v41+s25+$0x0], $0xffff  }
0xd2: {  	v57 =	vmul.f32 v43, v40;
	v56 =	vadd.f32 v20, v28;
	v54 =	vadd.s32 $0x7, v41;
	v32 =	vld.idx.msk [tilespmem:v60+s25+$0x0], $0xffff  }
0xd3: {  	v45 =	vadd.f32 v46, v45;
	v55 =	vadd.s32 $0x2, v41;
	v46 =	vld.idx.msk [tilespmem:v62+s25+$0x0], $0xffff  }
0xd4: {  	v17 =	vmul.f32 v17, v42;
	v18 =	vadd.f32 v57, v56;
	v58 =	vadd.s32 $0x5, v41;
	v59 =	vld.idx.msk [tilespmem:v48+s25+$0x0], $0xffff  }
0xd5: {  	v63 =	vmul.f32 v36, v40;
	v62 =	vld.idx.msk [tilespmem:v49+s25+$0x0], $0xffff  }
0xd6: {  	v18 =	vadd.f32 v17, v18;
	v17 =	vor.u32 s11, v0;
	v36 =	vld.idx.msk [tilespmem:v52+s19+$0x0], $0xffff  }
0xd7: {  	v16 =	vadd.f32 v63, v16;
	v60 =	vadd.s32 $0x8, v41;
	v48 =	vmul.f32 v26, v40;
	v26 =	vld.idx.msk [tilespmem:v54+s25+$0x0], $0xffff  }
0xd8: {  	v29 =	vsub.f32 v29, v34;
	v25 =	vmul.f32 v25, v38;
	v51 =	vld.idx.msk [tilespmem:v55+s25+$0x0], $0xffff  }
0xd9: {  	v35 =	vsub.f32 v35, v19;
	v16 =	vadd.f32 v53, v16;
	v49 =	vor.u32 $0x1, v44;
	v28 =	vld.idx.msk [tilespmem:v58+s25+$0x0], $0xffff  }
0xda: {  	v30 =	vsub.f32 v37, v30;
	v50 =	vmul.f32 v27, v42;
	v61 =	vmul.f32 v15, v15;
	v41 =	vld.idx.msk [tilespmem:v44+s19+$0x0], $0xffff  }
0xdb: {  	v53 =	vmul.f32 v16, v16;
	v52 =	vor.u32 $0x2, v44;
	v37 =	vld.idx.msk [tilespmem:v17+s29+$0x0], $0xffff;
	v54 =	vtrunc.f32 v36  }
0xdc: {  	v19 =	vadd.s32 s11, v2;
	v55 =	vmul.f32 v18, v18;
	v38 =	vld.idx.msk [tilespmem:v60+s25+$0x0], $0xffff;
	v56 =	vcvt.f32.s32 v54  }
0xdd: {  	v63 =	vadd.f32 v25, v29;
	v24 =	vmul.f32 v24, v21;
	v58 =	vmul.f32 v59, v21;
	v59 =	vld.idx.msk [tilespmem:v44+s31+$0x0], $0xffff  }
0xde: {  	v29 =	vld.idx.msk [tilespmem:v49+s31+$0x0], $0xffff;
	v27 =	vmul.f32 v51, v21;
	v21 =	vadd.s32 s11, v3;
	v40 =	vmul.u32 $0x9, v56  }
0xdf: {  	v31 =	vsub.f32 v31, v33;
	v20 =	vadd.f32 v48, v63;
	v36 =	vld.idx.msk [tilespmem:v49+s19+$0x0], $0xffff  }
0xe0: {  	v22 =	vadd.f32 v61, v45;
	v25 =	vadd.f32 v55, v53;
	v45 =	vld.idx.msk [tilespmem:v52+s19+$0x0], $0xffff;
	v60 =	vadd.s32 $0x3, v40  }
0xe1: {  	v20 =	vadd.f32 v50, v20;
	v61 =	vmul.f32 v62, v23;
	v39 =	vld.idx.msk [tilespmem:v52+s31+$0x0], $0xffff;
	v62 =	vadd.s32 $0x1, v40  }
0xe2: {  	v32 =	vmul.f32 v32, v23;
	v27 =	vadd.f32 v27, v30;
	v30 =	vld.idx.msk [tilespmem:v19+s29+$0x0], $0xffff;
	v49 =	vadd.s32 $0x6, v40  }
0xe3: {  	v63 =	vmul.f32 v46, v47;
	v26 =	vmul.f32 v26, v47;
	v55 =	vld.idx.msk [tilespmem:v21+s29+$0x0], $0xffff;
	v50 =	vadd.s32 $0x4, v40  }
0xe4: {  	v23 =	vmul.f32 v28, v23;
	v24 =	vadd.f32 v24, v35;
	v52 =	vadd.s32 $0x2, v40;
	v48 =	vld.idx.msk [tilespmem:v40+s25+$0x0], $0xffff  }
0xe5: {  	v46 =	vmul.f32 $5.000000000e-01, v22;
	v57 =	vmul.f32 v20, v20;
	v54 =	vadd.s32 $0x7, v40;
	v51 =	vld.idx.msk [tilespmem:v60+s25+$0x0], $0xffff  }
0xe6: {  	v31 =	vadd.f32 v58, v31;
	v24 =	vadd.f32 v32, v24;
	v56 =	vadd.s32 $0x5, v40;
	v53 =	vld.idx.msk [tilespmem:v62+s25+$0x0], $0xffff  }
0xe7: {  	v25 =	vadd.f32 v57, v25;
	v57 =	vshra.s32 v22, $0x1;
	v34 =	vsub.f32 v59, v41;
	v59 =	vld.idx.msk [tilespmem:v49+s25+$0x0], $0xffff  }
0xe8: {  	v31 =	vadd.f32 v61, v31;
	v23 =	vadd.f32 v23, v27;
	v38 =	vmul.f32 v38, v47;
	v33 =	vld.idx.msk [tilespmem:v50+s25+$0x0], $0xffff  }
0xe9: {  	v24 =	vadd.f32 v63, v24;
	v41 =	vsub.s32 $0x5F3759DF, v57;
	v40 =	vadd.s32 $0x8, v40;
	v35 =	vld.idx.msk [tilespmem:v52+s25+$0x0], $0xffff  }
0xea: {  	v26 =	vadd.f32 v26, v31;
	v23 =	vadd.f32 v38, v23;
	v38 =	vmul.f32 $5.000000000e-01, v25;
	v42 =	vld.idx.msk [tilespmem:v54+s25+$0x0], $0xffff  }
0xeb: {  	v47 =	vmul.f32 v24, v24;
	v60 =	vmul.f32 v41, v46;
	v31 =	vld.idx.msk [tilespmem:v56+s25+$0x0], $0xffff  }
0xec: {  	v29 =	vsub.f32 v29, v36;
	v58 =	vmul.f32 v48, v37;
	v48 =	vmul.f32 v26, v26  }
0xed: {  	v63 =	vsub.f32 v39, v45;
	v28 =	vmul.f32 v51, v30;
	v32 =	vmul.f32 v53, v37  }
0xee: {  	v62 =	vshra.s32 v25, $0x1;
	v45 =	vld.idx.msk [tilespmem:v40+s25+$0x0], $0xffff;
	v33 =	vmul.f32 v33, v30;
	v35 =	vmul.f32 v35, v37  }
0xef: {  	v49 =	vmul.f32 v59, v55;
	v34 =	vadd.f32 v58, v34;
	v29 =	vadd.f32 v32, v29  }
0xf0: {  	v42 =	vmul.f32 v42, v55;
	v30 =	vmul.f32 v31, v30;
	v35 =	vadd.f32 v35, v63  }
0xf1: {  	v51 =	vmul.f32 v23, v23;
	v28 =	vadd.f32 v28, v34;
	v29 =	vadd.f32 v33, v29  }
0xf2: {  	v50 =	vadd.f32 v48, v47;
	v32 =	vsub.s32 $0x5F3759DF, v62;
	v30 =	vadd.f32 v30, v35  }
0xf3: {  	v27 =	vmul.f32 v45, v55;
	v28 =	vadd.f32 v49, v28;
	v29 =	vadd.f32 v42, v29  }
0xf4: {  	v61 =	vmul.f32 v41, v60;
	v52 =	vmul.f32 v32, v38;
	v31 =	vadd.f32 v51, v50  }
0xf5: {  	v27 =	vadd.f32 v27, v30;
	v53 =	vmul.f32 v28, v28;
	v54 =	vmul.f32 v29, v29  }
0xf6: {  	v34 =	vsub.f32 $1.500000000e+00, v61;
	v35 =	vmul.f32 v32, v52;
	v55 =	vshra.s32 v31, $0x1  }
0xf7: {  	v37 =	vmul.f32 $5.000000000e-01, v31;
	v56 =	vmul.f32 v27, v27;
	v30 =	vadd.f32 v54, v53  }
0xf8: {  	v34 =	vmul.f32 v41, v34;
	v36 =	vsub.s32 $0x5F3759DF, v55;
	v35 =	vsub.f32 $1.500000000e+00, v35  }
0xf9: {  	v58 =	vmul.f32 v36, v37;
	v30 =	vadd.f32 v56, v30  }
0xfa: {  	v57 =	vmul.f32 v34, v46;
	v32 =	vmul.f32 v32, v35  }
0xfb: {  	v60 =	vmul.f32 v36, v58;
	v61 =	vshra.s32 v30, $0x1;
	v40 =	vmul.f32 $5.000000000e-01, v30  }
0xfc: {  	v59 =	vmul.f32 v57, v34;
	v62 =	vmul.f32 v32, v38;
	v39 =	vsub.s32 $0x5F3759DF, v61  }
0xfd: {  	v35 =	vsub.f32 $1.500000000e+00, v60;
	v63 =	vmul.f32 v39, v40  }
0xfe: {  	v33 =	vsub.f32 $1.500000000e+00, v59;
	v45 =	vmul.f32 v62, v32  }
0xff: {  	v35 =	vmul.f32 v36, v35;
	v47 =	vmul.f32 v39, v63  }
0x100: {  	v33 =	vmul.f32 v33, v34;
	v34 =	vsub.f32 $1.500000000e+00, v45  }
0x101: {  	v49 =	vmul.f32 v35, v37;
	v36 =	vsub.f32 $1.500000000e+00, v47  }
0x102: {  	v48 =	vmul.f32 v33, v46;
	v32 =	vmul.f32 v34, v32  }
0x103: {  	v51 =	vmul.f32 v49, v35;
	v36 =	vmul.f32 v39, v36  }
0x104: {  	v50 =	vmul.f32 v48, v33;
	v38 =	vmul.f32 v32, v38  }
0x105: {  	v52 =	vsub.f32 $1.500000000e+00, v51;
	v53 =	vmul.f32 v36, v40  }
0x106: {  	v34 =	vsub.f32 $1.500000000e+00, v50;
	v54 =	vmul.f32 v38, v32  }
0x107: {  	v35 =	vmul.f32 v52, v35;
	v55 =	vmul.f32 v53, v36  }
0x108: {  	v33 =	vmul.f32 v34, v33;
	v34 =	vsub.f32 $1.500000000e+00, v54  }
0x109: {  	[tilespmem:v4+s26+$0x0] =	vst.idx.msk $0xffff, v14;
	v57 =	vmul.f32 v35, v37;
	v58 =	vsub.f32 $1.500000000e+00, v55  }
0x10a: {  	[tilespmem:v5+s26+$0x0] =	vst.idx.msk $0xffff, v13;
	v56 =	vmul.f32 v33, v22;
	v5 =	vmul.f32 v34, v32  }
0x10b: {  	[tilespmem:v6+s26+$0x0] =	vst.idx.msk $0xffff, v15;
	vm0 =	vgt.f32 v22, $0.0e+00;
	v61 =	vmul.f32 v57, v35;
	v59 =	vmul.f32 v58, v36  }
0x10c: {  	[tilespmem:v7+s26+$0x0] =	vst.idx.msk $0xffff, v16;
	v60 =	vnsel vm0, $0x0, v56  }
0x10d: {  	[tilespmem:v4+s28+$0x0] =	vst.idx.msk $0xffff, v60;
	v4 =	vmul.f32 v5, v25;
	v5 =	vsub.f32 $1.500000000e+00, v61;
	v62 =	vmul.f32 v59, v40  }
0x10e: {  	[tilespmem:v8+s26+$0x0] =	vst.idx.msk $0xffff, v18  }
0x10f: {  	[tilespmem:v9+s26+$0x0] =	vst.idx.msk $0xffff, v20;
	vm13 =	vgt.f32 v25, $0.0e+00;
	v5 =	vmul.f32 v5, v35;
	v63 =	vmul.f32 v62, v59  }
0x110: {  	[tilespmem:v10+s26+$0x0] =	vst.idx.msk $0xffff, v24;
	v4 =	vnsel vm13, $0x0, v4  }
0x111: {  	[tilespmem:v7+s28+$0x0] =	vst.idx.msk $0xffff, v4;
	v4 =	vmul.f32 v5, v31;
	v5 =	vsub.f32 $1.500000000e+00, v63  }
0x112: {  	[tilespmem:v11+s26+$0x0] =	vst.idx.msk $0xffff, v26  }
0x113: {  	p0 =	slt.u32 s6, $0x78;
	[tilespmem:v12+s26+$0x0] =	vst.idx.msk $0xffff, v23;
	vm14 =	vgt.f32 v31, $0.0e+00;
	v5 =	vmul.f32 v5, v59  }
.Ltmp3:
0x114: {  	[tilespmem:v17+s26+$0x0] =	vst.idx.msk $0xffff, v28;
	v4 =	vnsel vm14, $0x0, v4;
	(pc) =	sbr.rel @p0 .LBB2_8-.Ltmp3, $4  }
0x115: {  	[tilespmem:v10+s28+$0x0] =	vst.idx.msk $0xffff, v4;
	v4 =	vmul.f32 v5, v30  }
0x116: {  	[tilespmem:v19+s26+$0x0] =	vst.idx.msk $0xffff, v29;
	vm15 =	vgt.f32 v30, $0.0e+00  }
0x117: {  	[tilespmem:v21+s26+$0x0] =	vst.idx.msk $0xffff, v27;
	v4 =	vnsel vm15, $0x0, v4  }
0x118: {  	s13 =	smov.u32 s6;
	s11 =	sadd.s32 $0x40, s11;
	[tilespmem:v17+s28+$0x0] =	vst.idx.msk $0xffff, v4  }
0x119: {  	v10 =	vor.u32 $0x3E03, v1;
	_ =	sdelay $0x4  }
0x11a: {  	v7 =	vor.u32 $0x3E00, v1;
	v4 =	vld.idx.msk [tilespmem:v10+s19+$0x0], $0xffff  }
0x11b: {  	v8 =	vor.u32 $0x3E01, v1  }
0x11c: {  	v9 =	vor.u32 $0x3E02, v1;
	_ =	sdelay $0x2  }
0x11d: {  	v11 =	vld.idx.msk [tilespmem:v7+s19+$0x0], $0xffff;
	v4 =	vtrunc.f32 v4  }
0x11e: {  	v5 =	vor.u32 $0xF90, v0;
	v12 =	vld.idx.msk [tilespmem:v8+s19+$0x0], $0xffff;
	v13 =	vcvt.f32.s32 v4  }
0x11f: {  	v6 =	vor.u32 $0x1760, v0;
	v14 =	vld.idx.msk [tilespmem:v9+s19+$0x0], $0xffff  }
0x120: {  	v15 =	vld.idx.msk [tilespmem:v7+s31+$0x0], $0xffff;
	v4 =	vor.u32 $0x7C0, v0;
	v13 =	vmul.u32 $0x9, v13  }
0x121: {  	v16 =	vld.idx.msk [tilespmem:v8+s31+$0x0], $0xffff  }
0x122: {  	v17 =	vld.idx.msk [tilespmem:v9+s31+$0x0], $0xffff;
	v18 =	vadd.s32 $0x3, v13  }
0x123: {  	v21 =	vld.idx.msk [tilespmem:v5+s29+$0x0], $0xffff;
	v20 =	vadd.s32 $0x1, v13  }
0x124: {  	v23 =	vld.idx.msk [tilespmem:v6+s29+$0x0], $0xffff;
	v22 =	vadd.s32 $0x6, v13  }
0x125: {  	v26 =	vadd.s32 $0x2, v13;
	v19 =	vld.idx.msk [tilespmem:v4+s29+$0x0], $0xffff  }
0x126: {  	v24 =	vadd.s32 $0x4, v13;
	v25 =	vld.idx.msk [tilespmem:v13+s25+$0x0], $0xffff  }
0x127: {  	v28 =	vadd.s32 $0x5, v13;
	v18 =	vld.idx.msk [tilespmem:v18+s25+$0x0], $0xffff  }
0x128: {  	v27 =	vadd.s32 $0x7, v13;
	v20 =	vld.idx.msk [tilespmem:v20+s25+$0x0], $0xffff  }
0x129: {  	v22 =	vld.idx.msk [tilespmem:v22+s25+$0x0], $0xffff  }
0x12a: {  	v13 =	vadd.s32 $0x8, v13;
	v26 =	vld.idx.msk [tilespmem:v26+s25+$0x0], $0xffff  }
0x12b: {  	v24 =	vld.idx.msk [tilespmem:v24+s25+$0x0], $0xffff  }
0x12c: {  	v52 =	vld.idx.msk [tilespmem:v28+s25+$0x0], $0xffff  }
0x12d: {  	v11 =	vsub.f32 v15, v11;
	v50 =	vld.idx.msk [tilespmem:v27+s25+$0x0], $0xffff  }
0x12e: {  	v12 =	vsub.f32 v16, v12;
	v49 =	vmul.f32 v25, v19;
	v51 =	vmul.f32 v20, v19  }
0x12f: {  	v14 =	vsub.f32 v17, v14;
	v13 =	vld.idx.msk [tilespmem:v13+s25+$0x0], $0xffff;
	v53 =	vmul.f32 v18, v21;
	v55 =	vmul.f32 v26, v19  }
0x130: {  	v54 =	vmul.f32 v24, v21;
	v11 =	vadd.f32 v49, v11;
	v12 =	vadd.f32 v51, v12  }
0x131: {  	v56 =	vmul.f32 v22, v23;
	v58 =	vmul.f32 v52, v21;
	v14 =	vadd.f32 v55, v14  }
0x132: {  	v57 =	vmul.f32 v50, v23;
	v11 =	vadd.f32 v53, v11;
	v12 =	vadd.f32 v54, v12  }
0x133: {  	v14 =	vadd.f32 v58, v14  }
0x134: {  	v13 =	vmul.f32 v13, v23;
	v11 =	vadd.f32 v56, v11;
	v12 =	vadd.f32 v57, v12;
	_ =	sdelay $0x1  }
0x135: {  	v13 =	vadd.f32 v13, v14;
	v59 =	vmul.f32 v11, v11;
	v60 =	vmul.f32 v12, v12;
	_ =	sdelay $0x1  }
0x136: {  	v61 =	vmul.f32 v13, v13;
	v14 =	vadd.f32 v60, v59;
	_ =	sdelay $0x1  }
0x137: {  	v14 =	vadd.f32 v61, v14;
	_ =	sdelay $0x1  }
0x138: {  	v15 =	vshra.s32 v14, $0x1;
	v62 =	vmul.f32 $5.000000000e-01, v14  }
0x139: {  	v15 =	vsub.s32 $0x5F3759DF, v15  }
0x13a: {  	v63 =	vmul.f32 v15, v62;
	_ =	sdelay $0x1  }
0x13b: {  	v17 =	vmul.f32 v15, v63;
	_ =	sdelay $0x1  }
0x13c: {  	v17 =	vsub.f32 $1.500000000e+00, v17;
	_ =	sdelay $0x1  }
0x13d: {  	v15 =	vmul.f32 v15, v17;
	_ =	sdelay $0x1  }
0x13e: {  	v17 =	vmul.f32 v15, v62;
	_ =	sdelay $0x1  }
0x13f: {  	v17 =	vmul.f32 v17, v15;
	_ =	sdelay $0x1  }
0x140: {  	v17 =	vsub.f32 $1.500000000e+00, v17;
	_ =	sdelay $0x1  }
0x141: {  	v15 =	vmul.f32 v17, v15;
	_ =	sdelay $0x1  }
0x142: {  	v16 =	vmul.f32 v15, v62;
	_ =	sdelay $0x1  }
0x143: {  	v16 =	vmul.f32 v16, v15;
	_ =	sdelay $0x1  }
0x144: {  	v16 =	vsub.f32 $1.500000000e+00, v16;
	_ =	sdelay $0x1  }
0x145: {  	v15 =	vmul.f32 v16, v15;
	_ =	sdelay $0x1  }
0x146: {  	[tilespmem:v4+s26+$0x0] =	vst.idx.msk $0xffff, v11;
	v15 =	vmul.f32 v15, v14  }
0x147: {  	s5 =	sld [smem:$0x7F2];
	[tilespmem:v5+s26+$0x0] =	vst.idx.msk $0xffff, v12;
	vm0 =	vgt.f32 v14, $0.0e+00  }
0x148: {  	[tilespmem:v6+s26+$0x0] =	vst.idx.msk $0xffff, v13;
	v11 =	vnsel vm0, $0x0, v15  }
0x149: {  	s10 =	sld [smem:$0x7F3];
	[tilespmem:v4+s28+$0x0] =	vst.idx.msk $0xffff, v11  }
0x14a: {  	[hbm4b:s5+s3] =	stream.linear.scatter [tilespmem:s26], [sflag:$0x3], $0x7D0, $0x38;
	[tilespmem:$0x18730] =	vst v63  }
0x14b: {  	s6 =	simm.s32 $0xABE0;
	s11 =	sld [smem:$0x7F4]  }
0x14c: {  	[hbm4b:s10+s3] =	stream.linear.scatter [tilespmem:s6], [sflag:$0x3], $0x7D0, $0x38;
	[tilespmem:$0x18730] =	vst v63  }
0x14d: {  	s13 =	simm.s32 $0xB3B0;
	s17 =	sld [smem:$0x7F5]  }
0x14e: {  	[hbm4b:s11+s3] =	stream.linear.scatter [tilespmem:s13], [sflag:$0x3], $0x7D0, $0x38;
	[tilespmem:$0x18730] =	vst v63  }
0x14f: {  	s7 =	sld [smem:$0x7FC]  }
0x150: {  	[hbm4b:s17+s3] =	stream.linear.scatter [tilespmem:s28], [sflag:$0x3], $0x7D0, $0x38;
	[tilespmem:$0x18730] =	vst v63  }
0x151: {  	s6 =	rddreg [dreg:$0x10]  }
0x152: {  	[tilespmem:s3], [sflag:$0x1] =	stream.linear.gather [hbm4b:s6+s3], $0x7D0, $0x38;
	[tilespmem:$0x18730] =	vst v63  }
0x153: {  	s8 =	simm.s32 $0x7D0  }
0x154: {  	[tilespmem:s8], [sflag:$0x1] =	stream.linear.gather [hbm4b:s7+s3], $0x7D0, $0x38;
	[tilespmem:$0x18730] =	vst v63  }
0x155: {  	s9 =	rddreg [dreg:$0x11]  }
0x156: {  	[tilespmem:s29], [sflag:$0x1] =	stream.linear.gather [hbm4b:s9+s3], $0x7D0, $0x38;
	[tilespmem:$0x18730] =	vst v63  }
0x157: {  	s10 =	rddreg [dreg:$0x12];
	s11 =	simm.s32 $0x9470  }
0x158: {  	[tilespmem:s11], [sflag:$0x1] =	stream.linear.gather [hbm4b:s10+s3], $0x7D0, $0x38;
	[tilespmem:$0x18730] =	vst v63  }
0x159: {  	s13 =	rddreg [dreg:$0x13];
	s17 =	simm.s32 $0x9C40  }
0x15a: {  	[tilespmem:s17], [sflag:$0x1] =	stream.linear.gather [hbm4b:s13+s3], $0x7D0, $0x38;
	[tilespmem:$0x18730] =	vst v63  }
0x15b: {  	_ =	swait.ge [sflag:s1], $0x280  }
0x15c: {  	[sflag:s1] =	ssyncset.done $0x0  }
0x15d: {  	[sflag:s1] =	ssyncadd.s32 $0xFFFFFD80  }
0x15e: {  	_ =	swait.ge [sflag:s1], $0x280  }
0x15f: {  	s5 =	simm.s32 $0x18;
	[sflag:s1] =	ssyncset.done $0x0  }
.LBB2_10:
0x160: {  	p0 =	sne.s32 s5, $0x1;
	s5 =	sadd.s32 $0xFFFFFFFF, s5;
	[sflag:s1] =	ssyncadd.s32 $0xFFFFFD80  }
.Ltmp4:
0x161: {  	_ =	swait.ge [sflag:s1], $0x280;
	(pc) =	sbr.rel @p0 .LBB2_10-.Ltmp4, $4  }
0x162: {  	[sflag:s1] =	ssyncset.done $0x0  }
0x163: {  	[sflag:s1] =	ssyncadd.s32 $0xFFFFFD80  }
0x164: {  	_ =	swait.ge [sflag:s1], $0x280  }
0x165: {  	[sflag:s1] =	ssyncset.done $0x0  }
0x166: {  	[sflag:s1] =	ssyncadd.s32 $0xFFFFFD80  }
0x167: {  	_ =	swait.ge [sflag:s22], $0x7D0  }
0x168: {  	[sflag:s22] =	ssyncset.done $0x0  }
0x169: {  	[sflag:s22] =	ssyncadd.s32 $0xFFFFF830  }
0x16a: {  	_ =	swait.ge [sflag:s22], $0x7D0  }
0x16b: {  	[sflag:s22] =	ssyncset.done $0x0  }
0x16c: {  	[sflag:s22] =	ssyncadd.s32 $0xFFFFF830  }
0x16d: {  	_ =	swait.ge [sflag:s22], $0x7D0  }
0x16e: {  	[sflag:s22] =	ssyncset.done $0x0  }
0x16f: {  	[sflag:s22] =	ssyncadd.s32 $0xFFFFF830  }
0x170: {  	_ =	swait.ge [sflag:s22], $0x7D0  }
0x171: {  	[sflag:s22] =	ssyncset.done $0x0  }
0x172: {  	[sflag:s22] =	ssyncadd.s32 $0xFFFFF830  }
0x173: {  	_ =	swait.ge [sflag:s22], $0x7D0  }
0x174: {  	s5 =	simm.s32 $0xFA0;
	[sflag:s22] =	ssyncset.done $0x0  }
0x175: {  	s6 =	simm.s32 $0x0;
	s17 =	simm.s32 $0x7D0;
	[sflag:s22] =	ssyncadd.s32 $0xFFFFF830  }
0x176: {  	[tilespmem:s5], [sflag:$0x2] =	stream.indirect.gather [hbm4b:s4+s23], $0x8, s6, s23, $0xb8;
	[tilespmem:$0x18730] =	vst v63  }
0x177: {  	s7 =	simm.s32 $0x1220;
	s5 =	simm.s32 $0x4E20;
	s6 =	simm.s32 $0x140  }
0x178: {  	[tilespmem:s5], [sflag:$0x2] =	stream.indirect.gather [hbm4b:s4+s23], $0x8, s17, s23, $0xb8;
	[tilespmem:$0x18730] =	vst v63  }
.LBB2_12:
0x179: {  	s8 =	sshra.s32 s6, $0x2;
	p0 =	sne.s32 s6, $0x1E00;
	s6 =	sadd.s32 $0x140, s6  }
0x17a: {  	[tilespmem:s7], [sflag:$0x2] =	stream.indirect.gather [hbm4b:s4+s23], $0x8, s8, s23, $0xb8;
	[tilespmem:$0x18730] =	vst v63  }
.Ltmp5:
0x17b: {  	_ = 	snop;
	(pc) =	sbr.rel @p0 .LBB2_12-.Ltmp5, $4  }
0x17c: {  	s5 =	sadd.s32 $0x280, s5;
	s8 =	sadd.s32 $0x7D0, s8  }
0x17d: {  	[tilespmem:s5], [sflag:$0x2] =	stream.indirect.gather [hbm4b:s4+s23], $0x8, s8, s23, $0xb8;
	[tilespmem:$0x18730] =	vst v63  }
0x17e: {  	_ = 	snop  }
0x17f: {  	s7 =	sadd.s32 $0x280, s7  }
0x180: {  	s13 =	simm.s32 $0xFFFFFFFC;
	s11 =	simm.s32 $0x30  }
.LBB2_14:
0x181: {  	s5 =	smul.u32 $0xCD, s13;
	_ =	sdelay $0x1  }
0x182: {  	s6 =	sadd.s32 $0x334, s5  }
0x183: {  	s7 =	sshrl.u32 s6, $0xA  }
0x184: {  	s8 =	smul.u32 $0x5, s7  }
0x185: {  	s6 =	sadd.s32 $0x4, s13  }
0x186: {  	s7 =	sand.u32 $0x3F, s7;
	s8 =	ssub.s32 s6, s8  }
0x187: {  	v11 =	vmov s7;
	s8 =	sshll.u32 s8, $0x4  }
0x188: {  	v11 =	vmul.u32 $0x280, v11;
	s7 =	sand.u32 $0xF0, s8  }
0x189: {  	v12 =	vmov s7  }
0x18a: {  	v11 =	vbroadcast v11, $0x0;
	v12 =	vshll.u32 v12, $0x3  }
0x18b: {  	v12 =	vor.u32 v1, v12  }
0x18c: {  	v13 =	vadd.s32 v11, v12  }
0x18d: {  	v11 =	vor.u32 $0x3, v13;
	_ =	sdelay $0x4  }
0x18e: {  	v11 =	vld.idx.msk [tilespmem:v11+s12+$0x0], $0xffff  }
0x18f: {  	v15 =	vor.u32 $0x2, v13  }
0x190: {  	s17 =	sadd.s32 $0xFFFFFFD0, s11;
	s9 =	sadd.s32 $0x401, s5  }
0x191: {  	s7 =	sshrl.u32 s9, $0xA;
	v12 =	vadd.s32 s17, v2  }
0x192: {  	s10 =	smul.u32 $0x5, s7;
	v14 =	vor.u32 $0x1, v13;
	v17 =	vld.idx.msk [tilespmem:v13+s12+$0x0], $0xffff  }
0x193: {  	v20 =	vld.idx.msk [tilespmem:v13+s20+$0x0], $0xffff;
	v11 =	vtrunc.f32 v11  }
0x194: {  	s8 =	ssub.s32 s13, s10;
	s10 =	sadd.s32 $0xFFFFFFE0, s11;
	v13 =	vadd.s32 s17, v3;
	v19 =	vld.idx.msk [tilespmem:v15+s12+$0x0], $0xffff;
	v16 =	vcvt.f32.s32 v11  }
0x195: {  	v63 =	vld.idx.msk [tilespmem:v15+s20+$0x0], $0xffff;
	v15 =	vadd.s32 s10, v2  }
0x196: {  	v26 =	vld.idx.msk [tilespmem:v12+s16+$0x0], $0xffff;
	v11 =	vor.u32 s17, v0;
	v16 =	vmul.u32 $0x9, v16  }
0x197: {  	v18 =	vld.idx.msk [tilespmem:v14+s12+$0x0], $0xffff  }
0x198: {  	v22 =	vld.idx.msk [tilespmem:v14+s20+$0x0], $0xffff;
	v53 =	vadd.s32 $0x3, v16  }
0x199: {  	s7 =	sand.u32 $0x3F, s7;
	s8 =	sshll.u32 s8, $0x4;
	v28 =	vld.idx.msk [tilespmem:v13+s16+$0x0], $0xffff;
	v25 =	vadd.s32 $0x6, v16  }
0x19a: {  	v21 =	vmov s7;
	v47 =	vld.idx.msk [tilespmem:v15+s16+$0x0], $0xffff;
	s17 =	sadd.s32 $0x50, s8;
	v27 =	vadd.s32 $0x1, v16  }
0x19b: {  	v62 =	vmul.u32 $0x280, v21;
	s7 =	sand.u32 $0xF0, s17;
	v29 =	vadd.s32 $0x4, v16;
	v24 =	vld.idx.msk [tilespmem:v11+s16+$0x0], $0xffff  }
0x19c: {  	s8 =	sadd.s32 $0x4CE, s5;
	v23 =	vmov s7;
	v54 =	vadd.s32 $0x7, v16;
	v30 =	vld.idx.msk [tilespmem:v16+s25+$0x0], $0xffff  }
0x19d: {  	v14 =	vbroadcast v62, $0x0;
	s7 =	sshrl.u32 s8, $0xA;
	v23 =	vshll.u32 v23, $0x3;
	v32 =	vadd.s32 $0x2, v16;
	v31 =	vld.idx.msk [tilespmem:v53+s25+$0x0], $0xffff  }
0x19e: {  	s9 =	smul.u32 $0x5, s7;
	v23 =	vor.u32 v1, v23;
	v33 =	vadd.s32 $0x5, v16;
	v25 =	vld.idx.msk [tilespmem:v25+s25+$0x0], $0xffff  }
0x19f: {  	v23 =	vadd.s32 v14, v23;
	v27 =	vld.idx.msk [tilespmem:v27+s25+$0x0], $0xffff  }
0x1a0: {  	s8 =	ssub.s32 s13, s9;
	v29 =	vld.idx.msk [tilespmem:v29+s25+$0x0], $0xffff  }
0x1a1: {  	s7 =	sand.u32 $0x3F, s7;
	v14 =	vor.u32 $0x3, v23;
	s8 =	sshll.u32 s8, $0x4;
	v34 =	vld.idx.msk [tilespmem:v54+s25+$0x0], $0xffff  }
0x1a2: {  	v42 =	vmov s7;
	s9 =	sadd.s32 $0x60, s8;
	v16 =	vadd.s32 $0x8, v16;
	v32 =	vld.idx.msk [tilespmem:v32+s25+$0x0], $0xffff  }
0x1a3: {  	v42 =	vmul.u32 $0x280, v42;
	v35 =	vor.u32 $0x1, v23;
	s7 =	sand.u32 $0xF0, s9;
	v33 =	vld.idx.msk [tilespmem:v33+s25+$0x0], $0xffff  }
0x1a4: {  	v36 =	vor.u32 $0x2, v23;
	v44 =	vmov s7;
	v38 =	vld.idx.msk [tilespmem:v23+s12+$0x0], $0xffff  }
0x1a5: {  	v42 =	vbroadcast v42, $0x0;
	v23 =	vld.idx.msk [tilespmem:v23+s20+$0x0], $0xffff;
	v44 =	vshll.u32 v44, $0x3  }
0x1a6: {  	v14 =	vld.idx.msk [tilespmem:v14+s12+$0x0], $0xffff;
	v44 =	vor.u32 v1, v44  }
0x1a7: {  	v42 =	vadd.s32 v42, v44;
	v37 =	vld.idx.msk [tilespmem:v16+s25+$0x0], $0xffff;
	v16 =	vadd.s32 s10, v3  }
0x1a8: {  	v39 =	vld.idx.msk [tilespmem:v35+s12+$0x0], $0xffff;
	v44 =	vor.u32 $0x3, v42  }
0x1a9: {  	v19 =	vsub.f32 v63, v19;
	v41 =	vld.idx.msk [tilespmem:v36+s12+$0x0], $0xffff  }
0x1aa: {  	v35 =	vld.idx.msk [tilespmem:v35+s20+$0x0], $0xffff;
	v52 =	vor.u32 $0x2, v42;
	v56 =	vmul.f32 v31, v26;
	v62 =	vmul.f32 v32, v24  }
0x1ab: {  	v36 =	vld.idx.msk [tilespmem:v36+s20+$0x0], $0xffff;
	v63 =	vor.u32 $0x1, v42;
	v60 =	vmul.f32 v29, v26;
	v14 =	vtrunc.f32 v14  }
0x1ac: {  	v26 =	vmul.f32 v33, v26;
	v19 =	vadd.f32 v62, v19;
	v40 =	vcvt.f32.s32 v14;
	v49 =	vld.idx.msk [tilespmem:v16+s16+$0x0], $0xffff  }
0x1ad: {  	v25 =	vmul.f32 v25, v28;
	v61 =	vld.idx.msk [tilespmem:v44+s12+$0x0], $0xffff  }
0x1ae: {  	v14 =	vor.u32 s10, v0;
	v54 =	vadd.f32 v26, v19;
	v26 =	vld.idx.msk [tilespmem:v42+s12+$0x0], $0xffff;
	v40 =	vmul.u32 $0x9, v40  }
0x1af: {  	v53 =	vmul.f32 v34, v28;
	v28 =	vmul.f32 v37, v28;
	v37 =	vld.idx.msk [tilespmem:v52+s12+$0x0], $0xffff  }
0x1b0: {  	v17 =	vsub.f32 v20, v17;
	v42 =	vld.idx.msk [tilespmem:v42+s20+$0x0], $0xffff;
	v43 =	vadd.s32 $0x3, v40  }
0x1b1: {  	v55 =	vmul.f32 v30, v24;
	v23 =	vsub.f32 v23, v38;
	v38 =	vld.idx.msk [tilespmem:v63+s20+$0x0], $0xffff;
	v46 =	vadd.s32 $0x6, v40  }
0x1b2: {  	s5 =	sadd.s32 $0x59B, s5;
	v44 =	vld.idx.msk [tilespmem:v52+s20+$0x0], $0xffff;
	v48 =	vadd.s32 $0x1, v40  }
0x1b3: {  	s5 =	sshrl.u32 s5, $0xA;
	v17 =	vadd.f32 v55, v17;
	v50 =	vadd.s32 $0x4, v40;
	v45 =	vld.idx.msk [tilespmem:v14+s16+$0x0], $0xffff  }
0x1b4: {  	v18 =	vsub.f32 v22, v18;
	v58 =	vmul.f32 v27, v24;
	s10 =	smul.u32 $0x5, s5;
	v51 =	vadd.s32 $0x7, v40;
	v30 =	vld.idx.msk [tilespmem:v40+s25+$0x0], $0xffff  }
0x1b5: {  	v17 =	vadd.f32 v56, v17;
	v57 =	vadd.s32 $0x2, v40;
	v43 =	vld.idx.msk [tilespmem:v43+s25+$0x0], $0xffff  }
0x1b6: {  	v18 =	vadd.f32 v58, v18;
	s7 =	ssub.s32 s13, s10;
	s13 =	sadd.s32 $0xFFFFFFF0, s11;
	v59 =	vadd.s32 $0x5, v40;
	v31 =	vld.idx.msk [tilespmem:v46+s25+$0x0], $0xffff  }
0x1b7: {  	v21 =	vadd.f32 v25, v17;
	s7 =	sshll.u32 s7, $0x4;
	v17 =	vor.u32 s13, v0;
	v27 =	vld.idx.msk [tilespmem:v48+s25+$0x0], $0xffff  }
0x1b8: {  	s5 =	sand.u32 $0x3F, s5;
	v18 =	vadd.f32 v60, v18;
	v19 =	vadd.s32 s13, v3;
	s17 =	sadd.s32 $0x70, s7;
	v55 =	vtrunc.f32 v61;
	v50 =	vld.idx.msk [tilespmem:v50+s25+$0x0], $0xffff  }
0x1b9: {  	v56 =	vmov s5;
	s5 =	sand.u32 $0xF0, s17;
	v22 =	vcvt.f32.s32 v55;
	v40 =	vadd.s32 $0x8, v40;
	v24 =	vld.idx.msk [tilespmem:v51+s25+$0x0], $0xffff  }
0x1ba: {  	v20 =	vadd.f32 v53, v18;
	v58 =	vmov s5;
	v32 =	vld.idx.msk [tilespmem:v57+s25+$0x0], $0xffff  }
0x1bb: {  	v18 =	vadd.s32 s13, v2;
	v33 =	vld.idx.msk [tilespmem:v59+s25+$0x0], $0xffff;
	v48 =	vmul.u32 $0x9, v22;
	v22 =	vshll.u32 v58, $0x3  }
0x1bc: {  	v57 =	vmul.u32 $0x280, v56;
	v60 =	vor.u32 v1, v22;
	v22 =	vadd.f32 v28, v54;
	v28 =	vld.idx.msk [tilespmem:v17+s16+$0x0], $0xffff  }
0x1bd: {  	v54 =	vld.idx.msk [tilespmem:v19+s16+$0x0], $0xffff;
	v46 =	vadd.s32 $0x3, v48  }
0x1be: {  	v59 =	vbroadcast v57, $0x0;
	v61 =	vadd.s32 $0x6, v48;
	v34 =	vld.idx.msk [tilespmem:v40+s25+$0x0], $0xffff;
	v30 =	vmul.f32 v30, v45  }
0x1bf: {  	v52 =	vmul.f32 v21, v21;
	v53 =	vmul.f32 v20, v20;
	v55 =	vadd.s32 $0x1, v48;
	v40 =	vld.idx.msk [tilespmem:v63+s12+$0x0], $0xffff  }
0x1c0: {  	v51 =	vadd.s32 v59, v60;
	v60 =	vadd.s32 $0x7, v48;
	v23 =	vadd.f32 v30, v23;
	v30 =	vld.idx.msk [tilespmem:v18+s16+$0x0], $0xffff  }
0x1c1: {  	v62 =	vmul.f32 v43, v47;
	v43 =	vor.u32 $0x3, v51;
	v63 =	vmul.f32 v31, v49;
	v31 =	vld.idx.msk [tilespmem:v48+s25+$0x0], $0xffff  }
0x1c2: {  	v35 =	vsub.f32 v35, v39;
	v52 =	vadd.f32 v53, v52;
	v56 =	vadd.s32 $0x4, v48;
	v39 =	vld.idx.msk [tilespmem:v46+s25+$0x0], $0xffff  }
0x1c3: {  	v27 =	vmul.f32 v27, v45;
	v32 =	vmul.f32 v32, v45;
	v45 =	vadd.s32 $0x8, v48;
	v53 =	vld.idx.msk [tilespmem:v61+s25+$0x0], $0xffff  }
0x1c4: {  	v36 =	vsub.f32 v36, v41;
	v61 =	vadd.s32 $0x2, v48;
	v41 =	vld.idx.msk [tilespmem:v55+s25+$0x0], $0xffff  }
0x1c5: {  	v58 =	vmul.f32 v33, v47;
	v23 =	vadd.f32 v62, v23;
	v33 =	vld.idx.msk [tilespmem:v60+s25+$0x0], $0xffff  }
0x1c6: {  	v59 =	vor.u32 $0x1, v51;
	v62 =	vadd.f32 v27, v35;
	v43 =	vld.idx.msk [tilespmem:v43+s12+$0x0], $0xffff  }
0x1c7: {  	v35 =	vadd.s32 $0x5, v48;
	v23 =	vadd.f32 v63, v23;
	v63 =	vmul.f32 v50, v47;
	v50 =	vld.idx.msk [tilespmem:v56+s25+$0x0], $0xffff  }
0x1c8: {  	v42 =	vsub.f32 v42, v26;
	v26 =	vadd.s32 s11, v2;
	v48 =	vmul.f32 v22, v22;
	v45 =	vld.idx.msk [tilespmem:v45+s25+$0x0], $0xffff  }
0x1c9: {  	v37 =	vsub.f32 v44, v37;
	v24 =	vmul.f32 v24, v49;
	v57 =	vadd.f32 v32, v36;
	v61 =	vld.idx.msk [tilespmem:v61+s25+$0x0], $0xffff  }
0x1ca: {  	v29 =	vadd.f32 v48, v52;
	v48 =	vld.idx.msk [tilespmem:v51+s12+$0x0], $0xffff;
	v25 =	vadd.f32 v63, v62;
	v62 =	vor.u32 $0x2, v51  }
0x1cb: {  	v60 =	vmul.f32 v34, v49;
	v27 =	vadd.f32 v58, v57;
	v36 =	vld.idx.msk [tilespmem:v59+s20+$0x0], $0xffff;
	v49 =	vtrunc.f32 v43  }
0x1cc: {  	v35 =	vld.idx.msk [tilespmem:v35+s25+$0x0], $0xffff;
	v25 =	vadd.f32 v24, v25;
	v24 =	vor.u32 s11, v0;
	v56 =	vcvt.f32.s32 v49  }
0x1cd: {  	v38 =	vsub.f32 v38, v40;
	v31 =	vmul.f32 v31, v28;
	v57 =	vmul.f32 v41, v28;
	v41 =	vld.idx.msk [tilespmem:v51+s20+$0x0], $0xffff  }
0x1ce: {  	v43 =	vld.idx.msk [tilespmem:v59+s12+$0x0], $0xffff;
	v34 =	vmul.f32 v61, v28;
	v28 =	vadd.s32 s11, v3;
	v47 =	vmul.u32 $0x9, v56  }
0x1cf: {  	v27 =	vadd.f32 v60, v27;
	v63 =	vmul.f32 v23, v23;
	v39 =	vmul.f32 v39, v30;
	v52 =	vld.idx.msk [tilespmem:v62+s12+$0x0], $0xffff  }
0x1d0: {  	v59 =	vmul.f32 v50, v30;
	v55 =	vmul.f32 v25, v25;
	v46 =	vld.idx.msk [tilespmem:v62+s20+$0x0], $0xffff;
	v58 =	vadd.s32 $0x3, v47  }
0x1d1: {  	v30 =	vmul.f32 v35, v30;
	v44 =	vld.idx.msk [tilespmem:v24+s16+$0x0], $0xffff;
	v34 =	vadd.f32 v34, v37;
	v60 =	vadd.s32 $0x1, v47  }
0x1d2: {  	v32 =	vadd.f32 v55, v63;
	v37 =	vld.idx.msk [tilespmem:v26+s16+$0x0], $0xffff;
	v63 =	vadd.s32 $0x6, v47  }
0x1d3: {  	v38 =	vadd.f32 v57, v38;
	v40 =	vadd.s32 $0x4, v47;
	v30 =	vadd.f32 v30, v34;
	v34 =	vld.idx.msk [tilespmem:v28+s16+$0x0], $0xffff  }
0x1d4: {  	v31 =	vadd.f32 v31, v42;
	v57 =	vadd.s32 $0x2, v47;
	v62 =	vld.idx.msk [tilespmem:v47+s25+$0x0], $0xffff  }
0x1d5: {  	v33 =	vmul.f32 v33, v54;
	v38 =	vadd.f32 v59, v38;
	v59 =	vadd.s32 $0x7, v47;
	v56 =	vld.idx.msk [tilespmem:v58+s25+$0x0], $0xffff  }
0x1d6: {  	v31 =	vadd.f32 v39, v31;
	v61 =	vmul.f32 v53, v54;
	v58 =	vld.idx.msk [tilespmem:v60+s25+$0x0], $0xffff;
	v60 =	vadd.s32 $0x5, v47  }
0x1d7: {  	v45 =	vmul.f32 v45, v54;
	v49 =	vmul.f32 v27, v27;
	v41 =	vsub.f32 v41, v48;
	v63 =	vld.idx.msk [tilespmem:v63+s25+$0x0], $0xffff  }
0x1d8: {  	v53 =	vmul.f32 $5.000000000e-01, v29;
	v31 =	vadd.f32 v61, v31;
	v40 =	vld.idx.msk [tilespmem:v40+s25+$0x0], $0xffff;
	v47 =	vadd.s32 $0x8, v47  }
0x1d9: {  	v33 =	vadd.f32 v33, v38;
	v61 =	vshra.s32 v29, $0x1;
	v32 =	vadd.f32 v49, v32;
	v42 =	vld.idx.msk [tilespmem:v57+s25+$0x0], $0xffff  }
0x1da: {  	v48 =	vsub.s32 $0x5F3759DF, v61;
	v61 =	vmul.f32 v31, v31;
	v30 =	vadd.f32 v45, v30;
	v49 =	vld.idx.msk [tilespmem:v59+s25+$0x0], $0xffff  }
0x1db: {  	v36 =	vsub.f32 v36, v43;
	v45 =	vmul.f32 $5.000000000e-01, v32;
	v62 =	vmul.f32 v62, v44;
	v38 =	vld.idx.msk [tilespmem:v60+s25+$0x0], $0xffff  }
0x1dc: {  	v59 =	vsub.f32 v46, v52;
	v54 =	vmul.f32 v30, v30;
	v39 =	vmul.f32 v58, v44  }
0x1dd: {  	v35 =	vmul.f32 v56, v37;
	v56 =	vmul.f32 v48, v53;
	v60 =	vld.idx.msk [tilespmem:v47+s25+$0x0], $0xffff;
	v41 =	vadd.f32 v62, v41  }
0x1de: {  	v40 =	vmul.f32 v40, v37;
	v42 =	vmul.f32 v42, v44;
	v36 =	vadd.f32 v39, v36  }
0x1df: {  	v63 =	vmul.f32 v63, v34;
	v49 =	vmul.f32 v49, v34;
	v35 =	vadd.f32 v35, v41  }
0x1e0: {  	v42 =	vadd.f32 v42, v59;
	v36 =	vadd.f32 v40, v36;
	v37 =	vmul.f32 v38, v37  }
0x1e1: {  	v62 =	vmul.f32 v33, v33;
	v57 =	vmul.f32 v48, v56;
	v35 =	vadd.f32 v63, v35  }
0x1e2: {  	v34 =	vmul.f32 v60, v34;
	v36 =	vadd.f32 v49, v36;
	v37 =	vadd.f32 v37, v42  }
0x1e3: {  	v58 =	vshra.s32 v32, $0x1;
	v52 =	vadd.f32 v62, v61;
	v41 =	vsub.f32 $1.500000000e+00, v57  }
0x1e4: {  	v56 =	vmul.f32 v35, v35;
	v57 =	vmul.f32 v36, v36;
	v34 =	vadd.f32 v34, v37  }
0x1e5: {  	v39 =	vsub.s32 $0x5F3759DF, v58;
	v38 =	vadd.f32 v54, v52  }
0x1e6: {  	v55 =	vmul.f32 v39, v45;
	v37 =	vadd.f32 v57, v56;
	v59 =	vmul.f32 v34, v34  }
0x1e7: {  	v58 =	vshra.s32 v38, $0x1;
	v44 =	vmul.f32 $5.000000000e-01, v38  }
0x1e8: {  	v42 =	vmul.f32 v39, v55;
	v43 =	vsub.s32 $0x5F3759DF, v58;
	v37 =	vadd.f32 v59, v37  }
0x1e9: {  	v41 =	vmul.f32 v48, v41;
	v61 =	vmul.f32 v43, v44  }
0x1ea: {  	v42 =	vsub.f32 $1.500000000e+00, v42;
	v52 =	vshra.s32 v37, $0x1;
	v47 =	vmul.f32 $5.000000000e-01, v37  }
0x1eb: {  	v60 =	vmul.f32 v41, v53;
	v63 =	vmul.f32 v43, v61;
	v46 =	vsub.s32 $0x5F3759DF, v52  }
0x1ec: {  	v39 =	vmul.f32 v39, v42;
	v55 =	vmul.f32 v46, v47  }
0x1ed: {  	v62 =	vmul.f32 v60, v41;
	v42 =	vsub.f32 $1.500000000e+00, v63  }
0x1ee: {  	v54 =	vmul.f32 v39, v45;
	v57 =	vmul.f32 v46, v55  }
0x1ef: {  	v40 =	vsub.f32 $1.500000000e+00, v62;
	v42 =	vmul.f32 v43, v42  }
0x1f0: {  	v56 =	vmul.f32 v54, v39;
	v43 =	vsub.f32 $1.500000000e+00, v57  }
0x1f1: {  	v40 =	vmul.f32 v40, v41;
	v59 =	vmul.f32 v42, v44  }
0x1f2: {  	v41 =	vsub.f32 $1.500000000e+00, v56;
	v43 =	vmul.f32 v46, v43  }
0x1f3: {  	v58 =	vmul.f32 v40, v53;
	v61 =	vmul.f32 v59, v42  }
0x1f4: {  	v39 =	vmul.f32 v41, v39;
	v63 =	vmul.f32 v43, v47  }
0x1f5: {  	v60 =	vmul.f32 v58, v40;
	v62 =	vsub.f32 $1.500000000e+00, v61  }
0x1f6: {  	v45 =	vmul.f32 v39, v45;
	v52 =	vmul.f32 v63, v43  }
0x1f7: {  	v41 =	vsub.f32 $1.500000000e+00, v60;
	v42 =	vmul.f32 v62, v42  }
0x1f8: {  	[tilespmem:v11+s21+$0x0] =	vst.idx.msk $0xffff, v21;
	v51 =	vmul.f32 v45, v39;
	v55 =	vsub.f32 $1.500000000e+00, v52  }
0x1f9: {  	[tilespmem:v12+s21+$0x0] =	vst.idx.msk $0xffff, v20;
	v40 =	vmul.f32 v41, v40;
	v54 =	vmul.f32 v42, v44  }
0x1fa: {  	[tilespmem:v13+s21+$0x0] =	vst.idx.msk $0xffff, v22;
	v41 =	vsub.f32 $1.500000000e+00, v51;
	v57 =	vmul.f32 v55, v43  }
0x1fb: {  	[tilespmem:v14+s21+$0x0] =	vst.idx.msk $0xffff, v23;
	v53 =	vmul.f32 v40, v29;
	v59 =	vmul.f32 v54, v42  }
0x1fc: {  	vm0 =	vgt.f32 v29, $0.0e+00;
	[tilespmem:v15+s21+$0x0] =	vst.idx.msk $0xffff, v25;
	v56 =	vmul.f32 v41, v39;
	v61 =	vmul.f32 v57, v47  }
0x1fd: {  	[tilespmem:v16+s21+$0x0] =	vst.idx.msk $0xffff, v27;
	v58 =	vnsel vm0, $0x0, v53;
	v60 =	vsub.f32 $1.500000000e+00, v59  }
0x1fe: {  	[tilespmem:v11+s30+$0x0] =	vst.idx.msk $0xffff, v58;
	v11 =	vmul.f32 v56, v32;
	v62 =	vmul.f32 v61, v57  }
0x1ff: {  	[tilespmem:v17+s21+$0x0] =	vst.idx.msk $0xffff, v31;
	vm13 =	vgt.f32 v32, $0.0e+00;
	v12 =	vmul.f32 v60, v42  }
0x200: {  	[tilespmem:v18+s21+$0x0] =	vst.idx.msk $0xffff, v33;
	v11 =	vnsel vm13, $0x0, v11;
	v63 =	vsub.f32 $1.500000000e+00, v62  }
0x201: {  	[tilespmem:v14+s30+$0x0] =	vst.idx.msk $0xffff, v11;
	v11 =	vmul.f32 v12, v38  }
0x202: {  	p0 =	slt.u32 s6, $0x78;
	[tilespmem:v19+s21+$0x0] =	vst.idx.msk $0xffff, v30;
	vm14 =	vgt.f32 v38, $0.0e+00;
	v12 =	vmul.f32 v63, v57  }
.Ltmp6:
0x203: {  	[tilespmem:v24+s21+$0x0] =	vst.idx.msk $0xffff, v35;
	v11 =	vnsel vm14, $0x0, v11;
	(pc) =	sbr.rel @p0 .LBB2_14-.Ltmp6, $4  }
0x204: {  	[tilespmem:v17+s30+$0x0] =	vst.idx.msk $0xffff, v11;
	v11 =	vmul.f32 v12, v37  }
0x205: {  	[tilespmem:v26+s21+$0x0] =	vst.idx.msk $0xffff, v36;
	vm15 =	vgt.f32 v37, $0.0e+00  }
0x206: {  	[tilespmem:v28+s21+$0x0] =	vst.idx.msk $0xffff, v34;
	v11 =	vnsel vm15, $0x0, v11  }
0x207: {  	s13 =	smov.u32 s6;
	s11 =	sadd.s32 $0x40, s11;
	[tilespmem:v24+s30+$0x0] =	vst.idx.msk $0xffff, v11  }
0x208: {  	_ =	sdelay $0x3  }
0x209: {  	v11 =	vld.idx.msk [tilespmem:v10+s12+$0x0], $0xffff;
	_ =	sdelay $0x4  }
0x20a: {  	v12 =	vld.idx.msk [tilespmem:v7+s12+$0x0], $0xffff;
	v11 =	vtrunc.f32 v11  }
0x20b: {  	v13 =	vld.idx.msk [tilespmem:v8+s12+$0x0], $0xffff;
	v11 =	vcvt.f32.s32 v11  }
0x20c: {  	v14 =	vld.idx.msk [tilespmem:v9+s12+$0x0], $0xffff  }
0x20d: {  	v15 =	vld.idx.msk [tilespmem:v7+s20+$0x0], $0xffff;
	v11 =	vmul.u32 $0x9, v11  }
0x20e: {  	v16 =	vld.idx.msk [tilespmem:v8+s20+$0x0], $0xffff  }
0x20f: {  	v17 =	vld.idx.msk [tilespmem:v9+s20+$0x0], $0xffff;
	v18 =	vadd.s32 $0x3, v11  }
0x210: {  	v19 =	vld.idx.msk [tilespmem:v4+s16+$0x0], $0xffff;
	v20 =	vadd.s32 $0x1, v11  }
0x211: {  	v21 =	vld.idx.msk [tilespmem:v5+s16+$0x0], $0xffff;
	v22 =	vadd.s32 $0x6, v11  }
0x212: {  	v23 =	vld.idx.msk [tilespmem:v6+s16+$0x0], $0xffff;
	v26 =	vadd.s32 $0x2, v11  }
0x213: {  	v24 =	vadd.s32 $0x4, v11;
	v25 =	vld.idx.msk [tilespmem:v11+s25+$0x0], $0xffff  }
0x214: {  	v28 =	vadd.s32 $0x5, v11;
	v18 =	vld.idx.msk [tilespmem:v18+s25+$0x0], $0xffff  }
0x215: {  	v27 =	vadd.s32 $0x7, v11;
	v20 =	vld.idx.msk [tilespmem:v20+s25+$0x0], $0xffff  }
0x216: {  	v22 =	vld.idx.msk [tilespmem:v22+s25+$0x0], $0xffff  }
0x217: {  	v11 =	vadd.s32 $0x8, v11;
	v26 =	vld.idx.msk [tilespmem:v26+s25+$0x0], $0xffff  }
0x218: {  	v24 =	vld.idx.msk [tilespmem:v24+s25+$0x0], $0xffff  }
0x219: {  	v51 =	vld.idx.msk [tilespmem:v28+s25+$0x0], $0xffff  }
0x21a: {  	v12 =	vsub.f32 v15, v12;
	v49 =	vld.idx.msk [tilespmem:v27+s25+$0x0], $0xffff  }
0x21b: {  	v13 =	vsub.f32 v16, v13;
	v48 =	vmul.f32 v25, v19;
	v50 =	vmul.f32 v20, v19  }
0x21c: {  	v14 =	vsub.f32 v17, v14;
	v11 =	vld.idx.msk [tilespmem:v11+s25+$0x0], $0xffff;
	v52 =	vmul.f32 v18, v21;
	v54 =	vmul.f32 v26, v19  }
0x21d: {  	v53 =	vmul.f32 v24, v21;
	v12 =	vadd.f32 v48, v12;
	v13 =	vadd.f32 v50, v13  }
0x21e: {  	v55 =	vmul.f32 v22, v23;
	v57 =	vmul.f32 v51, v21;
	v14 =	vadd.f32 v54, v14  }
0x21f: {  	v56 =	vmul.f32 v49, v23;
	v12 =	vadd.f32 v52, v12;
	v13 =	vadd.f32 v53, v13  }
0x220: {  	v14 =	vadd.f32 v57, v14  }
0x221: {  	v11 =	vmul.f32 v11, v23;
	v12 =	vadd.f32 v55, v12;
	v13 =	vadd.f32 v56, v13;
	_ =	sdelay $0x1  }
0x222: {  	v11 =	vadd.f32 v11, v14;
	v58 =	vmul.f32 v12, v12;
	v59 =	vmul.f32 v13, v13;
	_ =	sdelay $0x1  }
0x223: {  	v60 =	vmul.f32 v11, v11;
	v14 =	vadd.f32 v59, v58;
	_ =	sdelay $0x1  }
0x224: {  	v14 =	vadd.f32 v60, v14;
	_ =	sdelay $0x1  }
0x225: {  	v15 =	vshra.s32 v14, $0x1;
	v61 =	vmul.f32 $5.000000000e-01, v14  }
0x226: {  	v15 =	vsub.s32 $0x5F3759DF, v15  }
0x227: {  	v62 =	vmul.f32 v15, v61;
	_ =	sdelay $0x1  }
0x228: {  	v17 =	vmul.f32 v15, v62;
	_ =	sdelay $0x1  }
0x229: {  	v17 =	vsub.f32 $1.500000000e+00, v17;
	_ =	sdelay $0x1  }
0x22a: {  	v15 =	vmul.f32 v15, v17;
	_ =	sdelay $0x1  }
0x22b: {  	v17 =	vmul.f32 v15, v61;
	_ =	sdelay $0x1  }
0x22c: {  	v17 =	vmul.f32 v17, v15;
	_ =	sdelay $0x1  }
0x22d: {  	v17 =	vsub.f32 $1.500000000e+00, v17;
	_ =	sdelay $0x1  }
0x22e: {  	v15 =	vmul.f32 v17, v15;
	_ =	sdelay $0x1  }
0x22f: {  	v16 =	vmul.f32 v15, v61;
	_ =	sdelay $0x1  }
0x230: {  	v16 =	vmul.f32 v16, v15;
	_ =	sdelay $0x1  }
0x231: {  	v16 =	vsub.f32 $1.500000000e+00, v16;
	_ =	sdelay $0x1  }
0x232: {  	v15 =	vmul.f32 v16, v15;
	_ =	sdelay $0x1  }
0x233: {  	[tilespmem:v4+s21+$0x0] =	vst.idx.msk $0xffff, v12;
	v15 =	vmul.f32 v15, v14  }
0x234: {  	[tilespmem:v5+s21+$0x0] =	vst.idx.msk $0xffff, v13;
	vm0 =	vgt.f32 v14, $0.0e+00  }
0x235: {  	s5 =	rddreg [dreg:$0x17];
	[tilespmem:v6+s21+$0x0] =	vst.idx.msk $0xffff, v11;
	v63 =	vnsel vm0, $0x0, v15  }
0x236: {  	s8 =	rddreg [dreg:$0x18];
	[tilespmem:v4+s30+$0x0] =	vst.idx.msk $0xffff, v63  }
0x237: {  	[hbm4b:s5+s3] =	stream.linear.scatter [tilespmem:s21], [sflag:$0x6], $0x7D0, $0x38;
	[tilespmem:$0x18730] =	vst v63  }
0x238: {  	s6 =	simm.s32 $0x16F30;
	s9 =	rddreg [dreg:$0x19]  }
0x239: {  	[hbm4b:s8+s3] =	stream.linear.scatter [tilespmem:s6], [sflag:$0x6], $0x7D0, $0x38;
	[tilespmem:$0x18730] =	vst v63  }
0x23a: {  	s10 =	simm.s32 $0x17700;
	s11 =	rddreg [dreg:$0x1a]  }
0x23b: {  	[hbm4b:s9+s3] =	stream.linear.scatter [tilespmem:s10], [sflag:$0x6], $0x7D0, $0x38;
	[tilespmem:$0x18730] =	vst v63  }
0x23c: {  	s13 =	rddreg [dreg:$0x1b]  }
0x23d: {  	[hbm4b:s11+s3] =	stream.linear.scatter [tilespmem:s30], [sflag:$0x6], $0x7D0, $0x38;
	[tilespmem:$0x18730] =	vst v63  }
0x23e: {  	s17 =	simm.s32 $0xC350;
	s7 =	sld [smem:$0x7FD]  }
0x23f: {  	[tilespmem:s17], [sflag:$0x4] =	stream.linear.gather [hbm4b:s13+s3], $0x7D0, $0x38;
	[tilespmem:$0x18730] =	vst v63  }
0x240: {  	s8 =	simm.s32 $0xCB20  }
0x241: {  	[tilespmem:s8], [sflag:$0x4] =	stream.linear.gather [hbm4b:s7+s3], $0x7D0, $0x38;
	[tilespmem:$0x18730] =	vst v63  }
0x242: {  	s9 =	rddreg [dreg:$0x1c]  }
0x243: {  	[tilespmem:s16], [sflag:$0x4] =	stream.linear.gather [hbm4b:s9+s3], $0x7D0, $0x38;
	[tilespmem:$0x18730] =	vst v63  }
0x244: {  	s10 =	rddreg [dreg:$0x1d];
	s11 =	simm.s32 $0x157C0  }
0x245: {  	[tilespmem:s11], [sflag:$0x4] =	stream.linear.gather [hbm4b:s10+s3], $0x7D0, $0x38;
	[tilespmem:$0x18730] =	vst v63  }
0x246: {  	s13 =	rddreg [dreg:$0x1e];
	s17 =	simm.s32 $0x15F90;
	s11 =	simm.s32 $0x1  }
0x247: {  	[tilespmem:s17], [sflag:$0x4] =	stream.linear.gather [hbm4b:s13+s3], $0x7D0, $0x38;
	[tilespmem:$0x18730] =	vst v63  }
.LBB2_16:
0x248: {  	_ =	swait.ge [sflag:s24], $0x280  }
0x249: {  	[sflag:s24] =	ssyncset.done $0x0  }
0x24a: {  	[sflag:s24] =	ssyncadd.s32 $0xFFFFFD80  }
0x24b: {  	_ =	swait.ge [sflag:s24], $0x280  }
0x24c: {  	s5 =	simm.s32 $0x18;
	[sflag:s24] =	ssyncset.done $0x0  }
.LBB2_17:
0x24d: {  	p0 =	sne.s32 s5, $0x1;
	s5 =	sadd.s32 $0xFFFFFFFF, s5;
	[sflag:s24] =	ssyncadd.s32 $0xFFFFFD80  }
.Ltmp7:
0x24e: {  	_ =	swait.ge [sflag:s24], $0x280;
	(pc) =	sbr.rel @p0 .LBB2_17-.Ltmp7, $4  }
0x24f: {  	[sflag:s24] =	ssyncset.done $0x0  }
0x250: {  	[sflag:s24] =	ssyncadd.s32 $0xFFFFFD80  }
0x251: {  	_ =	swait.ge [sflag:s24], $0x280  }
0x252: {  	[sflag:s24] =	ssyncset.done $0x0  }
0x253: {  	[sflag:s24] =	ssyncadd.s32 $0xFFFFFD80  }
0x254: {  	_ =	swait.ge [sflag:s18], $0x7D0  }
0x255: {  	[sflag:s18] =	ssyncset.done $0x0  }
0x256: {  	[sflag:s18] =	ssyncadd.s32 $0xFFFFF830  }
0x257: {  	_ =	swait.ge [sflag:s18], $0x7D0  }
0x258: {  	[sflag:s18] =	ssyncset.done $0x0  }
0x259: {  	[sflag:s18] =	ssyncadd.s32 $0xFFFFF830  }
0x25a: {  	_ =	swait.ge [sflag:s18], $0x7D0  }
0x25b: {  	[sflag:s18] =	ssyncset.done $0x0  }
0x25c: {  	[sflag:s18] =	ssyncadd.s32 $0xFFFFF830  }
0x25d: {  	_ =	swait.ge [sflag:s18], $0x7D0  }
0x25e: {  	[sflag:s18] =	ssyncset.done $0x0  }
0x25f: {  	[sflag:s18] =	ssyncadd.s32 $0xFFFFF830  }
0x260: {  	_ =	swait.ge [sflag:s18], $0x7D0  }
0x261: {  	[sflag:s18] =	ssyncset.done $0x0  }
0x262: {  	s5 =	simm.s32 $0xD2F0;
	s6 =	simm.s32 $0xC350;
	[sflag:s18] =	ssyncadd.s32 $0xFFFFF830  }
0x263: {  	[tilespmem:s5], [sflag:$0x5] =	stream.indirect.gather [hbm4b:s4+s23], $0x8, s6, s23, $0xb8;
	[tilespmem:$0x18730] =	vst v63  }
0x264: {  	s7 =	simm.s32 $0xCB20;
	s6 =	simm.s32 $0x11170  }
0x265: {  	[tilespmem:s6], [sflag:$0x5] =	stream.indirect.gather [hbm4b:s4+s23], $0x8, s7, s23, $0xb8;
	[tilespmem:$0x18730] =	vst v63  }
0x266: {  	s7 =	simm.s32 $0x140  }
.LBB2_19:
0x267: {  	p0 =	sne.s32 s7, $0x1E00  }
.Ltmp8:
0x268: {  	s8 =	sshra.s32 s7, $0x2;
	s7 =	sadd.s32 $0x140, s7;
	(pc) =	sbr.rel @p0 .LBB2_19-.Ltmp8, $4  }
0x269: {  	s5 =	sadd.s32 $0x280, s5;
	s13 =	sadd.s32 $0xC350, s8  }
0x26a: {  	[tilespmem:s5], [sflag:$0x5] =	stream.indirect.gather [hbm4b:s4+s23], $0x8, s13, s23, $0xb8;
	[tilespmem:$0x18730] =	vst v63  }
0x26b: {  	s6 =	sadd.s32 $0x280, s6;
	s8 =	sadd.s32 $0xCB20, s8  }
0x26c: {  	[tilespmem:s6], [sflag:$0x5] =	stream.indirect.gather [hbm4b:s4+s23], $0x8, s8, s23, $0xb8;
	[tilespmem:$0x18730] =	vst v63  }
0x26d: {  	_ =	swait.ge [sflag:s0], $0x7D0  }
0x26e: {  	[sflag:s0] =	ssyncset.done $0x0  }
0x26f: {  	[sflag:s0] =	ssyncadd.s32 $0xFFFFF830  }
0x270: {  	_ =	swait.ge [sflag:s0], $0x7D0  }
0x271: {  	[sflag:s0] =	ssyncset.done $0x0  }
0x272: {  	[sflag:s0] =	ssyncadd.s32 $0xFFFFF830  }
0x273: {  	_ =	swait.ge [sflag:s0], $0x7D0  }
0x274: {  	[sflag:s0] =	ssyncset.done $0x0  }
0x275: {  	[sflag:s0] =	ssyncadd.s32 $0xFFFFF830  }
0x276: {  	_ =	swait.ge [sflag:s0], $0x7D0  }
0x277: {  	[sflag:s0] =	ssyncset.done $0x0  }
0x278: {  	s17 =	simm.s32 $0xFFFFFFFC;
	s13 =	simm.s32 $0x30;
	[sflag:s0] =	ssyncadd.s32 $0xFFFFF830  }
.LBB2_21:
0x279: {  	s5 =	smul.u32 $0xCD, s17;
	_ =	sdelay $0x1  }
0x27a: {  	s6 =	sadd.s32 $0x334, s5  }
0x27b: {  	s7 =	sshrl.u32 s6, $0xA  }
0x27c: {  	s8 =	smul.u32 $0x5, s7  }
0x27d: {  	s6 =	sadd.s32 $0x4, s17  }
0x27e: {  	s7 =	sand.u32 $0x3F, s7;
	s8 =	ssub.s32 s6, s8  }
0x27f: {  	v11 =	vmov s7;
	s10 =	sshll.u32 s8, $0x4  }
0x280: {  	v11 =	vmul.u32 $0x280, v11;
	s7 =	sand.u32 $0xF0, s10  }
0x281: {  	v12 =	vmov s7  }
0x282: {  	v11 =	vbroadcast v11, $0x0;
	v12 =	vshll.u32 v12, $0x3  }
0x283: {  	v12 =	vor.u32 v1, v12  }
0x284: {  	v13 =	vadd.s32 v11, v12  }
0x285: {  	s8 =	sadd.s32 $0x401, s5  }
0x286: {  	s7 =	sshrl.u32 s8, $0xA;
	v11 =	vor.u32 $0x3, v13  }
0x287: {  	s9 =	smul.u32 $0x5, s7;
	v14 =	vor.u32 $0x1, v13  }
0x288: {  	v15 =	vor.u32 $0x2, v13  }
0x289: {  	s8 =	ssub.s32 s17, s9;
	v17 =	vld.idx.msk [tilespmem:v13+s19+$0x0], $0xffff  }
0x28a: {  	s7 =	sand.u32 $0x3F, s7;
	s8 =	sshll.u32 s8, $0x4;
	v20 =	vld.idx.msk [tilespmem:v13+s31+$0x0], $0xffff  }
0x28b: {  	v21 =	vmov s7;
	s8 =	sadd.s32 $0x50, s8;
	v11 =	vld.idx.msk [tilespmem:v11+s19+$0x0], $0xffff  }
0x28c: {  	s10 =	sadd.s32 $0xFFFFFFD0, s13;
	v62 =	vmul.u32 $0x280, v21;
	s7 =	sand.u32 $0xF0, s8;
	v18 =	vld.idx.msk [tilespmem:v14+s19+$0x0], $0xffff  }
0x28d: {  	v12 =	vadd.s32 s10, v2;
	s9 =	sadd.s32 $0x4CE, s5;
	v23 =	vmov s7;
	v19 =	vld.idx.msk [tilespmem:v15+s19+$0x0], $0xffff  }
0x28e: {  	s7 =	sshrl.u32 s9, $0xA;
	s9 =	sadd.s32 $0xFFFFFFE0, s13;
	v13 =	vadd.s32 s10, v3;
	v23 =	vshll.u32 v23, $0x3;
	v22 =	vld.idx.msk [tilespmem:v14+s31+$0x0], $0xffff;
	v14 =	vbroadcast v62, $0x0  }
0x28f: {  	v63 =	vld.idx.msk [tilespmem:v15+s31+$0x0], $0xffff;
	v23 =	vor.u32 v1, v23;
	v15 =	vadd.s32 s9, v2  }
0x290: {  	v23 =	vadd.s32 v14, v23;
	_ =	sdelay $0x1  }
0x291: {  	v26 =	vld.idx.msk [tilespmem:v12+s29+$0x0], $0xffff;
	v14 =	vor.u32 $0x3, v23  }
0x292: {  	v35 =	vor.u32 $0x1, v23;
	v28 =	vld.idx.msk [tilespmem:v13+s29+$0x0], $0xffff  }
0x293: {  	v36 =	vor.u32 $0x2, v23;
	v11 =	vtrunc.f32 v11;
	v47 =	vld.idx.msk [tilespmem:v15+s29+$0x0], $0xffff  }
0x294: {  	v16 =	vcvt.f32.s32 v11;
	v38 =	vld.idx.msk [tilespmem:v23+s19+$0x0], $0xffff  }
0x295: {  	v23 =	vld.idx.msk [tilespmem:v23+s31+$0x0], $0xffff  }
0x296: {  	v11 =	vor.u32 s10, v0;
	v16 =	vmul.u32 $0x9, v16;
	v14 =	vld.idx.msk [tilespmem:v14+s19+$0x0], $0xffff  }
0x297: {  	s10 =	smul.u32 $0x5, s7;
	v39 =	vld.idx.msk [tilespmem:v35+s19+$0x0], $0xffff  }
0x298: {  	v41 =	vld.idx.msk [tilespmem:v36+s19+$0x0], $0xffff;
	v53 =	vadd.s32 $0x3, v16  }
0x299: {  	s8 =	ssub.s32 s17, s10;
	v35 =	vld.idx.msk [tilespmem:v35+s31+$0x0], $0xffff;
	v25 =	vadd.s32 $0x6, v16  }
0x29a: {  	s7 =	sand.u32 $0x3F, s7;
	v36 =	vld.idx.msk [tilespmem:v36+s31+$0x0], $0xffff;
	s8 =	sshll.u32 s8, $0x4;
	v27 =	vadd.s32 $0x1, v16  }
0x29b: {  	v42 =	vmov s7;
	v29 =	vadd.s32 $0x4, v16;
	s8 =	sadd.s32 $0x60, s8;
	v24 =	vld.idx.msk [tilespmem:v11+s29+$0x0], $0xffff  }
0x29c: {  	v42 =	vmul.u32 $0x280, v42;
	v54 =	vadd.s32 $0x7, v16;
	s7 =	sand.u32 $0xF0, s8;
	v30 =	vld.idx.msk [tilespmem:v16+s25+$0x0], $0xffff  }
0x29d: {  	v32 =	vadd.s32 $0x2, v16;
	v44 =	vmov s7;
	v31 =	vld.idx.msk [tilespmem:v53+s25+$0x0], $0xffff  }
0x29e: {  	v33 =	vadd.s32 $0x5, v16;
	v42 =	vbroadcast v42, $0x0;
	v44 =	vshll.u32 v44, $0x3;
	v25 =	vld.idx.msk [tilespmem:v25+s25+$0x0], $0xffff  }
0x29f: {  	v14 =	vtrunc.f32 v14;
	v16 =	vadd.s32 $0x8, v16;
	v44 =	vor.u32 v1, v44;
	v27 =	vld.idx.msk [tilespmem:v27+s25+$0x0], $0xffff  }
0x2a0: {  	v40 =	vcvt.f32.s32 v14;
	v14 =	vor.u32 s9, v0;
	v29 =	vld.idx.msk [tilespmem:v29+s25+$0x0], $0xffff;
	v42 =	vadd.s32 v42, v44  }
0x2a1: {  	v34 =	vld.idx.msk [tilespmem:v54+s25+$0x0], $0xffff;
	v44 =	vor.u32 $0x3, v42  }
0x2a2: {  	v19 =	vsub.f32 v63, v19;
	v32 =	vld.idx.msk [tilespmem:v32+s25+$0x0], $0xffff;
	v63 =	vor.u32 $0x1, v42  }
0x2a3: {  	v33 =	vld.idx.msk [tilespmem:v33+s25+$0x0], $0xffff;
	v40 =	vmul.u32 $0x9, v40;
	v52 =	vor.u32 $0x2, v42  }
0x2a4: {  	v37 =	vld.idx.msk [tilespmem:v16+s25+$0x0], $0xffff  }
0x2a5: {  	v43 =	vadd.s32 $0x3, v40;
	v45 =	vld.idx.msk [tilespmem:v14+s29+$0x0], $0xffff  }
0x2a6: {  	v46 =	vadd.s32 $0x6, v40;
	v61 =	vld.idx.msk [tilespmem:v44+s19+$0x0], $0xffff  }
0x2a7: {  	v23 =	vsub.f32 v23, v38;
	v48 =	vadd.s32 $0x1, v40;
	v38 =	vld.idx.msk [tilespmem:v63+s31+$0x0], $0xffff  }
0x2a8: {  	v50 =	vadd.s32 $0x4, v40;
	v44 =	vld.idx.msk [tilespmem:v52+s31+$0x0], $0xffff  }
0x2a9: {  	v51 =	vadd.s32 $0x7, v40;
	v55 =	vmul.f32 v30, v24;
	v30 =	vld.idx.msk [tilespmem:v40+s25+$0x0], $0xffff  }
0x2aa: {  	v57 =	vadd.s32 $0x2, v40;
	v43 =	vld.idx.msk [tilespmem:v43+s25+$0x0], $0xffff  }
0x2ab: {  	v17 =	vsub.f32 v20, v17;
	v59 =	vadd.s32 $0x5, v40;
	v56 =	vmul.f32 v31, v26;
	v31 =	vld.idx.msk [tilespmem:v46+s25+$0x0], $0xffff  }
0x2ac: {  	v18 =	vsub.f32 v22, v18;
	v16 =	vadd.s32 s9, v3;
	v58 =	vmul.f32 v27, v24;
	v27 =	vld.idx.msk [tilespmem:v48+s25+$0x0], $0xffff  }
0x2ad: {  	s5 =	sadd.s32 $0x59B, s5;
	v35 =	vsub.f32 v35, v39;
	v60 =	vmul.f32 v29, v26;
	v62 =	vmul.f32 v32, v24;
	v50 =	vld.idx.msk [tilespmem:v50+s25+$0x0], $0xffff  }
0x2ae: {  	s5 =	sshrl.u32 s5, $0xA;
	v25 =	vmul.f32 v25, v28;
	v53 =	vmul.f32 v34, v28;
	v17 =	vadd.f32 v55, v17;
	v24 =	vld.idx.msk [tilespmem:v51+s25+$0x0], $0xffff  }
0x2af: {  	s9 =	smul.u32 $0x5, s5;
	s5 =	sand.u32 $0x3F, s5;
	v26 =	vmul.f32 v33, v26;
	v18 =	vadd.f32 v58, v18;
	v19 =	vadd.f32 v62, v19;
	v32 =	vld.idx.msk [tilespmem:v57+s25+$0x0], $0xffff  }
0x2b0: {  	v40 =	vadd.s32 $0x8, v40;
	v17 =	vadd.f32 v56, v17;
	v33 =	vld.idx.msk [tilespmem:v59+s25+$0x0], $0xffff;
	v56 =	vmov s5  }
0x2b1: {  	s10 =	sadd.s32 $0xFFFFFFF0, s13;
	s7 =	ssub.s32 s17, s9;
	v49 =	vld.idx.msk [tilespmem:v16+s29+$0x0], $0xffff;
	v18 =	vadd.f32 v60, v18;
	v54 =	vadd.f32 v26, v19;
	v55 =	vtrunc.f32 v61  }
0x2b2: {  	s7 =	sshll.u32 s7, $0x4;
	v26 =	vld.idx.msk [tilespmem:v42+s19+$0x0], $0xffff;
	v21 =	vadd.f32 v25, v17;
	v17 =	vor.u32 s10, v0;
	v22 =	vcvt.f32.s32 v55  }
0x2b3: {  	s17 =	sadd.s32 $0x70, s7;
	v28 =	vmul.f32 v37, v28;
	v37 =	vld.idx.msk [tilespmem:v52+s19+$0x0], $0xffff;
	v57 =	vmul.u32 $0x280, v56;
	v19 =	vadd.s32 s10, v3  }
0x2b4: {  	s5 =	sand.u32 $0xF0, s17;
	v42 =	vld.idx.msk [tilespmem:v42+s31+$0x0], $0xffff;
	v20 =	vadd.f32 v53, v18;
	v18 =	vadd.s32 s10, v2;
	v48 =	vmul.u32 $0x9, v22  }
0x2b5: {  	v58 =	vmov s5;
	v59 =	vbroadcast v57, $0x0;
	v34 =	vld.idx.msk [tilespmem:v40+s25+$0x0], $0xffff;
	v30 =	vmul.f32 v30, v45  }
0x2b6: {  	v40 =	vld.idx.msk [tilespmem:v63+s19+$0x0], $0xffff;
	v52 =	vmul.f32 v21, v21;
	v22 =	vshll.u32 v58, $0x3;
	v46 =	vadd.s32 $0x3, v48  }
0x2b7: {  	v60 =	vor.u32 v1, v22;
	v22 =	vadd.f32 v28, v54;
	v28 =	vld.idx.msk [tilespmem:v17+s29+$0x0], $0xffff;
	v61 =	vadd.s32 $0x6, v48  }
0x2b8: {  	v62 =	vmul.f32 v43, v47;
	v54 =	vld.idx.msk [tilespmem:v19+s29+$0x0], $0xffff;
	v51 =	vadd.s32 v59, v60;
	v55 =	vadd.s32 $0x1, v48  }
0x2b9: {  	v53 =	vmul.f32 v20, v20;
	v23 =	vadd.f32 v30, v23;
	v30 =	vld.idx.msk [tilespmem:v18+s29+$0x0], $0xffff;
	v43 =	vor.u32 $0x3, v51  }
0x2ba: {  	v27 =	vmul.f32 v27, v45;
	v63 =	vmul.f32 v31, v49;
	v56 =	vadd.s32 $0x4, v48;
	v31 =	vld.idx.msk [tilespmem:v48+s25+$0x0], $0xffff  }
0x2bb: {  	v52 =	vadd.f32 v53, v52;
	v60 =	vadd.s32 $0x7, v48;
	v39 =	vld.idx.msk [tilespmem:v46+s25+$0x0], $0xffff  }
0x2bc: {  	v23 =	vadd.f32 v62, v23;
	v62 =	vadd.f32 v27, v35;
	v35 =	vadd.s32 $0x5, v48;
	v53 =	vld.idx.msk [tilespmem:v61+s25+$0x0], $0xffff  }
0x2bd: {  	v36 =	vsub.f32 v36, v41;
	v32 =	vmul.f32 v32, v45;
	v45 =	vadd.s32 $0x8, v48;
	v41 =	vld.idx.msk [tilespmem:v55+s25+$0x0], $0xffff  }
0x2be: {  	v61 =	vadd.s32 $0x2, v48;
	v43 =	vld.idx.msk [tilespmem:v43+s19+$0x0], $0xffff  }
0x2bf: {  	v59 =	vor.u32 $0x1, v51;
	v23 =	vadd.f32 v63, v23;
	v63 =	vmul.f32 v50, v47;
	v50 =	vld.idx.msk [tilespmem:v56+s25+$0x0], $0xffff  }
0x2c0: {  	v58 =	vmul.f32 v33, v47;
	v33 =	vld.idx.msk [tilespmem:v60+s25+$0x0], $0xffff  }
0x2c1: {  	v25 =	vadd.f32 v63, v62;
	v62 =	vor.u32 $0x2, v51;
	v35 =	vld.idx.msk [tilespmem:v35+s25+$0x0], $0xffff  }
0x2c2: {  	v24 =	vmul.f32 v24, v49;
	v42 =	vsub.f32 v42, v26;
	v48 =	vmul.f32 v22, v22;
	v45 =	vld.idx.msk [tilespmem:v45+s25+$0x0], $0xffff  }
0x2c3: {  	v26 =	vadd.s32 s13, v2;
	v60 =	vmul.f32 v34, v49;
	v61 =	vld.idx.msk [tilespmem:v61+s25+$0x0], $0xffff;
	v49 =	vtrunc.f32 v43  }
0x2c4: {  	v37 =	vsub.f32 v44, v37;
	v57 =	vadd.f32 v32, v36;
	v36 =	vld.idx.msk [tilespmem:v59+s31+$0x0], $0xffff;
	v56 =	vcvt.f32.s32 v49  }
0x2c5: {  	v25 =	vadd.f32 v24, v25;
	v24 =	vor.u32 s13, v0;
	v29 =	vadd.f32 v48, v52;
	v48 =	vld.idx.msk [tilespmem:v51+s19+$0x0], $0xffff  }
0x2c6: {  	v27 =	vadd.f32 v58, v57;
	v63 =	vmul.f32 v23, v23;
	v52 =	vld.idx.msk [tilespmem:v62+s19+$0x0], $0xffff;
	v47 =	vmul.u32 $0x9, v56  }
0x2c7: {  	v38 =	vsub.f32 v38, v40;
	v55 =	vmul.f32 v25, v25;
	v31 =	vmul.f32 v31, v28;
	v46 =	vld.idx.msk [tilespmem:v62+s31+$0x0], $0xffff  }
0x2c8: {  	v57 =	vmul.f32 v41, v28;
	v41 =	vld.idx.msk [tilespmem:v51+s31+$0x0], $0xffff;
	v34 =	vmul.f32 v61, v28;
	v28 =	vadd.s32 s13, v3  }
0x2c9: {  	v27 =	vadd.f32 v60, v27;
	v32 =	vadd.f32 v55, v63;
	v43 =	vld.idx.msk [tilespmem:v59+s19+$0x0], $0xffff;
	v58 =	vadd.s32 $0x3, v47  }
0x2ca: {  	v39 =	vmul.f32 v39, v30;
	v59 =	vmul.f32 v50, v30;
	v44 =	vld.idx.msk [tilespmem:v24+s29+$0x0], $0xffff;
	v60 =	vadd.s32 $0x1, v47  }
0x2cb: {  	v30 =	vmul.f32 v35, v30;
	v63 =	vadd.s32 $0x6, v47;
	v34 =	vadd.f32 v34, v37;
	v37 =	vld.idx.msk [tilespmem:v26+s29+$0x0], $0xffff  }
0x2cc: {  	v38 =	vadd.f32 v57, v38;
	v40 =	vadd.s32 $0x4, v47;
	v62 =	vld.idx.msk [tilespmem:v47+s25+$0x0], $0xffff  }
0x2cd: {  	v31 =	vadd.f32 v31, v42;
	v57 =	vadd.s32 $0x2, v47;
	v30 =	vadd.f32 v30, v34;
	v34 =	vld.idx.msk [tilespmem:v28+s29+$0x0], $0xffff  }
0x2ce: {  	v49 =	vmul.f32 v27, v27;
	v38 =	vadd.f32 v59, v38;
	v59 =	vadd.s32 $0x7, v47;
	v56 =	vld.idx.msk [tilespmem:v58+s25+$0x0], $0xffff  }
0x2cf: {  	v31 =	vadd.f32 v39, v31;
	v61 =	vmul.f32 v53, v54;
	v58 =	vld.idx.msk [tilespmem:v60+s25+$0x0], $0xffff;
	v60 =	vadd.s32 $0x5, v47  }
0x2d0: {  	v33 =	vmul.f32 v33, v54;
	v45 =	vmul.f32 v45, v54;
	v32 =	vadd.f32 v49, v32;
	v63 =	vld.idx.msk [tilespmem:v63+s25+$0x0], $0xffff  }
0x2d1: {  	v41 =	vsub.f32 v41, v48;
	v31 =	vadd.f32 v61, v31;
	v40 =	vld.idx.msk [tilespmem:v40+s25+$0x0], $0xffff;
	v47 =	vadd.s32 $0x8, v47  }
0x2d2: {  	v53 =	vmul.f32 $5.000000000e-01, v29;
	v33 =	vadd.f32 v33, v38;
	v61 =	vshra.s32 v29, $0x1;
	v42 =	vld.idx.msk [tilespmem:v57+s25+$0x0], $0xffff  }
0x2d3: {  	v48 =	vsub.s32 $0x5F3759DF, v61;
	v61 =	vmul.f32 v31, v31;
	v49 =	vld.idx.msk [tilespmem:v59+s25+$0x0], $0xffff;
	v30 =	vadd.f32 v45, v30  }
0x2d4: {  	v36 =	vsub.f32 v36, v43;
	v45 =	vmul.f32 $5.000000000e-01, v32;
	v62 =	vmul.f32 v62, v44;
	v38 =	vld.idx.msk [tilespmem:v60+s25+$0x0], $0xffff  }
0x2d5: {  	v59 =	vsub.f32 v46, v52;
	v54 =	vmul.f32 v30, v30;
	v39 =	vmul.f32 v58, v44  }
0x2d6: {  	v35 =	vmul.f32 v56, v37;
	v56 =	vmul.f32 v48, v53;
	v60 =	vld.idx.msk [tilespmem:v47+s25+$0x0], $0xffff;
	v41 =	vadd.f32 v62, v41  }
0x2d7: {  	v40 =	vmul.f32 v40, v37;
	v42 =	vmul.f32 v42, v44;
	v36 =	vadd.f32 v39, v36  }
0x2d8: {  	v63 =	vmul.f32 v63, v34;
	v49 =	vmul.f32 v49, v34;
	v35 =	vadd.f32 v35, v41  }
0x2d9: {  	v42 =	vadd.f32 v42, v59;
	v36 =	vadd.f32 v40, v36;
	v37 =	vmul.f32 v38, v37  }
0x2da: {  	v62 =	vmul.f32 v33, v33;
	v57 =	vmul.f32 v48, v56;
	v35 =	vadd.f32 v63, v35  }
0x2db: {  	v34 =	vmul.f32 v60, v34;
	v36 =	vadd.f32 v49, v36;
	v37 =	vadd.f32 v37, v42  }
0x2dc: {  	v58 =	vshra.s32 v32, $0x1;
	v52 =	vadd.f32 v62, v61;
	v41 =	vsub.f32 $1.500000000e+00, v57  }
0x2dd: {  	v56 =	vmul.f32 v35, v35;
	v57 =	vmul.f32 v36, v36;
	v34 =	vadd.f32 v34, v37  }
0x2de: {  	v39 =	vsub.s32 $0x5F3759DF, v58;
	v38 =	vadd.f32 v54, v52  }
0x2df: {  	v55 =	vmul.f32 v39, v45;
	v37 =	vadd.f32 v57, v56;
	v59 =	vmul.f32 v34, v34  }
0x2e0: {  	v58 =	vshra.s32 v38, $0x1;
	v44 =	vmul.f32 $5.000000000e-01, v38  }
0x2e1: {  	v42 =	vmul.f32 v39, v55;
	v43 =	vsub.s32 $0x5F3759DF, v58;
	v37 =	vadd.f32 v59, v37  }
0x2e2: {  	v41 =	vmul.f32 v48, v41;
	v61 =	vmul.f32 v43, v44  }
0x2e3: {  	v42 =	vsub.f32 $1.500000000e+00, v42;
	v52 =	vshra.s32 v37, $0x1;
	v47 =	vmul.f32 $5.000000000e-01, v37  }
0x2e4: {  	v60 =	vmul.f32 v41, v53;
	v63 =	vmul.f32 v43, v61;
	v46 =	vsub.s32 $0x5F3759DF, v52  }
0x2e5: {  	v39 =	vmul.f32 v39, v42;
	v55 =	vmul.f32 v46, v47  }
0x2e6: {  	v62 =	vmul.f32 v60, v41;
	v42 =	vsub.f32 $1.500000000e+00, v63  }
0x2e7: {  	v54 =	vmul.f32 v39, v45;
	v57 =	vmul.f32 v46, v55  }
0x2e8: {  	v40 =	vsub.f32 $1.500000000e+00, v62;
	v42 =	vmul.f32 v43, v42  }
0x2e9: {  	v56 =	vmul.f32 v54, v39;
	v43 =	vsub.f32 $1.500000000e+00, v57  }
0x2ea: {  	v40 =	vmul.f32 v40, v41;
	v59 =	vmul.f32 v42, v44  }
0x2eb: {  	v41 =	vsub.f32 $1.500000000e+00, v56;
	v43 =	vmul.f32 v46, v43  }
0x2ec: {  	v58 =	vmul.f32 v40, v53;
	v61 =	vmul.f32 v59, v42  }
0x2ed: {  	v39 =	vmul.f32 v41, v39;
	v63 =	vmul.f32 v43, v47  }
0x2ee: {  	v60 =	vmul.f32 v58, v40;
	v62 =	vsub.f32 $1.500000000e+00, v61  }
0x2ef: {  	v45 =	vmul.f32 v39, v45;
	v52 =	vmul.f32 v63, v43  }
0x2f0: {  	v41 =	vsub.f32 $1.500000000e+00, v60;
	v42 =	vmul.f32 v62, v42  }
0x2f1: {  	[tilespmem:v11+s26+$0x0] =	vst.idx.msk $0xffff, v21;
	v51 =	vmul.f32 v45, v39;
	v55 =	vsub.f32 $1.500000000e+00, v52  }
0x2f2: {  	[tilespmem:v12+s26+$0x0] =	vst.idx.msk $0xffff, v20;
	v40 =	vmul.f32 v41, v40;
	v54 =	vmul.f32 v42, v44  }
0x2f3: {  	[tilespmem:v13+s26+$0x0] =	vst.idx.msk $0xffff, v22;
	v41 =	vsub.f32 $1.500000000e+00, v51;
	v57 =	vmul.f32 v55, v43  }
0x2f4: {  	[tilespmem:v14+s26+$0x0] =	vst.idx.msk $0xffff, v23;
	v53 =	vmul.f32 v40, v29;
	v59 =	vmul.f32 v54, v42  }
0x2f5: {  	[tilespmem:v15+s26+$0x0] =	vst.idx.msk $0xffff, v25;
	vm0 =	vgt.f32 v29, $0.0e+00;
	v56 =	vmul.f32 v41, v39;
	v61 =	vmul.f32 v57, v47  }
0x2f6: {  	[tilespmem:v16+s26+$0x0] =	vst.idx.msk $0xffff, v27;
	v58 =	vnsel vm0, $0x0, v53;
	v60 =	vsub.f32 $1.500000000e+00, v59  }
0x2f7: {  	[tilespmem:v11+s28+$0x0] =	vst.idx.msk $0xffff, v58;
	v11 =	vmul.f32 v56, v32;
	v62 =	vmul.f32 v61, v57  }
0x2f8: {  	vm13 =	vgt.f32 v32, $0.0e+00;
	[tilespmem:v17+s26+$0x0] =	vst.idx.msk $0xffff, v31;
	v12 =	vmul.f32 v60, v42  }
0x2f9: {  	[tilespmem:v18+s26+$0x0] =	vst.idx.msk $0xffff, v33;
	v11 =	vnsel vm13, $0x0, v11;
	v63 =	vsub.f32 $1.500000000e+00, v62  }
0x2fa: {  	[tilespmem:v14+s28+$0x0] =	vst.idx.msk $0xffff, v11;
	v11 =	vmul.f32 v12, v38  }
0x2fb: {  	p0 =	slt.u32 s6, $0x78;
	[tilespmem:v19+s26+$0x0] =	vst.idx.msk $0xffff, v30;
	vm14 =	vgt.f32 v38, $0.0e+00;
	v12 =	vmul.f32 v63, v57  }
.Ltmp9:
0x2fc: {  	[tilespmem:v24+s26+$0x0] =	vst.idx.msk $0xffff, v35;
	v11 =	vnsel vm14, $0x0, v11;
	(pc) =	sbr.rel @p0 .LBB2_21-.Ltmp9, $4  }
0x2fd: {  	[tilespmem:v17+s28+$0x0] =	vst.idx.msk $0xffff, v11;
	v11 =	vmul.f32 v12, v37  }
0x2fe: {  	[tilespmem:v26+s26+$0x0] =	vst.idx.msk $0xffff, v36;
	vm15 =	vgt.f32 v37, $0.0e+00  }
0x2ff: {  	[tilespmem:v28+s26+$0x0] =	vst.idx.msk $0xffff, v34;
	v11 =	vnsel vm15, $0x0, v11  }
0x300: {  	s17 =	smov.u32 s6;
	s13 =	sadd.s32 $0x40, s13;
	[tilespmem:v24+s28+$0x0] =	vst.idx.msk $0xffff, v11  }
0x301: {  	_ =	sdelay $0x3  }
0x302: {  	v11 =	vld.idx.msk [tilespmem:v10+s19+$0x0], $0xffff;
	_ =	sdelay $0x4  }
0x303: {  	v12 =	vld.idx.msk [tilespmem:v7+s19+$0x0], $0xffff;
	v11 =	vtrunc.f32 v11  }
0x304: {  	v13 =	vld.idx.msk [tilespmem:v8+s19+$0x0], $0xffff;
	v11 =	vcvt.f32.s32 v11  }
0x305: {  	v14 =	vld.idx.msk [tilespmem:v9+s19+$0x0], $0xffff  }
0x306: {  	v15 =	vld.idx.msk [tilespmem:v7+s31+$0x0], $0xffff;
	v11 =	vmul.u32 $0x9, v11  }
0x307: {  	v16 =	vld.idx.msk [tilespmem:v8+s31+$0x0], $0xffff  }
0x308: {  	v17 =	vld.idx.msk [tilespmem:v9+s31+$0x0], $0xffff;
	v18 =	vadd.s32 $0x3, v11  }
0x309: {  	v19 =	vld.idx.msk [tilespmem:v4+s29+$0x0], $0xffff;
	v20 =	vadd.s32 $0x1, v11  }
0x30a: {  	v21 =	vld.idx.msk [tilespmem:v5+s29+$0x0], $0xffff;
	v22 =	vadd.s32 $0x6, v11  }
0x30b: {  	v23 =	vld.idx.msk [tilespmem:v6+s29+$0x0], $0xffff;
	v26 =	vadd.s32 $0x2, v11  }
0x30c: {  	v24 =	vadd.s32 $0x4, v11;
	v25 =	vld.idx.msk [tilespmem:v11+s25+$0x0], $0xffff  }
0x30d: {  	v28 =	vadd.s32 $0x5, v11;
	v18 =	vld.idx.msk [tilespmem:v18+s25+$0x0], $0xffff  }
0x30e: {  	v27 =	vadd.s32 $0x7, v11;
	v20 =	vld.idx.msk [tilespmem:v20+s25+$0x0], $0xffff  }
0x30f: {  	v22 =	vld.idx.msk [tilespmem:v22+s25+$0x0], $0xffff  }
0x310: {  	v11 =	vadd.s32 $0x8, v11;
	v26 =	vld.idx.msk [tilespmem:v26+s25+$0x0], $0xffff  }
0x311: {  	v24 =	vld.idx.msk [tilespmem:v24+s25+$0x0], $0xffff  }
0x312: {  	v51 =	vld.idx.msk [tilespmem:v28+s25+$0x0], $0xffff  }
0x313: {  	v12 =	vsub.f32 v15, v12;
	v49 =	vld.idx.msk [tilespmem:v27+s25+$0x0], $0xffff  }
0x314: {  	v13 =	vsub.f32 v16, v13;
	v48 =	vmul.f32 v25, v19;
	v50 =	vmul.f32 v20, v19  }
0x315: {  	v14 =	vsub.f32 v17, v14;
	v11 =	vld.idx.msk [tilespmem:v11+s25+$0x0], $0xffff;
	v52 =	vmul.f32 v18, v21;
	v54 =	vmul.f32 v26, v19  }
0x316: {  	v53 =	vmul.f32 v24, v21;
	v12 =	vadd.f32 v48, v12;
	v13 =	vadd.f32 v50, v13  }
0x317: {  	v55 =	vmul.f32 v22, v23;
	v57 =	vmul.f32 v51, v21;
	v14 =	vadd.f32 v54, v14  }
0x318: {  	v56 =	vmul.f32 v49, v23;
	v12 =	vadd.f32 v52, v12;
	v13 =	vadd.f32 v53, v13  }
0x319: {  	v14 =	vadd.f32 v57, v14  }
0x31a: {  	v11 =	vmul.f32 v11, v23;
	v12 =	vadd.f32 v55, v12;
	v13 =	vadd.f32 v56, v13;
	_ =	sdelay $0x1  }
0x31b: {  	v11 =	vadd.f32 v11, v14;
	v58 =	vmul.f32 v12, v12;
	v59 =	vmul.f32 v13, v13;
	_ =	sdelay $0x1  }
0x31c: {  	v60 =	vmul.f32 v11, v11;
	v14 =	vadd.f32 v59, v58;
	_ =	sdelay $0x1  }
0x31d: {  	v14 =	vadd.f32 v60, v14;
	_ =	sdelay $0x1  }
0x31e: {  	v15 =	vshra.s32 v14, $0x1;
	v61 =	vmul.f32 $5.000000000e-01, v14  }
0x31f: {  	v15 =	vsub.s32 $0x5F3759DF, v15  }
0x320: {  	v62 =	vmul.f32 v15, v61;
	_ =	sdelay $0x1  }
0x321: {  	v17 =	vmul.f32 v15, v62;
	_ =	sdelay $0x1  }
0x322: {  	v17 =	vsub.f32 $1.500000000e+00, v17;
	_ =	sdelay $0x1  }
0x323: {  	v15 =	vmul.f32 v15, v17;
	_ =	sdelay $0x1  }
0x324: {  	v17 =	vmul.f32 v15, v61;
	_ =	sdelay $0x1  }
0x325: {  	v17 =	vmul.f32 v17, v15;
	_ =	sdelay $0x1  }
0x326: {  	v17 =	vsub.f32 $1.500000000e+00, v17;
	_ =	sdelay $0x1  }
0x327: {  	v15 =	vmul.f32 v17, v15;
	_ =	sdelay $0x1  }
0x328: {  	v16 =	vmul.f32 v15, v61;
	_ =	sdelay $0x1  }
0x329: {  	v16 =	vmul.f32 v16, v15;
	_ =	sdelay $0x1  }
0x32a: {  	v16 =	vsub.f32 $1.500000000e+00, v16;
	_ =	sdelay $0x1  }
0x32b: {  	v15 =	vmul.f32 v16, v15  }
0x32c: {  	s13 =	smul.u32 $0xFA0, s11  }
0x32d: {  	s5 =	rddreg [dreg:$0x3];
	[tilespmem:v4+s26+$0x0] =	vst.idx.msk $0xffff, v12;
	v15 =	vmul.f32 v15, v14  }
0x32e: {  	s5 =	sadd.s32 s5, s13;
	[tilespmem:v5+s26+$0x0] =	vst.idx.msk $0xffff, v13;
	vm0 =	vgt.f32 v14, $0.0e+00  }
0x32f: {  	s6 =	rddreg [dreg:$0x7];
	s5 =	sshrl.u32 s5, $0x3;
	[tilespmem:v6+s26+$0x0] =	vst.idx.msk $0xffff, v11;
	v63 =	vnsel vm0, $0x0, v15  }
0x330: {  	s9 =	rddreg [dreg:$0xb];
	s6 =	sadd.s32 s6, s5;
	[tilespmem:v4+s28+$0x0] =	vst.idx.msk $0xffff, v63  }
0x331: {  	[hbm4b:s6+s3] =	stream.linear.scatter [tilespmem:s26], [sflag:$0x3], $0x7D0, $0x38;
	[tilespmem:$0x18730] =	vst v63  }
0x332: {  	s7 =	simm.s32 $0xABE0;
	s10 =	rddreg [dreg:$0xa];
	s6 =	sadd.s32 s9, s5  }
0x333: {  	[hbm4b:s6+s3] =	stream.linear.scatter [tilespmem:s7], [sflag:$0x3], $0x7D0, $0x38;
	[tilespmem:$0x18730] =	vst v63  }
0x334: {  	s6 =	sadd.s32 s13, s10  }
0x335: {  	s7 =	smulhi.u32 $0x66666667, s6;
	s8 =	sshra.s32 s6, $0x1F  }
0x336: {  	s8 =	smul.u32 $0x66666667, s8;
	_ =	sdelay $0x1  }
0x337: {  	s7 =	sadd.s32 s8, s7  }
0x338: {  	s8 =	sshrl.u32 s7, $0x1F;
	s7 =	sshra.s32 s7, $0x5  }
0x339: {  	s17 =	simm.s32 $0xB3B0;
	s9 =	rddreg [dreg:$0xc];
	s7 =	sadd.s32 s8, s7  }
0x33a: {  	s10 =	sadd.s32 s9, s5;
	s9 =	ssub.s32 $0x0, s6;
	s8 =	smul.u32 $0xFFFFFFB0, s7  }
0x33b: {  	[hbm4b:s10+s3] =	stream.linear.scatter [tilespmem:s17], [sflag:$0x3], $0x7D0, $0x38;
	[tilespmem:$0x18730] =	vst v63  }
0x33c: {  	p1 =	slt.s32 s6, $0x1;
	p0 =	sne.s32 s8, s9  }
0x33d: {  	p0 =	por !p1, !p0  }
0x33e: {  	s8 =	simm.s32 $0x1;
	p0 =	por !p0, !p0  }
0x33f: {  	s8 =	simm.s32 @!p0 $0x0  }
0x340: {  	s7 =	ssub.s32 s7, s8  }
0x341: {  	s5 =	sadd.s32 s14, s5;
	s7 =	smul.u32 $0x50, s7  }
0x342: {  	[hbm4b:s5+s3] =	stream.linear.scatter [tilespmem:s28], [sflag:$0x3], $0x7D0, $0x38;
	[tilespmem:$0x18730] =	vst v63  }
0x343: {  	s17 =	rddreg [dreg:$0x6];
	s10 =	sshrl.u32 s7, $0x3  }
0x344: {  	s9 =	sadd.s32 $0x61A800, s7;
	s5 =	sadd.s32 s17, s10  }
0x345: {  	[tilespmem:s3], [sflag:$0x1] =	stream.linear.gather [hbm4b:s5+s3], $0x7D0, $0x38;
	[tilespmem:$0x18730] =	vst v63  }
0x346: {  	s5 =	sshrl.u32 s9, $0x3  }
0x347: {  	s10 =	simm.s32 $0x7D0;
	s5 =	sadd.s32 s17, s5;
	s17 =	sshrl.u32 s6, $0x3  }
0x348: {  	[tilespmem:s10], [sflag:$0x1] =	stream.linear.gather [hbm4b:s5+s3], $0x7D0, $0x38;
	[tilespmem:$0x18730] =	vst v63  }
0x349: {  	s8 =	rddreg [dreg:$0x4];
	s9 =	smov.u32 s15;
	s6 =	sadd.s32 s15, s17  }
0x34a: {  	[tilespmem:s29], [sflag:$0x1] =	stream.linear.gather [hbm4b:s6+s3], $0x7D0, $0x38;
	[tilespmem:$0x18730] =	vst v63  }
0x34b: {  	s10 =	simm.s32 $0x9470;
	s15 =	rddreg [dreg:$0x5];
	s6 =	sadd.s32 s8, s17  }
0x34c: {  	[tilespmem:s10], [sflag:$0x1] =	stream.linear.gather [hbm4b:s6+s3], $0x7D0, $0x38;
	[tilespmem:$0x18730] =	vst v63  }
0x34d: {  	s5 =	sadd.s32 s15, s17;
	s17 =	simm.s32 $0x9C40  }
0x34e: {  	[tilespmem:s17], [sflag:$0x1] =	stream.linear.gather [hbm4b:s5+s3], $0x7D0, $0x38;
	[tilespmem:$0x18730] =	vst v63  }
0x34f: {  	_ =	swait.ge [sflag:s1], $0x280  }
0x350: {  	[sflag:s1] =	ssyncset.done $0x0  }
0x351: {  	[sflag:s1] =	ssyncadd.s32 $0xFFFFFD80  }
0x352: {  	_ =	swait.ge [sflag:s1], $0x280  }
0x353: {  	s5 =	simm.s32 $0x18;
	[sflag:s1] =	ssyncset.done $0x0  }
.LBB2_23:
0x354: {  	p0 =	sne.s32 s5, $0x1;
	s5 =	sadd.s32 $0xFFFFFFFF, s5;
	[sflag:s1] =	ssyncadd.s32 $0xFFFFFD80  }
.Ltmp10:
0x355: {  	_ =	swait.ge [sflag:s1], $0x280;
	(pc) =	sbr.rel @p0 .LBB2_23-.Ltmp10, $4  }
0x356: {  	[sflag:s1] =	ssyncset.done $0x0  }
0x357: {  	[sflag:s1] =	ssyncadd.s32 $0xFFFFFD80  }
0x358: {  	_ =	swait.ge [sflag:s1], $0x280  }
0x359: {  	[sflag:s1] =	ssyncset.done $0x0  }
0x35a: {  	[sflag:s1] =	ssyncadd.s32 $0xFFFFFD80  }
0x35b: {  	_ =	swait.ge [sflag:s22], $0x7D0  }
0x35c: {  	[sflag:s22] =	ssyncset.done $0x0  }
0x35d: {  	[sflag:s22] =	ssyncadd.s32 $0xFFFFF830  }
0x35e: {  	_ =	swait.ge [sflag:s22], $0x7D0  }
0x35f: {  	[sflag:s22] =	ssyncset.done $0x0  }
0x360: {  	[sflag:s22] =	ssyncadd.s32 $0xFFFFF830  }
0x361: {  	_ =	swait.ge [sflag:s22], $0x7D0  }
0x362: {  	[sflag:s22] =	ssyncset.done $0x0  }
0x363: {  	[sflag:s22] =	ssyncadd.s32 $0xFFFFF830  }
0x364: {  	_ =	swait.ge [sflag:s22], $0x7D0  }
0x365: {  	[sflag:s22] =	ssyncset.done $0x0  }
0x366: {  	[sflag:s22] =	ssyncadd.s32 $0xFFFFF830  }
0x367: {  	_ =	swait.ge [sflag:s22], $0x7D0  }
0x368: {  	s15 =	smov.u32 s14;
	s5 =	simm.s32 $0xFA0;
	[sflag:s22] =	ssyncset.done $0x0  }
0x369: {  	s6 =	simm.s32 $0x0;
	s17 =	simm.s32 $0x7D0;
	[sflag:s22] =	ssyncadd.s32 $0xFFFFF830  }
0x36a: {  	[tilespmem:s5], [sflag:$0x2] =	stream.indirect.gather [hbm4b:s4+s23], $0x8, s6, s23, $0xb8;
	[tilespmem:$0x18730] =	vst v63  }
0x36b: {  	s7 =	simm.s32 $0x1220;
	s5 =	simm.s32 $0x4E20;
	s6 =	simm.s32 $0x140  }
0x36c: {  	[tilespmem:s5], [sflag:$0x2] =	stream.indirect.gather [hbm4b:s4+s23], $0x8, s17, s23, $0xb8;
	[tilespmem:$0x18730] =	vst v63  }
.LBB2_25:
0x36d: {  	s8 =	sshra.s32 s6, $0x2;
	p0 =	sne.s32 s6, $0x1E00;
	s6 =	sadd.s32 $0x140, s6  }
0x36e: {  	[tilespmem:s7], [sflag:$0x2] =	stream.indirect.gather [hbm4b:s4+s23], $0x8, s8, s23, $0xb8;
	[tilespmem:$0x18730] =	vst v63  }
.Ltmp11:
0x36f: {  	_ = 	snop;
	(pc) =	sbr.rel @p0 .LBB2_25-.Ltmp11, $4  }
0x370: {  	s5 =	sadd.s32 $0x280, s5;
	s8 =	sadd.s32 $0x7D0, s8  }
0x371: {  	[tilespmem:s5], [sflag:$0x2] =	stream.indirect.gather [hbm4b:s4+s23], $0x8, s8, s23, $0xb8;
	[tilespmem:$0x18730] =	vst v63  }
0x372: {  	_ = 	snop  }
0x373: {  	s7 =	sadd.s32 $0x280, s7  }
0x374: {  	_ =	swait.ge [sflag:s2], $0x7D0  }
0x375: {  	[sflag:s2] =	ssyncset.done $0x0  }
0x376: {  	[sflag:s2] =	ssyncadd.s32 $0xFFFFF830  }
0x377: {  	_ =	swait.ge [sflag:s2], $0x7D0  }
0x378: {  	[sflag:s2] =	ssyncset.done $0x0  }
0x379: {  	[sflag:s2] =	ssyncadd.s32 $0xFFFFF830  }
0x37a: {  	_ =	swait.ge [sflag:s2], $0x7D0  }
0x37b: {  	[sflag:s2] =	ssyncset.done $0x0  }
0x37c: {  	[sflag:s2] =	ssyncadd.s32 $0xFFFFF830  }
0x37d: {  	_ =	swait.ge [sflag:s2], $0x7D0  }
0x37e: {  	[sflag:s2] =	ssyncset.done $0x0  }
0x37f: {  	s17 =	simm.s32 $0xFFFFFFFC;
	s6 =	simm.s32 $0x30;
	[sflag:s2] =	ssyncadd.s32 $0xFFFFF830  }
.LBB2_27:
0x380: {  	s7 =	smul.u32 $0xCD, s17;
	_ =	sdelay $0x1  }
0x381: {  	s5 =	sadd.s32 $0x334, s7  }
0x382: {  	s8 =	sshrl.u32 s5, $0xA  }
0x383: {  	s10 =	smul.u32 $0x5, s8  }
0x384: {  	s5 =	sadd.s32 $0x4, s17  }
0x385: {  	s8 =	sand.u32 $0x3F, s8;
	s10 =	ssub.s32 s5, s10  }
0x386: {  	v11 =	vmov s8;
	s14 =	sshll.u32 s10, $0x4  }
0x387: {  	v11 =	vmul.u32 $0x280, v11;
	s8 =	sand.u32 $0xF0, s14  }
0x388: {  	v12 =	vmov s8  }
0x389: {  	v11 =	vbroadcast v11, $0x0;
	v12 =	vshll.u32 v12, $0x3  }
0x38a: {  	v12 =	vor.u32 v1, v12  }
0x38b: {  	v13 =	vadd.s32 v11, v12  }
0x38c: {  	v11 =	vor.u32 $0x3, v13;
	_ =	sdelay $0x4  }
0x38d: {  	s10 =	sadd.s32 $0x401, s7;
	s14 =	sadd.s32 $0xFFFFFFD0, s6;
	v11 =	vld.idx.msk [tilespmem:v11+s12+$0x0], $0xffff  }
0x38e: {  	s8 =	sshrl.u32 s10, $0xA;
	v12 =	vadd.s32 s14, v2  }
0x38f: {  	s10 =	smul.u32 $0x5, s8;
	v15 =	vor.u32 $0x2, v13;
	_ =	sdelay $0x1  }
0x390: {  	s10 =	ssub.s32 s17, s10;
	v14 =	vor.u32 $0x1, v13;
	v17 =	vld.idx.msk [tilespmem:v13+s12+$0x0], $0xffff  }
0x391: {  	s10 =	sshll.u32 s10, $0x4;
	v20 =	vld.idx.msk [tilespmem:v13+s20+$0x0], $0xffff;
	v11 =	vtrunc.f32 v11  }
0x392: {  	s8 =	sand.u32 $0x3F, s8;
	v13 =	vadd.s32 s14, v3;
	v26 =	vld.idx.msk [tilespmem:v12+s16+$0x0], $0xffff;
	v16 =	vcvt.f32.s32 v11;
	v11 =	vor.u32 s14, v0;
	s14 =	sadd.s32 $0x50, s10  }
0x393: {  	v21 =	vmov s8;
	v19 =	vld.idx.msk [tilespmem:v15+s12+$0x0], $0xffff;
	s8 =	sand.u32 $0xF0, s14;
	s14 =	sadd.s32 $0xFFFFFFE0, s6  }
0x394: {  	v62 =	vmul.u32 $0x280, v21;
	v63 =	vld.idx.msk [tilespmem:v15+s20+$0x0], $0xffff;
	v16 =	vmul.u32 $0x9, v16;
	v15 =	vadd.s32 s14, v2  }
0x395: {  	v18 =	vld.idx.msk [tilespmem:v14+s12+$0x0], $0xffff;
	v23 =	vmov s8  }
0x396: {  	v22 =	vld.idx.msk [tilespmem:v14+s20+$0x0], $0xffff;
	v14 =	vbroadcast v62, $0x0;
	v23 =	vshll.u32 v23, $0x3;
	v53 =	vadd.s32 $0x3, v16  }
0x397: {  	v28 =	vld.idx.msk [tilespmem:v13+s16+$0x0], $0xffff;
	v25 =	vadd.s32 $0x6, v16;
	v23 =	vor.u32 v1, v23  }
0x398: {  	v27 =	vadd.s32 $0x1, v16;
	v24 =	vld.idx.msk [tilespmem:v11+s16+$0x0], $0xffff;
	v23 =	vadd.s32 v14, v23  }
0x399: {  	v14 =	vor.u32 $0x3, v23;
	v47 =	vld.idx.msk [tilespmem:v15+s16+$0x0], $0xffff  }
0x39a: {  	v29 =	vadd.s32 $0x4, v16;
	v30 =	vld.idx.msk [tilespmem:v16+s25+$0x0], $0xffff  }
0x39b: {  	v54 =	vadd.s32 $0x7, v16;
	v31 =	vld.idx.msk [tilespmem:v53+s25+$0x0], $0xffff  }
0x39c: {  	v32 =	vadd.s32 $0x2, v16;
	v25 =	vld.idx.msk [tilespmem:v25+s25+$0x0], $0xffff  }
0x39d: {  	v33 =	vadd.s32 $0x5, v16;
	v27 =	vld.idx.msk [tilespmem:v27+s25+$0x0], $0xffff  }
0x39e: {  	v14 =	vld.idx.msk [tilespmem:v14+s12+$0x0], $0xffff  }
0x39f: {  	v29 =	vld.idx.msk [tilespmem:v29+s25+$0x0], $0xffff  }
0x3a0: {  	s10 =	sadd.s32 $0x4CE, s7;
	v16 =	vadd.s32 $0x8, v16;
	v34 =	vld.idx.msk [tilespmem:v54+s25+$0x0], $0xffff  }
0x3a1: {  	s8 =	sshrl.u32 s10, $0xA;
	v35 =	vor.u32 $0x1, v23;
	v32 =	vld.idx.msk [tilespmem:v32+s25+$0x0], $0xffff  }
0x3a2: {  	s10 =	smul.u32 $0x5, s8;
	v36 =	vor.u32 $0x2, v23;
	v33 =	vld.idx.msk [tilespmem:v33+s25+$0x0], $0xffff  }
0x3a3: {  	v38 =	vld.idx.msk [tilespmem:v23+s12+$0x0], $0xffff;
	v14 =	vtrunc.f32 v14  }
0x3a4: {  	s10 =	ssub.s32 s17, s10;
	v23 =	vld.idx.msk [tilespmem:v23+s20+$0x0], $0xffff;
	v40 =	vcvt.f32.s32 v14  }
0x3a5: {  	s8 =	sand.u32 $0x3F, s8;
	s10 =	sshll.u32 s10, $0x4;
	v37 =	vld.idx.msk [tilespmem:v16+s25+$0x0], $0xffff;
	v16 =	vadd.s32 s14, v3  }
0x3a6: {  	v42 =	vmov s8;
	v39 =	vld.idx.msk [tilespmem:v35+s12+$0x0], $0xffff;
	v14 =	vor.u32 s14, v0;
	s14 =	sadd.s32 $0x60, s10;
	v40 =	vmul.u32 $0x9, v40  }
0x3a7: {  	v42 =	vmul.u32 $0x280, v42;
	v41 =	vld.idx.msk [tilespmem:v36+s12+$0x0], $0xffff;
	s8 =	sand.u32 $0xF0, s14  }
0x3a8: {  	v35 =	vld.idx.msk [tilespmem:v35+s20+$0x0], $0xffff;
	v44 =	vmov s8;
	v43 =	vadd.s32 $0x3, v40  }
0x3a9: {  	v42 =	vbroadcast v42, $0x0;
	v36 =	vld.idx.msk [tilespmem:v36+s20+$0x0], $0xffff;
	v44 =	vshll.u32 v44, $0x3;
	v46 =	vadd.s32 $0x6, v40  }
0x3aa: {  	v49 =	vld.idx.msk [tilespmem:v16+s16+$0x0], $0xffff;
	v48 =	vadd.s32 $0x1, v40;
	v44 =	vor.u32 v1, v44  }
0x3ab: {  	v50 =	vadd.s32 $0x4, v40;
	v45 =	vld.idx.msk [tilespmem:v14+s16+$0x0], $0xffff;
	v42 =	vadd.s32 v42, v44  }
0x3ac: {  	v55 =	vmul.f32 v30, v24;
	v44 =	vor.u32 $0x3, v42;
	v30 =	vld.idx.msk [tilespmem:v40+s25+$0x0], $0xffff  }
0x3ad: {  	v51 =	vadd.s32 $0x7, v40;
	v43 =	vld.idx.msk [tilespmem:v43+s25+$0x0], $0xffff  }
0x3ae: {  	v56 =	vmul.f32 v31, v26;
	v57 =	vadd.s32 $0x2, v40;
	v31 =	vld.idx.msk [tilespmem:v46+s25+$0x0], $0xffff  }
0x3af: {  	v58 =	vmul.f32 v27, v24;
	v59 =	vadd.s32 $0x5, v40;
	v27 =	vld.idx.msk [tilespmem:v48+s25+$0x0], $0xffff  }
0x3b0: {  	v17 =	vsub.f32 v20, v17;
	v18 =	vsub.f32 v22, v18;
	v60 =	vmul.f32 v29, v26;
	v50 =	vld.idx.msk [tilespmem:v50+s25+$0x0], $0xffff  }
0x3b1: {  	v19 =	vsub.f32 v63, v19;
	v62 =	vmul.f32 v32, v24;
	v25 =	vmul.f32 v25, v28;
	v61 =	vld.idx.msk [tilespmem:v44+s12+$0x0], $0xffff  }
0x3b2: {  	s7 =	sadd.s32 $0x59B, s7;
	v26 =	vmul.f32 v33, v26;
	v17 =	vadd.f32 v55, v17;
	v52 =	vor.u32 $0x2, v42;
	v24 =	vld.idx.msk [tilespmem:v51+s25+$0x0], $0xffff  }
0x3b3: {  	s7 =	sshrl.u32 s7, $0xA;
	v18 =	vadd.f32 v58, v18;
	v19 =	vadd.f32 v62, v19;
	v63 =	vor.u32 $0x1, v42;
	v32 =	vld.idx.msk [tilespmem:v57+s25+$0x0], $0xffff  }
0x3b4: {  	v53 =	vmul.f32 v34, v28;
	v23 =	vsub.f32 v23, v38;
	v35 =	vsub.f32 v35, v39;
	s10 =	smul.u32 $0x5, s7;
	v33 =	vld.idx.msk [tilespmem:v59+s25+$0x0], $0xffff  }
0x3b5: {  	v18 =	vadd.f32 v60, v18;
	v54 =	vadd.f32 v26, v19;
	v40 =	vadd.s32 $0x8, v40;
	v26 =	vld.idx.msk [tilespmem:v42+s12+$0x0], $0xffff  }
0x3b6: {  	v17 =	vadd.f32 v56, v17;
	s14 =	sadd.s32 $0xFFFFFFF0, s6;
	v28 =	vmul.f32 v37, v28;
	s8 =	ssub.s32 s17, s10;
	v42 =	vld.idx.msk [tilespmem:v42+s20+$0x0], $0xffff;
	v55 =	vtrunc.f32 v61  }
0x3b7: {  	s7 =	sand.u32 $0x3F, s7;
	v20 =	vadd.f32 v53, v18;
	s8 =	sshll.u32 s8, $0x4;
	v18 =	vadd.s32 s14, v2;
	v37 =	vld.idx.msk [tilespmem:v52+s12+$0x0], $0xffff;
	v22 =	vcvt.f32.s32 v55  }
0x3b8: {  	v56 =	vmov s7;
	v21 =	vadd.f32 v25, v17;
	v17 =	vor.u32 s14, v0;
	s17 =	sadd.s32 $0x70, s8;
	v38 =	vld.idx.msk [tilespmem:v63+s20+$0x0], $0xffff  }
0x3b9: {  	v19 =	vadd.s32 s14, v3;
	s7 =	sand.u32 $0xF0, s17;
	v57 =	vmul.u32 $0x280, v56;
	v44 =	vld.idx.msk [tilespmem:v52+s20+$0x0], $0xffff;
	v48 =	vmul.u32 $0x9, v22  }
0x3ba: {  	v53 =	vmul.f32 v20, v20;
	v58 =	vmov s7;
	v34 =	vld.idx.msk [tilespmem:v40+s25+$0x0], $0xffff;
	v30 =	vmul.f32 v30, v45  }
0x3bb: {  	v59 =	vbroadcast v57, $0x0;
	v40 =	vld.idx.msk [tilespmem:v63+s12+$0x0], $0xffff;
	v22 =	vshll.u32 v58, $0x3;
	v46 =	vadd.s32 $0x3, v48  }
0x3bc: {  	v23 =	vadd.f32 v30, v23;
	v30 =	vld.idx.msk [tilespmem:v18+s16+$0x0], $0xffff;
	v60 =	vor.u32 v1, v22;
	v61 =	vadd.s32 $0x6, v48  }
0x3bd: {  	v22 =	vadd.f32 v28, v54;
	v28 =	vld.idx.msk [tilespmem:v17+s16+$0x0], $0xffff;
	v51 =	vadd.s32 v59, v60;
	v55 =	vadd.s32 $0x1, v48  }
0x3be: {  	v52 =	vmul.f32 v21, v21;
	v62 =	vmul.f32 v43, v47;
	v54 =	vld.idx.msk [tilespmem:v19+s16+$0x0], $0xffff;
	v43 =	vor.u32 $0x3, v51  }
0x3bf: {  	v63 =	vmul.f32 v31, v49;
	v27 =	vmul.f32 v27, v45;
	v56 =	vadd.s32 $0x4, v48;
	v31 =	vld.idx.msk [tilespmem:v48+s25+$0x0], $0xffff  }
0x3c0: {  	v52 =	vadd.f32 v53, v52;
	v60 =	vadd.s32 $0x7, v48;
	v39 =	vld.idx.msk [tilespmem:v46+s25+$0x0], $0xffff  }
0x3c1: {  	v23 =	vadd.f32 v62, v23;
	v62 =	vadd.f32 v27, v35;
	v35 =	vadd.s32 $0x5, v48;
	v53 =	vld.idx.msk [tilespmem:v61+s25+$0x0], $0xffff  }
0x3c2: {  	v36 =	vsub.f32 v36, v41;
	v32 =	vmul.f32 v32, v45;
	v45 =	vadd.s32 $0x8, v48;
	v41 =	vld.idx.msk [tilespmem:v55+s25+$0x0], $0xffff  }
0x3c3: {  	v23 =	vadd.f32 v63, v23;
	v63 =	vmul.f32 v50, v47;
	v61 =	vadd.s32 $0x2, v48;
	v43 =	vld.idx.msk [tilespmem:v43+s12+$0x0], $0xffff  }
0x3c4: {  	v24 =	vmul.f32 v24, v49;
	v59 =	vor.u32 $0x1, v51;
	v50 =	vld.idx.msk [tilespmem:v56+s25+$0x0], $0xffff  }
0x3c5: {  	v58 =	vmul.f32 v33, v47;
	v25 =	vadd.f32 v63, v62;
	v62 =	vor.u32 $0x2, v51;
	v33 =	vld.idx.msk [tilespmem:v60+s25+$0x0], $0xffff  }
0x3c6: {  	v35 =	vld.idx.msk [tilespmem:v35+s25+$0x0], $0xffff  }
0x3c7: {  	v42 =	vsub.f32 v42, v26;
	v25 =	vadd.f32 v24, v25;
	v45 =	vld.idx.msk [tilespmem:v45+s25+$0x0], $0xffff  }
0x3c8: {  	v24 =	vor.u32 s6, v0;
	v60 =	vmul.f32 v34, v49;
	v61 =	vld.idx.msk [tilespmem:v61+s25+$0x0], $0xffff;
	v49 =	vtrunc.f32 v43  }
0x3c9: {  	v57 =	vadd.f32 v32, v36;
	v48 =	vmul.f32 v22, v22;
	v36 =	vld.idx.msk [tilespmem:v59+s20+$0x0], $0xffff;
	v56 =	vcvt.f32.s32 v49  }
0x3ca: {  	v26 =	vadd.s32 s6, v2;
	v37 =	vsub.f32 v44, v37;
	v38 =	vsub.f32 v38, v40;
	v46 =	vld.idx.msk [tilespmem:v62+s20+$0x0], $0xffff  }
0x3cb: {  	v63 =	vmul.f32 v23, v23;
	v29 =	vadd.f32 v48, v52;
	v48 =	vld.idx.msk [tilespmem:v51+s12+$0x0], $0xffff;
	v47 =	vmul.u32 $0x9, v56  }
0x3cc: {  	v27 =	vadd.f32 v58, v57;
	v55 =	vmul.f32 v25, v25;
	v52 =	vld.idx.msk [tilespmem:v62+s12+$0x0], $0xffff;
	v31 =	vmul.f32 v31, v28  }
0x3cd: {  	v44 =	vld.idx.msk [tilespmem:v24+s16+$0x0], $0xffff;
	v57 =	vmul.f32 v41, v28;
	v34 =	vmul.f32 v61, v28;
	v28 =	vadd.s32 s6, v3  }
0x3ce: {  	v27 =	vadd.f32 v60, v27;
	v32 =	vadd.f32 v55, v63;
	v41 =	vld.idx.msk [tilespmem:v51+s20+$0x0], $0xffff;
	v58 =	vadd.s32 $0x3, v47  }
0x3cf: {  	v39 =	vmul.f32 v39, v30;
	v43 =	vld.idx.msk [tilespmem:v59+s12+$0x0], $0xffff;
	v59 =	vmul.f32 v50, v30;
	v60 =	vadd.s32 $0x1, v47  }
0x3d0: {  	v30 =	vmul.f32 v35, v30;
	v63 =	vadd.s32 $0x6, v47;
	v34 =	vadd.f32 v34, v37;
	v37 =	vld.idx.msk [tilespmem:v26+s16+$0x0], $0xffff  }
0x3d1: {  	v38 =	vadd.f32 v57, v38;
	v40 =	vadd.s32 $0x4, v47;
	v62 =	vld.idx.msk [tilespmem:v47+s25+$0x0], $0xffff  }
0x3d2: {  	v31 =	vadd.f32 v31, v42;
	v57 =	vadd.s32 $0x2, v47;
	v30 =	vadd.f32 v30, v34;
	v34 =	vld.idx.msk [tilespmem:v28+s16+$0x0], $0xffff  }
0x3d3: {  	v49 =	vmul.f32 v27, v27;
	v38 =	vadd.f32 v59, v38;
	v59 =	vadd.s32 $0x7, v47;
	v56 =	vld.idx.msk [tilespmem:v58+s25+$0x0], $0xffff  }
0x3d4: {  	v31 =	vadd.f32 v39, v31;
	v61 =	vmul.f32 v53, v54;
	v58 =	vld.idx.msk [tilespmem:v60+s25+$0x0], $0xffff;
	v60 =	vadd.s32 $0x5, v47  }
0x3d5: {  	v33 =	vmul.f32 v33, v54;
	v45 =	vmul.f32 v45, v54;
	v32 =	vadd.f32 v49, v32;
	v63 =	vld.idx.msk [tilespmem:v63+s25+$0x0], $0xffff  }
0x3d6: {  	v41 =	vsub.f32 v41, v48;
	v31 =	vadd.f32 v61, v31;
	v40 =	vld.idx.msk [tilespmem:v40+s25+$0x0], $0xffff;
	v47 =	vadd.s32 $0x8, v47  }
0x3d7: {  	v53 =	vmul.f32 $5.000000000e-01, v29;
	v33 =	vadd.f32 v33, v38;
	v61 =	vshra.s32 v29, $0x1;
	v42 =	vld.idx.msk [tilespmem:v57+s25+$0x0], $0xffff  }
0x3d8: {  	v48 =	vsub.s32 $0x5F3759DF, v61;
	v61 =	vmul.f32 v31, v31;
	v49 =	vld.idx.msk [tilespmem:v59+s25+$0x0], $0xffff;
	v30 =	vadd.f32 v45, v30  }
0x3d9: {  	v36 =	vsub.f32 v36, v43;
	v45 =	vmul.f32 $5.000000000e-01, v32;
	v62 =	vmul.f32 v62, v44;
	v38 =	vld.idx.msk [tilespmem:v60+s25+$0x0], $0xffff  }
0x3da: {  	v59 =	vsub.f32 v46, v52;
	v54 =	vmul.f32 v30, v30;
	v39 =	vmul.f32 v58, v44  }
0x3db: {  	v35 =	vmul.f32 v56, v37;
	v56 =	vmul.f32 v48, v53;
	v60 =	vld.idx.msk [tilespmem:v47+s25+$0x0], $0xffff;
	v41 =	vadd.f32 v62, v41  }
0x3dc: {  	v40 =	vmul.f32 v40, v37;
	v42 =	vmul.f32 v42, v44;
	v36 =	vadd.f32 v39, v36  }
0x3dd: {  	v63 =	vmul.f32 v63, v34;
	v49 =	vmul.f32 v49, v34;
	v35 =	vadd.f32 v35, v41  }
0x3de: {  	v42 =	vadd.f32 v42, v59;
	v36 =	vadd.f32 v40, v36;
	v37 =	vmul.f32 v38, v37  }
0x3df: {  	v62 =	vmul.f32 v33, v33;
	v57 =	vmul.f32 v48, v56;
	v35 =	vadd.f32 v63, v35  }
0x3e0: {  	v34 =	vmul.f32 v60, v34;
	v36 =	vadd.f32 v49, v36;
	v37 =	vadd.f32 v37, v42  }
0x3e1: {  	v58 =	vshra.s32 v32, $0x1;
	v52 =	vadd.f32 v62, v61;
	v41 =	vsub.f32 $1.500000000e+00, v57  }
0x3e2: {  	v56 =	vmul.f32 v35, v35;
	v57 =	vmul.f32 v36, v36;
	v34 =	vadd.f32 v34, v37  }
0x3e3: {  	v39 =	vsub.s32 $0x5F3759DF, v58;
	v38 =	vadd.f32 v54, v52  }
0x3e4: {  	v55 =	vmul.f32 v39, v45;
	v37 =	vadd.f32 v57, v56;
	v59 =	vmul.f32 v34, v34  }
0x3e5: {  	v58 =	vshra.s32 v38, $0x1;
	v44 =	vmul.f32 $5.000000000e-01, v38  }
0x3e6: {  	v42 =	vmul.f32 v39, v55;
	v43 =	vsub.s32 $0x5F3759DF, v58;
	v37 =	vadd.f32 v59, v37  }
0x3e7: {  	v41 =	vmul.f32 v48, v41;
	v61 =	vmul.f32 v43, v44  }
0x3e8: {  	v42 =	vsub.f32 $1.500000000e+00, v42;
	v52 =	vshra.s32 v37, $0x1;
	v47 =	vmul.f32 $5.000000000e-01, v37  }
0x3e9: {  	v60 =	vmul.f32 v41, v53;
	v63 =	vmul.f32 v43, v61;
	v46 =	vsub.s32 $0x5F3759DF, v52  }
0x3ea: {  	v39 =	vmul.f32 v39, v42;
	v55 =	vmul.f32 v46, v47  }
0x3eb: {  	v62 =	vmul.f32 v60, v41;
	v42 =	vsub.f32 $1.500000000e+00, v63  }
0x3ec: {  	v54 =	vmul.f32 v39, v45;
	v57 =	vmul.f32 v46, v55  }
0x3ed: {  	v40 =	vsub.f32 $1.500000000e+00, v62;
	v42 =	vmul.f32 v43, v42  }
0x3ee: {  	v56 =	vmul.f32 v54, v39;
	v43 =	vsub.f32 $1.500000000e+00, v57  }
0x3ef: {  	v40 =	vmul.f32 v40, v41;
	v59 =	vmul.f32 v42, v44  }
0x3f0: {  	v41 =	vsub.f32 $1.500000000e+00, v56;
	v43 =	vmul.f32 v46, v43  }
0x3f1: {  	v58 =	vmul.f32 v40, v53;
	v61 =	vmul.f32 v59, v42  }
0x3f2: {  	v39 =	vmul.f32 v41, v39;
	v63 =	vmul.f32 v43, v47  }
0x3f3: {  	v60 =	vmul.f32 v58, v40;
	v62 =	vsub.f32 $1.500000000e+00, v61  }
0x3f4: {  	v45 =	vmul.f32 v39, v45;
	v52 =	vmul.f32 v63, v43  }
0x3f5: {  	v41 =	vsub.f32 $1.500000000e+00, v60;
	v42 =	vmul.f32 v62, v42  }
0x3f6: {  	[tilespmem:v11+s21+$0x0] =	vst.idx.msk $0xffff, v21;
	v51 =	vmul.f32 v45, v39;
	v55 =	vsub.f32 $1.500000000e+00, v52  }
0x3f7: {  	[tilespmem:v12+s21+$0x0] =	vst.idx.msk $0xffff, v20;
	v40 =	vmul.f32 v41, v40;
	v54 =	vmul.f32 v42, v44  }
0x3f8: {  	[tilespmem:v14+s21+$0x0] =	vst.idx.msk $0xffff, v23;
	v41 =	vsub.f32 $1.500000000e+00, v51;
	v57 =	vmul.f32 v55, v43  }
0x3f9: {  	[tilespmem:v13+s21+$0x0] =	vst.idx.msk $0xffff, v22;
	v53 =	vmul.f32 v40, v29;
	v59 =	vmul.f32 v54, v42  }
0x3fa: {  	[tilespmem:v15+s21+$0x0] =	vst.idx.msk $0xffff, v25;
	vm0 =	vgt.f32 v29, $0.0e+00;
	v56 =	vmul.f32 v41, v39;
	v61 =	vmul.f32 v57, v47  }
0x3fb: {  	[tilespmem:v16+s21+$0x0] =	vst.idx.msk $0xffff, v27;
	v58 =	vnsel vm0, $0x0, v53;
	v60 =	vsub.f32 $1.500000000e+00, v59  }
0x3fc: {  	[tilespmem:v11+s30+$0x0] =	vst.idx.msk $0xffff, v58;
	v11 =	vmul.f32 v56, v32;
	v62 =	vmul.f32 v61, v57  }
0x3fd: {  	vm13 =	vgt.f32 v32, $0.0e+00;
	[tilespmem:v17+s21+$0x0] =	vst.idx.msk $0xffff, v31;
	v12 =	vmul.f32 v60, v42  }
0x3fe: {  	[tilespmem:v18+s21+$0x0] =	vst.idx.msk $0xffff, v33;
	v11 =	vnsel vm13, $0x0, v11;
	v63 =	vsub.f32 $1.500000000e+00, v62  }
0x3ff: {  	[tilespmem:v14+s30+$0x0] =	vst.idx.msk $0xffff, v11;
	v11 =	vmul.f32 v12, v38  }
0x400: {  	p0 =	slt.u32 s5, $0x78;
	[tilespmem:v19+s21+$0x0] =	vst.idx.msk $0xffff, v30;
	vm14 =	vgt.f32 v38, $0.0e+00;
	v12 =	vmul.f32 v63, v57  }
.Ltmp12:
0x401: {  	[tilespmem:v24+s21+$0x0] =	vst.idx.msk $0xffff, v35;
	v11 =	vnsel vm14, $0x0, v11;
	(pc) =	sbr.rel @p0 .LBB2_27-.Ltmp12, $4  }
0x402: {  	[tilespmem:v17+s30+$0x0] =	vst.idx.msk $0xffff, v11;
	v11 =	vmul.f32 v12, v37  }
0x403: {  	[tilespmem:v26+s21+$0x0] =	vst.idx.msk $0xffff, v36;
	vm15 =	vgt.f32 v37, $0.0e+00  }
0x404: {  	[tilespmem:v28+s21+$0x0] =	vst.idx.msk $0xffff, v34;
	v11 =	vnsel vm15, $0x0, v11  }
0x405: {  	s17 =	smov.u32 s5;
	s6 =	sadd.s32 $0x40, s6;
	[tilespmem:v24+s30+$0x0] =	vst.idx.msk $0xffff, v11  }
0x406: {  	_ =	sdelay $0x3  }
0x407: {  	v11 =	vld.idx.msk [tilespmem:v10+s12+$0x0], $0xffff;
	_ =	sdelay $0x4  }
0x408: {  	v12 =	vld.idx.msk [tilespmem:v7+s12+$0x0], $0xffff;
	v11 =	vtrunc.f32 v11  }
0x409: {  	v13 =	vld.idx.msk [tilespmem:v8+s12+$0x0], $0xffff;
	v11 =	vcvt.f32.s32 v11  }
0x40a: {  	v14 =	vld.idx.msk [tilespmem:v9+s12+$0x0], $0xffff  }
0x40b: {  	v15 =	vld.idx.msk [tilespmem:v7+s20+$0x0], $0xffff;
	v11 =	vmul.u32 $0x9, v11  }
0x40c: {  	v16 =	vld.idx.msk [tilespmem:v8+s20+$0x0], $0xffff  }
0x40d: {  	v17 =	vld.idx.msk [tilespmem:v9+s20+$0x0], $0xffff;
	v18 =	vadd.s32 $0x3, v11  }
0x40e: {  	v19 =	vld.idx.msk [tilespmem:v4+s16+$0x0], $0xffff;
	v20 =	vadd.s32 $0x1, v11  }
0x40f: {  	v21 =	vld.idx.msk [tilespmem:v5+s16+$0x0], $0xffff;
	v22 =	vadd.s32 $0x6, v11  }
0x410: {  	v23 =	vld.idx.msk [tilespmem:v6+s16+$0x0], $0xffff;
	v26 =	vadd.s32 $0x2, v11  }
0x411: {  	v24 =	vadd.s32 $0x4, v11;
	v25 =	vld.idx.msk [tilespmem:v11+s25+$0x0], $0xffff  }
0x412: {  	v28 =	vadd.s32 $0x5, v11;
	v18 =	vld.idx.msk [tilespmem:v18+s25+$0x0], $0xffff  }
0x413: {  	v27 =	vadd.s32 $0x7, v11;
	v20 =	vld.idx.msk [tilespmem:v20+s25+$0x0], $0xffff  }
0x414: {  	v22 =	vld.idx.msk [tilespmem:v22+s25+$0x0], $0xffff  }
0x415: {  	v11 =	vadd.s32 $0x8, v11;
	v26 =	vld.idx.msk [tilespmem:v26+s25+$0x0], $0xffff  }
0x416: {  	v24 =	vld.idx.msk [tilespmem:v24+s25+$0x0], $0xffff  }
0x417: {  	v51 =	vld.idx.msk [tilespmem:v28+s25+$0x0], $0xffff  }
0x418: {  	v12 =	vsub.f32 v15, v12;
	v49 =	vld.idx.msk [tilespmem:v27+s25+$0x0], $0xffff  }
0x419: {  	v13 =	vsub.f32 v16, v13;
	v48 =	vmul.f32 v25, v19;
	v50 =	vmul.f32 v20, v19  }
0x41a: {  	v14 =	vsub.f32 v17, v14;
	v11 =	vld.idx.msk [tilespmem:v11+s25+$0x0], $0xffff;
	v52 =	vmul.f32 v18, v21;
	v54 =	vmul.f32 v26, v19  }
0x41b: {  	v53 =	vmul.f32 v24, v21;
	v12 =	vadd.f32 v48, v12;
	v13 =	vadd.f32 v50, v13  }
0x41c: {  	v55 =	vmul.f32 v22, v23;
	v57 =	vmul.f32 v51, v21;
	v14 =	vadd.f32 v54, v14  }
0x41d: {  	v56 =	vmul.f32 v49, v23;
	v12 =	vadd.f32 v52, v12;
	v13 =	vadd.f32 v53, v13  }
0x41e: {  	v14 =	vadd.f32 v57, v14  }
0x41f: {  	v11 =	vmul.f32 v11, v23;
	v12 =	vadd.f32 v55, v12;
	v13 =	vadd.f32 v56, v13;
	_ =	sdelay $0x1  }
0x420: {  	v11 =	vadd.f32 v11, v14;
	v58 =	vmul.f32 v12, v12;
	v59 =	vmul.f32 v13, v13;
	_ =	sdelay $0x1  }
0x421: {  	v60 =	vmul.f32 v11, v11;
	v14 =	vadd.f32 v59, v58;
	_ =	sdelay $0x1  }
0x422: {  	v14 =	vadd.f32 v60, v14;
	_ =	sdelay $0x1  }
0x423: {  	v15 =	vshra.s32 v14, $0x1;
	v61 =	vmul.f32 $5.000000000e-01, v14  }
0x424: {  	v15 =	vsub.s32 $0x5F3759DF, v15  }
0x425: {  	v62 =	vmul.f32 v15, v61;
	_ =	sdelay $0x1  }
0x426: {  	v17 =	vmul.f32 v15, v62;
	_ =	sdelay $0x1  }
0x427: {  	v17 =	vsub.f32 $1.500000000e+00, v17;
	_ =	sdelay $0x1  }
0x428: {  	v15 =	vmul.f32 v15, v17;
	_ =	sdelay $0x1  }
0x429: {  	v17 =	vmul.f32 v15, v61;
	_ =	sdelay $0x1  }
0x42a: {  	v17 =	vmul.f32 v17, v15;
	_ =	sdelay $0x1  }
0x42b: {  	v17 =	vsub.f32 $1.500000000e+00, v17;
	_ =	sdelay $0x1  }
0x42c: {  	v15 =	vmul.f32 v17, v15;
	_ =	sdelay $0x1  }
0x42d: {  	v16 =	vmul.f32 v15, v61;
	_ =	sdelay $0x1  }
0x42e: {  	v16 =	vmul.f32 v16, v15;
	_ =	sdelay $0x1  }
0x42f: {  	v16 =	vsub.f32 $1.500000000e+00, v16;
	_ =	sdelay $0x1  }
0x430: {  	v15 =	vmul.f32 v16, v15;
	_ =	sdelay $0x1  }
0x431: {  	s5 =	rddreg [dreg:$0x8];
	[tilespmem:v4+s21+$0x0] =	vst.idx.msk $0xffff, v12;
	v15 =	vmul.f32 v15, v14  }
0x432: {  	s5 =	sadd.s32 s13, s5;
	[tilespmem:v5+s21+$0x0] =	vst.idx.msk $0xffff, v13;
	vm0 =	vgt.f32 v14, $0.0e+00  }
0x433: {  	s6 =	rddreg [dreg:$0x7];
	s5 =	sshrl.u32 s5, $0x3;
	[tilespmem:v6+s21+$0x0] =	vst.idx.msk $0xffff, v11;
	v63 =	vnsel vm0, $0x0, v15  }
0x434: {  	s8 =	rddreg [dreg:$0xb];
	s6 =	sadd.s32 s6, s5;
	[tilespmem:v4+s30+$0x0] =	vst.idx.msk $0xffff, v63  }
0x435: {  	[hbm4b:s6+s3] =	stream.linear.scatter [tilespmem:s21], [sflag:$0x6], $0x7D0, $0x38;
	[tilespmem:$0x18730] =	vst v63  }
0x436: {  	s7 =	simm.s32 $0x16F30;
	s10 =	rddreg [dreg:$0xe];
	s6 =	sadd.s32 s8, s5  }
0x437: {  	[hbm4b:s6+s3] =	stream.linear.scatter [tilespmem:s7], [sflag:$0x6], $0x7D0, $0x38;
	[tilespmem:$0x18730] =	vst v63  }
0x438: {  	s6 =	sadd.s32 s13, s10  }
0x439: {  	s10 =	rddreg [dreg:$0xc];
	s14 =	smulhi.u32 $0x66666667, s6;
	s8 =	sshra.s32 s6, $0x1F  }
0x43a: {  	s17 =	simm.s32 $0x17700;
	s10 =	sadd.s32 s10, s5;
	s8 =	smul.u32 $0x66666667, s8  }
0x43b: {  	[hbm4b:s10+s3] =	stream.linear.scatter [tilespmem:s17], [sflag:$0x6], $0x7D0, $0x38;
	[tilespmem:$0x18730] =	vst v63  }
0x43c: {  	s7 =	sadd.s32 s8, s14  }
0x43d: {  	s8 =	sshrl.u32 s7, $0x1F;
	s7 =	sshra.s32 s7, $0x5  }
0x43e: {  	s7 =	sadd.s32 s8, s7  }
0x43f: {  	s8 =	smul.u32 $0xFFFFFFB0, s7  }
0x440: {  	s14 =	ssub.s32 $0x0, s6  }
0x441: {  	p1 =	slt.s32 s6, $0x0;
	p0 =	sne.s32 s8, s14  }
0x442: {  	p0 =	por !p1, !p0  }
0x443: {  	s8 =	simm.s32 $0x1;
	p0 =	por !p0, !p0  }
0x444: {  	s8 =	simm.s32 @!p0 $0x0  }
0x445: {  	s7 =	ssub.s32 s7, s8  }
0x446: {  	s5 =	sadd.s32 s15, s5;
	s7 =	smul.u32 $0x50, s7  }
0x447: {  	[hbm4b:s5+s3] =	stream.linear.scatter [tilespmem:s30], [sflag:$0x6], $0x7D0, $0x38;
	[tilespmem:$0x18730] =	vst v63  }
0x448: {  	s17 =	rddreg [dreg:$0x6];
	s14 =	smov.u32 s15;
	s15 =	sshrl.u32 s7, $0x3  }
0x449: {  	s13 =	simm.s32 $0xC350;
	s5 =	sadd.s32 s17, s15;
	s15 =	sadd.s32 $0x61A800, s7  }
0x44a: {  	[tilespmem:s13], [sflag:$0x4] =	stream.linear.gather [hbm4b:s5+s3], $0x7D0, $0x38;
	[tilespmem:$0x18730] =	vst v63  }
0x44b: {  	s11 =	sadd.s32 $0x1, s11;
	s5 =	sshrl.u32 s15, $0x3  }
0x44c: {  	s8 =	sshrl.u32 s6, $0x3;
	s5 =	sadd.s32 s17, s5;
	s17 =	simm.s32 $0xCB20  }
0x44d: {  	[tilespmem:s17], [sflag:$0x4] =	stream.linear.gather [hbm4b:s5+s3], $0x7D0, $0x38;
	[tilespmem:$0x18730] =	vst v63  }
0x44e: {  	p0 =	sne.s32 s11, $0x31;
	s6 =	sadd.s32 s9, s8  }
0x44f: {  	[tilespmem:s16], [sflag:$0x4] =	stream.linear.gather [hbm4b:s6+s3], $0x7D0, $0x38;
	[tilespmem:$0x18730] =	vst v63  }
.Ltmp13:
0x450: {  	s15 =	smov.u32 s9;
	s9 =	rddreg [dreg:$0x4];
	(pc) =	sbr.rel @p0 .LBB2_16-.Ltmp13, $4  }
0x451: {  	s10 =	simm.s32 $0x157C0;
	s13 =	rddreg [dreg:$0x5];
	s6 =	sadd.s32 s9, s8  }
0x452: {  	[tilespmem:s10], [sflag:$0x4] =	stream.linear.gather [hbm4b:s6+s3], $0x7D0, $0x38;
	[tilespmem:$0x18730] =	vst v63  }
0x453: {  	s5 =	sadd.s32 s13, s8;
	s17 =	simm.s32 $0x15F90  }
0x454: {  	[tilespmem:s17], [sflag:$0x4] =	stream.linear.gather [hbm4b:s5+s3], $0x7D0, $0x38;
	[tilespmem:$0x18730] =	vst v63  }
0x455: {  	_ =	swait.ge [sflag:s24], $0x280  }
0x456: {  	[sflag:s24] =	ssyncset.done $0x0  }
0x457: {  	[sflag:s24] =	ssyncadd.s32 $0xFFFFFD80  }
0x458: {  	_ =	swait.ge [sflag:s24], $0x280  }
0x459: {  	s5 =	simm.s32 $0x18;
	[sflag:s24] =	ssyncset.done $0x0  }
.LBB2_30:
0x45a: {  	p0 =	sne.s32 s5, $0x1;
	s5 =	sadd.s32 $0xFFFFFFFF, s5;
	[sflag:s24] =	ssyncadd.s32 $0xFFFFFD80  }
.Ltmp14:
0x45b: {  	_ =	swait.ge [sflag:s24], $0x280;
	(pc) =	sbr.rel @p0 .LBB2_30-.Ltmp14, $4  }
0x45c: {  	[sflag:s24] =	ssyncset.done $0x0  }
0x45d: {  	[sflag:s24] =	ssyncadd.s32 $0xFFFFFD80  }
0x45e: {  	_ =	swait.ge [sflag:s24], $0x280  }
0x45f: {  	[sflag:s24] =	ssyncset.done $0x0  }
0x460: {  	[sflag:s24] =	ssyncadd.s32 $0xFFFFFD80  }
0x461: {  	_ =	swait.ge [sflag:s18], $0x7D0  }
0x462: {  	[sflag:s18] =	ssyncset.done $0x0  }
0x463: {  	[sflag:s18] =	ssyncadd.s32 $0xFFFFF830  }
0x464: {  	_ =	swait.ge [sflag:s18], $0x7D0  }
0x465: {  	[sflag:s18] =	ssyncset.done $0x0  }
0x466: {  	[sflag:s18] =	ssyncadd.s32 $0xFFFFF830  }
0x467: {  	_ =	swait.ge [sflag:s18], $0x7D0  }
0x468: {  	[sflag:s18] =	ssyncset.done $0x0  }
0x469: {  	[sflag:s18] =	ssyncadd.s32 $0xFFFFF830  }
0x46a: {  	_ =	swait.ge [sflag:s18], $0x7D0  }
0x46b: {  	[sflag:s18] =	ssyncset.done $0x0  }
0x46c: {  	[sflag:s18] =	ssyncadd.s32 $0xFFFFF830  }
0x46d: {  	_ =	swait.ge [sflag:s18], $0x7D0  }
0x46e: {  	[sflag:s18] =	ssyncset.done $0x0  }
0x46f: {  	s5 =	simm.s32 $0xD2F0;
	s6 =	simm.s32 $0xC350;
	[sflag:s18] =	ssyncadd.s32 $0xFFFFF830  }
0x470: {  	[tilespmem:s5], [sflag:$0x5] =	stream.indirect.gather [hbm4b:s4+s23], $0x8, s6, s23, $0xb8;
	[tilespmem:$0x18730] =	vst v63  }
0x471: {  	s7 =	simm.s32 $0xCB20;
	s6 =	simm.s32 $0x11170  }
0x472: {  	[tilespmem:s6], [sflag:$0x5] =	stream.indirect.gather [hbm4b:s4+s23], $0x8, s7, s23, $0xb8;
	[tilespmem:$0x18730] =	vst v63  }
0x473: {  	s7 =	simm.s32 $0x140  }
.LBB2_32:
0x474: {  	p0 =	sne.s32 s7, $0x1E00  }
.Ltmp15:
0x475: {  	s8 =	sshra.s32 s7, $0x2;
	s7 =	sadd.s32 $0x140, s7;
	(pc) =	sbr.rel @p0 .LBB2_32-.Ltmp15, $4  }
0x476: {  	s5 =	sadd.s32 $0x280, s5;
	s10 =	sadd.s32 $0xC350, s8  }
0x477: {  	[tilespmem:s5], [sflag:$0x5] =	stream.indirect.gather [hbm4b:s4+s23], $0x8, s10, s23, $0xb8;
	[tilespmem:$0x18730] =	vst v63  }
0x478: {  	s6 =	sadd.s32 $0x280, s6;
	s8 =	sadd.s32 $0xCB20, s8  }
0x479: {  	[tilespmem:s6], [sflag:$0x5] =	stream.indirect.gather [hbm4b:s4+s23], $0x8, s8, s23, $0xb8;
	[tilespmem:$0x18730] =	vst v63  }
0x47a: {  	_ =	swait.ge [sflag:s0], $0x7D0  }
0x47b: {  	[sflag:s0] =	ssyncset.done $0x0  }
0x47c: {  	[sflag:s0] =	ssyncadd.s32 $0xFFFFF830  }
0x47d: {  	_ =	swait.ge [sflag:s0], $0x7D0  }
0x47e: {  	[sflag:s0] =	ssyncset.done $0x0  }
0x47f: {  	[sflag:s0] =	ssyncadd.s32 $0xFFFFF830  }
0x480: {  	_ =	swait.ge [sflag:s0], $0x7D0  }
0x481: {  	[sflag:s0] =	ssyncset.done $0x0  }
0x482: {  	[sflag:s0] =	ssyncadd.s32 $0xFFFFF830  }
0x483: {  	_ =	swait.ge [sflag:s0], $0x7D0  }
0x484: {  	[sflag:s0] =	ssyncset.done $0x0  }
0x485: {  	s5 =	simm.s32 $0xFFFFFFFC;
	s6 =	simm.s32 $0x30;
	[sflag:s0] =	ssyncadd.s32 $0xFFFFF830  }
.LBB2_34:
0x486: {  	s7 =	smul.u32 $0xCD, s5;
	_ =	sdelay $0x1  }
0x487: {  	s8 =	sadd.s32 $0x334, s7  }
0x488: {  	s8 =	sshrl.u32 s8, $0xA  }
0x489: {  	s10 =	smul.u32 $0x5, s8  }
0x48a: {  	s11 =	sadd.s32 $0x4, s5  }
0x48b: {  	s8 =	sand.u32 $0x3F, s8;
	s10 =	ssub.s32 s11, s10  }
0x48c: {  	v11 =	vmov s8;
	s10 =	sshll.u32 s10, $0x4  }
0x48d: {  	v11 =	vmul.u32 $0x280, v11;
	s8 =	sand.u32 $0xF0, s10  }
0x48e: {  	v12 =	vmov s8  }
0x48f: {  	v11 =	vbroadcast v11, $0x0;
	v12 =	vshll.u32 v12, $0x3  }
0x490: {  	v12 =	vor.u32 v1, v12  }
0x491: {  	v13 =	vadd.s32 v11, v12  }
0x492: {  	s13 =	sadd.s32 $0x401, s7  }
0x493: {  	s8 =	sshrl.u32 s13, $0xA;
	v11 =	vor.u32 $0x3, v13  }
0x494: {  	s17 =	smul.u32 $0x5, s8;
	v14 =	vor.u32 $0x1, v13  }
0x495: {  	v15 =	vor.u32 $0x2, v13  }
0x496: {  	s10 =	ssub.s32 s5, s17;
	v17 =	vld.idx.msk [tilespmem:v13+s19+$0x0], $0xffff  }
0x497: {  	s8 =	sand.u32 $0x3F, s8;
	s10 =	sshll.u32 s10, $0x4;
	v20 =	vld.idx.msk [tilespmem:v13+s31+$0x0], $0xffff  }
0x498: {  	v21 =	vmov s8;
	s9 =	sadd.s32 $0x50, s10;
	v11 =	vld.idx.msk [tilespmem:v11+s19+$0x0], $0xffff  }
0x499: {  	s13 =	sadd.s32 $0xFFFFFFD0, s6;
	v62 =	vmul.u32 $0x280, v21;
	s8 =	sand.u32 $0xF0, s9;
	v18 =	vld.idx.msk [tilespmem:v14+s19+$0x0], $0xffff  }
0x49a: {  	v12 =	vadd.s32 s13, v2;
	v23 =	vmov s8;
	v19 =	vld.idx.msk [tilespmem:v15+s19+$0x0], $0xffff  }
0x49b: {  	s17 =	sadd.s32 $0xFFFFFFE0, s6;
	v13 =	vadd.s32 s13, v3;
	v23 =	vshll.u32 v23, $0x3;
	v22 =	vld.idx.msk [tilespmem:v14+s31+$0x0], $0xffff;
	v14 =	vbroadcast v62, $0x0  }
0x49c: {  	v63 =	vld.idx.msk [tilespmem:v15+s31+$0x0], $0xffff;
	v23 =	vor.u32 v1, v23;
	v15 =	vadd.s32 s17, v2  }
0x49d: {  	v23 =	vadd.s32 v14, v23;
	_ =	sdelay $0x1  }
0x49e: {  	v26 =	vld.idx.msk [tilespmem:v12+s29+$0x0], $0xffff;
	v14 =	vor.u32 $0x3, v23  }
0x49f: {  	v35 =	vor.u32 $0x1, v23;
	v28 =	vld.idx.msk [tilespmem:v13+s29+$0x0], $0xffff  }
0x4a0: {  	v36 =	vor.u32 $0x2, v23;
	v11 =	vtrunc.f32 v11;
	v47 =	vld.idx.msk [tilespmem:v15+s29+$0x0], $0xffff  }
0x4a1: {  	v16 =	vcvt.f32.s32 v11;
	v38 =	vld.idx.msk [tilespmem:v23+s19+$0x0], $0xffff  }
0x4a2: {  	s10 =	sadd.s32 $0x4CE, s7;
	v23 =	vld.idx.msk [tilespmem:v23+s31+$0x0], $0xffff  }
0x4a3: {  	s8 =	sshrl.u32 s10, $0xA;
	v11 =	vor.u32 s13, v0;
	v16 =	vmul.u32 $0x9, v16;
	v14 =	vld.idx.msk [tilespmem:v14+s19+$0x0], $0xffff  }
0x4a4: {  	s13 =	smul.u32 $0x5, s8;
	v39 =	vld.idx.msk [tilespmem:v35+s19+$0x0], $0xffff  }
0x4a5: {  	v41 =	vld.idx.msk [tilespmem:v36+s19+$0x0], $0xffff;
	v53 =	vadd.s32 $0x3, v16  }
0x4a6: {  	s10 =	ssub.s32 s5, s13;
	v35 =	vld.idx.msk [tilespmem:v35+s31+$0x0], $0xffff;
	v25 =	vadd.s32 $0x6, v16  }
0x4a7: {  	s8 =	sand.u32 $0x3F, s8;
	v36 =	vld.idx.msk [tilespmem:v36+s31+$0x0], $0xffff;
	s10 =	sshll.u32 s10, $0x4;
	v27 =	vadd.s32 $0x1, v16  }
0x4a8: {  	v42 =	vmov s8;
	v29 =	vadd.s32 $0x4, v16;
	s9 =	sadd.s32 $0x60, s10;
	v24 =	vld.idx.msk [tilespmem:v11+s29+$0x0], $0xffff  }
0x4a9: {  	v42 =	vmul.u32 $0x280, v42;
	v54 =	vadd.s32 $0x7, v16;
	s8 =	sand.u32 $0xF0, s9;
	v30 =	vld.idx.msk [tilespmem:v16+s25+$0x0], $0xffff  }
0x4aa: {  	v32 =	vadd.s32 $0x2, v16;
	v44 =	vmov s8;
	v31 =	vld.idx.msk [tilespmem:v53+s25+$0x0], $0xffff  }
0x4ab: {  	v33 =	vadd.s32 $0x5, v16;
	v42 =	vbroadcast v42, $0x0;
	v44 =	vshll.u32 v44, $0x3;
	v25 =	vld.idx.msk [tilespmem:v25+s25+$0x0], $0xffff  }
0x4ac: {  	v14 =	vtrunc.f32 v14;
	v16 =	vadd.s32 $0x8, v16;
	v44 =	vor.u32 v1, v44;
	v27 =	vld.idx.msk [tilespmem:v27+s25+$0x0], $0xffff  }
0x4ad: {  	v40 =	vcvt.f32.s32 v14;
	v14 =	vor.u32 s17, v0;
	v29 =	vld.idx.msk [tilespmem:v29+s25+$0x0], $0xffff;
	v42 =	vadd.s32 v42, v44  }
0x4ae: {  	v34 =	vld.idx.msk [tilespmem:v54+s25+$0x0], $0xffff;
	v44 =	vor.u32 $0x3, v42  }
0x4af: {  	v19 =	vsub.f32 v63, v19;
	v32 =	vld.idx.msk [tilespmem:v32+s25+$0x0], $0xffff;
	v63 =	vor.u32 $0x1, v42  }
0x4b0: {  	v33 =	vld.idx.msk [tilespmem:v33+s25+$0x0], $0xffff;
	v40 =	vmul.u32 $0x9, v40;
	v52 =	vor.u32 $0x2, v42  }
0x4b1: {  	v37 =	vld.idx.msk [tilespmem:v16+s25+$0x0], $0xffff  }
0x4b2: {  	v43 =	vadd.s32 $0x3, v40;
	v45 =	vld.idx.msk [tilespmem:v14+s29+$0x0], $0xffff  }
0x4b3: {  	v46 =	vadd.s32 $0x6, v40;
	v61 =	vld.idx.msk [tilespmem:v44+s19+$0x0], $0xffff  }
0x4b4: {  	v23 =	vsub.f32 v23, v38;
	v48 =	vadd.s32 $0x1, v40;
	v38 =	vld.idx.msk [tilespmem:v63+s31+$0x0], $0xffff  }
0x4b5: {  	v50 =	vadd.s32 $0x4, v40;
	v44 =	vld.idx.msk [tilespmem:v52+s31+$0x0], $0xffff  }
0x4b6: {  	v51 =	vadd.s32 $0x7, v40;
	v55 =	vmul.f32 v30, v24;
	v30 =	vld.idx.msk [tilespmem:v40+s25+$0x0], $0xffff  }
0x4b7: {  	v57 =	vadd.s32 $0x2, v40;
	v43 =	vld.idx.msk [tilespmem:v43+s25+$0x0], $0xffff  }
0x4b8: {  	v17 =	vsub.f32 v20, v17;
	v59 =	vadd.s32 $0x5, v40;
	v56 =	vmul.f32 v31, v26;
	v31 =	vld.idx.msk [tilespmem:v46+s25+$0x0], $0xffff  }
0x4b9: {  	v18 =	vsub.f32 v22, v18;
	v16 =	vadd.s32 s17, v3;
	v58 =	vmul.f32 v27, v24;
	v27 =	vld.idx.msk [tilespmem:v48+s25+$0x0], $0xffff  }
0x4ba: {  	s7 =	sadd.s32 $0x59B, s7;
	v35 =	vsub.f32 v35, v39;
	v60 =	vmul.f32 v29, v26;
	v62 =	vmul.f32 v32, v24;
	v50 =	vld.idx.msk [tilespmem:v50+s25+$0x0], $0xffff  }
0x4bb: {  	s7 =	sshrl.u32 s7, $0xA;
	v25 =	vmul.f32 v25, v28;
	v53 =	vmul.f32 v34, v28;
	v17 =	vadd.f32 v55, v17;
	v24 =	vld.idx.msk [tilespmem:v51+s25+$0x0], $0xffff  }
0x4bc: {  	s10 =	smul.u32 $0x5, s7;
	s7 =	sand.u32 $0x3F, s7;
	v26 =	vmul.f32 v33, v26;
	v18 =	vadd.f32 v58, v18;
	v19 =	vadd.f32 v62, v19;
	v32 =	vld.idx.msk [tilespmem:v57+s25+$0x0], $0xffff  }
0x4bd: {  	v40 =	vadd.s32 $0x8, v40;
	v17 =	vadd.f32 v56, v17;
	v33 =	vld.idx.msk [tilespmem:v59+s25+$0x0], $0xffff;
	v56 =	vmov s7  }
0x4be: {  	s13 =	ssub.s32 s5, s10;
	s17 =	sadd.s32 $0xFFFFFFF0, s6;
	v49 =	vld.idx.msk [tilespmem:v16+s29+$0x0], $0xffff;
	v18 =	vadd.f32 v60, v18;
	v54 =	vadd.f32 v26, v19;
	v55 =	vtrunc.f32 v61  }
0x4bf: {  	s5 =	sshll.u32 s13, $0x4;
	v26 =	vld.idx.msk [tilespmem:v42+s19+$0x0], $0xffff;
	v21 =	vadd.f32 v25, v17;
	v17 =	vor.u32 s17, v0;
	v22 =	vcvt.f32.s32 v55  }
0x4c0: {  	s5 =	sadd.s32 $0x70, s5;
	v28 =	vmul.f32 v37, v28;
	v37 =	vld.idx.msk [tilespmem:v52+s19+$0x0], $0xffff;
	v57 =	vmul.u32 $0x280, v56;
	v19 =	vadd.s32 s17, v3  }
0x4c1: {  	s5 =	sand.u32 $0xF0, s5;
	v42 =	vld.idx.msk [tilespmem:v42+s31+$0x0], $0xffff;
	v20 =	vadd.f32 v53, v18;
	v18 =	vadd.s32 s17, v2;
	v48 =	vmul.u32 $0x9, v22  }
0x4c2: {  	v58 =	vmov s5;
	v59 =	vbroadcast v57, $0x0;
	v34 =	vld.idx.msk [tilespmem:v40+s25+$0x0], $0xffff;
	v30 =	vmul.f32 v30, v45  }
0x4c3: {  	v40 =	vld.idx.msk [tilespmem:v63+s19+$0x0], $0xffff;
	v52 =	vmul.f32 v21, v21;
	v22 =	vshll.u32 v58, $0x3;
	v46 =	vadd.s32 $0x3, v48  }
0x4c4: {  	v60 =	vor.u32 v1, v22;
	v22 =	vadd.f32 v28, v54;
	v28 =	vld.idx.msk [tilespmem:v17+s29+$0x0], $0xffff;
	v61 =	vadd.s32 $0x6, v48  }
0x4c5: {  	v62 =	vmul.f32 v43, v47;
	v54 =	vld.idx.msk [tilespmem:v19+s29+$0x0], $0xffff;
	v51 =	vadd.s32 v59, v60;
	v55 =	vadd.s32 $0x1, v48  }
0x4c6: {  	v53 =	vmul.f32 v20, v20;
	v23 =	vadd.f32 v30, v23;
	v30 =	vld.idx.msk [tilespmem:v18+s29+$0x0], $0xffff;
	v43 =	vor.u32 $0x3, v51  }
0x4c7: {  	v27 =	vmul.f32 v27, v45;
	v63 =	vmul.f32 v31, v49;
	v56 =	vadd.s32 $0x4, v48;
	v31 =	vld.idx.msk [tilespmem:v48+s25+$0x0], $0xffff  }
0x4c8: {  	v52 =	vadd.f32 v53, v52;
	v60 =	vadd.s32 $0x7, v48;
	v39 =	vld.idx.msk [tilespmem:v46+s25+$0x0], $0xffff  }
0x4c9: {  	v23 =	vadd.f32 v62, v23;
	v62 =	vadd.f32 v27, v35;
	v35 =	vadd.s32 $0x5, v48;
	v53 =	vld.idx.msk [tilespmem:v61+s25+$0x0], $0xffff  }
0x4ca: {  	v36 =	vsub.f32 v36, v41;
	v32 =	vmul.f32 v32, v45;
	v45 =	vadd.s32 $0x8, v48;
	v41 =	vld.idx.msk [tilespmem:v55+s25+$0x0], $0xffff  }
0x4cb: {  	v61 =	vadd.s32 $0x2, v48;
	v43 =	vld.idx.msk [tilespmem:v43+s19+$0x0], $0xffff  }
0x4cc: {  	v59 =	vor.u32 $0x1, v51;
	v23 =	vadd.f32 v63, v23;
	v63 =	vmul.f32 v50, v47;
	v50 =	vld.idx.msk [tilespmem:v56+s25+$0x0], $0xffff  }
0x4cd: {  	v58 =	vmul.f32 v33, v47;
	v33 =	vld.idx.msk [tilespmem:v60+s25+$0x0], $0xffff  }
0x4ce: {  	v25 =	vadd.f32 v63, v62;
	v62 =	vor.u32 $0x2, v51;
	v35 =	vld.idx.msk [tilespmem:v35+s25+$0x0], $0xffff  }
0x4cf: {  	v24 =	vmul.f32 v24, v49;
	v42 =	vsub.f32 v42, v26;
	v48 =	vmul.f32 v22, v22;
	v45 =	vld.idx.msk [tilespmem:v45+s25+$0x0], $0xffff  }
0x4d0: {  	v26 =	vadd.s32 s6, v2;
	v60 =	vmul.f32 v34, v49;
	v61 =	vld.idx.msk [tilespmem:v61+s25+$0x0], $0xffff;
	v49 =	vtrunc.f32 v43  }
0x4d1: {  	v37 =	vsub.f32 v44, v37;
	v57 =	vadd.f32 v32, v36;
	v36 =	vld.idx.msk [tilespmem:v59+s31+$0x0], $0xffff;
	v56 =	vcvt.f32.s32 v49  }
0x4d2: {  	v25 =	vadd.f32 v24, v25;
	v24 =	vor.u32 s6, v0;
	v29 =	vadd.f32 v48, v52;
	v48 =	vld.idx.msk [tilespmem:v51+s19+$0x0], $0xffff  }
0x4d3: {  	v27 =	vadd.f32 v58, v57;
	v63 =	vmul.f32 v23, v23;
	v52 =	vld.idx.msk [tilespmem:v62+s19+$0x0], $0xffff;
	v47 =	vmul.u32 $0x9, v56  }
0x4d4: {  	v38 =	vsub.f32 v38, v40;
	v55 =	vmul.f32 v25, v25;
	v31 =	vmul.f32 v31, v28;
	v46 =	vld.idx.msk [tilespmem:v62+s31+$0x0], $0xffff  }
0x4d5: {  	v57 =	vmul.f32 v41, v28;
	v41 =	vld.idx.msk [tilespmem:v51+s31+$0x0], $0xffff;
	v34 =	vmul.f32 v61, v28;
	v28 =	vadd.s32 s6, v3  }
0x4d6: {  	v27 =	vadd.f32 v60, v27;
	v32 =	vadd.f32 v55, v63;
	v43 =	vld.idx.msk [tilespmem:v59+s19+$0x0], $0xffff;
	v58 =	vadd.s32 $0x3, v47  }
0x4d7: {  	v39 =	vmul.f32 v39, v30;
	v59 =	vmul.f32 v50, v30;
	v44 =	vld.idx.msk [tilespmem:v24+s29+$0x0], $0xffff;
	v60 =	vadd.s32 $0x1, v47  }
0x4d8: {  	v30 =	vmul.f32 v35, v30;
	v63 =	vadd.s32 $0x6, v47;
	v34 =	vadd.f32 v34, v37;
	v37 =	vld.idx.msk [tilespmem:v26+s29+$0x0], $0xffff  }
0x4d9: {  	v38 =	vadd.f32 v57, v38;
	v40 =	vadd.s32 $0x4, v47;
	v62 =	vld.idx.msk [tilespmem:v47+s25+$0x0], $0xffff  }
0x4da: {  	v31 =	vadd.f32 v31, v42;
	v57 =	vadd.s32 $0x2, v47;
	v30 =	vadd.f32 v30, v34;
	v34 =	vld.idx.msk [tilespmem:v28+s29+$0x0], $0xffff  }
0x4db: {  	v49 =	vmul.f32 v27, v27;
	v38 =	vadd.f32 v59, v38;
	v59 =	vadd.s32 $0x7, v47;
	v56 =	vld.idx.msk [tilespmem:v58+s25+$0x0], $0xffff  }
0x4dc: {  	v31 =	vadd.f32 v39, v31;
	v61 =	vmul.f32 v53, v54;
	v58 =	vld.idx.msk [tilespmem:v60+s25+$0x0], $0xffff;
	v60 =	vadd.s32 $0x5, v47  }
0x4dd: {  	v33 =	vmul.f32 v33, v54;
	v45 =	vmul.f32 v45, v54;
	v32 =	vadd.f32 v49, v32;
	v63 =	vld.idx.msk [tilespmem:v63+s25+$0x0], $0xffff  }
0x4de: {  	v41 =	vsub.f32 v41, v48;
	v31 =	vadd.f32 v61, v31;
	v40 =	vld.idx.msk [tilespmem:v40+s25+$0x0], $0xffff;
	v47 =	vadd.s32 $0x8, v47  }
0x4df: {  	v53 =	vmul.f32 $5.000000000e-01, v29;
	v33 =	vadd.f32 v33, v38;
	v61 =	vshra.s32 v29, $0x1;
	v42 =	vld.idx.msk [tilespmem:v57+s25+$0x0], $0xffff  }
0x4e0: {  	v48 =	vsub.s32 $0x5F3759DF, v61;
	v61 =	vmul.f32 v31, v31;
	v49 =	vld.idx.msk [tilespmem:v59+s25+$0x0], $0xffff;
	v30 =	vadd.f32 v45, v30  }
0x4e1: {  	v36 =	vsub.f32 v36, v43;
	v45 =	vmul.f32 $5.000000000e-01, v32;
	v62 =	vmul.f32 v62, v44;
	v38 =	vld.idx.msk [tilespmem:v60+s25+$0x0], $0xffff  }
0x4e2: {  	v59 =	vsub.f32 v46, v52;
	v54 =	vmul.f32 v30, v30;
	v39 =	vmul.f32 v58, v44  }
0x4e3: {  	v35 =	vmul.f32 v56, v37;
	v56 =	vmul.f32 v48, v53;
	v60 =	vld.idx.msk [tilespmem:v47+s25+$0x0], $0xffff;
	v41 =	vadd.f32 v62, v41  }
0x4e4: {  	v40 =	vmul.f32 v40, v37;
	v42 =	vmul.f32 v42, v44;
	v36 =	vadd.f32 v39, v36  }
0x4e5: {  	v63 =	vmul.f32 v63, v34;
	v49 =	vmul.f32 v49, v34;
	v35 =	vadd.f32 v35, v41  }
0x4e6: {  	v42 =	vadd.f32 v42, v59;
	v36 =	vadd.f32 v40, v36;
	v37 =	vmul.f32 v38, v37  }
0x4e7: {  	v62 =	vmul.f32 v33, v33;
	v57 =	vmul.f32 v48, v56;
	v35 =	vadd.f32 v63, v35  }
0x4e8: {  	v34 =	vmul.f32 v60, v34;
	v36 =	vadd.f32 v49, v36;
	v37 =	vadd.f32 v37, v42  }
0x4e9: {  	v58 =	vshra.s32 v32, $0x1;
	v52 =	vadd.f32 v62, v61;
	v41 =	vsub.f32 $1.500000000e+00, v57  }
0x4ea: {  	v56 =	vmul.f32 v35, v35;
	v57 =	vmul.f32 v36, v36;
	v34 =	vadd.f32 v34, v37  }
0x4eb: {  	v39 =	vsub.s32 $0x5F3759DF, v58;
	v38 =	vadd.f32 v54, v52  }
0x4ec: {  	v55 =	vmul.f32 v39, v45;
	v37 =	vadd.f32 v57, v56;
	v59 =	vmul.f32 v34, v34  }
0x4ed: {  	v58 =	vshra.s32 v38, $0x1;
	v44 =	vmul.f32 $5.000000000e-01, v38  }
0x4ee: {  	v42 =	vmul.f32 v39, v55;
	v43 =	vsub.s32 $0x5F3759DF, v58;
	v37 =	vadd.f32 v59, v37  }
0x4ef: {  	v41 =	vmul.f32 v48, v41;
	v61 =	vmul.f32 v43, v44  }
0x4f0: {  	v42 =	vsub.f32 $1.500000000e+00, v42;
	v52 =	vshra.s32 v37, $0x1;
	v47 =	vmul.f32 $5.000000000e-01, v37  }
0x4f1: {  	v60 =	vmul.f32 v41, v53;
	v63 =	vmul.f32 v43, v61;
	v46 =	vsub.s32 $0x5F3759DF, v52  }
0x4f2: {  	v39 =	vmul.f32 v39, v42;
	v55 =	vmul.f32 v46, v47  }
0x4f3: {  	v62 =	vmul.f32 v60, v41;
	v42 =	vsub.f32 $1.500000000e+00, v63  }
0x4f4: {  	v54 =	vmul.f32 v39, v45;
	v57 =	vmul.f32 v46, v55  }
0x4f5: {  	v40 =	vsub.f32 $1.500000000e+00, v62;
	v42 =	vmul.f32 v43, v42  }
0x4f6: {  	v56 =	vmul.f32 v54, v39;
	v43 =	vsub.f32 $1.500000000e+00, v57  }
0x4f7: {  	v40 =	vmul.f32 v40, v41;
	v59 =	vmul.f32 v42, v44  }
0x4f8: {  	v41 =	vsub.f32 $1.500000000e+00, v56;
	v43 =	vmul.f32 v46, v43  }
0x4f9: {  	v58 =	vmul.f32 v40, v53;
	v61 =	vmul.f32 v59, v42  }
0x4fa: {  	v39 =	vmul.f32 v41, v39;
	v63 =	vmul.f32 v43, v47  }
0x4fb: {  	v60 =	vmul.f32 v58, v40;
	v62 =	vsub.f32 $1.500000000e+00, v61  }
0x4fc: {  	v45 =	vmul.f32 v39, v45;
	v52 =	vmul.f32 v63, v43  }
0x4fd: {  	v41 =	vsub.f32 $1.500000000e+00, v60;
	v42 =	vmul.f32 v62, v42  }
0x4fe: {  	[tilespmem:v11+s26+$0x0] =	vst.idx.msk $0xffff, v21;
	v51 =	vmul.f32 v45, v39;
	v55 =	vsub.f32 $1.500000000e+00, v52  }
0x4ff: {  	[tilespmem:v12+s26+$0x0] =	vst.idx.msk $0xffff, v20;
	v40 =	vmul.f32 v41, v40;
	v54 =	vmul.f32 v42, v44  }
0x500: {  	[tilespmem:v13+s26+$0x0] =	vst.idx.msk $0xffff, v22;
	v41 =	vsub.f32 $1.500000000e+00, v51;
	v57 =	vmul.f32 v55, v43  }
0x501: {  	[tilespmem:v14+s26+$0x0] =	vst.idx.msk $0xffff, v23;
	v53 =	vmul.f32 v40, v29;
	v59 =	vmul.f32 v54, v42  }
0x502: {  	[tilespmem:v15+s26+$0x0] =	vst.idx.msk $0xffff, v25;
	vm0 =	vgt.f32 v29, $0.0e+00;
	v56 =	vmul.f32 v41, v39;
	v61 =	vmul.f32 v57, v47  }
0x503: {  	[tilespmem:v16+s26+$0x0] =	vst.idx.msk $0xffff, v27;
	v58 =	vnsel vm0, $0x0, v53;
	v60 =	vsub.f32 $1.500000000e+00, v59  }
0x504: {  	[tilespmem:v11+s28+$0x0] =	vst.idx.msk $0xffff, v58;
	v11 =	vmul.f32 v56, v32;
	v62 =	vmul.f32 v61, v57  }
0x505: {  	vm13 =	vgt.f32 v32, $0.0e+00;
	[tilespmem:v17+s26+$0x0] =	vst.idx.msk $0xffff, v31;
	v12 =	vmul.f32 v60, v42  }
0x506: {  	[tilespmem:v18+s26+$0x0] =	vst.idx.msk $0xffff, v33;
	v11 =	vnsel vm13, $0x0, v11;
	v63 =	vsub.f32 $1.500000000e+00, v62  }
0x507: {  	[tilespmem:v14+s28+$0x0] =	vst.idx.msk $0xffff, v11;
	v11 =	vmul.f32 v12, v38  }
0x508: {  	p0 =	slt.u32 s11, $0x78;
	[tilespmem:v19+s26+$0x0] =	vst.idx.msk $0xffff, v30;
	vm14 =	vgt.f32 v38, $0.0e+00;
	v12 =	vmul.f32 v63, v57  }
.Ltmp16:
0x509: {  	[tilespmem:v24+s26+$0x0] =	vst.idx.msk $0xffff, v35;
	v11 =	vnsel vm14, $0x0, v11;
	(pc) =	sbr.rel @p0 .LBB2_34-.Ltmp16, $4  }
0x50a: {  	[tilespmem:v17+s28+$0x0] =	vst.idx.msk $0xffff, v11;
	v11 =	vmul.f32 v12, v37  }
0x50b: {  	[tilespmem:v26+s26+$0x0] =	vst.idx.msk $0xffff, v36;
	vm15 =	vgt.f32 v37, $0.0e+00  }
0x50c: {  	[tilespmem:v28+s26+$0x0] =	vst.idx.msk $0xffff, v34;
	v11 =	vnsel vm15, $0x0, v11  }
0x50d: {  	s5 =	smov.u32 s11;
	s6 =	sadd.s32 $0x40, s6;
	[tilespmem:v24+s28+$0x0] =	vst.idx.msk $0xffff, v11  }
0x50e: {  	_ =	sdelay $0x3  }
0x50f: {  	v11 =	vld.idx.msk [tilespmem:v10+s19+$0x0], $0xffff;
	_ =	sdelay $0x4  }
0x510: {  	v12 =	vld.idx.msk [tilespmem:v7+s19+$0x0], $0xffff;
	v11 =	vtrunc.f32 v11  }
0x511: {  	v13 =	vld.idx.msk [tilespmem:v8+s19+$0x0], $0xffff;
	v11 =	vcvt.f32.s32 v11  }
0x512: {  	v14 =	vld.idx.msk [tilespmem:v9+s19+$0x0], $0xffff  }
0x513: {  	v15 =	vld.idx.msk [tilespmem:v7+s31+$0x0], $0xffff;
	v11 =	vmul.u32 $0x9, v11  }
0x514: {  	v16 =	vld.idx.msk [tilespmem:v8+s31+$0x0], $0xffff  }
0x515: {  	v17 =	vld.idx.msk [tilespmem:v9+s31+$0x0], $0xffff;
	v18 =	vadd.s32 $0x3, v11  }
0x516: {  	v19 =	vld.idx.msk [tilespmem:v4+s29+$0x0], $0xffff;
	v20 =	vadd.s32 $0x1, v11  }
0x517: {  	v21 =	vld.idx.msk [tilespmem:v5+s29+$0x0], $0xffff;
	v22 =	vadd.s32 $0x6, v11  }
0x518: {  	v23 =	vld.idx.msk [tilespmem:v6+s29+$0x0], $0xffff;
	v26 =	vadd.s32 $0x2, v11  }
0x519: {  	v24 =	vadd.s32 $0x4, v11;
	v25 =	vld.idx.msk [tilespmem:v11+s25+$0x0], $0xffff  }
0x51a: {  	v28 =	vadd.s32 $0x5, v11;
	v18 =	vld.idx.msk [tilespmem:v18+s25+$0x0], $0xffff  }
0x51b: {  	v27 =	vadd.s32 $0x7, v11;
	v20 =	vld.idx.msk [tilespmem:v20+s25+$0x0], $0xffff  }
0x51c: {  	v22 =	vld.idx.msk [tilespmem:v22+s25+$0x0], $0xffff  }
0x51d: {  	v11 =	vadd.s32 $0x8, v11;
	v26 =	vld.idx.msk [tilespmem:v26+s25+$0x0], $0xffff  }
0x51e: {  	v24 =	vld.idx.msk [tilespmem:v24+s25+$0x0], $0xffff  }
0x51f: {  	v51 =	vld.idx.msk [tilespmem:v28+s25+$0x0], $0xffff  }
0x520: {  	v12 =	vsub.f32 v15, v12;
	v49 =	vld.idx.msk [tilespmem:v27+s25+$0x0], $0xffff  }
0x521: {  	v13 =	vsub.f32 v16, v13;
	v48 =	vmul.f32 v25, v19;
	v50 =	vmul.f32 v20, v19  }
0x522: {  	v14 =	vsub.f32 v17, v14;
	v11 =	vld.idx.msk [tilespmem:v11+s25+$0x0], $0xffff;
	v52 =	vmul.f32 v18, v21;
	v54 =	vmul.f32 v26, v19  }
0x523: {  	v53 =	vmul.f32 v24, v21;
	v12 =	vadd.f32 v48, v12;
	v13 =	vadd.f32 v50, v13  }
0x524: {  	v55 =	vmul.f32 v22, v23;
	v57 =	vmul.f32 v51, v21;
	v14 =	vadd.f32 v54, v14  }
0x525: {  	v56 =	vmul.f32 v49, v23;
	v12 =	vadd.f32 v52, v12;
	v13 =	vadd.f32 v53, v13  }
0x526: {  	v14 =	vadd.f32 v57, v14  }
0x527: {  	v11 =	vmul.f32 v11, v23;
	v12 =	vadd.f32 v55, v12;
	v13 =	vadd.f32 v56, v13;
	_ =	sdelay $0x1  }
0x528: {  	v11 =	vadd.f32 v11, v14;
	v58 =	vmul.f32 v12, v12;
	v59 =	vmul.f32 v13, v13;
	_ =	sdelay $0x1  }
0x529: {  	v60 =	vmul.f32 v11, v11;
	v14 =	vadd.f32 v59, v58;
	_ =	sdelay $0x1  }
0x52a: {  	v14 =	vadd.f32 v60, v14;
	_ =	sdelay $0x1  }
0x52b: {  	v15 =	vshra.s32 v14, $0x1;
	v61 =	vmul.f32 $5.000000000e-01, v14  }
0x52c: {  	v15 =	vsub.s32 $0x5F3759DF, v15  }
0x52d: {  	v62 =	vmul.f32 v15, v61;
	_ =	sdelay $0x1  }
0x52e: {  	v17 =	vmul.f32 v15, v62;
	_ =	sdelay $0x1  }
0x52f: {  	v17 =	vsub.f32 $1.500000000e+00, v17;
	_ =	sdelay $0x1  }
0x530: {  	v15 =	vmul.f32 v15, v17;
	_ =	sdelay $0x1  }
0x531: {  	v17 =	vmul.f32 v15, v61;
	_ =	sdelay $0x1  }
0x532: {  	v17 =	vmul.f32 v17, v15;
	_ =	sdelay $0x1  }
0x533: {  	v17 =	vsub.f32 $1.500000000e+00, v17;
	_ =	sdelay $0x1  }
0x534: {  	v15 =	vmul.f32 v17, v15;
	_ =	sdelay $0x1  }
0x535: {  	v16 =	vmul.f32 v15, v61;
	_ =	sdelay $0x1  }
0x536: {  	v16 =	vmul.f32 v16, v15;
	_ =	sdelay $0x1  }
0x537: {  	v16 =	vsub.f32 $1.500000000e+00, v16;
	_ =	sdelay $0x1  }
0x538: {  	v15 =	vmul.f32 v16, v15;
	_ =	sdelay $0x1  }
0x539: {  	[tilespmem:v4+s26+$0x0] =	vst.idx.msk $0xffff, v12;
	v15 =	vmul.f32 v15, v14  }
0x53a: {  	[tilespmem:v5+s26+$0x0] =	vst.idx.msk $0xffff, v13;
	vm0 =	vgt.f32 v14, $0.0e+00  }
0x53b: {  	s5 =	rddreg [dreg:$0x1f];
	[tilespmem:v6+s26+$0x0] =	vst.idx.msk $0xffff, v11;
	v63 =	vnsel vm0, $0x0, v15  }
0x53c: {  	s10 =	sld [smem:$0x7EB];
	[tilespmem:v4+s28+$0x0] =	vst.idx.msk $0xffff, v63  }
0x53d: {  	[hbm4b:s5+s3] =	stream.linear.scatter [tilespmem:s26], [sflag:$0x3], $0x7D0, $0x38;
	[tilespmem:$0x18730] =	vst v63  }
0x53e: {  	s6 =	simm.s32 $0xABE0;
	s11 =	sld [smem:$0x7EC]  }
0x53f: {  	[hbm4b:s10+s3] =	stream.linear.scatter [tilespmem:s6], [sflag:$0x3], $0x7D0, $0x38;
	[tilespmem:$0x18730] =	vst v63  }
0x540: {  	s13 =	simm.s32 $0xB3B0;
	s17 =	sld [smem:$0x7ED]  }
0x541: {  	[hbm4b:s11+s3] =	stream.linear.scatter [tilespmem:s13], [sflag:$0x3], $0x7D0, $0x38;
	[tilespmem:$0x18730] =	vst v63  }
0x542: {  	_ = 	snop  }
0x543: {  	[hbm4b:s17+s3] =	stream.linear.scatter [tilespmem:s28], [sflag:$0x3], $0x7D0, $0x38;
	[tilespmem:$0x18730] =	vst v63  }
0x544: {  	_ =	swait.ge [sflag:s1], $0x280  }
0x545: {  	[sflag:s1] =	ssyncset.done $0x0  }
0x546: {  	[sflag:s1] =	ssyncadd.s32 $0xFFFFFD80  }
0x547: {  	_ =	swait.ge [sflag:s1], $0x280  }
0x548: {  	s5 =	simm.s32 $0x18;
	[sflag:s1] =	ssyncset.done $0x0  }
.LBB2_36:
0x549: {  	p0 =	sne.s32 s5, $0x1;
	s5 =	sadd.s32 $0xFFFFFFFF, s5;
	[sflag:s1] =	ssyncadd.s32 $0xFFFFFD80  }
.Ltmp17:
0x54a: {  	_ =	swait.ge [sflag:s1], $0x280;
	(pc) =	sbr.rel @p0 .LBB2_36-.Ltmp17, $4  }
0x54b: {  	[sflag:s1] =	ssyncset.done $0x0  }
0x54c: {  	[sflag:s1] =	ssyncadd.s32 $0xFFFFFD80  }
0x54d: {  	_ =	swait.ge [sflag:s1], $0x280  }
0x54e: {  	[sflag:s1] =	ssyncset.done $0x0  }
0x54f: {  	[sflag:s1] =	ssyncadd.s32 $0xFFFFFD80  }
0x550: {  	_ =	swait.ge [sflag:s2], $0x7D0  }
0x551: {  	[sflag:s2] =	ssyncset.done $0x0  }
0x552: {  	[sflag:s2] =	ssyncadd.s32 $0xFFFFF830  }
0x553: {  	_ =	swait.ge [sflag:s2], $0x7D0  }
0x554: {  	[sflag:s2] =	ssyncset.done $0x0  }
0x555: {  	[sflag:s2] =	ssyncadd.s32 $0xFFFFF830  }
0x556: {  	_ =	swait.ge [sflag:s2], $0x7D0  }
0x557: {  	[sflag:s2] =	ssyncset.done $0x0  }
0x558: {  	[sflag:s2] =	ssyncadd.s32 $0xFFFFF830  }
0x559: {  	_ =	swait.ge [sflag:s2], $0x7D0  }
0x55a: {  	[sflag:s2] =	ssyncset.done $0x0  }
0x55b: {  	s5 =	simm.s32 $0xFFFFFFFC;
	s6 =	simm.s32 $0x30;
	[sflag:s2] =	ssyncadd.s32 $0xFFFFF830  }
.LBB2_38:
0x55c: {  	s7 =	smul.u32 $0xCD, s5;
	_ =	sdelay $0x1  }
0x55d: {  	s8 =	sadd.s32 $0x334, s7  }
0x55e: {  	s8 =	sshrl.u32 s8, $0xA  }
0x55f: {  	s10 =	smul.u32 $0x5, s8  }
0x560: {  	s11 =	sadd.s32 $0x4, s5  }
0x561: {  	s8 =	sand.u32 $0x3F, s8;
	s10 =	ssub.s32 s11, s10  }
0x562: {  	v11 =	vmov s8;
	s10 =	sshll.u32 s10, $0x4  }
0x563: {  	v11 =	vmul.u32 $0x280, v11;
	s8 =	sand.u32 $0xF0, s10  }
0x564: {  	v12 =	vmov s8  }
0x565: {  	v11 =	vbroadcast v11, $0x0;
	v12 =	vshll.u32 v12, $0x3  }
0x566: {  	v12 =	vor.u32 v1, v12  }
0x567: {  	v13 =	vadd.s32 v11, v12  }
0x568: {  	s13 =	sadd.s32 $0x401, s7  }
0x569: {  	s8 =	sshrl.u32 s13, $0xA;
	v11 =	vor.u32 $0x3, v13  }
0x56a: {  	s17 =	smul.u32 $0x5, s8;
	v14 =	vor.u32 $0x1, v13  }
0x56b: {  	v15 =	vor.u32 $0x2, v13  }
0x56c: {  	s10 =	ssub.s32 s5, s17;
	v17 =	vld.idx.msk [tilespmem:v13+s12+$0x0], $0xffff  }
0x56d: {  	s8 =	sand.u32 $0x3F, s8;
	s10 =	sshll.u32 s10, $0x4;
	v20 =	vld.idx.msk [tilespmem:v13+s20+$0x0], $0xffff  }
0x56e: {  	v21 =	vmov s8;
	s9 =	sadd.s32 $0x50, s10;
	v11 =	vld.idx.msk [tilespmem:v11+s12+$0x0], $0xffff  }
0x56f: {  	s13 =	sadd.s32 $0xFFFFFFD0, s6;
	v62 =	vmul.u32 $0x280, v21;
	s8 =	sand.u32 $0xF0, s9;
	v18 =	vld.idx.msk [tilespmem:v14+s12+$0x0], $0xffff  }
0x570: {  	v12 =	vadd.s32 s13, v2;
	v23 =	vmov s8;
	v19 =	vld.idx.msk [tilespmem:v15+s12+$0x0], $0xffff  }
0x571: {  	s17 =	sadd.s32 $0xFFFFFFE0, s6;
	v13 =	vadd.s32 s13, v3;
	v23 =	vshll.u32 v23, $0x3;
	v22 =	vld.idx.msk [tilespmem:v14+s20+$0x0], $0xffff;
	v14 =	vbroadcast v62, $0x0  }
0x572: {  	v63 =	vld.idx.msk [tilespmem:v15+s20+$0x0], $0xffff;
	v23 =	vor.u32 v1, v23;
	v15 =	vadd.s32 s17, v2  }
0x573: {  	v23 =	vadd.s32 v14, v23;
	_ =	sdelay $0x1  }
0x574: {  	v26 =	vld.idx.msk [tilespmem:v12+s16+$0x0], $0xffff;
	v14 =	vor.u32 $0x3, v23  }
0x575: {  	v35 =	vor.u32 $0x1, v23;
	v28 =	vld.idx.msk [tilespmem:v13+s16+$0x0], $0xffff  }
0x576: {  	v36 =	vor.u32 $0x2, v23;
	v11 =	vtrunc.f32 v11;
	v47 =	vld.idx.msk [tilespmem:v15+s16+$0x0], $0xffff  }
0x577: {  	v16 =	vcvt.f32.s32 v11;
	v38 =	vld.idx.msk [tilespmem:v23+s12+$0x0], $0xffff  }
0x578: {  	s10 =	sadd.s32 $0x4CE, s7;
	v23 =	vld.idx.msk [tilespmem:v23+s20+$0x0], $0xffff  }
0x579: {  	s8 =	sshrl.u32 s10, $0xA;
	v11 =	vor.u32 s13, v0;
	v16 =	vmul.u32 $0x9, v16;
	v14 =	vld.idx.msk [tilespmem:v14+s12+$0x0], $0xffff  }
0x57a: {  	s13 =	smul.u32 $0x5, s8;
	v39 =	vld.idx.msk [tilespmem:v35+s12+$0x0], $0xffff  }
0x57b: {  	v41 =	vld.idx.msk [tilespmem:v36+s12+$0x0], $0xffff;
	v53 =	vadd.s32 $0x3, v16  }
0x57c: {  	s10 =	ssub.s32 s5, s13;
	v35 =	vld.idx.msk [tilespmem:v35+s20+$0x0], $0xffff;
	v25 =	vadd.s32 $0x6, v16  }
0x57d: {  	s8 =	sand.u32 $0x3F, s8;
	v36 =	vld.idx.msk [tilespmem:v36+s20+$0x0], $0xffff;
	s10 =	sshll.u32 s10, $0x4;
	v27 =	vadd.s32 $0x1, v16  }
0x57e: {  	v42 =	vmov s8;
	v29 =	vadd.s32 $0x4, v16;
	s9 =	sadd.s32 $0x60, s10;
	v24 =	vld.idx.msk [tilespmem:v11+s16+$0x0], $0xffff  }
0x57f: {  	v42 =	vmul.u32 $0x280, v42;
	v54 =	vadd.s32 $0x7, v16;
	s8 =	sand.u32 $0xF0, s9;
	v30 =	vld.idx.msk [tilespmem:v16+s25+$0x0], $0xffff  }
0x580: {  	v32 =	vadd.s32 $0x2, v16;
	v44 =	vmov s8;
	v31 =	vld.idx.msk [tilespmem:v53+s25+$0x0], $0xffff  }
0x581: {  	v33 =	vadd.s32 $0x5, v16;
	v42 =	vbroadcast v42, $0x0;
	v44 =	vshll.u32 v44, $0x3;
	v25 =	vld.idx.msk [tilespmem:v25+s25+$0x0], $0xffff  }
0x582: {  	v14 =	vtrunc.f32 v14;
	v16 =	vadd.s32 $0x8, v16;
	v44 =	vor.u32 v1, v44;
	v27 =	vld.idx.msk [tilespmem:v27+s25+$0x0], $0xffff  }
0x583: {  	v40 =	vcvt.f32.s32 v14;
	v14 =	vor.u32 s17, v0;
	v29 =	vld.idx.msk [tilespmem:v29+s25+$0x0], $0xffff;
	v42 =	vadd.s32 v42, v44  }
0x584: {  	v34 =	vld.idx.msk [tilespmem:v54+s25+$0x0], $0xffff;
	v44 =	vor.u32 $0x3, v42  }
0x585: {  	v19 =	vsub.f32 v63, v19;
	v32 =	vld.idx.msk [tilespmem:v32+s25+$0x0], $0xffff;
	v63 =	vor.u32 $0x1, v42  }
0x586: {  	v33 =	vld.idx.msk [tilespmem:v33+s25+$0x0], $0xffff;
	v40 =	vmul.u32 $0x9, v40;
	v52 =	vor.u32 $0x2, v42  }
0x587: {  	v37 =	vld.idx.msk [tilespmem:v16+s25+$0x0], $0xffff  }
0x588: {  	v43 =	vadd.s32 $0x3, v40;
	v45 =	vld.idx.msk [tilespmem:v14+s16+$0x0], $0xffff  }
0x589: {  	v46 =	vadd.s32 $0x6, v40;
	v61 =	vld.idx.msk [tilespmem:v44+s12+$0x0], $0xffff  }
0x58a: {  	v23 =	vsub.f32 v23, v38;
	v48 =	vadd.s32 $0x1, v40;
	v38 =	vld.idx.msk [tilespmem:v63+s20+$0x0], $0xffff  }
0x58b: {  	v50 =	vadd.s32 $0x4, v40;
	v44 =	vld.idx.msk [tilespmem:v52+s20+$0x0], $0xffff  }
0x58c: {  	v51 =	vadd.s32 $0x7, v40;
	v55 =	vmul.f32 v30, v24;
	v30 =	vld.idx.msk [tilespmem:v40+s25+$0x0], $0xffff  }
0x58d: {  	v57 =	vadd.s32 $0x2, v40;
	v43 =	vld.idx.msk [tilespmem:v43+s25+$0x0], $0xffff  }
0x58e: {  	v17 =	vsub.f32 v20, v17;
	v59 =	vadd.s32 $0x5, v40;
	v56 =	vmul.f32 v31, v26;
	v31 =	vld.idx.msk [tilespmem:v46+s25+$0x0], $0xffff  }
0x58f: {  	v18 =	vsub.f32 v22, v18;
	v16 =	vadd.s32 s17, v3;
	v58 =	vmul.f32 v27, v24;
	v27 =	vld.idx.msk [tilespmem:v48+s25+$0x0], $0xffff  }
0x590: {  	s7 =	sadd.s32 $0x59B, s7;
	v35 =	vsub.f32 v35, v39;
	v60 =	vmul.f32 v29, v26;
	v62 =	vmul.f32 v32, v24;
	v50 =	vld.idx.msk [tilespmem:v50+s25+$0x0], $0xffff  }
0x591: {  	s7 =	sshrl.u32 s7, $0xA;
	v25 =	vmul.f32 v25, v28;
	v53 =	vmul.f32 v34, v28;
	v17 =	vadd.f32 v55, v17;
	v24 =	vld.idx.msk [tilespmem:v51+s25+$0x0], $0xffff  }
0x592: {  	s10 =	smul.u32 $0x5, s7;
	s7 =	sand.u32 $0x3F, s7;
	v26 =	vmul.f32 v33, v26;
	v18 =	vadd.f32 v58, v18;
	v19 =	vadd.f32 v62, v19;
	v32 =	vld.idx.msk [tilespmem:v57+s25+$0x0], $0xffff  }
0x593: {  	v40 =	vadd.s32 $0x8, v40;
	v17 =	vadd.f32 v56, v17;
	v33 =	vld.idx.msk [tilespmem:v59+s25+$0x0], $0xffff;
	v56 =	vmov s7  }
0x594: {  	s13 =	ssub.s32 s5, s10;
	s17 =	sadd.s32 $0xFFFFFFF0, s6;
	v49 =	vld.idx.msk [tilespmem:v16+s16+$0x0], $0xffff;
	v18 =	vadd.f32 v60, v18;
	v54 =	vadd.f32 v26, v19;
	v55 =	vtrunc.f32 v61  }
0x595: {  	s5 =	sshll.u32 s13, $0x4;
	v26 =	vld.idx.msk [tilespmem:v42+s12+$0x0], $0xffff;
	v21 =	vadd.f32 v25, v17;
	v17 =	vor.u32 s17, v0;
	v22 =	vcvt.f32.s32 v55  }
0x596: {  	s5 =	sadd.s32 $0x70, s5;
	v28 =	vmul.f32 v37, v28;
	v37 =	vld.idx.msk [tilespmem:v52+s12+$0x0], $0xffff;
	v57 =	vmul.u32 $0x280, v56;
	v19 =	vadd.s32 s17, v3  }
0x597: {  	s5 =	sand.u32 $0xF0, s5;
	v42 =	vld.idx.msk [tilespmem:v42+s20+$0x0], $0xffff;
	v20 =	vadd.f32 v53, v18;
	v18 =	vadd.s32 s17, v2;
	v48 =	vmul.u32 $0x9, v22  }
0x598: {  	v58 =	vmov s5;
	v59 =	vbroadcast v57, $0x0;
	v34 =	vld.idx.msk [tilespmem:v40+s25+$0x0], $0xffff;
	v30 =	vmul.f32 v30, v45  }
0x599: {  	v40 =	vld.idx.msk [tilespmem:v63+s12+$0x0], $0xffff;
	v52 =	vmul.f32 v21, v21;
	v22 =	vshll.u32 v58, $0x3;
	v46 =	vadd.s32 $0x3, v48  }
0x59a: {  	v60 =	vor.u32 v1, v22;
	v22 =	vadd.f32 v28, v54;
	v28 =	vld.idx.msk [tilespmem:v17+s16+$0x0], $0xffff;
	v61 =	vadd.s32 $0x6, v48  }
0x59b: {  	v62 =	vmul.f32 v43, v47;
	v54 =	vld.idx.msk [tilespmem:v19+s16+$0x0], $0xffff;
	v51 =	vadd.s32 v59, v60;
	v55 =	vadd.s32 $0x1, v48  }
0x59c: {  	v53 =	vmul.f32 v20, v20;
	v23 =	vadd.f32 v30, v23;
	v30 =	vld.idx.msk [tilespmem:v18+s16+$0x0], $0xffff;
	v43 =	vor.u32 $0x3, v51  }
0x59d: {  	v27 =	vmul.f32 v27, v45;
	v63 =	vmul.f32 v31, v49;
	v56 =	vadd.s32 $0x4, v48;
	v31 =	vld.idx.msk [tilespmem:v48+s25+$0x0], $0xffff  }
0x59e: {  	v52 =	vadd.f32 v53, v52;
	v60 =	vadd.s32 $0x7, v48;
	v39 =	vld.idx.msk [tilespmem:v46+s25+$0x0], $0xffff  }
0x59f: {  	v23 =	vadd.f32 v62, v23;
	v62 =	vadd.f32 v27, v35;
	v35 =	vadd.s32 $0x5, v48;
	v53 =	vld.idx.msk [tilespmem:v61+s25+$0x0], $0xffff  }
0x5a0: {  	v36 =	vsub.f32 v36, v41;
	v32 =	vmul.f32 v32, v45;
	v45 =	vadd.s32 $0x8, v48;
	v41 =	vld.idx.msk [tilespmem:v55+s25+$0x0], $0xffff  }
0x5a1: {  	v61 =	vadd.s32 $0x2, v48;
	v43 =	vld.idx.msk [tilespmem:v43+s12+$0x0], $0xffff  }
0x5a2: {  	v59 =	vor.u32 $0x1, v51;
	v23 =	vadd.f32 v63, v23;
	v63 =	vmul.f32 v50, v47;
	v50 =	vld.idx.msk [tilespmem:v56+s25+$0x0], $0xffff  }
0x5a3: {  	v58 =	vmul.f32 v33, v47;
	v33 =	vld.idx.msk [tilespmem:v60+s25+$0x0], $0xffff  }
0x5a4: {  	v25 =	vadd.f32 v63, v62;
	v62 =	vor.u32 $0x2, v51;
	v35 =	vld.idx.msk [tilespmem:v35+s25+$0x0], $0xffff  }
0x5a5: {  	v24 =	vmul.f32 v24, v49;
	v42 =	vsub.f32 v42, v26;
	v48 =	vmul.f32 v22, v22;
	v45 =	vld.idx.msk [tilespmem:v45+s25+$0x0], $0xffff  }
0x5a6: {  	v26 =	vadd.s32 s6, v2;
	v60 =	vmul.f32 v34, v49;
	v61 =	vld.idx.msk [tilespmem:v61+s25+$0x0], $0xffff;
	v49 =	vtrunc.f32 v43  }
0x5a7: {  	v37 =	vsub.f32 v44, v37;
	v57 =	vadd.f32 v32, v36;
	v36 =	vld.idx.msk [tilespmem:v59+s20+$0x0], $0xffff;
	v56 =	vcvt.f32.s32 v49  }
0x5a8: {  	v25 =	vadd.f32 v24, v25;
	v24 =	vor.u32 s6, v0;
	v29 =	vadd.f32 v48, v52;
	v48 =	vld.idx.msk [tilespmem:v51+s12+$0x0], $0xffff  }
0x5a9: {  	v27 =	vadd.f32 v58, v57;
	v63 =	vmul.f32 v23, v23;
	v52 =	vld.idx.msk [tilespmem:v62+s12+$0x0], $0xffff;
	v47 =	vmul.u32 $0x9, v56  }
0x5aa: {  	v38 =	vsub.f32 v38, v40;
	v55 =	vmul.f32 v25, v25;
	v31 =	vmul.f32 v31, v28;
	v46 =	vld.idx.msk [tilespmem:v62+s20+$0x0], $0xffff  }
0x5ab: {  	v57 =	vmul.f32 v41, v28;
	v41 =	vld.idx.msk [tilespmem:v51+s20+$0x0], $0xffff;
	v34 =	vmul.f32 v61, v28;
	v28 =	vadd.s32 s6, v3  }
0x5ac: {  	v27 =	vadd.f32 v60, v27;
	v32 =	vadd.f32 v55, v63;
	v43 =	vld.idx.msk [tilespmem:v59+s12+$0x0], $0xffff;
	v58 =	vadd.s32 $0x3, v47  }
0x5ad: {  	v39 =	vmul.f32 v39, v30;
	v59 =	vmul.f32 v50, v30;
	v44 =	vld.idx.msk [tilespmem:v24+s16+$0x0], $0xffff;
	v60 =	vadd.s32 $0x1, v47  }
0x5ae: {  	v30 =	vmul.f32 v35, v30;
	v63 =	vadd.s32 $0x6, v47;
	v34 =	vadd.f32 v34, v37;
	v37 =	vld.idx.msk [tilespmem:v26+s16+$0x0], $0xffff  }
0x5af: {  	v38 =	vadd.f32 v57, v38;
	v40 =	vadd.s32 $0x4, v47;
	v62 =	vld.idx.msk [tilespmem:v47+s25+$0x0], $0xffff  }
0x5b0: {  	v31 =	vadd.f32 v31, v42;
	v57 =	vadd.s32 $0x2, v47;
	v30 =	vadd.f32 v30, v34;
	v34 =	vld.idx.msk [tilespmem:v28+s16+$0x0], $0xffff  }
0x5b1: {  	v49 =	vmul.f32 v27, v27;
	v38 =	vadd.f32 v59, v38;
	v59 =	vadd.s32 $0x7, v47;
	v56 =	vld.idx.msk [tilespmem:v58+s25+$0x0], $0xffff  }
0x5b2: {  	v31 =	vadd.f32 v39, v31;
	v61 =	vmul.f32 v53, v54;
	v58 =	vld.idx.msk [tilespmem:v60+s25+$0x0], $0xffff;
	v60 =	vadd.s32 $0x5, v47  }
0x5b3: {  	v33 =	vmul.f32 v33, v54;
	v45 =	vmul.f32 v45, v54;
	v32 =	vadd.f32 v49, v32;
	v63 =	vld.idx.msk [tilespmem:v63+s25+$0x0], $0xffff  }
0x5b4: {  	v41 =	vsub.f32 v41, v48;
	v31 =	vadd.f32 v61, v31;
	v40 =	vld.idx.msk [tilespmem:v40+s25+$0x0], $0xffff;
	v47 =	vadd.s32 $0x8, v47  }
0x5b5: {  	v53 =	vmul.f32 $5.000000000e-01, v29;
	v33 =	vadd.f32 v33, v38;
	v61 =	vshra.s32 v29, $0x1;
	v42 =	vld.idx.msk [tilespmem:v57+s25+$0x0], $0xffff  }
0x5b6: {  	v48 =	vsub.s32 $0x5F3759DF, v61;
	v61 =	vmul.f32 v31, v31;
	v49 =	vld.idx.msk [tilespmem:v59+s25+$0x0], $0xffff;
	v30 =	vadd.f32 v45, v30  }
0x5b7: {  	v36 =	vsub.f32 v36, v43;
	v45 =	vmul.f32 $5.000000000e-01, v32;
	v62 =	vmul.f32 v62, v44;
	v38 =	vld.idx.msk [tilespmem:v60+s25+$0x0], $0xffff  }
0x5b8: {  	v59 =	vsub.f32 v46, v52;
	v54 =	vmul.f32 v30, v30;
	v39 =	vmul.f32 v58, v44  }
0x5b9: {  	v35 =	vmul.f32 v56, v37;
	v56 =	vmul.f32 v48, v53;
	v60 =	vld.idx.msk [tilespmem:v47+s25+$0x0], $0xffff;
	v41 =	vadd.f32 v62, v41  }
0x5ba: {  	v40 =	vmul.f32 v40, v37;
	v42 =	vmul.f32 v42, v44;
	v36 =	vadd.f32 v39, v36  }
0x5bb: {  	v63 =	vmul.f32 v63, v34;
	v49 =	vmul.f32 v49, v34;
	v35 =	vadd.f32 v35, v41  }
0x5bc: {  	v42 =	vadd.f32 v42, v59;
	v36 =	vadd.f32 v40, v36;
	v37 =	vmul.f32 v38, v37  }
0x5bd: {  	v62 =	vmul.f32 v33, v33;
	v57 =	vmul.f32 v48, v56;
	v35 =	vadd.f32 v63, v35  }
0x5be: {  	v34 =	vmul.f32 v60, v34;
	v36 =	vadd.f32 v49, v36;
	v37 =	vadd.f32 v37, v42  }
0x5bf: {  	v58 =	vshra.s32 v32, $0x1;
	v52 =	vadd.f32 v62, v61;
	v41 =	vsub.f32 $1.500000000e+00, v57  }
0x5c0: {  	v56 =	vmul.f32 v35, v35;
	v57 =	vmul.f32 v36, v36;
	v34 =	vadd.f32 v34, v37  }
0x5c1: {  	v39 =	vsub.s32 $0x5F3759DF, v58;
	v38 =	vadd.f32 v54, v52  }
0x5c2: {  	v55 =	vmul.f32 v39, v45;
	v37 =	vadd.f32 v57, v56;
	v59 =	vmul.f32 v34, v34  }
0x5c3: {  	v58 =	vshra.s32 v38, $0x1;
	v44 =	vmul.f32 $5.000000000e-01, v38  }
0x5c4: {  	v42 =	vmul.f32 v39, v55;
	v43 =	vsub.s32 $0x5F3759DF, v58;
	v37 =	vadd.f32 v59, v37  }
0x5c5: {  	v41 =	vmul.f32 v48, v41;
	v61 =	vmul.f32 v43, v44  }
0x5c6: {  	v42 =	vsub.f32 $1.500000000e+00, v42;
	v52 =	vshra.s32 v37, $0x1;
	v47 =	vmul.f32 $5.000000000e-01, v37  }
0x5c7: {  	v60 =	vmul.f32 v41, v53;
	v63 =	vmul.f32 v43, v61;
	v46 =	vsub.s32 $0x5F3759DF, v52  }
0x5c8: {  	v39 =	vmul.f32 v39, v42;
	v55 =	vmul.f32 v46, v47  }
0x5c9: {  	v62 =	vmul.f32 v60, v41;
	v42 =	vsub.f32 $1.500000000e+00, v63  }
0x5ca: {  	v54 =	vmul.f32 v39, v45;
	v57 =	vmul.f32 v46, v55  }
0x5cb: {  	v40 =	vsub.f32 $1.500000000e+00, v62;
	v42 =	vmul.f32 v43, v42  }
0x5cc: {  	v56 =	vmul.f32 v54, v39;
	v43 =	vsub.f32 $1.500000000e+00, v57  }
0x5cd: {  	v40 =	vmul.f32 v40, v41;
	v59 =	vmul.f32 v42, v44  }
0x5ce: {  	v41 =	vsub.f32 $1.500000000e+00, v56;
	v43 =	vmul.f32 v46, v43  }
0x5cf: {  	v58 =	vmul.f32 v40, v53;
	v61 =	vmul.f32 v59, v42  }
0x5d0: {  	v39 =	vmul.f32 v41, v39;
	v63 =	vmul.f32 v43, v47  }
0x5d1: {  	v60 =	vmul.f32 v58, v40;
	v62 =	vsub.f32 $1.500000000e+00, v61  }
0x5d2: {  	v45 =	vmul.f32 v39, v45;
	v52 =	vmul.f32 v63, v43  }
0x5d3: {  	v41 =	vsub.f32 $1.500000000e+00, v60;
	v42 =	vmul.f32 v62, v42  }
0x5d4: {  	[tilespmem:v11+s21+$0x0] =	vst.idx.msk $0xffff, v21;
	v51 =	vmul.f32 v45, v39;
	v55 =	vsub.f32 $1.500000000e+00, v52  }
0x5d5: {  	[tilespmem:v12+s21+$0x0] =	vst.idx.msk $0xffff, v20;
	v40 =	vmul.f32 v41, v40;
	v54 =	vmul.f32 v42, v44  }
0x5d6: {  	[tilespmem:v13+s21+$0x0] =	vst.idx.msk $0xffff, v22;
	v41 =	vsub.f32 $1.500000000e+00, v51;
	v57 =	vmul.f32 v55, v43  }
0x5d7: {  	[tilespmem:v14+s21+$0x0] =	vst.idx.msk $0xffff, v23;
	v53 =	vmul.f32 v40, v29;
	v59 =	vmul.f32 v54, v42  }
0x5d8: {  	[tilespmem:v15+s21+$0x0] =	vst.idx.msk $0xffff, v25;
	vm0 =	vgt.f32 v29, $0.0e+00;
	v56 =	vmul.f32 v41, v39;
	v61 =	vmul.f32 v57, v47  }
0x5d9: {  	[tilespmem:v16+s21+$0x0] =	vst.idx.msk $0xffff, v27;
	v58 =	vnsel vm0, $0x0, v53;
	v60 =	vsub.f32 $1.500000000e+00, v59  }
0x5da: {  	[tilespmem:v11+s30+$0x0] =	vst.idx.msk $0xffff, v58;
	v11 =	vmul.f32 v56, v32;
	v62 =	vmul.f32 v61, v57  }
0x5db: {  	vm13 =	vgt.f32 v32, $0.0e+00;
	[tilespmem:v17+s21+$0x0] =	vst.idx.msk $0xffff, v31;
	v12 =	vmul.f32 v60, v42  }
0x5dc: {  	[tilespmem:v18+s21+$0x0] =	vst.idx.msk $0xffff, v33;
	v11 =	vnsel vm13, $0x0, v11;
	v63 =	vsub.f32 $1.500000000e+00, v62  }
0x5dd: {  	[tilespmem:v14+s30+$0x0] =	vst.idx.msk $0xffff, v11;
	v11 =	vmul.f32 v12, v38  }
0x5de: {  	p0 =	slt.u32 s11, $0x78;
	[tilespmem:v19+s21+$0x0] =	vst.idx.msk $0xffff, v30;
	vm14 =	vgt.f32 v38, $0.0e+00;
	v12 =	vmul.f32 v63, v57  }
.Ltmp18:
0x5df: {  	[tilespmem:v24+s21+$0x0] =	vst.idx.msk $0xffff, v35;
	v11 =	vnsel vm14, $0x0, v11;
	(pc) =	sbr.rel @p0 .LBB2_38-.Ltmp18, $4  }
0x5e0: {  	[tilespmem:v17+s30+$0x0] =	vst.idx.msk $0xffff, v11;
	v11 =	vmul.f32 v12, v37  }
0x5e1: {  	[tilespmem:v26+s21+$0x0] =	vst.idx.msk $0xffff, v36;
	vm15 =	vgt.f32 v37, $0.0e+00  }
0x5e2: {  	[tilespmem:v28+s21+$0x0] =	vst.idx.msk $0xffff, v34;
	v11 =	vnsel vm15, $0x0, v11  }
0x5e3: {  	s5 =	smov.u32 s11;
	s6 =	sadd.s32 $0x40, s6;
	[tilespmem:v24+s30+$0x0] =	vst.idx.msk $0xffff, v11  }
0x5e4: {  	_ =	sdelay $0x3  }
0x5e5: {  	v10 =	vld.idx.msk [tilespmem:v10+s12+$0x0], $0xffff;
	_ =	sdelay $0x4  }
0x5e6: {  	v11 =	vld.idx.msk [tilespmem:v7+s12+$0x0], $0xffff;
	v10 =	vtrunc.f32 v10  }
0x5e7: {  	v12 =	vld.idx.msk [tilespmem:v8+s12+$0x0], $0xffff;
	v10 =	vcvt.f32.s32 v10  }
0x5e8: {  	v13 =	vld.idx.msk [tilespmem:v9+s12+$0x0], $0xffff  }
0x5e9: {  	v46 =	vld.idx.msk [tilespmem:v7+s20+$0x0], $0xffff;
	v10 =	vmul.u32 $0x9, v10  }
0x5ea: {  	v47 =	vld.idx.msk [tilespmem:v8+s20+$0x0], $0xffff  }
0x5eb: {  	v48 =	vld.idx.msk [tilespmem:v9+s20+$0x0], $0xffff;
	v14 =	vadd.s32 $0x3, v10  }
0x5ec: {  	v15 =	vld.idx.msk [tilespmem:v4+s16+$0x0], $0xffff;
	v16 =	vadd.s32 $0x1, v10  }
0x5ed: {  	v17 =	vld.idx.msk [tilespmem:v5+s16+$0x0], $0xffff;
	v18 =	vadd.s32 $0x6, v10  }
0x5ee: {  	v19 =	vld.idx.msk [tilespmem:v6+s16+$0x0], $0xffff;
	v22 =	vadd.s32 $0x2, v10  }
0x5ef: {  	v20 =	vadd.s32 $0x4, v10;
	v21 =	vld.idx.msk [tilespmem:v10+s25+$0x0], $0xffff  }
0x5f0: {  	v24 =	vadd.s32 $0x5, v10;
	v14 =	vld.idx.msk [tilespmem:v14+s25+$0x0], $0xffff  }
0x5f1: {  	v23 =	vadd.s32 $0x7, v10;
	v16 =	vld.idx.msk [tilespmem:v16+s25+$0x0], $0xffff  }
0x5f2: {  	v18 =	vld.idx.msk [tilespmem:v18+s25+$0x0], $0xffff  }
0x5f3: {  	v10 =	vadd.s32 $0x8, v10;
	v22 =	vld.idx.msk [tilespmem:v22+s25+$0x0], $0xffff  }
0x5f4: {  	v20 =	vld.idx.msk [tilespmem:v20+s25+$0x0], $0xffff  }
0x5f5: {  	v52 =	vld.idx.msk [tilespmem:v24+s25+$0x0], $0xffff  }
0x5f6: {  	v7 =	vsub.f32 v46, v11;
	v50 =	vld.idx.msk [tilespmem:v23+s25+$0x0], $0xffff  }
0x5f7: {  	v8 =	vsub.f32 v47, v12;
	v49 =	vmul.f32 v21, v15;
	v51 =	vmul.f32 v16, v15  }
0x5f8: {  	v9 =	vsub.f32 v48, v13;
	v10 =	vld.idx.msk [tilespmem:v10+s25+$0x0], $0xffff;
	v53 =	vmul.f32 v14, v17;
	v55 =	vmul.f32 v22, v15  }
0x5f9: {  	v54 =	vmul.f32 v20, v17;
	v7 =	vadd.f32 v49, v7;
	v8 =	vadd.f32 v51, v8  }
0x5fa: {  	v56 =	vmul.f32 v18, v19;
	v58 =	vmul.f32 v52, v17;
	v9 =	vadd.f32 v55, v9  }
0x5fb: {  	v57 =	vmul.f32 v50, v19;
	v7 =	vadd.f32 v53, v7;
	v8 =	vadd.f32 v54, v8  }
0x5fc: {  	v9 =	vadd.f32 v58, v9  }
0x5fd: {  	v10 =	vmul.f32 v10, v19;
	v7 =	vadd.f32 v56, v7;
	v8 =	vadd.f32 v57, v8;
	_ =	sdelay $0x1  }
0x5fe: {  	v9 =	vadd.f32 v10, v9;
	v59 =	vmul.f32 v7, v7;
	v60 =	vmul.f32 v8, v8;
	_ =	sdelay $0x1  }
0x5ff: {  	v61 =	vmul.f32 v9, v9;
	v10 =	vadd.f32 v60, v59;
	_ =	sdelay $0x1  }
0x600: {  	v10 =	vadd.f32 v61, v10;
	_ =	sdelay $0x1  }
0x601: {  	v11 =	vshra.s32 v10, $0x1;
	v62 =	vmul.f32 $5.000000000e-01, v10  }
0x602: {  	v11 =	vsub.s32 $0x5F3759DF, v11  }
0x603: {  	v63 =	vmul.f32 v11, v62;
	_ =	sdelay $0x1  }
0x604: {  	v13 =	vmul.f32 v11, v63;
	_ =	sdelay $0x1  }
0x605: {  	v13 =	vsub.f32 $1.500000000e+00, v13;
	_ =	sdelay $0x1  }
0x606: {  	v11 =	vmul.f32 v11, v13;
	_ =	sdelay $0x1  }
0x607: {  	v13 =	vmul.f32 v11, v62;
	_ =	sdelay $0x1  }
0x608: {  	v13 =	vmul.f32 v13, v11;
	_ =	sdelay $0x1  }
0x609: {  	v13 =	vsub.f32 $1.500000000e+00, v13;
	_ =	sdelay $0x1  }
0x60a: {  	v11 =	vmul.f32 v13, v11;
	_ =	sdelay $0x1  }
0x60b: {  	v12 =	vmul.f32 v11, v62;
	_ =	sdelay $0x1  }
0x60c: {  	v12 =	vmul.f32 v12, v11;
	_ =	sdelay $0x1  }
0x60d: {  	v12 =	vsub.f32 $1.500000000e+00, v12;
	_ =	sdelay $0x1  }
0x60e: {  	v11 =	vmul.f32 v12, v11;
	_ =	sdelay $0x1  }
0x60f: {  	[tilespmem:v4+s21+$0x0] =	vst.idx.msk $0xffff, v7;
	v11 =	vmul.f32 v11, v10  }
0x610: {  	s5 =	sld [smem:$0x7F6];
	[tilespmem:v5+s21+$0x0] =	vst.idx.msk $0xffff, v8;
	vm0 =	vgt.f32 v10, $0.0e+00  }
0x611: {  	[tilespmem:v6+s21+$0x0] =	vst.idx.msk $0xffff, v9;
	v5 =	vnsel vm0, $0x0, v11  }
0x612: {  	s8 =	sld [smem:$0x7F7];
	[tilespmem:v4+s30+$0x0] =	vst.idx.msk $0xffff, v5  }
0x613: {  	[hbm4b:s5+s3] =	stream.linear.scatter [tilespmem:s21], [sflag:$0x6], $0x7D0, $0x38;
	[tilespmem:$0x18730] =	vst v63  }
0x614: {  	s6 =	simm.s32 $0x16F30;
	s9 =	sld [smem:$0x7F8]  }
0x615: {  	[hbm4b:s8+s3] =	stream.linear.scatter [tilespmem:s6], [sflag:$0x6], $0x7D0, $0x38;
	[tilespmem:$0x18730] =	vst v63  }
0x616: {  	s10 =	simm.s32 $0x17700;
	s11 =	sld [smem:$0x7F9]  }
0x617: {  	[hbm4b:s9+s3] =	stream.linear.scatter [tilespmem:s10], [sflag:$0x6], $0x7D0, $0x38;
	[tilespmem:$0x18730] =	vst v63  }
0x618: {  	_ = 	snop  }
0x619: {  	[hbm4b:s11+s3] =	stream.linear.scatter [tilespmem:s30], [sflag:$0x6], $0x7D0, $0x38;
	[tilespmem:$0x18730] =	vst v63  }
0x61a: {  	_ =	swait.ge [sflag:s0], $0x7D0  }
0x61b: {  	[sflag:s0] =	ssyncset.done $0x0  }
0x61c: {  	[sflag:s0] =	ssyncadd.s32 $0xFFFFF830  }
0x61d: {  	_ =	swait.ge [sflag:s0], $0x7D0  }
0x61e: {  	[sflag:s0] =	ssyncset.done $0x0  }
0x61f: {  	[sflag:s0] =	ssyncadd.s32 $0xFFFFF830  }
0x620: {  	_ =	swait.ge [sflag:s0], $0x7D0  }
0x621: {  	[sflag:s0] =	ssyncset.done $0x0  }
0x622: {  	[sflag:s0] =	ssyncadd.s32 $0xFFFFF830  }
0x623: {  	_ =	swait.ge [sflag:s0], $0x7D0  }
0x624: {  	[sflag:s0] =	ssyncset.done $0x0  }
0x625: {  	[sflag:s0] =	ssyncadd.s32 $0xFFFFF830  }
0x626: {  	_ =	swait.ge [sflag:s2], $0x7D0  }
0x627: {  	[sflag:s2] =	ssyncset.done $0x0  }
0x628: {  	[sflag:s2] =	ssyncadd.s32 $0xFFFFF830  }
0x629: {  	_ =	swait.ge [sflag:s2], $0x7D0  }
0x62a: {  	[sflag:s2] =	ssyncset.done $0x0  }
0x62b: {  	[sflag:s2] =	ssyncadd.s32 $0xFFFFF830  }
0x62c: {  	_ =	swait.ge [sflag:s2], $0x7D0  }
0x62d: {  	[sflag:s2] =	ssyncset.done $0x0  }
0x62e: {  	[sflag:s2] =	ssyncadd.s32 $0xFFFFF830  }
0x62f: {  	_ =	swait.ge [sflag:s2], $0x7D0  }
0x630: {  	s13 =	sld [smem:$0x7EA]  }
0x631: {  	s17 =	sld [smem:$0x7FA];
	_ =	sdelay $0x1  }
0x632: {  	s6 =	sadd.s32 $0x1, s13  }
0x633: {  	p0 =	sne.s32 s6, s17  }
.Ltmp19:
0x634: {  	_ = 	snop;
	(pc) =	sbr.rel @p0 .LBB2_1-.Ltmp19, $3  }
0x635: {  	_ =	sdelay $0x1  }
0x636: {  	[sflag:s2] =	ssyncset.done $0x0  }
0x637: {  	[sflag:s2] =	ssyncadd.s32 $0xFFFFF830  }
0x638: {  	_ =	sfence.sel $0x180000  }
0x639: {  	[bflag:$0x0] =	sbarrier.arrive $0xFFFF  }
0x63a: {  	_ =	strace $0x9000004A  }
0x63b: {  	s0 =	stileid.u32;
	[bflag:$0x2] =	sbarrier.arrive $0xFFFF  }
0x63c: {  	p0 =	sne.s32 s0, $0x0;
	s0 =	rddreg [dreg:$0x2]  }
0x63d: {  	s0 =	sadd.s32 @!p0 $0x100000, s0  }
0x63e: {  	[sflag:s0] =	ssyncadd.tile.s32 @!p0 $0x1;
	_ =	shalt  }
.Lfunc_end2:
_tile_overlayer_lowered:
.L_overlay_start_2:
0x63f: {  	(tag) =	ssettag $0x2  }
0x640: {  	s0 =	rddreg [dreg:$0x0];
	s2 =	stileid.u32  }
0x641: {  	s1 =	rddreg [dreg:$0x1];
	p0 =	sne.s32 s2, $0x0  }
0x642: {  	s3 =	rddreg [dreg:$0x2];
	[bflag:$0x3] =	sbarrier.arrive $0xFFFF;
	s2 =	simm.s32 @!p0 $0x1C07  }
0x643: {  	[timem:s3], [sflag:s2] =	dma.local @!p0 [hbm:s0], s1  }
0x644: {  	s0 =	simm.s32 @!p0 $0x7  }
0x645: {  	_ =	swait.ge @!p0 [sflag:s0], s1  }
0x646: {  	s1 =	ssub.s32 @!p0 $0x0, s1;
	[sflag:s0] =	ssyncset.done @!p0 $0x0  }
0x647: {  	[sflag:s0] =	ssyncadd.s32 @!p0 s1  }
0x648: {  	[bflag:$0x3] =	sbarrier.arrive $0xFFFF  }
0x649: {  	_ =	shalt  }

// kernel: sparse-core-data-format-call.cloned.1.call-start
scs
called_computation_lowered:
.L_overlay_start_0:
0x0: {  	s2 =	sld [smem:$0x3FD9]  }
0x1: {  	s3 =	sld [smem:$0x3FFE];
	_ =	sdelay $0x1  }
0x2: {  	s1 =	srdreg.scid  }
0x3: {  	s0 =	sand.u32 $0x1, s1  }
0x4: {  	s18 =	sshll.u32 s0, $0xA;
	s2 =	sadd.s32 s3, s2  }
0x5: {  	s2 =	sadd.s32 s2, s18  }
0x6: {  	[smem:$0x3FC3] =	sst s2  }
0x7: {  	_ = 	snop  }
0x8: {  	s2 =	sld [smem:$0x3FC8];
	(tm) =	ssettm $0x1  }
0x9: {  	s19 =	sld [smem:$0x3FFB];
	_ =	sdelay $0x3  }
0xa: {  	_ =	strace s19  }
0xb: {  	s3 =	sld [smem:$0x3FFC];
	_ =	sdelay $0x3  }
0xc: {  	_ =	strace s3  }
0xd: {  	s3 =	sld [smem:$0x3FFD];
	_ =	sdelay $0x3  }
0xe: {  	_ =	strace s3  }
0xf: {  	_ =	strace $0x8FFFFFFF  }
0x10: {  	s20 =	sld [smem:$0x3FDB];
	_ =	sdelay $0x1  }
0x11: {  	s4 =	simm.s32 $_scs_section_size  }
0x12: {  	s5 =	simm.s32 $_size__tile_overlayer_lowered;
	s6 =	simm.s32 $_tile_overlayer_lowered  }
0x13: {  	s23 =	simm.s32 $0x1BFF;
	s22 =	sshll.u32 s6, $0x1;
	s3 =	sadd.s32 s4, s20  }
0x14: {  	s7 =	simm.s32 $0x0;
	s21 =	sshll.u32 s5, $0x1;
	s5 =	sadd.s32 s22, s3  }
0x15: {  	[timem:s7], [sflag:s23] =	dma.local [hbm:s5], s21  }
0x16: {  	_ =	swait.ge [sflag:s23], s21  }
0x17: {  	s4 =	ssub.s32 $0x0, s21;
	[sflag:s23] =	ssyncset.done $0x0  }
0x18: {  	[sflag:s23] =	ssyncadd.s32 s4;
	_ =	sdelay $0x1  }
0x19: {  	s24 =	simm.s32 $0x1B8B  }
0x1a: {  	_ =	swait.ge [sflag:s24], $0x1  }
0x1b: {  	[sflag:s24] =	ssyncset.done $0x0  }
0x1c: {  	s26 =	simm.s32 $0x1B8E;
	s25 =	sld [smem:$0x3FFE];
	[sflag:s24] =	ssyncadd.s32 $0xFFFFFFFF  }
0x1d: {  	s27 =	simm.s32 $execute0_lowered;
	[smem:$0x3FD2] =	sst s26  }
0x1e: {  	s5 =	sshll.u32 s27, $0x1;
	_ =	strace $0x80000046;
	[dreg:$0x1] =	wrdreg $0xFFFFFFFF  }
0x1f: {  	s28 =	simm.s32 $_size_execute0_lowered;
	s3 =	sadd.s32 s3, s5;
	[dreg:$0x0] =	wrdreg $0x0  }
0x20: {  	s5 =	sshll.u32 s28, $0x1;
	[dreg:$0x2] =	wrdreg s3  }
0x21: {  	[dreg:$0x3] =	wrdreg s5  }
0x22: {  	[dreg:$0x4] =	wrdreg $0xC0  }
0x23: {  	_ =	task [dreg:s7], $0x5FFFF  }
0x24: {  	[dreg:$0x1] =	wrdreg $0xFFFFFFFF  }
0x25: {  	[dreg:$0x0] =	wrdreg $0x60  }
0x26: {  	[dreg:$0x2] =	wrdreg s2  }
0x27: {  	[dreg:$0x3] =	wrdreg s25  }
0x28: {  	[dreg:$0x4] =	wrdreg $0x9  }
0x29: {  	_ =	task.clear_ibuf [dreg:s7], $0x5FFFF;
	_ =	strace $0x90000046  }
0x2a: {  	s29 =	simm.s32 $0x9;
	_ =	strace $0x80000048  }
0x2b: {  	_ =	swait.ge [sflag:s29], $0x1  }
0x2c: {  	[sflag:s29] =	ssyncadd.s32 $0xFFFFFFFF  }
0x2d: {  	_ =	strace $0x90000048  }
0x2e: {  	_ =	sfence  }
0x2f: {  	s30 =	sld [smem:$0x0];
	_ =	sdelay $0x2  }
0x30: {  	s31 =	sshll.u32 s1, $0xD;
	s1 =	sshrl.u32 s1, $0x2  }
0x31: {  	s3 =	sand.u32 $0x4000, s31;
	s1 =	sadd.s32 s1, s30  }
0x32: {  	s0 =	sor.u32 s3, s0;
	s1 =	sshll.u32 s1, $0x11  }
0x33: {  	s0 =	sor.u32 s1, s0  }
0x34: {  	s0 =	sadd.s32 $0x8F2B, s0  }
0x35: {  	[sflag:s0] =	ssyncadd.remote.s32 $0x1  }
0x36: {  	_ =	sfence.sel $0xFFFF  }
0x37: {  	[dreg:$0x0] =	wrdreg $0xFFFFFFFF;
	(pc) =	sbr.abs _section_cstart, $3  }
0x38: {  	[dreg:$0x1] =	wrdreg $0xFFFFFFFF  }
0x39: {  	_ =	task.clear_ibuf [dreg:s7], $0x2FFFF;
	_ =	strace $0x9FFFFFFF  }
0x3a: {  	(tm) =	ssettm $0x7FFFFFFF  }
0x3b: {  	_ =	shalt  }
tec
execute0_lowered:
.L_overlay_start_1:
0x0: {  	(tag) =	ssettag $0x1  }
0x1: {  	s0 =	stileid.u32;
	s7 =	rddreg [dreg:$0x0]  }
0x2: {  	s1 =	srdreg.scid;
	s4 =	rddreg [dreg:$0x1]  }
0x3: {  	s30 =	simm.s32 $0x2;
	s10 =	simm.s32 $0x0;
	s14 =	simm.s32 $0x0  }
0x4: {  	s15 =	simm.s32 $0x0;
	s11 =	simm.s32 $0x0;
	s13 =	simm.s32 $0x0  }
0x5: {  	s2 =	sand.u32 $0x1, s1;
	s3 =	sshll.u32 s0, $0x7;
	s1 =	rddreg [dreg:$0x2]  }
0x6: {  	_ =	strace $0x80000047;
	s5 =	ssub.s32 $0xC300, s3;
	s6 =	ssub.s32 $0x2, s2  }
.Ltmp0:
0x7: {  	s5 =	sshrl.u32 s5, $0xB;
	s8 =	sshrl.u32 s6, $0x1;
	(pc) =	sbr.rel .LBB1_1-.Ltmp0, $4  }
0x8: {  	s4 =	sadd.s32 $0x1400, s4;
	s9 =	sadd.s32 $0x1, s5;
	s6 =	ssub.s32 s6, s8  }
0x9: {  	s31 =	sshll.u32 s2, $0x4;
	s5 =	simm.s32 $0x1;
	s6 =	smul.u32 s9, s6  }
0xa: {  	s12 =	smov.u32 s3;
	s7 =	sadd.s32 s7, s31;
	[sflag:s5] =	ssyncpa.u1 $0x0  }
0xb: {  	s9 =	simm.s32 $0x0;
	[sflag:s30] =	ssyncpa.u1 $0x0;
	s8 =	sadd.s32 $0x1, s6  }
.LBB1_4:
0xc: {  	s21 =	simm.s32 $0x0  }
.LBB1_8:
0xd: {  	_ =	sdelay $0x3  }
0xe: {  	v6 =	vld [tilespmem:s18+$0xFFFFFFC0];
	[tilespmem:v0+s20+$0x30 ss:$0x1] =	vst.idx.msk @p0 $0xffff, v2  }
0xf: {  	v58 =	vld [tilespmem:s18+$0xFFFFFFD0];
	[tilespmem:v0+s20+$0x40 ss:$0x1] =	vst.idx.msk @p0 $0xffff, v3;
	s21 =	sadd.s32 @p0 $0x80, s21  }
0x10: {  	v59 =	vld [tilespmem:s18+$0xFFFFFFE0];
	[tilespmem:v0+s20+$0x50 ss:$0x1] =	vst.idx.msk @p0 $0xffff, v5;
	s19 =	smov.u32 @p0 s21  }
0x11: {  	v60 =	vld [tilespmem:s18+$0xFFFFFFF0];
	[tilespmem:v0+s20+$0x60 ss:$0x1] =	vst.idx.msk @p0 $0xffff, v4;
	s19 =	sand.u32 $0x3F80, s19  }
0x12: {  	v61 =	vld [tilespmem:s18+$0x0];
	[tilespmem:v0+s19+$0x70 ss:$0x1] =	vst.idx.msk $0xffff, v1  }
0x13: {  	v62 =	vld [tilespmem:s18+$0x10];
	[tilespmem:v0+s19+$0x0 ss:$0x1] =	vst.idx.msk $0xffff, v6  }
0x14: {  	v63 =	vld [tilespmem:s18+$0x20];
	[tilespmem:v0+s19+$0x10 ss:$0x1] =	vst.idx.msk $0xffff, v58  }
0x15: {  	[tilespmem:v0+s19+$0x20 ss:$0x1] =	vst.idx.msk $0xffff, v59  }
0x16: {  	[tilespmem:v0+s19+$0x30 ss:$0x1] =	vst.idx.msk $0xffff, v60  }
0x17: {  	[tilespmem:v0+s19+$0x40 ss:$0x1] =	vst.idx.msk $0xffff, v61  }
0x18: {  	[tilespmem:v0+s19+$0x50 ss:$0x1] =	vst.idx.msk $0xffff, v62  }
0x19: {  	[tilespmem:v0+s19+$0x60 ss:$0x1] =	vst.idx.msk $0xffff, v63  }
.LBB1_9:
0x1a: {  	s18 =	sand.u32 $0x1FFFFFF, s11  }
0x1b: {  	s19 =	smulhi.u32 $0x14F8B59, s18;
	_ =	sdelay $0x1  }
0x1c: {  	s19 =	sshrl.u32 s19, $0x8  }
0x1d: {  	s19 =	smul.u32 $0xC350, s19  }
0x1e: {  	s15 =	smul.u32 $0xC3500, s15  }
0x1f: {  	s18 =	ssub.s32 s18, s19  }
0x20: {  	s15 =	sadd.s32 s4, s15;
	s18 =	sshll.u32 s18, $0x4  }
0x21: {  	s15 =	sadd.s32 s18, s15  }
0x22: {  	[hbm4b:s15+s9] =	stream.linear.scatter [tilespmem:s17], [sflag:$0x2], s16, $0x38;
	[tilespmem:$0x10000] =	vst v63  }
.LBB1_10:
0x23: {  	p0 =	slt.u32 s13, $0x2  }
0x24: {  	p1 =	sgt.s32 @!p0 s14, $0xC2D0  }
0x25: {  	s15 =	smov.u32 s14;
	s16 =	sshra.s32 @!p0 s14, $0x1F;
	p1 =	por !p1, p0  }
0x26: {  	s14 =	sand.u32 @!p0 s16, s14;
	s15 =	simm.s32 @p1 $0xC2D0  }
0x27: {  	s14 =	ssub.s32 @!p0 s15, s14  }
0x28: {  	s14 =	sadd.s32 @!p0 $0xFFFF3D30, s14  }
0x29: {  	s15 =	sshll.u32 @!p0 s14, $0x7  }
0x2a: {  	p1 =	sgt.s32 @!p0 s14, $0x7F;
	s14 =	ssub.s32 @!p0 $0x4000, s15  }
0x2b: {  	s16 =	sadd.s32 $0x800, s12;
	p1 =	por !p1, p0;
	s14 =	sand.u32 @!p0 $0x3FFFFF80, s14  }
0x2c: {  	s14 =	simm.s32 @!p1 $0x0;
	p1 =	sgt.s32 s16, $0xC34F  }
0x2d: {  	s16 =	smov.u32 @p1 s3;
	p1 =	sne.s32 s13, s8  }
.Ltmp1:
0x2e: {  	_ = 	snop;
	(pc) =	sbr.rel @!p1 .LBB1_11-.Ltmp1, $4  }
0x2f: {  	s10 =	sadd.s32 $0x4000, s10;
	s15 =	simm.s32 @!p0 $0x2  }
0x30: {  	_ =	swait.ge @!p0 [sflag:s15], s14;
	s17 =	ssub.s32 @!p0 $0x0, s14;
	s14 =	smov.u32 s11  }
0x31: {  	s13 =	sadd.s32 $0x1, s13;
	s11 =	smov.u32 s12;
	[sflag:s15] =	ssyncset.done @!p0 $0x0  }
0x32: {  	s12 =	smov.u32 s16;
	[sflag:s15] =	ssyncadd.s32 @!p0 s17;
	s15 =	smov.u32 s2  }
.LBB1_1:
0x33: {  	p0 =	sge.u32 s13, s6  }
0x34: {  	p1 =	sgt.s32 @!p0 s12, $0xC2D0  }
0x35: {  	s16 =	smov.u32 s12;
	s17 =	sshra.s32 @!p0 s12, $0x1F;
	p1 =	por !p1, p0  }
0x36: {  	s17 =	sand.u32 @!p0 s17, s12;
	s16 =	simm.s32 @p1 $0xC2D0  }
0x37: {  	s16 =	ssub.s32 @!p0 s16, s17  }
0x38: {  	s31 =	sadd.s32 $0xFFFFFFFF, s13;
	s18 =	sxor.u32 @!p0 $0xFFFFFFFF, s13;
	s16 =	sadd.s32 @!p0 $0xFFFF3D30, s16  }
0x39: {  	s19 =	simm.s32 @!p0 $0x80;
	s20 =	simm.s32 @!p0 $0x100;
	s17 =	sshll.u32 @!p0 s16, $0x7  }
0x3a: {  	p1 =	sgt.s32 @!p0 s16, $0x7F;
	s16 =	ssub.s32 @!p0 $0x4000, s17;
	s17 =	sshll.u32 @!p0 s18, $0xE  }
0x3b: {  	p1 =	por !p1, p0;
	s18 =	sshll.u32 @!p0 s12, $0x5;
	s16 =	sand.u32 @!p0 $0x3FFFFF80, s16  }
0x3c: {  	s17 =	sand.u32 @!p0 $0x4000, s17;
	s18 =	sadd.s32 @!p0 s18, s7;
	s16 =	simm.s32 @!p1 $0x0  }
0x3d: {  	[tilespmem:s17], [sflag:$0x1] =	stream.strided.gather @!p0 [hbm4b:s18+s19], s16, s20, s19, $0x38;
	[tilespmem:$0x10000] =	vst v63  }
0x3e: {  	p0 =	sge.u32 s31, s6  }
.Ltmp2:
0x3f: {  	_ = 	snop;
	(pc) =	sbr.rel @p0 .LBB1_10-.Ltmp2, $1  }
0x40: {  	_ =	sdelay $0x3  }
0x41: {  	p0 =	sgt.s32 s11, $0xC2D0;
	s16 =	smov.u32 s11;
	s17 =	sshra.s32 s11, $0x1F  }
0x42: {  	s16 =	simm.s32 @!p0 $0xC2D0;
	s17 =	sand.u32 s17, s11  }
0x43: {  	s16 =	ssub.s32 s16, s17  }
0x44: {  	s16 =	sadd.s32 $0xFFFF3D30, s16  }
0x45: {  	s30 =	sshll.u32 s16, $0x7  }
0x46: {  	s17 =	ssub.s32 $0x4000, s30  }
0x47: {  	p0 =	sgt.s32 s16, $0x7F;
	s16 =	sand.u32 $0x3FFFFF80, s17;
	s17 =	sadd.s32 $0x80, s11  }
0x48: {  	s16 =	simm.s32 @p0 $0x0;
	p0 =	slt.s32 s17, $0xC350  }
0x49: {  	s17 =	simm.s32 @!p0 $0xC350  }
0x4a: {  	s20 =	ssub.s32 s17, s11  }
0x4b: {  	p0 =	slt.s32 s20, $0x1  }
.Ltmp3:
0x4c: {  	_ = 	snop;
	(pc) =	sbr.rel @p0 .LBB1_9-.Ltmp3, $4  }
0x4d: {  	_ = 	snop  }
0x4e: {  	s19 =	sshll.u32 s13, $0xE;
	_ =	swait.ge [sflag:s5], s16  }
0x4f: {  	s31 =	sand.u32 $0x4000, s19;
	s18 =	ssub.s32 $0x0, s16;
	[sflag:s5] =	ssyncset.done $0x0  }
0x50: {  	s17 =	sor.u32 $0x8000, s31;
	[sflag:s5] =	ssyncadd.s32 s18  }
0x51: {  	p1 =	sne.s32 s20, $0x1  }
.Ltmp4:
0x52: {  	v0 =	vmov s17;
	(pc) =	sbr.rel @!p1 .LBB1_4-.Ltmp4, $4  }
0x53: {  	_ = 	snop  }
0x54: {  	s18 =	sand.u32 $0x4000, s10  }
0x55: {  	s18 =	sor.u32 $0x40, s18  }
0x56: {  	s19 =	simm.s32 $0x0;
	s21 =	sadd.s32 $0xFFFFFFFF, s20;
	p0 =	por $0x0, $0x0;
	v1 =	vld [tilespmem:s18+$0x30]  }
0x57: {  	v4 =	vld [tilespmem:s18+$0xFFFFFFC0]  }
0x58: {  	v6 =	vld [tilespmem:s18+$0xFFFFFFD0]  }
0x59: {  	v7 =	vld [tilespmem:s18+$0xFFFFFFE0];
	p1 =	sne.s32 s21, $0x1  }
.Ltmp5:
0x5a: {  	v2 =	vld [tilespmem:s18+$0xFFFFFFF0];
	s20 =	sand.u32 $0x3F80, s19;
	(pc) =	sbr.rel @!p1 .LBB1_6-.Ltmp5, $4  }
0x5b: {  	v3 =	vld [tilespmem:s18+$0x0];
	[tilespmem:v0+s20+$0x70 ss:$0x1] =	vst.idx.msk $0xffff, v1  }
0x5c: {  	v5 =	vld [tilespmem:s18+$0x10];
	[tilespmem:v0+s20+$0x0 ss:$0x1] =	vst.idx.msk $0xffff, v4  }
0x5d: {  	v4 =	vld [tilespmem:s18+$0x20];
	[tilespmem:v0+s20+$0x10 ss:$0x1] =	vst.idx.msk $0xffff, v6;
	s18 =	sadd.s32 $0x80, s18  }
0x5e: {  	s22 =	sadd.s32 $0xFFFFFFFF, s21;
	p0 =	por $0x1, $0x1;
	s21 =	simm.s32 $0x0;
	[tilespmem:v0+s20+$0x20 ss:$0x1] =	vst.idx.msk $0xffff, v7;
	v1 =	vld [tilespmem:s18+$0x30]  }
.LBB1_7:
0x5f: {  	p1 =	sne.s32 s22, $0x1;
	v6 =	vld [tilespmem:s18+$0xFFFFFFC0];
	[tilespmem:v0+s20+$0x30 ss:$0x1] =	vst.idx.msk $0xffff, v2  }
0x60: {  	v7 =	vld [tilespmem:s18+$0xFFFFFFD0];
	[tilespmem:v0+s20+$0x40 ss:$0x1] =	vst.idx.msk $0xffff, v3  }
0x61: {  	s21 =	sadd.s32 $0x80, s21;
	v8 =	vld [tilespmem:s18+$0xFFFFFFE0];
	[tilespmem:v0+s20+$0x50 ss:$0x1] =	vst.idx.msk $0xffff, v5  }
.Ltmp6:
0x62: {  	v2 =	vld [tilespmem:s18+$0xFFFFFFF0];
	[tilespmem:v0+s20+$0x60 ss:$0x1] =	vst.idx.msk $0xffff, v4;
	s20 =	sand.u32 $0x3F80, s21;
	(pc) =	sbr.rel @p1 .LBB1_7-.Ltmp6, $4  }
0x63: {  	v3 =	vld [tilespmem:s18+$0x0];
	[tilespmem:v0+s20+$0x70 ss:$0x1] =	vst.idx.msk $0xffff, v1  }
0x64: {  	[tilespmem:v0+s20+$0x0 ss:$0x1] =	vst.idx.msk $0xffff, v6;
	v5 =	vld [tilespmem:s18+$0x10]  }
0x65: {  	[tilespmem:v0+s20+$0x10 ss:$0x1] =	vst.idx.msk $0xffff, v7;
	v4 =	vld [tilespmem:s18+$0x20];
	s18 =	sadd.s32 $0x80, s18  }
0x66: {  	s22 =	sadd.s32 $0xFFFFFFFF, s22;
	v1 =	vld [tilespmem:s18+$0x30];
	[tilespmem:v0+s20+$0x20 ss:$0x1] =	vst.idx.msk $0xffff, v8  }
.Ltmp7:
0x67: {  	_ = 	snop;
	(pc) =	sbr.rel .LBB1_8-.Ltmp7, $1  }
0x68: {  	_ =	sdelay $0x3  }
.LBB1_6:
.Ltmp8:
0x69: {  	(pc) =	sbr.rel .LBB1_8-.Ltmp8, $2  }
0x6a: {  	_ =	sdelay $0x2  }
0x6b: {  	s21 =	simm.s32 $0x0  }
.LBB1_11:
0x6c: {  	_ =	sfence.sel $0x180000  }
0x6d: {  	s2 =	simm.s32 $0x1;
	[bflag:$0x0] =	sbarrier.arrive $0xFFFF  }
0x6e: {  	s31 =	simm.s32 $0x2;
	[sflag:s2] =	ssyncpa.u1 $0x1  }
0x6f: {  	[sflag:s31] =	ssyncpa.u1 $0x1  }
0x70: {  	p0 =	sne.s32 s0, $0x0;
	_ =	strace $0x90000047  }
0x71: {  	s0 =	sadd.s32 @!p0 $0x100000, s1;
	[bflag:$0x2] =	sbarrier.arrive $0xFFFF  }
0x72: {  	[sflag:s0] =	ssyncadd.tile.s32 @!p0 $0x1;
	_ =	shalt  }
.Lfunc_end1:
_tile_overlayer_lowered:
.L_overlay_start_2:
0x73: {  	(tag) =	ssettag $0x2  }
0x74: {  	s0 =	rddreg [dreg:$0x0];
	s2 =	stileid.u32  }
0x75: {  	s1 =	rddreg [dreg:$0x1];
	p0 =	sne.s32 s2, $0x0  }
0x76: {  	s3 =	rddreg [dreg:$0x2];
	[bflag:$0x3] =	sbarrier.arrive $0xFFFF;
	s2 =	simm.s32 @!p0 $0x1C01  }
0x77: {  	[timem:s3], [sflag:s2] =	dma.local @!p0 [hbm:s0], s1  }
0x78: {  	s0 =	simm.s32 @!p0 $0x1  }
0x79: {  	_ =	swait.ge @!p0 [sflag:s0], s1  }
0x7a: {  	s1 =	ssub.s32 @!p0 $0x0, s1;
	[sflag:s0] =	ssyncset.done @!p0 $0x0  }
0x7b: {  	[sflag:s0] =	ssyncadd.s32 @!p0 s1  }
0x7c: {  	[bflag:$0x3] =	sbarrier.arrive $0xFFFF  }
0x7d: {  	_ =	shalt  }

</sc_bundles>
